<compile_context>
chip_gen: v7x
topology: tpu7x:2x2x1
jax: 0.10.2.dev20260603
libtpu: 0.0.44.dev20260713+nightly
codegen_flags: <defaults>
</compile_context>

<pallas_src>
import functools

import jax
import jax.numpy as jnp
from jax import lax
from jax.experimental import pallas as pl
from jax.experimental.pallas import tpu as pltpu
from jax.experimental.pallas import tpu_sc as plsc

N_PAD = 10240
BLK = 1024
NC = 2
NS = 16
LANES = 16

_PREC = jax.lax.Precision.DEFAULT



def _tc1_body(x_ref, wp_ref, bp_ref, out_ref):
    acc = lax.dot_general(wp_ref[...], x_ref[...], (((0,), (1,)), ((), ())),
                          precision=_PREC, preferred_element_type=jnp.float32)
    out_ref[...] = jnp.maximum(acc + bp_ref[...], 0.0)


def _tc2_body(x_ref, hn_ref, ws_ref, bs_ref, wn_ref, wp2_ref, bp2_ref,
              h_ref, hp2_ref):
    rst = lax.dot_general(ws_ref[...], x_ref[...], (((0,), (1,)), ((), ())),
                          precision=_PREC, preferred_element_type=jnp.float32)
    rst = rst + bs_ref[...]
    rst = rst + lax.dot_general(wn_ref[...], hn_ref[...],
                                (((0,), (0,)), ((), ())),
                                precision=_PREC,
                                preferred_element_type=jnp.float32)
    h = jnp.maximum(rst, 0.0)
    h_ref[...] = h
    hp2 = lax.dot_general(wp2_ref[...], h, (((0,), (0,)), ((), ())),
                          precision=_PREC, preferred_element_type=jnp.float32)
    hp2_ref[...] = jnp.maximum(hp2 + bp2_ref[...], 0.0)


def _tc3_body(h_ref, hn2_ref, ws2_ref, bs2_ref, wn2_ref, wo_ref, bo_ref,
              out_ref):
    rst = lax.dot_general(ws2_ref[...], h_ref[...], (((0,), (0,)), ((), ())),
                          precision=_PREC, preferred_element_type=jnp.float32)
    rst = rst + bs2_ref[...]
    rst = rst + lax.dot_general(wn2_ref[...], hn2_ref[...],
                                (((0,), (0,)), ((), ())),
                                precision=_PREC,
                                preferred_element_type=jnp.float32)
    h2 = jnp.maximum(rst, 0.0)
    out = lax.dot_general(wo_ref[...], h2, (((0,), (0,)), ((), ())),
                          precision=_PREC, preferred_element_type=jnp.float32)
    out_ref[...] = out + bo_ref[...]


def _full(shape):
    return pl.BlockSpec(shape, lambda i: (0, 0))



def _make_segmax(f_total, f_tile, e_pad, ec, ng, nbanks, packed):
    nchunks = e_pad // ec
    mesh = plsc.VectorSubcoreMesh(core_axis_name="c", subcore_axis_name="s",
                                  num_cores=NC, num_subcores=NS)

    scratch = (
        [pltpu.VMEM((1, N_PAD), jnp.float32)] * f_tile
        + [pltpu.VMEM((1, N_PAD), jnp.float32)] * (f_tile * nbanks)
        + [pltpu.VMEM((ec,), jnp.int32)] * (2 if packed else 4)
        + [pltpu.SMEM((ec // LANES,), jnp.int32),
           pltpu.SemaphoreType.DMA, pltpu.SemaphoreType.DMA]
    )

    @functools.partial(
        pl.kernel,
        out_type=jax.ShapeDtypeStruct((f_total, N_PAD), jnp.float32),
        mesh=mesh,
        compiler_params=pltpu.CompilerParams(needs_layout_passes=False),
        scratch_types=scratch,
    )
    def seg(hpT_hbm, *args):
        if packed:
            (sd_hbm, out_hbm), scr = args[:2], args[2:]
        else:
            (src_hbm, dst_hbm, out_hbm), scr = args[:3], args[3:]
        hps = scr[:f_tile]
        accs = scr[f_tile:f_tile + f_tile * nbanks]
        rest = scr[f_tile + f_tile * nbanks:]
        if packed:
            e_bufs = ((rest[0],), (rest[1],))
            glist_s, sem0, sem1 = rest[2:]
        else:
            e_bufs = ((rest[0], rest[2]), (rest[1], rest[3]))
            glist_s, sem0, sem1 = rest[4:]
        sems = (sem0, sem1)

        def acc_ref(a, f):
            return accs[(a % nbanks) * f_tile + f]

        wid = lax.axis_index("s") * NC + lax.axis_index("c")
        fb = wid * f_tile

        def start_chunk(slot, cidx):
            if packed:
                pltpu.async_copy(sd_hbm.at[pl.ds(cidx * ec, ec)],
                                 e_bufs[slot][0], sems[slot])
            else:
                pltpu.async_copy(src_hbm.at[pl.ds(cidx * ec, ec)],
                                 e_bufs[slot][0], sems[slot])
                pltpu.async_copy(dst_hbm.at[pl.ds(cidx * ec, ec)],
                                 e_bufs[slot][1], sems[slot])

        start_chunk(0, 0)
        if nchunks > 1:
            start_chunk(1, 1)

        for f in range(f_tile):
            pltpu.sync_copy(hpT_hbm.at[pl.ds(fb + f, 1)], hps[f])

        def zero_body(i, carry):
            for a_v in accs:
                a_v[0, pl.ds(i * LANES, LANES)] = jnp.zeros((LANES,),
                                                            jnp.float32)
            return carry
        lax.fori_loop(0, N_PAD // LANES, zero_body, 0)

        zrow = jnp.zeros((LANES,), jnp.int32)

        def wait_chunk(slot):
            src0 = sd_hbm if packed else src_hbm
            for b in e_bufs[slot]:
                pltpu.make_async_copy(src0.at[pl.ds(0, ec)], b,
                                      sems[slot]).wait()

        def load_sd(bufs, g):
            if packed:
                sd = bufs[0][pl.ds(g * LANES, LANES)]
                return (jnp.bitwise_and(sd, jnp.int32(0x3FFF)),
                        lax.shift_right_logical(sd, jnp.int32(14)))
            return (bufs[0][pl.ds(g * LANES, LANES)],
                    bufs[1][pl.ds(g * LANES, LANES)])

        def process_chunk(bufs):
            def group_body(it, cnt):
                pairs = [load_sd(bufs, it * ng + a) for a in range(ng)]
                ss_ = [p[0] for p in pairs]
                ds_ = [p[1] for p in pairs]
                msgs = [[plsc.load_gather(hps[f], [zrow, ss_[a]])
                         for f in range(f_tile)] for a in range(ng)]
                curs = [[plsc.load_gather(acc_ref(a, f), [zrow, ds_[a]])
                         for f in range(f_tile)] for a in range(ng)]
                for a in range(ng):
                    for f in range(f_tile):
                        plsc.store_scatter(
                            acc_ref(a, f), [zrow, ds_[a]], msgs[a][f],
                            mask=msgs[a][f] > curs[a][f])
                chks = [[plsc.load_gather(acc_ref(a, f), [zrow, ds_[a]])
                         for f in range(f_tile)] for a in range(ng)]
                loses = []
                for a in range(ng):
                    lose = msgs[a][0] > chks[a][0]
                    for f in range(1, f_tile):
                        lose = jnp.logical_or(lose,
                                              msgs[a][f] > chks[a][f])
                    loses.append(lose)
                for a in range(ng):
                    nlose = plsc.all_reduce_population_count(loses[a])[0]
                    glist_s[cnt] = it * ng + a
                    cnt = cnt + (nlose > 0).astype(jnp.int32)
                return cnt
            ndup = lax.fori_loop(0, ec // (LANES * ng), group_body,
                                 jnp.int32(0))

            def dup_body(i, carry):
                g = glist_s[i]
                s, d = load_sd(bufs, g)
                for f in range(f_tile):
                    msg = plsc.load_gather(hps[f], [zrow, s])

                    def cond(cur2):
                        return jnp.any(msg > cur2)

                    def body(cur2):
                        plsc.store_scatter(accs[f], [zrow, d], msg,
                                           mask=msg > cur2)
                        return plsc.load_gather(accs[f], [zrow, d])
                    lax.while_loop(cond, body,
                                   plsc.load_gather(accs[f], [zrow, d]))
                return carry
            lax.fori_loop(0, ndup, dup_body, 0)

        def pair_body(k, carry):
            for slot in range(2):
                c = 2 * k + slot
                wait_chunk(slot)
                process_chunk(e_bufs[slot])

                @pl.when(c + 2 < nchunks)
                def _start_next(slot=slot, c=c):
                    start_chunk(slot, c + 2)
            return carry
        lax.fori_loop(0, nchunks // 2, pair_body, 0)

        if nbanks > 1:
            def merge_body(i, carry):
                for f in range(f_tile):
                    m = accs[f][0, pl.ds(i * LANES, LANES)]
                    for a in range(1, nbanks):
                        m = jnp.maximum(
                            m, accs[a * f_tile + f][0,
                                                    pl.ds(i * LANES, LANES)])
                    accs[f][0, pl.ds(i * LANES, LANES)] = m
                return carry
            lax.fori_loop(0, N_PAD // LANES, merge_body, 0)

        for f in range(f_tile):
            pltpu.sync_copy(accs[f], out_hbm.at[pl.ds(fb + f, 1)])

    return seg



def kernel(x, edge_index, W_pool1, b_pool1, W_self1, b_self1, W_neigh1,
           W_pool2, b_pool2, W_self2, b_self2, W_neigh2, W_out, b_out):
    n, d_in = x.shape
    h_dim = W_self1.shape[1]
    c_dim = W_out.shape[1]
    e = edge_index.shape[1]

    ec = 8000
    e_pad = ((e + 2 * ec - 1) // (2 * ec)) * (2 * ec)
    src = edge_index[0]
    dst = edge_index[1]
    if e_pad != e:
        src = jnp.concatenate([src, jnp.zeros((e_pad - e,), jnp.int32)])
        dst = jnp.concatenate(
            [dst, jnp.full((e_pad - e,), n, jnp.int32)])
    sd_packed = jnp.bitwise_or(src, jnp.left_shift(dst, 14))

    xp = jnp.pad(x, ((0, N_PAD - n), (0, 0)))
    grid = N_PAD // BLK

    h_pool1T = pl.pallas_call(
        _tc1_body,
        grid=(grid,),
        in_specs=[pl.BlockSpec((BLK, d_in), lambda i: (i, 0)),
                  _full((d_in, d_in)),
                  _full((d_in, 1))],
        out_specs=pl.BlockSpec((d_in, BLK), lambda i: (0, i)),
        out_shape=jax.ShapeDtypeStruct((d_in, N_PAD), jnp.float32),
    )(xp, W_pool1, b_pool1.reshape(d_in, 1))

    seg1 = _make_segmax(d_in, d_in // (NC * NS), e_pad, ec, ng=4, nbanks=1,
                        packed=True)
    h_neigh1T = seg1(h_pool1T, sd_packed)

    hT, h_pool2T = pl.pallas_call(
        _tc2_body,
        grid=(grid,),
        in_specs=[pl.BlockSpec((BLK, d_in), lambda i: (i, 0)),
                  pl.BlockSpec((d_in, BLK), lambda i: (0, i)),
                  _full((d_in, h_dim)),
                  _full((h_dim, 1)),
                  _full((d_in, h_dim)),
                  _full((h_dim, h_dim)),
                  _full((h_dim, 1))],
        out_specs=[pl.BlockSpec((h_dim, BLK), lambda i: (0, i)),
                   pl.BlockSpec((h_dim, BLK), lambda i: (0, i))],
        out_shape=[jax.ShapeDtypeStruct((h_dim, N_PAD), jnp.float32),
                   jax.ShapeDtypeStruct((h_dim, N_PAD), jnp.float32)],
    )(xp, h_neigh1T, W_self1, b_self1.reshape(h_dim, 1), W_neigh1,
      W_pool2, b_pool2.reshape(h_dim, 1))

    seg2 = _make_segmax(h_dim, h_dim // (NC * NS), e_pad, ec, ng=10,
                        nbanks=10, packed=True)
    h_neigh2T = seg2(h_pool2T, sd_packed)

    outT = pl.pallas_call(
        _tc3_body,
        grid=(grid,),
        in_specs=[pl.BlockSpec((h_dim, BLK), lambda i: (0, i)),
                  pl.BlockSpec((h_dim, BLK), lambda i: (0, i)),
                  _full((h_dim, h_dim)),
                  _full((h_dim, 1)),
                  _full((h_dim, h_dim)),
                  _full((h_dim, c_dim)),
                  _full((c_dim, 1))],
        out_specs=pl.BlockSpec((c_dim, BLK), lambda i: (0, i)),
        out_shape=jax.ShapeDtypeStruct((c_dim, N_PAD), jnp.float32),
    )(hT, h_neigh2T, W_self2, b_self2.reshape(h_dim, 1), W_neigh2,
      W_out, b_out.reshape(c_dim, 1))

    return outT[:, :n].T

# --- scband reference (transcript-rebuilt; emitter-appended) ---
"""Pipeline reference for scband-graph-sage-10273561772524 (READ-ONLY COPY).

The authoritative reference and input builder live on the scoring server;
editing this copy changes nothing except your own understanding.
"""

import jax, jax.numpy as jnp
import numpy as np

N = 10000
E = 320000
D = 128
H = 32
C = 2


def setup_inputs(seed: int = 0) -> dict:
    key = jax.random.key(seed)
    ks = jax.random.split(key, 16)
    x = jax.random.normal(ks[0], (N, D), dtype=jnp.float32)
    edge_index = jax.random.randint(ks[1], (2, E), 0, N, dtype=jnp.int32)
    s = 0.05
    return {
        'x': x,
        'edge_index': edge_index,
        'W_pool1': jax.random.normal(ks[2], (D, D), dtype=jnp.float32) * s,
        'b_pool1': jnp.zeros((D,), dtype=jnp.float32),
        'W_self1': jax.random.normal(ks[3], (D, H), dtype=jnp.float32) * s,
        'b_self1': jnp.zeros((H,), dtype=jnp.float32),
        'W_neigh1': jax.random.normal(ks[4], (D, H), dtype=jnp.float32) * s,
        'W_pool2': jax.random.normal(ks[5], (H, H), dtype=jnp.float32) * s,
        'b_pool2': jnp.zeros((H,), dtype=jnp.float32),
        'W_self2': jax.random.normal(ks[6], (H, H), dtype=jnp.float32) * s,
        'b_self2': jnp.zeros((H,), dtype=jnp.float32),
        'W_neigh2': jax.random.normal(ks[7], (H, H), dtype=jnp.float32) * s,
        'W_out': jax.random.normal(ks[8], (H, C), dtype=jnp.float32) * s,
        'b_out': jnp.zeros((C,), dtype=jnp.float32),
    }


def _sage_pool_layer(h, src, dst, W_pool, b_pool, W_self, b_self, W_neigh):
    # DGL SAGEConv with 'pool' aggregator:
    #   h_pool = relu(fc_pool(h_src)); h_neigh = max over in-edges; 
    #   rst = fc_self(h) + fc_neigh(h_neigh); then activation (ReLU)
    h_pool = jax.nn.relu(h @ W_pool + b_pool)
    msgs = h_pool[src]                                  # gather over edges
    h_neigh = jax.ops.segment_max(msgs, dst, num_segments=N)
    h_neigh = jnp.where(jnp.isneginf(h_neigh), 0.0, h_neigh)  # zero for isolated nodes
    rst = h @ W_self + b_self + h_neigh @ W_neigh
    return jax.nn.relu(rst)


def reference(x, edge_index, W_pool1, b_pool1, W_self1, b_self1, W_neigh1,
              W_pool2, b_pool2, W_self2, b_self2, W_neigh2, W_out, b_out):
    src = edge_index[0]
    dst = edge_index[1]
    h = _sage_pool_layer(x, src, dst, W_pool1, b_pool1, W_self1, b_self1, W_neigh1)
    h = _sage_pool_layer(h, src, dst, W_pool2, b_pool2, W_self2, b_self2, W_neigh2)
    out = h @ W_out + b_out
    return out

if __name__ == "__main__":
    import jax
    _d = setup_inputs()
    print(jax.jit(kernel)(*tuple(_d.values())))

</pallas_src>

<mosaic_0001>
#map = affine_map<(d0, d1) -> (0, 0)>
#map1 = affine_map<(d0, d1) -> (0)>
module attributes {stable_mosaic.version = 14 : i64} {
  func.func @seg(%arg0: i32, %arg1: i32, %arg2: memref<128x10240xf32, #tpu.memory_space<hbm>>, %arg3: memref<320000xi32, #tpu.memory_space<hbm>>, %arg4: memref<128x10240xf32, #tpu.memory_space<hbm>>, %arg5: memref<1x10240xf32, #tpu.memory_space<vmem>>, %arg6: memref<1x10240xf32, #tpu.memory_space<vmem>>, %arg7: memref<1x10240xf32, #tpu.memory_space<vmem>>, %arg8: memref<1x10240xf32, #tpu.memory_space<vmem>>, %arg9: memref<1x10240xf32, #tpu.memory_space<vmem>>, %arg10: memref<1x10240xf32, #tpu.memory_space<vmem>>, %arg11: memref<1x10240xf32, #tpu.memory_space<vmem>>, %arg12: memref<1x10240xf32, #tpu.memory_space<vmem>>, %arg13: memref<8000xi32, #tpu.memory_space<vmem>>, %arg14: memref<8000xi32, #tpu.memory_space<vmem>>, %arg15: memref<500xi32, #tpu.memory_space<smem>>, %arg16: memref<!tpu.dma_semaphore, #tpu.memory_space<semaphore_mem>>, %arg17: memref<!tpu.dma_semaphore, #tpu.memory_space<semaphore_mem>>) attributes {dimension_semantics = [#tpu.dimension_semantics<core_parallel>, #tpu.dimension_semantics<subcore_parallel>], iteration_bounds = array<i64: 2, 16>, scalar_prefetch = 0 : i64, scratch_operands = 13 : i64, tpu.core_type = #tpu.core_type<sc_vector_subcore>, window_params = [{transform_indices = #map}, {transform_indices = #map1}, {transform_indices = #map}]} {
    %mul3A = arith.constant 2 : i32
    %mul3A_0 = arith.muli %arg1, %mul3A : i32
    %add3A = arith.addi %mul3A_0, %arg0 : i32
    %mul3A_1 = arith.constant 4 : i32
    %mul3A_2 = arith.muli %add3A, %mul3A_1 : i32
    %dma_start3A = arith.constant 0 : i32
    %dma_start3A_3 = tpu.memref_slice %arg3[%dma_start3A] : memref<320000xi32, #tpu.memory_space<hbm>> -> memref<8000xi32, #tpu.memory_space<hbm>>
    %dma_start3A_4 = arith.constant 0 : i32
    %dma_start3A_5 = tpu.memref_slice %arg3[%dma_start3A_4] : memref<320000xi32, #tpu.memory_space<hbm>> -> memref<8000xi32, #tpu.memory_space<hbm>>
    tpu.enqueue_dma source(%dma_start3A_5 : memref<8000xi32, #tpu.memory_space<hbm>>) target(%arg13 : memref<8000xi32, #tpu.memory_space<vmem>>) target_semaphore(%arg16 : memref<!tpu.dma_semaphore, #tpu.memory_space<semaphore_mem>>)
    %dma_start3A_6 = arith.constant 8000 : i32
    %dma_start3A_7 = tpu.memref_slice %arg3[%dma_start3A_6] : memref<320000xi32, #tpu.memory_space<hbm>> -> memref<8000xi32, #tpu.memory_space<hbm>>
    %dma_start3A_8 = arith.constant 8000 : i32
    %dma_start3A_9 = tpu.memref_slice %arg3[%dma_start3A_8] : memref<320000xi32, #tpu.memory_space<hbm>> -> memref<8000xi32, #tpu.memory_space<hbm>>
    tpu.enqueue_dma source(%dma_start3A_9 : memref<8000xi32, #tpu.memory_space<hbm>>) target(%arg14 : memref<8000xi32, #tpu.memory_space<vmem>>) target_semaphore(%arg17 : memref<!tpu.dma_semaphore, #tpu.memory_space<semaphore_mem>>)
    %add3A_10 = arith.constant 0 : i32
    %add3A_11 = arith.addi %mul3A_2, %add3A_10 : i32
    "tpu.region"() ({
      %run_scoped3A = tpu.sem_alloc : memref<!tpu.dma_semaphore, #tpu.memory_space<semaphore_mem>>
      %dma_start3A_38 = arith.constant 0 : i32
      %dma_start3A_39 = tpu.memref_slice %arg2[%add3A_11, %dma_start3A_38] : memref<128x10240xf32, #tpu.memory_space<hbm>> -> memref<1x10240xf32, #tpu.memory_space<hbm>>
      %dma_start3A_40 = arith.constant 0 : i32
      %dma_start3A_41 = tpu.memref_slice %arg2[%add3A_11, %dma_start3A_40] : memref<128x10240xf32, #tpu.memory_space<hbm>> -> memref<1x10240xf32, #tpu.memory_space<hbm>>
      tpu.enqueue_dma source(%dma_start3A_41 : memref<1x10240xf32, #tpu.memory_space<hbm>>) target(%arg5 : memref<1x10240xf32, #tpu.memory_space<vmem>>) target_semaphore(%run_scoped3A : memref<!tpu.dma_semaphore, #tpu.memory_space<semaphore_mem>>)
      %dma_wait3A = arith.constant 0 : i32
      %dma_wait3A_42 = tpu.memref_slice %arg2[%add3A_11, %dma_wait3A] : memref<128x10240xf32, #tpu.memory_space<hbm>> -> memref<1x10240xf32, #tpu.memory_space<hbm>>
      %dma_wait3A_43 = arith.constant 0 : i32
      %dma_wait3A_44 = tpu.memref_slice %arg2[%add3A_11, %dma_wait3A_43] : memref<128x10240xf32, #tpu.memory_space<hbm>> -> memref<1x10240xf32, #tpu.memory_space<hbm>>
      tpu.wait_dma2 semaphore(%run_scoped3A : memref<!tpu.dma_semaphore, #tpu.memory_space<semaphore_mem>>) src(%dma_wait3A_44 : memref<1x10240xf32, #tpu.memory_space<hbm>>) dst(%arg5 : memref<1x10240xf32, #tpu.memory_space<vmem>>)
      tpu.yield
    }) : () -> ()
    %add3A_12 = arith.constant 1 : i32
    %add3A_13 = arith.addi %mul3A_2, %add3A_12 : i32
    "tpu.region"() ({
      %run_scoped3A = tpu.sem_alloc : memref<!tpu.dma_semaphore, #tpu.memory_space<semaphore_mem>>
      %dma_start3A_38 = arith.constant 0 : i32
      %dma_start3A_39 = tpu.memref_slice %arg2[%add3A_13, %dma_start3A_38] : memref<128x10240xf32, #tpu.memory_space<hbm>> -> memref<1x10240xf32, #tpu.memory_space<hbm>>
      %dma_start3A_40 = arith.constant 0 : i32
      %dma_start3A_41 = tpu.memref_slice %arg2[%add3A_13, %dma_start3A_40] : memref<128x10240xf32, #tpu.memory_space<hbm>> -> memref<1x10240xf32, #tpu.memory_space<hbm>>
      tpu.enqueue_dma source(%dma_start3A_41 : memref<1x10240xf32, #tpu.memory_space<hbm>>) target(%arg6 : memref<1x10240xf32, #tpu.memory_space<vmem>>) target_semaphore(%run_scoped3A : memref<!tpu.dma_semaphore, #tpu.memory_space<semaphore_mem>>)
      %dma_wait3A = arith.constant 0 : i32
      %dma_wait3A_42 = tpu.memref_slice %arg2[%add3A_13, %dma_wait3A] : memref<128x10240xf32, #tpu.memory_space<hbm>> -> memref<1x10240xf32, #tpu.memory_space<hbm>>
      %dma_wait3A_43 = arith.constant 0 : i32
      %dma_wait3A_44 = tpu.memref_slice %arg2[%add3A_13, %dma_wait3A_43] : memref<128x10240xf32, #tpu.memory_space<hbm>> -> memref<1x10240xf32, #tpu.memory_space<hbm>>
      tpu.wait_dma2 semaphore(%run_scoped3A : memref<!tpu.dma_semaphore, #tpu.memory_space<semaphore_mem>>) src(%dma_wait3A_44 : memref<1x10240xf32, #tpu.memory_space<hbm>>) dst(%arg6 : memref<1x10240xf32, #tpu.memory_space<vmem>>)
      tpu.yield
    }) : () -> ()
    %add3A_14 = arith.constant 2 : i32
    %add3A_15 = arith.addi %mul3A_2, %add3A_14 : i32
    "tpu.region"() ({
      %run_scoped3A = tpu.sem_alloc : memref<!tpu.dma_semaphore, #tpu.memory_space<semaphore_mem>>
      %dma_start3A_38 = arith.constant 0 : i32
      %dma_start3A_39 = tpu.memref_slice %arg2[%add3A_15, %dma_start3A_38] : memref<128x10240xf32, #tpu.memory_space<hbm>> -> memref<1x10240xf32, #tpu.memory_space<hbm>>
      %dma_start3A_40 = arith.constant 0 : i32
      %dma_start3A_41 = tpu.memref_slice %arg2[%add3A_15, %dma_start3A_40] : memref<128x10240xf32, #tpu.memory_space<hbm>> -> memref<1x10240xf32, #tpu.memory_space<hbm>>
      tpu.enqueue_dma source(%dma_start3A_41 : memref<1x10240xf32, #tpu.memory_space<hbm>>) target(%arg7 : memref<1x10240xf32, #tpu.memory_space<vmem>>) target_semaphore(%run_scoped3A : memref<!tpu.dma_semaphore, #tpu.memory_space<semaphore_mem>>)
      %dma_wait3A = arith.constant 0 : i32
      %dma_wait3A_42 = tpu.memref_slice %arg2[%add3A_15, %dma_wait3A] : memref<128x10240xf32, #tpu.memory_space<hbm>> -> memref<1x10240xf32, #tpu.memory_space<hbm>>
      %dma_wait3A_43 = arith.constant 0 : i32
      %dma_wait3A_44 = tpu.memref_slice %arg2[%add3A_15, %dma_wait3A_43] : memref<128x10240xf32, #tpu.memory_space<hbm>> -> memref<1x10240xf32, #tpu.memory_space<hbm>>
      tpu.wait_dma2 semaphore(%run_scoped3A : memref<!tpu.dma_semaphore, #tpu.memory_space<semaphore_mem>>) src(%dma_wait3A_44 : memref<1x10240xf32, #tpu.memory_space<hbm>>) dst(%arg7 : memref<1x10240xf32, #tpu.memory_space<vmem>>)
      tpu.yield
    }) : () -> ()
    %add3A_16 = arith.constant 3 : i32
    %add3A_17 = arith.addi %mul3A_2, %add3A_16 : i32
    "tpu.region"() ({
      %run_scoped3A = tpu.sem_alloc : memref<!tpu.dma_semaphore, #tpu.memory_space<semaphore_mem>>
      %dma_start3A_38 = arith.constant 0 : i32
      %dma_start3A_39 = tpu.memref_slice %arg2[%add3A_17, %dma_start3A_38] : memref<128x10240xf32, #tpu.memory_space<hbm>> -> memref<1x10240xf32, #tpu.memory_space<hbm>>
      %dma_start3A_40 = arith.constant 0 : i32
      %dma_start3A_41 = tpu.memref_slice %arg2[%add3A_17, %dma_start3A_40] : memref<128x10240xf32, #tpu.memory_space<hbm>> -> memref<1x10240xf32, #tpu.memory_space<hbm>>
      tpu.enqueue_dma source(%dma_start3A_41 : memref<1x10240xf32, #tpu.memory_space<hbm>>) target(%arg8 : memref<1x10240xf32, #tpu.memory_space<vmem>>) target_semaphore(%run_scoped3A : memref<!tpu.dma_semaphore, #tpu.memory_space<semaphore_mem>>)
      %dma_wait3A = arith.constant 0 : i32
      %dma_wait3A_42 = tpu.memref_slice %arg2[%add3A_17, %dma_wait3A] : memref<128x10240xf32, #tpu.memory_space<hbm>> -> memref<1x10240xf32, #tpu.memory_space<hbm>>
      %dma_wait3A_43 = arith.constant 0 : i32
      %dma_wait3A_44 = tpu.memref_slice %arg2[%add3A_17, %dma_wait3A_43] : memref<128x10240xf32, #tpu.memory_space<hbm>> -> memref<1x10240xf32, #tpu.memory_space<hbm>>
      tpu.wait_dma2 semaphore(%run_scoped3A : memref<!tpu.dma_semaphore, #tpu.memory_space<semaphore_mem>>) src(%dma_wait3A_44 : memref<1x10240xf32, #tpu.memory_space<hbm>>) dst(%arg8 : memref<1x10240xf32, #tpu.memory_space<vmem>>)
      tpu.yield
    }) : () -> ()
    %scan3A = arith.constant 0 : i32
    %scan3A_18 = arith.constant 0 : i32
    %scan3A_19 = arith.constant 640 : i32
    %scan3A_20 = arith.addi %scan3A_18, %scan3A_19 : i32
    %scan3A_21 = arith.constant 1 : i32
    scf.for %scan3A_38 = %scan3A_18 to %scan3A_20 step %scan3A_21  : i32 {
      %broadcast_in_dim3A_39 = arith.constant 0.000000e+00 : f32
      %broadcast_in_dim3A_40 = vector.broadcast %broadcast_in_dim3A_39 : f32 to vector<16xf32>
      %mul3A_41 = arith.constant 16 : i32
      %mul3A_42 = arith.muli %scan3A_38, %mul3A_41 : i32
      %swap3A = arith.constant 0 : i32
      %swap3A_43 = arith.index_cast %swap3A : i32 to index
      %swap3A_44 = arith.index_cast %mul3A_42 : i32 to index
      %swap3A_45 = tpu.vector_load %arg9[%swap3A_43, %swap3A_44] {strides = array<i32>} : memref<1x10240xf32, #tpu.memory_space<vmem>>, vector<16xf32>,
      tpu.vector_store %arg9[%swap3A_43, %swap3A_44], %broadcast_in_dim3A_40 {strides = array<i32>} : memref<1x10240xf32, #tpu.memory_space<vmem>>, vector<16xf32>,
      %broadcast_in_dim3A_46 = arith.constant 0.000000e+00 : f32
      %broadcast_in_dim3A_47 = vector.broadcast %broadcast_in_dim3A_46 : f32 to vector<16xf32>
      %mul3A_48 = arith.constant 16 : i32
      %mul3A_49 = arith.muli %scan3A_38, %mul3A_48 : i32
      %swap3A_50 = arith.constant 0 : i32
      %swap3A_51 = arith.index_cast %swap3A_50 : i32 to index
      %swap3A_52 = arith.index_cast %mul3A_49 : i32 to index
      %swap3A_53 = tpu.vector_load %arg10[%swap3A_51, %swap3A_52] {strides = array<i32>} : memref<1x10240xf32, #tpu.memory_space<vmem>>, vector<16xf32>,
      tpu.vector_store %arg10[%swap3A_51, %swap3A_52], %broadcast_in_dim3A_47 {strides = array<i32>} : memref<1x10240xf32, #tpu.memory_space<vmem>>, vector<16xf32>,
      %broadcast_in_dim3A_54 = arith.constant 0.000000e+00 : f32
      %broadcast_in_dim3A_55 = vector.broadcast %broadcast_in_dim3A_54 : f32 to vector<16xf32>
      %mul3A_56 = arith.constant 16 : i32
      %mul3A_57 = arith.muli %scan3A_38, %mul3A_56 : i32
      %swap3A_58 = arith.constant 0 : i32
      %swap3A_59 = arith.index_cast %swap3A_58 : i32 to index
      %swap3A_60 = arith.index_cast %mul3A_57 : i32 to index
      %swap3A_61 = tpu.vector_load %arg11[%swap3A_59, %swap3A_60] {strides = array<i32>} : memref<1x10240xf32, #tpu.memory_space<vmem>>, vector<16xf32>,
      tpu.vector_store %arg11[%swap3A_59, %swap3A_60], %broadcast_in_dim3A_55 {strides = array<i32>} : memref<1x10240xf32, #tpu.memory_space<vmem>>, vector<16xf32>,
      %broadcast_in_dim3A_62 = arith.constant 0.000000e+00 : f32
      %broadcast_in_dim3A_63 = vector.broadcast %broadcast_in_dim3A_62 : f32 to vector<16xf32>
      %mul3A_64 = arith.constant 16 : i32
      %mul3A_65 = arith.muli %scan3A_38, %mul3A_64 : i32
      %swap3A_66 = arith.constant 0 : i32
      %swap3A_67 = arith.index_cast %swap3A_66 : i32 to index
      %swap3A_68 = arith.index_cast %mul3A_65 : i32 to index
      %swap3A_69 = tpu.vector_load %arg12[%swap3A_67, %swap3A_68] {strides = array<i32>} : memref<1x10240xf32, #tpu.memory_space<vmem>>, vector<16xf32>,
      tpu.vector_store %arg12[%swap3A_67, %swap3A_68], %broadcast_in_dim3A_63 {strides = array<i32>} : memref<1x10240xf32, #tpu.memory_space<vmem>>, vector<16xf32>,
    }
    %scan3A_22 = arith.constant 640 : i32
    %broadcast_in_dim3A = arith.constant 0 : i32
    %broadcast_in_dim3A_23 = vector.broadcast %broadcast_in_dim3A : i32 to vector<16xi32>
    %scan3A_24 = arith.constant 0 : i32
    %scan3A_25 = arith.constant 0 : i32
    %scan3A_26 = arith.constant 20 : i32
    %scan3A_27 = arith.addi %scan3A_25, %scan3A_26 : i32
    %scan3A_28 = arith.constant 1 : i32
    scf.for %scan3A_38 = %scan3A_25 to %scan3A_27 step %scan3A_28  : i32 {
      %mul3A_39 = arith.constant 2 : i32
      %mul3A_40 = arith.muli %mul3A_39, %scan3A_38 : i32
      %add3A_41 = arith.constant 0 : i32
      %add3A_42 = arith.addi %mul3A_40, %add3A_41 : i32
      %dma_wait3A = arith.constant 0 : i32
      %dma_wait3A_43 = tpu.memref_slice %arg3[%dma_wait3A] : memref<320000xi32, #tpu.memory_space<hbm>> -> memref<8000xi32, #tpu.memory_space<hbm>>
      %dma_wait3A_44 = arith.constant 0 : i32
      %dma_wait3A_45 = tpu.memref_slice %arg3[%dma_wait3A_44] : memref<320000xi32, #tpu.memory_space<hbm>> -> memref<8000xi32, #tpu.memory_space<hbm>>
      tpu.wait_dma2 semaphore(%arg16 : memref<!tpu.dma_semaphore, #tpu.memory_space<semaphore_mem>>) src(%dma_wait3A_45 : memref<8000xi32, #tpu.memory_space<hbm>>) dst(%arg13 : memref<8000xi32, #tpu.memory_space<vmem>>)
      %scan3A_46 = arith.constant 0 : i32
      %scan3A_47 = arith.constant 0 : i32
      %scan3A_48 = arith.constant 125 : i32
      %scan3A_49 = arith.addi %scan3A_47, %scan3A_48 : i32
      %scan3A_50 = arith.constant 1 : i32
      %scan3A_51 = scf.for %scan3A_98 = %scan3A_47 to %scan3A_49 step %scan3A_50 iter_args(%scan3A_99 = %scan3A_46) -> (i32)  : i32 {
        %mul3A_100 = arith.constant 4 : i32
        %mul3A_101 = arith.muli %scan3A_98, %mul3A_100 : i32
        %add3A_102 = arith.constant 0 : i32
        %add3A_103 = arith.addi %mul3A_101, %add3A_102 : i32
        %mul3A_104 = arith.constant 16 : i32
        %mul3A_105 = arith.muli %add3A_103, %mul3A_104 : i32
        %get3A = arith.index_cast %mul3A_105 : i32 to index
        %get3A_106 = tpu.vector_load %arg13[%get3A] {strides = array<i32>} : memref<8000xi32, #tpu.memory_space<vmem>>, vector<16xi32>,
        %and3A = arith.constant 16383 : i32
        %and3A_107 = vector.broadcast %and3A : i32 to vector<16xi32>
        %and3A_108 = arith.andi %get3A_106, %and3A_107 : vector<16xi32>
        %shift_right_logical3A = arith.constant 14 : i32
        %shift_right_logical3A_109 = vector.broadcast %shift_right_logical3A : i32 to vector<16xi32>
        %shift_right_logical3A_110 = arith.shrui %get3A_106, %shift_right_logical3A_109 : vector<16xi32>
        %mul3A_111 = arith.constant 4 : i32
        %mul3A_112 = arith.muli %scan3A_98, %mul3A_111 : i32
        %add3A_113 = arith.constant 1 : i32
        %add3A_114 = arith.addi %mul3A_112, %add3A_113 : i32
        %mul3A_115 = arith.constant 16 : i32
        %mul3A_116 = arith.muli %add3A_114, %mul3A_115 : i32
        %get3A_117 = arith.index_cast %mul3A_116 : i32 to index
        %get3A_118 = tpu.vector_load %arg13[%get3A_117] {strides = array<i32>} : memref<8000xi32, #tpu.memory_space<vmem>>, vector<16xi32>,
        %and3A_119 = arith.constant 16383 : i32
        %and3A_120 = vector.broadcast %and3A_119 : i32 to vector<16xi32>
        %and3A_121 = arith.andi %get3A_118, %and3A_120 : vector<16xi32>
        %shift_right_logical3A_122 = arith.constant 14 : i32
        %shift_right_logical3A_123 = vector.broadcast %shift_right_logical3A_122 : i32 to vector<16xi32>
        %shift_right_logical3A_124 = arith.shrui %get3A_118, %shift_right_logical3A_123 : vector<16xi32>
        %mul3A_125 = arith.constant 4 : i32
        %mul3A_126 = arith.muli %scan3A_98, %mul3A_125 : i32
        %add3A_127 = arith.constant 2 : i32
        %add3A_128 = arith.addi %mul3A_126, %add3A_127 : i32
        %mul3A_129 = arith.constant 16 : i32
        %mul3A_130 = arith.muli %add3A_128, %mul3A_129 : i32
        %get3A_131 = arith.index_cast %mul3A_130 : i32 to index
        %get3A_132 = tpu.vector_load %arg13[%get3A_131] {strides = array<i32>} : memref<8000xi32, #tpu.memory_space<vmem>>, vector<16xi32>,
        %and3A_133 = arith.constant 16383 : i32
        %and3A_134 = vector.broadcast %and3A_133 : i32 to vector<16xi32>
        %and3A_135 = arith.andi %get3A_132, %and3A_134 : vector<16xi32>
        %shift_right_logical3A_136 = arith.constant 14 : i32
        %shift_right_logical3A_137 = vector.broadcast %shift_right_logical3A_136 : i32 to vector<16xi32>
        %shift_right_logical3A_138 = arith.shrui %get3A_132, %shift_right_logical3A_137 : vector<16xi32>
        %mul3A_139 = arith.constant 4 : i32
        %mul3A_140 = arith.muli %scan3A_98, %mul3A_139 : i32
        %add3A_141 = arith.constant 3 : i32
        %add3A_142 = arith.addi %mul3A_140, %add3A_141 : i32
        %mul3A_143 = arith.constant 16 : i32
        %mul3A_144 = arith.muli %add3A_142, %mul3A_143 : i32
        %get3A_145 = arith.index_cast %mul3A_144 : i32 to index
        %get3A_146 = tpu.vector_load %arg13[%get3A_145] {strides = array<i32>} : memref<8000xi32, #tpu.memory_space<vmem>>, vector<16xi32>,
        %and3A_147 = arith.constant 16383 : i32
        %and3A_148 = vector.broadcast %and3A_147 : i32 to vector<16xi32>
        %and3A_149 = arith.andi %get3A_146, %and3A_148 : vector<16xi32>
        %shift_right_logical3A_150 = arith.constant 14 : i32
        %shift_right_logical3A_151 = vector.broadcast %shift_right_logical3A_150 : i32 to vector<16xi32>
        %shift_right_logical3A_152 = arith.shrui %get3A_146, %shift_right_logical3A_151 : vector<16xi32>
        %gather3A = tpu.vector_load_idx %arg5[%broadcast_in_dim3A_23, %and3A_108] : memref<1x10240xf32, #tpu.memory_space<vmem>>[vector<16xi32>, vector<16xi32>], vector<16xf32>,
        %gather3A_153 = tpu.vector_load_idx %arg6[%broadcast_in_dim3A_23, %and3A_108] : memref<1x10240xf32, #tpu.memory_space<vmem>>[vector<16xi32>, vector<16xi32>], vector<16xf32>,
        %gather3A_154 = tpu.vector_load_idx %arg7[%broadcast_in_dim3A_23, %and3A_108] : memref<1x10240xf32, #tpu.memory_space<vmem>>[vector<16xi32>, vector<16xi32>], vector<16xf32>,
        %gather3A_155 = tpu.vector_load_idx %arg8[%broadcast_in_dim3A_23, %and3A_108] : memref<1x10240xf32, #tpu.memory_space<vmem>>[vector<16xi32>, vector<16xi32>], vector<16xf32>,
        %gather3A_156 = tpu.vector_load_idx %arg5[%broadcast_in_dim3A_23, %and3A_121] : memref<1x10240xf32, #tpu.memory_space<vmem>>[vector<16xi32>, vector<16xi32>], vector<16xf32>,
        %gather3A_157 = tpu.vector_load_idx %arg6[%broadcast_in_dim3A_23, %and3A_121] : memref<1x10240xf32, #tpu.memory_space<vmem>>[vector<16xi32>, vector<16xi32>], vector<16xf32>,
        %gather3A_158 = tpu.vector_load_idx %arg7[%broadcast_in_dim3A_23, %and3A_121] : memref<1x10240xf32, #tpu.memory_space<vmem>>[vector<16xi32>, vector<16xi32>], vector<16xf32>,
        %gather3A_159 = tpu.vector_load_idx %arg8[%broadcast_in_dim3A_23, %and3A_121] : memref<1x10240xf32, #tpu.memory_space<vmem>>[vector<16xi32>, vector<16xi32>], vector<16xf32>,
        %gather3A_160 = tpu.vector_load_idx %arg5[%broadcast_in_dim3A_23, %and3A_135] : memref<1x10240xf32, #tpu.memory_space<vmem>>[vector<16xi32>, vector<16xi32>], vector<16xf32>,
        %gather3A_161 = tpu.vector_load_idx %arg6[%broadcast_in_dim3A_23, %and3A_135] : memref<1x10240xf32, #tpu.memory_space<vmem>>[vector<16xi32>, vector<16xi32>], vector<16xf32>,
        %gather3A_162 = tpu.vector_load_idx %arg7[%broadcast_in_dim3A_23, %and3A_135] : memref<1x10240xf32, #tpu.memory_space<vmem>>[vector<16xi32>, vector<16xi32>], vector<16xf32>,
        %gather3A_163 = tpu.vector_load_idx %arg8[%broadcast_in_dim3A_23, %and3A_135] : memref<1x10240xf32, #tpu.memory_space<vmem>>[vector<16xi32>, vector<16xi32>], vector<16xf32>,
        %gather3A_164 = tpu.vector_load_idx %arg5[%broadcast_in_dim3A_23, %and3A_149] : memref<1x10240xf32, #tpu.memory_space<vmem>>[vector<16xi32>, vector<16xi32>], vector<16xf32>,
        %gather3A_165 = tpu.vector_load_idx %arg6[%broadcast_in_dim3A_23, %and3A_149] : memref<1x10240xf32, #tpu.memory_space<vmem>>[vector<16xi32>, vector<16xi32>], vector<16xf32>,
        %gather3A_166 = tpu.vector_load_idx %arg7[%broadcast_in_dim3A_23, %and3A_149] : memref<1x10240xf32, #tpu.memory_space<vmem>>[vector<16xi32>, vector<16xi32>], vector<16xf32>,
        %gather3A_167 = tpu.vector_load_idx %arg8[%broadcast_in_dim3A_23, %and3A_149] : memref<1x10240xf32, #tpu.memory_space<vmem>>[vector<16xi32>, vector<16xi32>], vector<16xf32>,
        %gather3A_168 = tpu.vector_load_idx %arg9[%broadcast_in_dim3A_23, %shift_right_logical3A_110] : memref<1x10240xf32, #tpu.memory_space<vmem>>[vector<16xi32>, vector<16xi32>], vector<16xf32>,
        %gather3A_169 = tpu.vector_load_idx %arg10[%broadcast_in_dim3A_23, %shift_right_logical3A_110] : memref<1x10240xf32, #tpu.memory_space<vmem>>[vector<16xi32>, vector<16xi32>], vector<16xf32>,
        %gather3A_170 = tpu.vector_load_idx %arg11[%broadcast_in_dim3A_23, %shift_right_logical3A_110] : memref<1x10240xf32, #tpu.memory_space<vmem>>[vector<16xi32>, vector<16xi32>], vector<16xf32>,
        %gather3A_171 = tpu.vector_load_idx %arg12[%broadcast_in_dim3A_23, %shift_right_logical3A_110] : memref<1x10240xf32, #tpu.memory_space<vmem>>[vector<16xi32>, vector<16xi32>], vector<16xf32>,
        %gather3A_172 = tpu.vector_load_idx %arg9[%broadcast_in_dim3A_23, %shift_right_logical3A_124] : memref<1x10240xf32, #tpu.memory_space<vmem>>[vector<16xi32>, vector<16xi32>], vector<16xf32>,
        %gather3A_173 = tpu.vector_load_idx %arg10[%broadcast_in_dim3A_23, %shift_right_logical3A_124] : memref<1x10240xf32, #tpu.memory_space<vmem>>[vector<16xi32>, vector<16xi32>], vector<16xf32>,
        %gather3A_174 = tpu.vector_load_idx %arg11[%broadcast_in_dim3A_23, %shift_right_logical3A_124] : memref<1x10240xf32, #tpu.memory_space<vmem>>[vector<16xi32>, vector<16xi32>], vector<16xf32>,
        %gather3A_175 = tpu.vector_load_idx %arg12[%broadcast_in_dim3A_23, %shift_right_logical3A_124] : memref<1x10240xf32, #tpu.memory_space<vmem>>[vector<16xi32>, vector<16xi32>], vector<16xf32>,
        %gather3A_176 = tpu.vector_load_idx %arg9[%broadcast_in_dim3A_23, %shift_right_logical3A_138] : memref<1x10240xf32, #tpu.memory_space<vmem>>[vector<16xi32>, vector<16xi32>], vector<16xf32>,
        %gather3A_177 = tpu.vector_load_idx %arg10[%broadcast_in_dim3A_23, %shift_right_logical3A_138] : memref<1x10240xf32, #tpu.memory_space<vmem>>[vector<16xi32>, vector<16xi32>], vector<16xf32>,
        %gather3A_178 = tpu.vector_load_idx %arg11[%broadcast_in_dim3A_23, %shift_right_logical3A_138] : memref<1x10240xf32, #tpu.memory_space<vmem>>[vector<16xi32>, vector<16xi32>], vector<16xf32>,
        %gather3A_179 = tpu.vector_load_idx %arg12[%broadcast_in_dim3A_23, %shift_right_logical3A_138] : memref<1x10240xf32, #tpu.memory_space<vmem>>[vector<16xi32>, vector<16xi32>], vector<16xf32>,
        %gather3A_180 = tpu.vector_load_idx %arg9[%broadcast_in_dim3A_23, %shift_right_logical3A_152] : memref<1x10240xf32, #tpu.memory_space<vmem>>[vector<16xi32>, vector<16xi32>], vector<16xf32>,
        %gather3A_181 = tpu.vector_load_idx %arg10[%broadcast_in_dim3A_23, %shift_right_logical3A_152] : memref<1x10240xf32, #tpu.memory_space<vmem>>[vector<16xi32>, vector<16xi32>], vector<16xf32>,
        %gather3A_182 = tpu.vector_load_idx %arg11[%broadcast_in_dim3A_23, %shift_right_logical3A_152] : memref<1x10240xf32, #tpu.memory_space<vmem>>[vector<16xi32>, vector<16xi32>], vector<16xf32>,
        %gather3A_183 = tpu.vector_load_idx %arg12[%broadcast_in_dim3A_23, %shift_right_logical3A_152] : memref<1x10240xf32, #tpu.memory_space<vmem>>[vector<16xi32>, vector<16xi32>], vector<16xf32>,
        %gt3A = arith.cmpf ogt, %gather3A, %gather3A_168 : vector<16xf32>
        tpu.vector_store_idx %arg9[%broadcast_in_dim3A_23, %shift_right_logical3A_110], %gather3A masked %gt3A : memref<1x10240xf32, #tpu.memory_space<vmem>>[vector<16xi32>, vector<16xi32>], vector<16xf32>, vector<16xi1>
        %gt3A_184 = arith.cmpf ogt, %gather3A_153, %gather3A_169 : vector<16xf32>
        tpu.vector_store_idx %arg10[%broadcast_in_dim3A_23, %shift_right_logical3A_110], %gather3A_153 masked %gt3A_184 : memref<1x10240xf32, #tpu.memory_space<vmem>>[vector<16xi32>, vector<16xi32>], vector<16xf32>, vector<16xi1>
        %gt3A_185 = arith.cmpf ogt, %gather3A_154, %gather3A_170 : vector<16xf32>
        tpu.vector_store_idx %arg11[%broadcast_in_dim3A_23, %shift_right_logical3A_110], %gather3A_154 masked %gt3A_185 : memref<1x10240xf32, #tpu.memory_space<vmem>>[vector<16xi32>, vector<16xi32>], vector<16xf32>, vector<16xi1>
        %gt3A_186 = arith.cmpf ogt, %gather3A_155, %gather3A_171 : vector<16xf32>
        tpu.vector_store_idx %arg12[%broadcast_in_dim3A_23, %shift_right_logical3A_110], %gather3A_155 masked %gt3A_186 : memref<1x10240xf32, #tpu.memory_space<vmem>>[vector<16xi32>, vector<16xi32>], vector<16xf32>, vector<16xi1>
        %gt3A_187 = arith.cmpf ogt, %gather3A_156, %gather3A_172 : vector<16xf32>
        tpu.vector_store_idx %arg9[%broadcast_in_dim3A_23, %shift_right_logical3A_124], %gather3A_156 masked %gt3A_187 : memref<1x10240xf32, #tpu.memory_space<vmem>>[vector<16xi32>, vector<16xi32>], vector<16xf32>, vector<16xi1>
        %gt3A_188 = arith.cmpf ogt, %gather3A_157, %gather3A_173 : vector<16xf32>
        tpu.vector_store_idx %arg10[%broadcast_in_dim3A_23, %shift_right_logical3A_124], %gather3A_157 masked %gt3A_188 : memref<1x10240xf32, #tpu.memory_space<vmem>>[vector<16xi32>, vector<16xi32>], vector<16xf32>, vector<16xi1>
        %gt3A_189 = arith.cmpf ogt, %gather3A_158, %gather3A_174 : vector<16xf32>
        tpu.vector_store_idx %arg11[%broadcast_in_dim3A_23, %shift_right_logical3A_124], %gather3A_158 masked %gt3A_189 : memref<1x10240xf32, #tpu.memory_space<vmem>>[vector<16xi32>, vector<16xi32>], vector<16xf32>, vector<16xi1>
        %gt3A_190 = arith.cmpf ogt, %gather3A_159, %gather3A_175 : vector<16xf32>
        tpu.vector_store_idx %arg12[%broadcast_in_dim3A_23, %shift_right_logical3A_124], %gather3A_159 masked %gt3A_190 : memref<1x10240xf32, #tpu.memory_space<vmem>>[vector<16xi32>, vector<16xi32>], vector<16xf32>, vector<16xi1>
        %gt3A_191 = arith.cmpf ogt, %gather3A_160, %gather3A_176 : vector<16xf32>
        tpu.vector_store_idx %arg9[%broadcast_in_dim3A_23, %shift_right_logical3A_138], %gather3A_160 masked %gt3A_191 : memref<1x10240xf32, #tpu.memory_space<vmem>>[vector<16xi32>, vector<16xi32>], vector<16xf32>, vector<16xi1>
        %gt3A_192 = arith.cmpf ogt, %gather3A_161, %gather3A_177 : vector<16xf32>
        tpu.vector_store_idx %arg10[%broadcast_in_dim3A_23, %shift_right_logical3A_138], %gather3A_161 masked %gt3A_192 : memref<1x10240xf32, #tpu.memory_space<vmem>>[vector<16xi32>, vector<16xi32>], vector<16xf32>, vector<16xi1>
        %gt3A_193 = arith.cmpf ogt, %gather3A_162, %gather3A_178 : vector<16xf32>
        tpu.vector_store_idx %arg11[%broadcast_in_dim3A_23, %shift_right_logical3A_138], %gather3A_162 masked %gt3A_193 : memref<1x10240xf32, #tpu.memory_space<vmem>>[vector<16xi32>, vector<16xi32>], vector<16xf32>, vector<16xi1>
        %gt3A_194 = arith.cmpf ogt, %gather3A_163, %gather3A_179 : vector<16xf32>
        tpu.vector_store_idx %arg12[%broadcast_in_dim3A_23, %shift_right_logical3A_138], %gather3A_163 masked %gt3A_194 : memref<1x10240xf32, #tpu.memory_space<vmem>>[vector<16xi32>, vector<16xi32>], vector<16xf32>, vector<16xi1>
        %gt3A_195 = arith.cmpf ogt, %gather3A_164, %gather3A_180 : vector<16xf32>
        tpu.vector_store_idx %arg9[%broadcast_in_dim3A_23, %shift_right_logical3A_152], %gather3A_164 masked %gt3A_195 : memref<1x10240xf32, #tpu.memory_space<vmem>>[vector<16xi32>, vector<16xi32>], vector<16xf32>, vector<16xi1>
        %gt3A_196 = arith.cmpf ogt, %gather3A_165, %gather3A_181 : vector<16xf32>
        tpu.vector_store_idx %arg10[%broadcast_in_dim3A_23, %shift_right_logical3A_152], %gather3A_165 masked %gt3A_196 : memref<1x10240xf32, #tpu.memory_space<vmem>>[vector<16xi32>, vector<16xi32>], vector<16xf32>, vector<16xi1>
        %gt3A_197 = arith.cmpf ogt, %gather3A_166, %gather3A_182 : vector<16xf32>
        tpu.vector_store_idx %arg11[%broadcast_in_dim3A_23, %shift_right_logical3A_152], %gather3A_166 masked %gt3A_197 : memref<1x10240xf32, #tpu.memory_space<vmem>>[vector<16xi32>, vector<16xi32>], vector<16xf32>, vector<16xi1>
        %gt3A_198 = arith.cmpf ogt, %gather3A_167, %gather3A_183 : vector<16xf32>
        tpu.vector_store_idx %arg12[%broadcast_in_dim3A_23, %shift_right_logical3A_152], %gather3A_167 masked %gt3A_198 : memref<1x10240xf32, #tpu.memory_space<vmem>>[vector<16xi32>, vector<16xi32>], vector<16xf32>, vector<16xi1>
        %gather3A_199 = tpu.vector_load_idx %arg9[%broadcast_in_dim3A_23, %shift_right_logical3A_110] : memref<1x10240xf32, #tpu.memory_space<vmem>>[vector<16xi32>, vector<16xi32>], vector<16xf32>,
        %gather3A_200 = tpu.vector_load_idx %arg10[%broadcast_in_dim3A_23, %shift_right_logical3A_110] : memref<1x10240xf32, #tpu.memory_space<vmem>>[vector<16xi32>, vector<16xi32>], vector<16xf32>,
        %gather3A_201 = tpu.vector_load_idx %arg11[%broadcast_in_dim3A_23, %shift_right_logical3A_110] : memref<1x10240xf32, #tpu.memory_space<vmem>>[vector<16xi32>, vector<16xi32>], vector<16xf32>,
        %gather3A_202 = tpu.vector_load_idx %arg12[%broadcast_in_dim3A_23, %shift_right_logical3A_110] : memref<1x10240xf32, #tpu.memory_space<vmem>>[vector<16xi32>, vector<16xi32>], vector<16xf32>,
        %gather3A_203 = tpu.vector_load_idx %arg9[%broadcast_in_dim3A_23, %shift_right_logical3A_124] : memref<1x10240xf32, #tpu.memory_space<vmem>>[vector<16xi32>, vector<16xi32>], vector<16xf32>,
        %gather3A_204 = tpu.vector_load_idx %arg10[%broadcast_in_dim3A_23, %shift_right_logical3A_124] : memref<1x10240xf32, #tpu.memory_space<vmem>>[vector<16xi32>, vector<16xi32>], vector<16xf32>,
        %gather3A_205 = tpu.vector_load_idx %arg11[%broadcast_in_dim3A_23, %shift_right_logical3A_124] : memref<1x10240xf32, #tpu.memory_space<vmem>>[vector<16xi32>, vector<16xi32>], vector<16xf32>,
        %gather3A_206 = tpu.vector_load_idx %arg12[%broadcast_in_dim3A_23, %shift_right_logical3A_124] : memref<1x10240xf32, #tpu.memory_space<vmem>>[vector<16xi32>, vector<16xi32>], vector<16xf32>,
        %gather3A_207 = tpu.vector_load_idx %arg9[%broadcast_in_dim3A_23, %shift_right_logical3A_138] : memref<1x10240xf32, #tpu.memory_space<vmem>>[vector<16xi32>, vector<16xi32>], vector<16xf32>,
        %gather3A_208 = tpu.vector_load_idx %arg10[%broadcast_in_dim3A_23, %shift_right_logical3A_138] : memref<1x10240xf32, #tpu.memory_space<vmem>>[vector<16xi32>, vector<16xi32>], vector<16xf32>,
        %gather3A_209 = tpu.vector_load_idx %arg11[%broadcast_in_dim3A_23, %shift_right_logical3A_138] : memref<1x10240xf32, #tpu.memory_space<vmem>>[vector<16xi32>, vector<16xi32>], vector<16xf32>,
        %gather3A_210 = tpu.vector_load_idx %arg12[%broadcast_in_dim3A_23, %shift_right_logical3A_138] : memref<1x10240xf32, #tpu.memory_space<vmem>>[vector<16xi32>, vector<16xi32>], vector<16xf32>,
        %gather3A_211 = tpu.vector_load_idx %arg9[%broadcast_in_dim3A_23, %shift_right_logical3A_152] : memref<1x10240xf32, #tpu.memory_space<vmem>>[vector<16xi32>, vector<16xi32>], vector<16xf32>,
        %gather3A_212 = tpu.vector_load_idx %arg10[%broadcast_in_dim3A_23, %shift_right_logical3A_152] : memref<1x10240xf32, #tpu.memory_space<vmem>>[vector<16xi32>, vector<16xi32>], vector<16xf32>,
        %gather3A_213 = tpu.vector_load_idx %arg11[%broadcast_in_dim3A_23, %shift_right_logical3A_152] : memref<1x10240xf32, #tpu.memory_space<vmem>>[vector<16xi32>, vector<16xi32>], vector<16xf32>,
        %gather3A_214 = tpu.vector_load_idx %arg12[%broadcast_in_dim3A_23, %shift_right_logical3A_152] : memref<1x10240xf32, #tpu.memory_space<vmem>>[vector<16xi32>, vector<16xi32>], vector<16xf32>,
        %gt3A_215 = arith.cmpf ogt, %gather3A, %gather3A_199 : vector<16xf32>
        %gt3A_216 = arith.cmpf ogt, %gather3A_153, %gather3A_200 : vector<16xf32>
        %or3A = arith.ori %gt3A_215, %gt3A_216 : vector<16xi1>
        %gt3A_217 = arith.cmpf ogt, %gather3A_154, %gather3A_201 : vector<16xf32>
        %or3A_218 = arith.ori %or3A, %gt3A_217 : vector<16xi1>
        %gt3A_219 = arith.cmpf ogt, %gather3A_155, %gather3A_202 : vector<16xf32>
        %or3A_220 = arith.ori %or3A_218, %gt3A_219 : vector<16xi1>
        %gt3A_221 = arith.cmpf ogt, %gather3A_156, %gather3A_203 : vector<16xf32>
        %gt3A_222 = arith.cmpf ogt, %gather3A_157, %gather3A_204 : vector<16xf32>
        %or3A_223 = arith.ori %gt3A_221, %gt3A_222 : vector<16xi1>
        %gt3A_224 = arith.cmpf ogt, %gather3A_158, %gather3A_205 : vector<16xf32>
        %or3A_225 = arith.ori %or3A_223, %gt3A_224 : vector<16xi1>
        %gt3A_226 = arith.cmpf ogt, %gather3A_159, %gather3A_206 : vector<16xf32>
        %or3A_227 = arith.ori %or3A_225, %gt3A_226 : vector<16xi1>
        %gt3A_228 = arith.cmpf ogt, %gather3A_160, %gather3A_207 : vector<16xf32>
        %gt3A_229 = arith.cmpf ogt, %gather3A_161, %gather3A_208 : vector<16xf32>
        %or3A_230 = arith.ori %gt3A_228, %gt3A_229 : vector<16xi1>
        %gt3A_231 = arith.cmpf ogt, %gather3A_162, %gather3A_209 : vector<16xf32>
        %or3A_232 = arith.ori %or3A_230, %gt3A_231 : vector<16xi1>
        %gt3A_233 = arith.cmpf ogt, %gather3A_163, %gather3A_210 : vector<16xf32>
        %or3A_234 = arith.ori %or3A_232, %gt3A_233 : vector<16xi1>
        %gt3A_235 = arith.cmpf ogt, %gather3A_164, %gather3A_211 : vector<16xf32>
        %gt3A_236 = arith.cmpf ogt, %gather3A_165, %gather3A_212 : vector<16xf32>
        %or3A_237 = arith.ori %gt3A_235, %gt3A_236 : vector<16xi1>
        %gt3A_238 = arith.cmpf ogt, %gather3A_166, %gather3A_213 : vector<16xf32>
        %or3A_239 = arith.ori %or3A_237, %gt3A_238 : vector<16xi1>
        %gt3A_240 = arith.cmpf ogt, %gather3A_167, %gather3A_214 : vector<16xf32>
        %or3A_241 = arith.ori %or3A_239, %gt3A_240 : vector<16xi1>
        %all_reduce_population_count3A = tpu.all_reduce %or3A_220 {dim = 0 : i64, kind = #tpu.reduction_kind<sum>} : vector<16xi1> -> vector<16xi32>
        %slice3A = vector.extract_strided_slice %all_reduce_population_count3A {offsets = [0], sizes = [1], strides = [1]} : vector<16xi32> to vector<1xi32>
        %squeeze3A = vector.extract %slice3A[0] : i32 from vector<1xi32>
        %mul3A_242 = arith.constant 4 : i32
        %mul3A_243 = arith.muli %scan3A_98, %mul3A_242 : i32
        %add3A_244 = arith.constant 0 : i32
        %add3A_245 = arith.addi %mul3A_243, %add3A_244 : i32
        %swap3A = arith.index_cast %scan3A_99 : i32 to index
        %swap3A_246 = memref.load %arg15[%swap3A] : memref<500xi32, #tpu.memory_space<smem>>
        memref.store %add3A_245, %arg15[%swap3A] : memref<500xi32, #tpu.memory_space<smem>>
        %gt3A_247 = arith.constant 0 : i32
        %gt3A_248 = arith.cmpi sgt, %squeeze3A, %gt3A_247 : i32
        %convert_element_type3A_249 = arith.extui %gt3A_248 : i1 to i32
        %add3A_250 = arith.addi %scan3A_99, %convert_element_type3A_249 : i32
        %all_reduce_population_count3A_251 = tpu.all_reduce %or3A_227 {dim = 0 : i64, kind = #tpu.reduction_kind<sum>} : vector<16xi1> -> vector<16xi32>
        %slice3A_252 = vector.extract_strided_slice %all_reduce_population_count3A_251 {offsets = [0], sizes = [1], strides = [1]} : vector<16xi32> to vector<1xi32>
        %squeeze3A_253 = vector.extract %slice3A_252[0] : i32 from vector<1xi32>
        %mul3A_254 = arith.constant 4 : i32
        %mul3A_255 = arith.muli %scan3A_98, %mul3A_254 : i32
        %add3A_256 = arith.constant 1 : i32
        %add3A_257 = arith.addi %mul3A_255, %add3A_256 : i32
        %swap3A_258 = arith.index_cast %add3A_250 : i32 to index
        %swap3A_259 = memref.load %arg15[%swap3A_258] : memref<500xi32, #tpu.memory_space<smem>>
        memref.store %add3A_257, %arg15[%swap3A_258] : memref<500xi32, #tpu.memory_space<smem>>
        %gt3A_260 = arith.constant 0 : i32
        %gt3A_261 = arith.cmpi sgt, %squeeze3A_253, %gt3A_260 : i32
        %convert_element_type3A_262 = arith.extui %gt3A_261 : i1 to i32
        %add3A_263 = arith.addi %add3A_250, %convert_element_type3A_262 : i32
        %all_reduce_population_count3A_264 = tpu.all_reduce %or3A_234 {dim = 0 : i64, kind = #tpu.reduction_kind<sum>} : vector<16xi1> -> vector<16xi32>
        %slice3A_265 = vector.extract_strided_slice %all_reduce_population_count3A_264 {offsets = [0], sizes = [1], strides = [1]} : vector<16xi32> to vector<1xi32>
        %squeeze3A_266 = vector.extract %slice3A_265[0] : i32 from vector<1xi32>
        %mul3A_267 = arith.constant 4 : i32
        %mul3A_268 = arith.muli %scan3A_98, %mul3A_267 : i32
        %add3A_269 = arith.constant 2 : i32
        %add3A_270 = arith.addi %mul3A_268, %add3A_269 : i32
        %swap3A_271 = arith.index_cast %add3A_263 : i32 to index
        %swap3A_272 = memref.load %arg15[%swap3A_271] : memref<500xi32, #tpu.memory_space<smem>>
        memref.store %add3A_270, %arg15[%swap3A_271] : memref<500xi32, #tpu.memory_space<smem>>
        %gt3A_273 = arith.constant 0 : i32
        %gt3A_274 = arith.cmpi sgt, %squeeze3A_266, %gt3A_273 : i32
        %convert_element_type3A_275 = arith.extui %gt3A_274 : i1 to i32
        %add3A_276 = arith.addi %add3A_263, %convert_element_type3A_275 : i32
        %all_reduce_population_count3A_277 = tpu.all_reduce %or3A_241 {dim = 0 : i64, kind = #tpu.reduction_kind<sum>} : vector<16xi1> -> vector<16xi32>
        %slice3A_278 = vector.extract_strided_slice %all_reduce_population_count3A_277 {offsets = [0], sizes = [1], strides = [1]} : vector<16xi32> to vector<1xi32>
        %squeeze3A_279 = vector.extract %slice3A_278[0] : i32 from vector<1xi32>
        %mul3A_280 = arith.constant 4 : i32
        %mul3A_281 = arith.muli %scan3A_98, %mul3A_280 : i32
        %add3A_282 = arith.constant 3 : i32
        %add3A_283 = arith.addi %mul3A_281, %add3A_282 : i32
        %swap3A_284 = arith.index_cast %add3A_276 : i32 to index
        %swap3A_285 = memref.load %arg15[%swap3A_284] : memref<500xi32, #tpu.memory_space<smem>>
        memref.store %add3A_283, %arg15[%swap3A_284] : memref<500xi32, #tpu.memory_space<smem>>
        %gt3A_286 = arith.constant 0 : i32
        %gt3A_287 = arith.cmpi sgt, %squeeze3A_279, %gt3A_286 : i32
        %convert_element_type3A_288 = arith.extui %gt3A_287 : i1 to i32
        %add3A_289 = arith.addi %add3A_276, %convert_element_type3A_288 : i32
        scf.yield %add3A_289 : i32
      }
      %scan3A_52 = arith.constant 125 : i32
      %while3A = arith.constant 0 : i32
      %while3A_53 = arith.constant 0 : i32
      %while3A_54 = arith.subi %scan3A_51, %while3A_53 : i32
      %while3A_55 = arith.addi %while3A_53, %while3A_54 : i32
      %while3A_56 = arith.constant 1 : i32
      %while3A_57 = arith.divsi %while3A_54, %while3A_56 : i32
      %while3A_58 = arith.muli %while3A_57, %while3A_56 : i32
      %while3A_59 = arith.addi %while3A_53, %while3A_58 : i32
      %while3A_60 = arith.constant 1 : i32
      scf.for %while3A_98 = %while3A_53 to %while3A_59 step %while3A_60  : i32 {
        %get3A = arith.index_cast %while3A_98 : i32 to index
        %get3A_99 = memref.load %arg15[%get3A] : memref<500xi32, #tpu.memory_space<smem>>
        %mul3A_100 = arith.constant 16 : i32
        %mul3A_101 = arith.muli %get3A_99, %mul3A_100 : i32
        %get3A_102 = arith.index_cast %mul3A_101 : i32 to index
        %get3A_103 = tpu.vector_load %arg13[%get3A_102] {strides = array<i32>} : memref<8000xi32, #tpu.memory_space<vmem>>, vector<16xi32>,
        %and3A = arith.constant 16383 : i32
        %and3A_104 = vector.broadcast %and3A : i32 to vector<16xi32>
        %and3A_105 = arith.andi %get3A_103, %and3A_104 : vector<16xi32>
        %shift_right_logical3A = arith.constant 14 : i32
        %shift_right_logical3A_106 = vector.broadcast %shift_right_logical3A : i32 to vector<16xi32>
        %shift_right_logical3A_107 = arith.shrui %get3A_103, %shift_right_logical3A_106 : vector<16xi32>
        %gather3A = tpu.vector_load_idx %arg5[%broadcast_in_dim3A_23, %and3A_105] : memref<1x10240xf32, #tpu.memory_space<vmem>>[vector<16xi32>, vector<16xi32>], vector<16xf32>,
        %gather3A_108 = tpu.vector_load_idx %arg9[%broadcast_in_dim3A_23, %shift_right_logical3A_107] : memref<1x10240xf32, #tpu.memory_space<vmem>>[vector<16xi32>, vector<16xi32>], vector<16xf32>,
        %while3A_109 = scf.while (%while3A_119 = %gather3A_108) : (vector<16xf32>) -> vector<16xf32> {
          %gt3A = arith.cmpf ogt, %gather3A, %while3A_119 : vector<16xf32>
          %reduce_or3A = arith.constant 1.000000e+00 : f32
          %reduce_or3A_120 = arith.constant 0.000000e+00 : f32
          %reduce_or3A_121 = vector.broadcast %reduce_or3A : f32 to vector<16xf32>
          %reduce_or3A_122 = vector.broadcast %reduce_or3A_120 : f32 to vector<16xf32>
          %reduce_or3A_123 = arith.select %gt3A, %reduce_or3A_121, %reduce_or3A_122 : vector<16xi1>, vector<16xf32>
          %reduce_or3A_124 = arith.constant true
          %reduce_or3A_125 = vector.broadcast %reduce_or3A_124 : i1 to vector<16xi1>
          %reduce_or3A_126 = tpu.scan <max>, %reduce_or3A_123 masked %reduce_or3A_125 : vector<16xf32>, vector<16xi1> -> vector<16xf32>
          %reduce_or3A_127 = vector.extract %reduce_or3A_126[15] : f32 from vector<16xf32>
          %reduce_or3A_128 = arith.constant 0.000000e+00 : f32
          %reduce_or3A_129 = arith.cmpf ogt, %reduce_or3A_127, %reduce_or3A_128 : f32
          scf.condition(%reduce_or3A_129) %while3A_119 : vector<16xf32>
        } do {
        ^bb0(%while3A_119: vector<16xf32>):
          %gt3A = arith.cmpf ogt, %gather3A, %while3A_119 : vector<16xf32>
          tpu.vector_store_idx %arg9[%broadcast_in_dim3A_23, %shift_right_logical3A_107], %gather3A masked %gt3A : memref<1x10240xf32, #tpu.memory_space<vmem>>[vector<16xi32>, vector<16xi32>], vector<16xf32>, vector<16xi1>
          %gather3A_120 = tpu.vector_load_idx %arg9[%broadcast_in_dim3A_23, %shift_right_logical3A_107] : memref<1x10240xf32, #tpu.memory_space<vmem>>[vector<16xi32>, vector<16xi32>], vector<16xf32>,
          scf.yield %gather3A_120 : vector<16xf32>
        }
        %gather3A_110 = tpu.vector_load_idx %arg6[%broadcast_in_dim3A_23, %and3A_105] : memref<1x10240xf32, #tpu.memory_space<vmem>>[vector<16xi32>, vector<16xi32>], vector<16xf32>,
        %gather3A_111 = tpu.vector_load_idx %arg10[%broadcast_in_dim3A_23, %shift_right_logical3A_107] : memref<1x10240xf32, #tpu.memory_space<vmem>>[vector<16xi32>, vector<16xi32>], vector<16xf32>,
        %while3A_112 = scf.while (%while3A_119 = %gather3A_111) : (vector<16xf32>) -> vector<16xf32> {
          %gt3A = arith.cmpf ogt, %gather3A_110, %while3A_119 : vector<16xf32>
          %reduce_or3A = arith.constant 1.000000e+00 : f32
          %reduce_or3A_120 = arith.constant 0.000000e+00 : f32
          %reduce_or3A_121 = vector.broadcast %reduce_or3A : f32 to vector<16xf32>
          %reduce_or3A_122 = vector.broadcast %reduce_or3A_120 : f32 to vector<16xf32>
          %reduce_or3A_123 = arith.select %gt3A, %reduce_or3A_121, %reduce_or3A_122 : vector<16xi1>, vector<16xf32>
          %reduce_or3A_124 = arith.constant true
          %reduce_or3A_125 = vector.broadcast %reduce_or3A_124 : i1 to vector<16xi1>
          %reduce_or3A_126 = tpu.scan <max>, %reduce_or3A_123 masked %reduce_or3A_125 : vector<16xf32>, vector<16xi1> -> vector<16xf32>
          %reduce_or3A_127 = vector.extract %reduce_or3A_126[15] : f32 from vector<16xf32>
          %reduce_or3A_128 = arith.constant 0.000000e+00 : f32
          %reduce_or3A_129 = arith.cmpf ogt, %reduce_or3A_127, %reduce_or3A_128 : f32
          scf.condition(%reduce_or3A_129) %while3A_119 : vector<16xf32>
        } do {
        ^bb0(%while3A_119: vector<16xf32>):
          %gt3A = arith.cmpf ogt, %gather3A_110, %while3A_119 : vector<16xf32>
          tpu.vector_store_idx %arg10[%broadcast_in_dim3A_23, %shift_right_logical3A_107], %gather3A_110 masked %gt3A : memref<1x10240xf32, #tpu.memory_space<vmem>>[vector<16xi32>, vector<16xi32>], vector<16xf32>, vector<16xi1>
          %gather3A_120 = tpu.vector_load_idx %arg10[%broadcast_in_dim3A_23, %shift_right_logical3A_107] : memref<1x10240xf32, #tpu.memory_space<vmem>>[vector<16xi32>, vector<16xi32>], vector<16xf32>,
          scf.yield %gather3A_120 : vector<16xf32>
        }
        %gather3A_113 = tpu.vector_load_idx %arg7[%broadcast_in_dim3A_23, %and3A_105] : memref<1x10240xf32, #tpu.memory_space<vmem>>[vector<16xi32>, vector<16xi32>], vector<16xf32>,
        %gather3A_114 = tpu.vector_load_idx %arg11[%broadcast_in_dim3A_23, %shift_right_logical3A_107] : memref<1x10240xf32, #tpu.memory_space<vmem>>[vector<16xi32>, vector<16xi32>], vector<16xf32>,
        %while3A_115 = scf.while (%while3A_119 = %gather3A_114) : (vector<16xf32>) -> vector<16xf32> {
          %gt3A = arith.cmpf ogt, %gather3A_113, %while3A_119 : vector<16xf32>
          %reduce_or3A = arith.constant 1.000000e+00 : f32
          %reduce_or3A_120 = arith.constant 0.000000e+00 : f32
          %reduce_or3A_121 = vector.broadcast %reduce_or3A : f32 to vector<16xf32>
          %reduce_or3A_122 = vector.broadcast %reduce_or3A_120 : f32 to vector<16xf32>
          %reduce_or3A_123 = arith.select %gt3A, %reduce_or3A_121, %reduce_or3A_122 : vector<16xi1>, vector<16xf32>
          %reduce_or3A_124 = arith.constant true
          %reduce_or3A_125 = vector.broadcast %reduce_or3A_124 : i1 to vector<16xi1>
          %reduce_or3A_126 = tpu.scan <max>, %reduce_or3A_123 masked %reduce_or3A_125 : vector<16xf32>, vector<16xi1> -> vector<16xf32>
          %reduce_or3A_127 = vector.extract %reduce_or3A_126[15] : f32 from vector<16xf32>
          %reduce_or3A_128 = arith.constant 0.000000e+00 : f32
          %reduce_or3A_129 = arith.cmpf ogt, %reduce_or3A_127, %reduce_or3A_128 : f32
          scf.condition(%reduce_or3A_129) %while3A_119 : vector<16xf32>
        } do {
        ^bb0(%while3A_119: vector<16xf32>):
          %gt3A = arith.cmpf ogt, %gather3A_113, %while3A_119 : vector<16xf32>
          tpu.vector_store_idx %arg11[%broadcast_in_dim3A_23, %shift_right_logical3A_107], %gather3A_113 masked %gt3A : memref<1x10240xf32, #tpu.memory_space<vmem>>[vector<16xi32>, vector<16xi32>], vector<16xf32>, vector<16xi1>
          %gather3A_120 = tpu.vector_load_idx %arg11[%broadcast_in_dim3A_23, %shift_right_logical3A_107] : memref<1x10240xf32, #tpu.memory_space<vmem>>[vector<16xi32>, vector<16xi32>], vector<16xf32>,
          scf.yield %gather3A_120 : vector<16xf32>
        }
        %gather3A_116 = tpu.vector_load_idx %arg8[%broadcast_in_dim3A_23, %and3A_105] : memref<1x10240xf32, #tpu.memory_space<vmem>>[vector<16xi32>, vector<16xi32>], vector<16xf32>,
        %gather3A_117 = tpu.vector_load_idx %arg12[%broadcast_in_dim3A_23, %shift_right_logical3A_107] : memref<1x10240xf32, #tpu.memory_space<vmem>>[vector<16xi32>, vector<16xi32>], vector<16xf32>,
        %while3A_118 = scf.while (%while3A_119 = %gather3A_117) : (vector<16xf32>) -> vector<16xf32> {
          %gt3A = arith.cmpf ogt, %gather3A_116, %while3A_119 : vector<16xf32>
          %reduce_or3A = arith.constant 1.000000e+00 : f32
          %reduce_or3A_120 = arith.constant 0.000000e+00 : f32
          %reduce_or3A_121 = vector.broadcast %reduce_or3A : f32 to vector<16xf32>
          %reduce_or3A_122 = vector.broadcast %reduce_or3A_120 : f32 to vector<16xf32>
          %reduce_or3A_123 = arith.select %gt3A, %reduce_or3A_121, %reduce_or3A_122 : vector<16xi1>, vector<16xf32>
          %reduce_or3A_124 = arith.constant true
          %reduce_or3A_125 = vector.broadcast %reduce_or3A_124 : i1 to vector<16xi1>
          %reduce_or3A_126 = tpu.scan <max>, %reduce_or3A_123 masked %reduce_or3A_125 : vector<16xf32>, vector<16xi1> -> vector<16xf32>
          %reduce_or3A_127 = vector.extract %reduce_or3A_126[15] : f32 from vector<16xf32>
          %reduce_or3A_128 = arith.constant 0.000000e+00 : f32
          %reduce_or3A_129 = arith.cmpf ogt, %reduce_or3A_127, %reduce_or3A_128 : f32
          scf.condition(%reduce_or3A_129) %while3A_119 : vector<16xf32>
        } do {
        ^bb0(%while3A_119: vector<16xf32>):
          %gt3A = arith.cmpf ogt, %gather3A_116, %while3A_119 : vector<16xf32>
          tpu.vector_store_idx %arg12[%broadcast_in_dim3A_23, %shift_right_logical3A_107], %gather3A_116 masked %gt3A : memref<1x10240xf32, #tpu.memory_space<vmem>>[vector<16xi32>, vector<16xi32>], vector<16xf32>, vector<16xi1>
          %gather3A_120 = tpu.vector_load_idx %arg12[%broadcast_in_dim3A_23, %shift_right_logical3A_107] : memref<1x10240xf32, #tpu.memory_space<vmem>>[vector<16xi32>, vector<16xi32>], vector<16xf32>,
          scf.yield %gather3A_120 : vector<16xf32>
        }
      }
      %while3A_61 = arith.constant 1 : i32
      scf.for %while3A_98 = %while3A_59 to %while3A_55 step %while3A_61  : i32 {
        %get3A = arith.index_cast %while3A_98 : i32 to index
        %get3A_99 = memref.load %arg15[%get3A] : memref<500xi32, #tpu.memory_space<smem>>
        %mul3A_100 = arith.constant 16 : i32
        %mul3A_101 = arith.muli %get3A_99, %mul3A_100 : i32
        %get3A_102 = arith.index_cast %mul3A_101 : i32 to index
        %get3A_103 = tpu.vector_load %arg13[%get3A_102] {strides = array<i32>} : memref<8000xi32, #tpu.memory_space<vmem>>, vector<16xi32>,
        %and3A = arith.constant 16383 : i32
        %and3A_104 = vector.broadcast %and3A : i32 to vector<16xi32>
        %and3A_105 = arith.andi %get3A_103, %and3A_104 : vector<16xi32>
        %shift_right_logical3A = arith.constant 14 : i32
        %shift_right_logical3A_106 = vector.broadcast %shift_right_logical3A : i32 to vector<16xi32>
        %shift_right_logical3A_107 = arith.shrui %get3A_103, %shift_right_logical3A_106 : vector<16xi32>
        %gather3A = tpu.vector_load_idx %arg5[%broadcast_in_dim3A_23, %and3A_105] : memref<1x10240xf32, #tpu.memory_space<vmem>>[vector<16xi32>, vector<16xi32>], vector<16xf32>,
        %gather3A_108 = tpu.vector_load_idx %arg9[%broadcast_in_dim3A_23, %shift_right_logical3A_107] : memref<1x10240xf32, #tpu.memory_space<vmem>>[vector<16xi32>, vector<16xi32>], vector<16xf32>,
        %while3A_109 = scf.while (%while3A_119 = %gather3A_108) : (vector<16xf32>) -> vector<16xf32> {
          %gt3A = arith.cmpf ogt, %gather3A, %while3A_119 : vector<16xf32>
          %reduce_or3A = arith.constant 1.000000e+00 : f32
          %reduce_or3A_120 = arith.constant 0.000000e+00 : f32
          %reduce_or3A_121 = vector.broadcast %reduce_or3A : f32 to vector<16xf32>
          %reduce_or3A_122 = vector.broadcast %reduce_or3A_120 : f32 to vector<16xf32>
          %reduce_or3A_123 = arith.select %gt3A, %reduce_or3A_121, %reduce_or3A_122 : vector<16xi1>, vector<16xf32>
          %reduce_or3A_124 = arith.constant true
          %reduce_or3A_125 = vector.broadcast %reduce_or3A_124 : i1 to vector<16xi1>
          %reduce_or3A_126 = tpu.scan <max>, %reduce_or3A_123 masked %reduce_or3A_125 : vector<16xf32>, vector<16xi1> -> vector<16xf32>
          %reduce_or3A_127 = vector.extract %reduce_or3A_126[15] : f32 from vector<16xf32>
          %reduce_or3A_128 = arith.constant 0.000000e+00 : f32
          %reduce_or3A_129 = arith.cmpf ogt, %reduce_or3A_127, %reduce_or3A_128 : f32
          scf.condition(%reduce_or3A_129) %while3A_119 : vector<16xf32>
        } do {
        ^bb0(%while3A_119: vector<16xf32>):
          %gt3A = arith.cmpf ogt, %gather3A, %while3A_119 : vector<16xf32>
          tpu.vector_store_idx %arg9[%broadcast_in_dim3A_23, %shift_right_logical3A_107], %gather3A masked %gt3A : memref<1x10240xf32, #tpu.memory_space<vmem>>[vector<16xi32>, vector<16xi32>], vector<16xf32>, vector<16xi1>
          %gather3A_120 = tpu.vector_load_idx %arg9[%broadcast_in_dim3A_23, %shift_right_logical3A_107] : memref<1x10240xf32, #tpu.memory_space<vmem>>[vector<16xi32>, vector<16xi32>], vector<16xf32>,
          scf.yield %gather3A_120 : vector<16xf32>
        }
        %gather3A_110 = tpu.vector_load_idx %arg6[%broadcast_in_dim3A_23, %and3A_105] : memref<1x10240xf32, #tpu.memory_space<vmem>>[vector<16xi32>, vector<16xi32>], vector<16xf32>,
        %gather3A_111 = tpu.vector_load_idx %arg10[%broadcast_in_dim3A_23, %shift_right_logical3A_107] : memref<1x10240xf32, #tpu.memory_space<vmem>>[vector<16xi32>, vector<16xi32>], vector<16xf32>,
        %while3A_112 = scf.while (%while3A_119 = %gather3A_111) : (vector<16xf32>) -> vector<16xf32> {
          %gt3A = arith.cmpf ogt, %gather3A_110, %while3A_119 : vector<16xf32>
          %reduce_or3A = arith.constant 1.000000e+00 : f32
          %reduce_or3A_120 = arith.constant 0.000000e+00 : f32
          %reduce_or3A_121 = vector.broadcast %reduce_or3A : f32 to vector<16xf32>
          %reduce_or3A_122 = vector.broadcast %reduce_or3A_120 : f32 to vector<16xf32>
          %reduce_or3A_123 = arith.select %gt3A, %reduce_or3A_121, %reduce_or3A_122 : vector<16xi1>, vector<16xf32>
          %reduce_or3A_124 = arith.constant true
          %reduce_or3A_125 = vector.broadcast %reduce_or3A_124 : i1 to vector<16xi1>
          %reduce_or3A_126 = tpu.scan <max>, %reduce_or3A_123 masked %reduce_or3A_125 : vector<16xf32>, vector<16xi1> -> vector<16xf32>
          %reduce_or3A_127 = vector.extract %reduce_or3A_126[15] : f32 from vector<16xf32>
          %reduce_or3A_128 = arith.constant 0.000000e+00 : f32
          %reduce_or3A_129 = arith.cmpf ogt, %reduce_or3A_127, %reduce_or3A_128 : f32
          scf.condition(%reduce_or3A_129) %while3A_119 : vector<16xf32>
        } do {
        ^bb0(%while3A_119: vector<16xf32>):
          %gt3A = arith.cmpf ogt, %gather3A_110, %while3A_119 : vector<16xf32>
          tpu.vector_store_idx %arg10[%broadcast_in_dim3A_23, %shift_right_logical3A_107], %gather3A_110 masked %gt3A : memref<1x10240xf32, #tpu.memory_space<vmem>>[vector<16xi32>, vector<16xi32>], vector<16xf32>, vector<16xi1>
          %gather3A_120 = tpu.vector_load_idx %arg10[%broadcast_in_dim3A_23, %shift_right_logical3A_107] : memref<1x10240xf32, #tpu.memory_space<vmem>>[vector<16xi32>, vector<16xi32>], vector<16xf32>,
          scf.yield %gather3A_120 : vector<16xf32>
        }
        %gather3A_113 = tpu.vector_load_idx %arg7[%broadcast_in_dim3A_23, %and3A_105] : memref<1x10240xf32, #tpu.memory_space<vmem>>[vector<16xi32>, vector<16xi32>], vector<16xf32>,
        %gather3A_114 = tpu.vector_load_idx %arg11[%broadcast_in_dim3A_23, %shift_right_logical3A_107] : memref<1x10240xf32, #tpu.memory_space<vmem>>[vector<16xi32>, vector<16xi32>], vector<16xf32>,
        %while3A_115 = scf.while (%while3A_119 = %gather3A_114) : (vector<16xf32>) -> vector<16xf32> {
          %gt3A = arith.cmpf ogt, %gather3A_113, %while3A_119 : vector<16xf32>
          %reduce_or3A = arith.constant 1.000000e+00 : f32
          %reduce_or3A_120 = arith.constant 0.000000e+00 : f32
          %reduce_or3A_121 = vector.broadcast %reduce_or3A : f32 to vector<16xf32>
          %reduce_or3A_122 = vector.broadcast %reduce_or3A_120 : f32 to vector<16xf32>
          %reduce_or3A_123 = arith.select %gt3A, %reduce_or3A_121, %reduce_or3A_122 : vector<16xi1>, vector<16xf32>
          %reduce_or3A_124 = arith.constant true
          %reduce_or3A_125 = vector.broadcast %reduce_or3A_124 : i1 to vector<16xi1>
          %reduce_or3A_126 = tpu.scan <max>, %reduce_or3A_123 masked %reduce_or3A_125 : vector<16xf32>, vector<16xi1> -> vector<16xf32>
          %reduce_or3A_127 = vector.extract %reduce_or3A_126[15] : f32 from vector<16xf32>
          %reduce_or3A_128 = arith.constant 0.000000e+00 : f32
          %reduce_or3A_129 = arith.cmpf ogt, %reduce_or3A_127, %reduce_or3A_128 : f32
          scf.condition(%reduce_or3A_129) %while3A_119 : vector<16xf32>
        } do {
        ^bb0(%while3A_119: vector<16xf32>):
          %gt3A = arith.cmpf ogt, %gather3A_113, %while3A_119 : vector<16xf32>
          tpu.vector_store_idx %arg11[%broadcast_in_dim3A_23, %shift_right_logical3A_107], %gather3A_113 masked %gt3A : memref<1x10240xf32, #tpu.memory_space<vmem>>[vector<16xi32>, vector<16xi32>], vector<16xf32>, vector<16xi1>
          %gather3A_120 = tpu.vector_load_idx %arg11[%broadcast_in_dim3A_23, %shift_right_logical3A_107] : memref<1x10240xf32, #tpu.memory_space<vmem>>[vector<16xi32>, vector<16xi32>], vector<16xf32>,
          scf.yield %gather3A_120 : vector<16xf32>
        }
        %gather3A_116 = tpu.vector_load_idx %arg8[%broadcast_in_dim3A_23, %and3A_105] : memref<1x10240xf32, #tpu.memory_space<vmem>>[vector<16xi32>, vector<16xi32>], vector<16xf32>,
        %gather3A_117 = tpu.vector_load_idx %arg12[%broadcast_in_dim3A_23, %shift_right_logical3A_107] : memref<1x10240xf32, #tpu.memory_space<vmem>>[vector<16xi32>, vector<16xi32>], vector<16xf32>,
        %while3A_118 = scf.while (%while3A_119 = %gather3A_117) : (vector<16xf32>) -> vector<16xf32> {
          %gt3A = arith.cmpf ogt, %gather3A_116, %while3A_119 : vector<16xf32>
          %reduce_or3A = arith.constant 1.000000e+00 : f32
          %reduce_or3A_120 = arith.constant 0.000000e+00 : f32
          %reduce_or3A_121 = vector.broadcast %reduce_or3A : f32 to vector<16xf32>
          %reduce_or3A_122 = vector.broadcast %reduce_or3A_120 : f32 to vector<16xf32>
          %reduce_or3A_123 = arith.select %gt3A, %reduce_or3A_121, %reduce_or3A_122 : vector<16xi1>, vector<16xf32>
          %reduce_or3A_124 = arith.constant true
          %reduce_or3A_125 = vector.broadcast %reduce_or3A_124 : i1 to vector<16xi1>
          %reduce_or3A_126 = tpu.scan <max>, %reduce_or3A_123 masked %reduce_or3A_125 : vector<16xf32>, vector<16xi1> -> vector<16xf32>
          %reduce_or3A_127 = vector.extract %reduce_or3A_126[15] : f32 from vector<16xf32>
          %reduce_or3A_128 = arith.constant 0.000000e+00 : f32
          %reduce_or3A_129 = arith.cmpf ogt, %reduce_or3A_127, %reduce_or3A_128 : f32
          scf.condition(%reduce_or3A_129) %while3A_119 : vector<16xf32>
        } do {
        ^bb0(%while3A_119: vector<16xf32>):
          %gt3A = arith.cmpf ogt, %gather3A_116, %while3A_119 : vector<16xf32>
          tpu.vector_store_idx %arg12[%broadcast_in_dim3A_23, %shift_right_logical3A_107], %gather3A_116 masked %gt3A : memref<1x10240xf32, #tpu.memory_space<vmem>>[vector<16xi32>, vector<16xi32>], vector<16xf32>, vector<16xi1>
          %gather3A_120 = tpu.vector_load_idx %arg12[%broadcast_in_dim3A_23, %shift_right_logical3A_107] : memref<1x10240xf32, #tpu.memory_space<vmem>>[vector<16xi32>, vector<16xi32>], vector<16xf32>,
          scf.yield %gather3A_120 : vector<16xf32>
        }
      }
      %add3A_62 = arith.constant 2 : i32
      %add3A_63 = arith.addi %add3A_42, %add3A_62 : i32
      %lt3A = arith.constant 40 : i32
      %lt3A_64 = arith.cmpi slt, %add3A_63, %lt3A : i32
      %convert_element_type3A = arith.extui %lt3A_64 : i1 to i32
      %cond3A = arith.constant 0 : i32
      %cond3A_65 = arith.cmpi ne, %convert_element_type3A, %cond3A : i32
      scf.if %cond3A_65 {
        %add3A_98 = arith.constant 2 : i32
        %add3A_99 = arith.addi %add3A_42, %add3A_98 : i32
        %mul3A_100 = arith.constant 8000 : i32
        %mul3A_101 = arith.muli %add3A_99, %mul3A_100 : i32
        %dma_start3A_102 = tpu.memref_slice %arg3[%mul3A_101] : memref<320000xi32, #tpu.memory_space<hbm>> -> memref<8000xi32, #tpu.memory_space<hbm>>
        %dma_start3A_103 = tpu.memref_slice %arg3[%mul3A_101] : memref<320000xi32, #tpu.memory_space<hbm>> -> memref<8000xi32, #tpu.memory_space<hbm>>
        tpu.enqueue_dma source(%dma_start3A_103 : memref<8000xi32, #tpu.memory_space<hbm>>) target(%arg13 : memref<8000xi32, #tpu.memory_space<vmem>>) target_semaphore(%arg16 : memref<!tpu.dma_semaphore, #tpu.memory_space<semaphore_mem>>)
      } else {
      }
      %mul3A_66 = arith.constant 2 : i32
      %mul3A_67 = arith.muli %mul3A_66, %scan3A_38 : i32
      %add3A_68 = arith.constant 1 : i32
      %add3A_69 = arith.addi %mul3A_67, %add3A_68 : i32
      %dma_wait3A_70 = arith.constant 0 : i32
      %dma_wait3A_71 = tpu.memref_slice %arg3[%dma_wait3A_70] : memref<320000xi32, #tpu.memory_space<hbm>> -> memref<8000xi32, #tpu.memory_space<hbm>>
      %dma_wait3A_72 = arith.constant 0 : i32
      %dma_wait3A_73 = tpu.memref_slice %arg3[%dma_wait3A_72] : memref<320000xi32, #tpu.memory_space<hbm>> -> memref<8000xi32, #tpu.memory_space<hbm>>
      tpu.wait_dma2 semaphore(%arg17 : memref<!tpu.dma_semaphore, #tpu.memory_space<semaphore_mem>>) src(%dma_wait3A_73 : memref<8000xi32, #tpu.memory_space<hbm>>) dst(%arg14 : memref<8000xi32, #tpu.memory_space<vmem>>)
      %scan3A_74 = arith.constant 0 : i32
      %scan3A_75 = arith.constant 0 : i32
      %scan3A_76 = arith.constant 125 : i32
      %scan3A_77 = arith.addi %scan3A_75, %scan3A_76 : i32
      %scan3A_78 = arith.constant 1 : i32
      %scan3A_79 = scf.for %scan3A_98 = %scan3A_75 to %scan3A_77 step %scan3A_78 iter_args(%scan3A_99 = %scan3A_74) -> (i32)  : i32 {
        %mul3A_100 = arith.constant 4 : i32
        %mul3A_101 = arith.muli %scan3A_98, %mul3A_100 : i32
        %add3A_102 = arith.constant 0 : i32
        %add3A_103 = arith.addi %mul3A_101, %add3A_102 : i32
        %mul3A_104 = arith.constant 16 : i32
        %mul3A_105 = arith.muli %add3A_103, %mul3A_104 : i32
        %get3A = arith.index_cast %mul3A_105 : i32 to index
        %get3A_106 = tpu.vector_load %arg14[%get3A] {strides = array<i32>} : memref<8000xi32, #tpu.memory_space<vmem>>, vector<16xi32>,
        %and3A = arith.constant 16383 : i32
        %and3A_107 = vector.broadcast %and3A : i32 to vector<16xi32>
        %and3A_108 = arith.andi %get3A_106, %and3A_107 : vector<16xi32>
        %shift_right_logical3A = arith.constant 14 : i32
        %shift_right_logical3A_109 = vector.broadcast %shift_right_logical3A : i32 to vector<16xi32>
        %shift_right_logical3A_110 = arith.shrui %get3A_106, %shift_right_logical3A_109 : vector<16xi32>
        %mul3A_111 = arith.constant 4 : i32
        %mul3A_112 = arith.muli %scan3A_98, %mul3A_111 : i32
        %add3A_113 = arith.constant 1 : i32
        %add3A_114 = arith.addi %mul3A_112, %add3A_113 : i32
        %mul3A_115 = arith.constant 16 : i32
        %mul3A_116 = arith.muli %add3A_114, %mul3A_115 : i32
        %get3A_117 = arith.index_cast %mul3A_116 : i32 to index
        %get3A_118 = tpu.vector_load %arg14[%get3A_117] {strides = array<i32>} : memref<8000xi32, #tpu.memory_space<vmem>>, vector<16xi32>,
        %and3A_119 = arith.constant 16383 : i32
        %and3A_120 = vector.broadcast %and3A_119 : i32 to vector<16xi32>
        %and3A_121 = arith.andi %get3A_118, %and3A_120 : vector<16xi32>
        %shift_right_logical3A_122 = arith.constant 14 : i32
        %shift_right_logical3A_123 = vector.broadcast %shift_right_logical3A_122 : i32 to vector<16xi32>
        %shift_right_logical3A_124 = arith.shrui %get3A_118, %shift_right_logical3A_123 : vector<16xi32>
        %mul3A_125 = arith.constant 4 : i32
        %mul3A_126 = arith.muli %scan3A_98, %mul3A_125 : i32
        %add3A_127 = arith.constant 2 : i32
        %add3A_128 = arith.addi %mul3A_126, %add3A_127 : i32
        %mul3A_129 = arith.constant 16 : i32
        %mul3A_130 = arith.muli %add3A_128, %mul3A_129 : i32
        %get3A_131 = arith.index_cast %mul3A_130 : i32 to index
        %get3A_132 = tpu.vector_load %arg14[%get3A_131] {strides = array<i32>} : memref<8000xi32, #tpu.memory_space<vmem>>, vector<16xi32>,
        %and3A_133 = arith.constant 16383 : i32
        %and3A_134 = vector.broadcast %and3A_133 : i32 to vector<16xi32>
        %and3A_135 = arith.andi %get3A_132, %and3A_134 : vector<16xi32>
        %shift_right_logical3A_136 = arith.constant 14 : i32
        %shift_right_logical3A_137 = vector.broadcast %shift_right_logical3A_136 : i32 to vector<16xi32>
        %shift_right_logical3A_138 = arith.shrui %get3A_132, %shift_right_logical3A_137 : vector<16xi32>
        %mul3A_139 = arith.constant 4 : i32
        %mul3A_140 = arith.muli %scan3A_98, %mul3A_139 : i32
        %add3A_141 = arith.constant 3 : i32
        %add3A_142 = arith.addi %mul3A_140, %add3A_141 : i32
        %mul3A_143 = arith.constant 16 : i32
        %mul3A_144 = arith.muli %add3A_142, %mul3A_143 : i32
        %get3A_145 = arith.index_cast %mul3A_144 : i32 to index
        %get3A_146 = tpu.vector_load %arg14[%get3A_145] {strides = array<i32>} : memref<8000xi32, #tpu.memory_space<vmem>>, vector<16xi32>,
        %and3A_147 = arith.constant 16383 : i32
        %and3A_148 = vector.broadcast %and3A_147 : i32 to vector<16xi32>
        %and3A_149 = arith.andi %get3A_146, %and3A_148 : vector<16xi32>
        %shift_right_logical3A_150 = arith.constant 14 : i32
        %shift_right_logical3A_151 = vector.broadcast %shift_right_logical3A_150 : i32 to vector<16xi32>
        %shift_right_logical3A_152 = arith.shrui %get3A_146, %shift_right_logical3A_151 : vector<16xi32>
        %gather3A = tpu.vector_load_idx %arg5[%broadcast_in_dim3A_23, %and3A_108] : memref<1x10240xf32, #tpu.memory_space<vmem>>[vector<16xi32>, vector<16xi32>], vector<16xf32>,
        %gather3A_153 = tpu.vector_load_idx %arg6[%broadcast_in_dim3A_23, %and3A_108] : memref<1x10240xf32, #tpu.memory_space<vmem>>[vector<16xi32>, vector<16xi32>], vector<16xf32>,
        %gather3A_154 = tpu.vector_load_idx %arg7[%broadcast_in_dim3A_23, %and3A_108] : memref<1x10240xf32, #tpu.memory_space<vmem>>[vector<16xi32>, vector<16xi32>], vector<16xf32>,
        %gather3A_155 = tpu.vector_load_idx %arg8[%broadcast_in_dim3A_23, %and3A_108] : memref<1x10240xf32, #tpu.memory_space<vmem>>[vector<16xi32>, vector<16xi32>], vector<16xf32>,
        %gather3A_156 = tpu.vector_load_idx %arg5[%broadcast_in_dim3A_23, %and3A_121] : memref<1x10240xf32, #tpu.memory_space<vmem>>[vector<16xi32>, vector<16xi32>], vector<16xf32>,
        %gather3A_157 = tpu.vector_load_idx %arg6[%broadcast_in_dim3A_23, %and3A_121] : memref<1x10240xf32, #tpu.memory_space<vmem>>[vector<16xi32>, vector<16xi32>], vector<16xf32>,
        %gather3A_158 = tpu.vector_load_idx %arg7[%broadcast_in_dim3A_23, %and3A_121] : memref<1x10240xf32, #tpu.memory_space<vmem>>[vector<16xi32>, vector<16xi32>], vector<16xf32>,
        %gather3A_159 = tpu.vector_load_idx %arg8[%broadcast_in_dim3A_23, %and3A_121] : memref<1x10240xf32, #tpu.memory_space<vmem>>[vector<16xi32>, vector<16xi32>], vector<16xf32>,
        %gather3A_160 = tpu.vector_load_idx %arg5[%broadcast_in_dim3A_23, %and3A_135] : memref<1x10240xf32, #tpu.memory_space<vmem>>[vector<16xi32>, vector<16xi32>], vector<16xf32>,
        %gather3A_161 = tpu.vector_load_idx %arg6[%broadcast_in_dim3A_23, %and3A_135] : memref<1x10240xf32, #tpu.memory_space<vmem>>[vector<16xi32>, vector<16xi32>], vector<16xf32>,
        %gather3A_162 = tpu.vector_load_idx %arg7[%broadcast_in_dim3A_23, %and3A_135] : memref<1x10240xf32, #tpu.memory_space<vmem>>[vector<16xi32>, vector<16xi32>], vector<16xf32>,
        %gather3A_163 = tpu.vector_load_idx %arg8[%broadcast_in_dim3A_23, %and3A_135] : memref<1x10240xf32, #tpu.memory_space<vmem>>[vector<16xi32>, vector<16xi32>], vector<16xf32>,
        %gather3A_164 = tpu.vector_load_idx %arg5[%broadcast_in_dim3A_23, %and3A_149] : memref<1x10240xf32, #tpu.memory_space<vmem>>[vector<16xi32>, vector<16xi32>], vector<16xf32>,
        %gather3A_165 = tpu.vector_load_idx %arg6[%broadcast_in_dim3A_23, %and3A_149] : memref<1x10240xf32, #tpu.memory_space<vmem>>[vector<16xi32>, vector<16xi32>], vector<16xf32>,
        %gather3A_166 = tpu.vector_load_idx %arg7[%broadcast_in_dim3A_23, %and3A_149] : memref<1x10240xf32, #tpu.memory_space<vmem>>[vector<16xi32>, vector<16xi32>], vector<16xf32>,
        %gather3A_167 = tpu.vector_load_idx %arg8[%broadcast_in_dim3A_23, %and3A_149] : memref<1x10240xf32, #tpu.memory_space<vmem>>[vector<16xi32>, vector<16xi32>], vector<16xf32>,
        %gather3A_168 = tpu.vector_load_idx %arg9[%broadcast_in_dim3A_23, %shift_right_logical3A_110] : memref<1x10240xf32, #tpu.memory_space<vmem>>[vector<16xi32>, vector<16xi32>], vector<16xf32>,
        %gather3A_169 = tpu.vector_load_idx %arg10[%broadcast_in_dim3A_23, %shift_right_logical3A_110] : memref<1x10240xf32, #tpu.memory_space<vmem>>[vector<16xi32>, vector<16xi32>], vector<16xf32>,
        %gather3A_170 = tpu.vector_load_idx %arg11[%broadcast_in_dim3A_23, %shift_right_logical3A_110] : memref<1x10240xf32, #tpu.memory_space<vmem>>[vector<16xi32>, vector<16xi32>], vector<16xf32>,
        %gather3A_171 = tpu.vector_load_idx %arg12[%broadcast_in_dim3A_23, %shift_right_logical3A_110] : memref<1x10240xf32, #tpu.memory_space<vmem>>[vector<16xi32>, vector<16xi32>], vector<16xf32>,
        %gather3A_172 = tpu.vector_load_idx %arg9[%broadcast_in_dim3A_23, %shift_right_logical3A_124] : memref<1x10240xf32, #tpu.memory_space<vmem>>[vector<16xi32>, vector<16xi32>], vector<16xf32>,
        %gather3A_173 = tpu.vector_load_idx %arg10[%broadcast_in_dim3A_23, %shift_right_logical3A_124] : memref<1x10240xf32, #tpu.memory_space<vmem>>[vector<16xi32>, vector<16xi32>], vector<16xf32>,
        %gather3A_174 = tpu.vector_load_idx %arg11[%broadcast_in_dim3A_23, %shift_right_logical3A_124] : memref<1x10240xf32, #tpu.memory_space<vmem>>[vector<16xi32>, vector<16xi32>], vector<16xf32>,
        %gather3A_175 = tpu.vector_load_idx %arg12[%broadcast_in_dim3A_23, %shift_right_logical3A_124] : memref<1x10240xf32, #tpu.memory_space<vmem>>[vector<16xi32>, vector<16xi32>], vector<16xf32>,
        %gather3A_176 = tpu.vector_load_idx %arg9[%broadcast_in_dim3A_23, %shift_right_logical3A_138] : memref<1x10240xf32, #tpu.memory_space<vmem>>[vector<16xi32>, vector<16xi32>], vector<16xf32>,
        %gather3A_177 = tpu.vector_load_idx %arg10[%broadcast_in_dim3A_23, %shift_right_logical3A_138] : memref<1x10240xf32, #tpu.memory_space<vmem>>[vector<16xi32>, vector<16xi32>], vector<16xf32>,
        %gather3A_178 = tpu.vector_load_idx %arg11[%broadcast_in_dim3A_23, %shift_right_logical3A_138] : memref<1x10240xf32, #tpu.memory_space<vmem>>[vector<16xi32>, vector<16xi32>], vector<16xf32>,
        %gather3A_179 = tpu.vector_load_idx %arg12[%broadcast_in_dim3A_23, %shift_right_logical3A_138] : memref<1x10240xf32, #tpu.memory_space<vmem>>[vector<16xi32>, vector<16xi32>], vector<16xf32>,
        %gather3A_180 = tpu.vector_load_idx %arg9[%broadcast_in_dim3A_23, %shift_right_logical3A_152] : memref<1x10240xf32, #tpu.memory_space<vmem>>[vector<16xi32>, vector<16xi32>], vector<16xf32>,
        %gather3A_181 = tpu.vector_load_idx %arg10[%broadcast_in_dim3A_23, %shift_right_logical3A_152] : memref<1x10240xf32, #tpu.memory_space<vmem>>[vector<16xi32>, vector<16xi32>], vector<16xf32>,
        %gather3A_182 = tpu.vector_load_idx %arg11[%broadcast_in_dim3A_23, %shift_right_logical3A_152] : memref<1x10240xf32, #tpu.memory_space<vmem>>[vector<16xi32>, vector<16xi32>], vector<16xf32>,
        %gather3A_183 = tpu.vector_load_idx %arg12[%broadcast_in_dim3A_23, %shift_right_logical3A_152] : memref<1x10240xf32, #tpu.memory_space<vmem>>[vector<16xi32>, vector<16xi32>], vector<16xf32>,
        %gt3A = arith.cmpf ogt, %gather3A, %gather3A_168 : vector<16xf32>
        tpu.vector_store_idx %arg9[%broadcast_in_dim3A_23, %shift_right_logical3A_110], %gather3A masked %gt3A : memref<1x10240xf32, #tpu.memory_space<vmem>>[vector<16xi32>, vector<16xi32>], vector<16xf32>, vector<16xi1>
        %gt3A_184 = arith.cmpf ogt, %gather3A_153, %gather3A_169 : vector<16xf32>
        tpu.vector_store_idx %arg10[%broadcast_in_dim3A_23, %shift_right_logical3A_110], %gather3A_153 masked %gt3A_184 : memref<1x10240xf32, #tpu.memory_space<vmem>>[vector<16xi32>, vector<16xi32>], vector<16xf32>, vector<16xi1>
        %gt3A_185 = arith.cmpf ogt, %gather3A_154, %gather3A_170 : vector<16xf32>
        tpu.vector_store_idx %arg11[%broadcast_in_dim3A_23, %shift_right_logical3A_110], %gather3A_154 masked %gt3A_185 : memref<1x10240xf32, #tpu.memory_space<vmem>>[vector<16xi32>, vector<16xi32>], vector<16xf32>, vector<16xi1>
        %gt3A_186 = arith.cmpf ogt, %gather3A_155, %gather3A_171 : vector<16xf32>
        tpu.vector_store_idx %arg12[%broadcast_in_dim3A_23, %shift_right_logical3A_110], %gather3A_155 masked %gt3A_186 : memref<1x10240xf32, #tpu.memory_space<vmem>>[vector<16xi32>, vector<16xi32>], vector<16xf32>, vector<16xi1>
        %gt3A_187 = arith.cmpf ogt, %gather3A_156, %gather3A_172 : vector<16xf32>
        tpu.vector_store_idx %arg9[%broadcast_in_dim3A_23, %shift_right_logical3A_124], %gather3A_156 masked %gt3A_187 : memref<1x10240xf32, #tpu.memory_space<vmem>>[vector<16xi32>, vector<16xi32>], vector<16xf32>, vector<16xi1>
        %gt3A_188 = arith.cmpf ogt, %gather3A_157, %gather3A_173 : vector<16xf32>
        tpu.vector_store_idx %arg10[%broadcast_in_dim3A_23, %shift_right_logical3A_124], %gather3A_157 masked %gt3A_188 : memref<1x10240xf32, #tpu.memory_space<vmem>>[vector<16xi32>, vector<16xi32>], vector<16xf32>, vector<16xi1>
        %gt3A_189 = arith.cmpf ogt, %gather3A_158, %gather3A_174 : vector<16xf32>
        tpu.vector_store_idx %arg11[%broadcast_in_dim3A_23, %shift_right_logical3A_124], %gather3A_158 masked %gt3A_189 : memref<1x10240xf32, #tpu.memory_space<vmem>>[vector<16xi32>, vector<16xi32>], vector<16xf32>, vector<16xi1>
        %gt3A_190 = arith.cmpf ogt, %gather3A_159, %gather3A_175 : vector<16xf32>
        tpu.vector_store_idx %arg12[%broadcast_in_dim3A_23, %shift_right_logical3A_124], %gather3A_159 masked %gt3A_190 : memref<1x10240xf32, #tpu.memory_space<vmem>>[vector<16xi32>, vector<16xi32>], vector<16xf32>, vector<16xi1>
        %gt3A_191 = arith.cmpf ogt, %gather3A_160, %gather3A_176 : vector<16xf32>
        tpu.vector_store_idx %arg9[%broadcast_in_dim3A_23, %shift_right_logical3A_138], %gather3A_160 masked %gt3A_191 : memref<1x10240xf32, #tpu.memory_space<vmem>>[vector<16xi32>, vector<16xi32>], vector<16xf32>, vector<16xi1>
        %gt3A_192 = arith.cmpf ogt, %gather3A_161, %gather3A_177 : vector<16xf32>
        tpu.vector_store_idx %arg10[%broadcast_in_dim3A_23, %shift_right_logical3A_138], %gather3A_161 masked %gt3A_192 : memref<1x10240xf32, #tpu.memory_space<vmem>>[vector<16xi32>, vector<16xi32>], vector<16xf32>, vector<16xi1>
        %gt3A_193 = arith.cmpf ogt, %gather3A_162, %gather3A_178 : vector<16xf32>
        tpu.vector_store_idx %arg11[%broadcast_in_dim3A_23, %shift_right_logical3A_138], %gather3A_162 masked %gt3A_193 : memref<1x10240xf32, #tpu.memory_space<vmem>>[vector<16xi32>, vector<16xi32>], vector<16xf32>, vector<16xi1>
        %gt3A_194 = arith.cmpf ogt, %gather3A_163, %gather3A_179 : vector<16xf32>
        tpu.vector_store_idx %arg12[%broadcast_in_dim3A_23, %shift_right_logical3A_138], %gather3A_163 masked %gt3A_194 : memref<1x10240xf32, #tpu.memory_space<vmem>>[vector<16xi32>, vector<16xi32>], vector<16xf32>, vector<16xi1>
        %gt3A_195 = arith.cmpf ogt, %gather3A_164, %gather3A_180 : vector<16xf32>
        tpu.vector_store_idx %arg9[%broadcast_in_dim3A_23, %shift_right_logical3A_152], %gather3A_164 masked %gt3A_195 : memref<1x10240xf32, #tpu.memory_space<vmem>>[vector<16xi32>, vector<16xi32>], vector<16xf32>, vector<16xi1>
        %gt3A_196 = arith.cmpf ogt, %gather3A_165, %gather3A_181 : vector<16xf32>
        tpu.vector_store_idx %arg10[%broadcast_in_dim3A_23, %shift_right_logical3A_152], %gather3A_165 masked %gt3A_196 : memref<1x10240xf32, #tpu.memory_space<vmem>>[vector<16xi32>, vector<16xi32>], vector<16xf32>, vector<16xi1>
        %gt3A_197 = arith.cmpf ogt, %gather3A_166, %gather3A_182 : vector<16xf32>
        tpu.vector_store_idx %arg11[%broadcast_in_dim3A_23, %shift_right_logical3A_152], %gather3A_166 masked %gt3A_197 : memref<1x10240xf32, #tpu.memory_space<vmem>>[vector<16xi32>, vector<16xi32>], vector<16xf32>, vector<16xi1>
        %gt3A_198 = arith.cmpf ogt, %gather3A_167, %gather3A_183 : vector<16xf32>
        tpu.vector_store_idx %arg12[%broadcast_in_dim3A_23, %shift_right_logical3A_152], %gather3A_167 masked %gt3A_198 : memref<1x10240xf32, #tpu.memory_space<vmem>>[vector<16xi32>, vector<16xi32>], vector<16xf32>, vector<16xi1>
        %gather3A_199 = tpu.vector_load_idx %arg9[%broadcast_in_dim3A_23, %shift_right_logical3A_110] : memref<1x10240xf32, #tpu.memory_space<vmem>>[vector<16xi32>, vector<16xi32>], vector<16xf32>,
        %gather3A_200 = tpu.vector_load_idx %arg10[%broadcast_in_dim3A_23, %shift_right_logical3A_110] : memref<1x10240xf32, #tpu.memory_space<vmem>>[vector<16xi32>, vector<16xi32>], vector<16xf32>,
        %gather3A_201 = tpu.vector_load_idx %arg11[%broadcast_in_dim3A_23, %shift_right_logical3A_110] : memref<1x10240xf32, #tpu.memory_space<vmem>>[vector<16xi32>, vector<16xi32>], vector<16xf32>,
        %gather3A_202 = tpu.vector_load_idx %arg12[%broadcast_in_dim3A_23, %shift_right_logical3A_110] : memref<1x10240xf32, #tpu.memory_space<vmem>>[vector<16xi32>, vector<16xi32>], vector<16xf32>,
        %gather3A_203 = tpu.vector_load_idx %arg9[%broadcast_in_dim3A_23, %shift_right_logical3A_124] : memref<1x10240xf32, #tpu.memory_space<vmem>>[vector<16xi32>, vector<16xi32>], vector<16xf32>,
        %gather3A_204 = tpu.vector_load_idx %arg10[%broadcast_in_dim3A_23, %shift_right_logical3A_124] : memref<1x10240xf32, #tpu.memory_space<vmem>>[vector<16xi32>, vector<16xi32>], vector<16xf32>,
        %gather3A_205 = tpu.vector_load_idx %arg11[%broadcast_in_dim3A_23, %shift_right_logical3A_124] : memref<1x10240xf32, #tpu.memory_space<vmem>>[vector<16xi32>, vector<16xi32>], vector<16xf32>,
        %gather3A_206 = tpu.vector_load_idx %arg12[%broadcast_in_dim3A_23, %shift_right_logical3A_124] : memref<1x10240xf32, #tpu.memory_space<vmem>>[vector<16xi32>, vector<16xi32>], vector<16xf32>,
        %gather3A_207 = tpu.vector_load_idx %arg9[%broadcast_in_dim3A_23, %shift_right_logical3A_138] : memref<1x10240xf32, #tpu.memory_space<vmem>>[vector<16xi32>, vector<16xi32>], vector<16xf32>,
        %gather3A_208 = tpu.vector_load_idx %arg10[%broadcast_in_dim3A_23, %shift_right_logical3A_138] : memref<1x10240xf32, #tpu.memory_space<vmem>>[vector<16xi32>, vector<16xi32>], vector<16xf32>,
        %gather3A_209 = tpu.vector_load_idx %arg11[%broadcast_in_dim3A_23, %shift_right_logical3A_138] : memref<1x10240xf32, #tpu.memory_space<vmem>>[vector<16xi32>, vector<16xi32>], vector<16xf32>,
        %gather3A_210 = tpu.vector_load_idx %arg12[%broadcast_in_dim3A_23, %shift_right_logical3A_138] : memref<1x10240xf32, #tpu.memory_space<vmem>>[vector<16xi32>, vector<16xi32>], vector<16xf32>,
        %gather3A_211 = tpu.vector_load_idx %arg9[%broadcast_in_dim3A_23, %shift_right_logical3A_152] : memref<1x10240xf32, #tpu.memory_space<vmem>>[vector<16xi32>, vector<16xi32>], vector<16xf32>,
        %gather3A_212 = tpu.vector_load_idx %arg10[%broadcast_in_dim3A_23, %shift_right_logical3A_152] : memref<1x10240xf32, #tpu.memory_space<vmem>>[vector<16xi32>, vector<16xi32>], vector<16xf32>,
        %gather3A_213 = tpu.vector_load_idx %arg11[%broadcast_in_dim3A_23, %shift_right_logical3A_152] : memref<1x10240xf32, #tpu.memory_space<vmem>>[vector<16xi32>, vector<16xi32>], vector<16xf32>,
        %gather3A_214 = tpu.vector_load_idx %arg12[%broadcast_in_dim3A_23, %shift_right_logical3A_152] : memref<1x10240xf32, #tpu.memory_space<vmem>>[vector<16xi32>, vector<16xi32>], vector<16xf32>,
        %gt3A_215 = arith.cmpf ogt, %gather3A, %gather3A_199 : vector<16xf32>
        %gt3A_216 = arith.cmpf ogt, %gather3A_153, %gather3A_200 : vector<16xf32>
        %or3A = arith.ori %gt3A_215, %gt3A_216 : vector<16xi1>
        %gt3A_217 = arith.cmpf ogt, %gather3A_154, %gather3A_201 : vector<16xf32>
        %or3A_218 = arith.ori %or3A, %gt3A_217 : vector<16xi1>
        %gt3A_219 = arith.cmpf ogt, %gather3A_155, %gather3A_202 : vector<16xf32>
        %or3A_220 = arith.ori %or3A_218, %gt3A_219 : vector<16xi1>
        %gt3A_221 = arith.cmpf ogt, %gather3A_156, %gather3A_203 : vector<16xf32>
        %gt3A_222 = arith.cmpf ogt, %gather3A_157, %gather3A_204 : vector<16xf32>
        %or3A_223 = arith.ori %gt3A_221, %gt3A_222 : vector<16xi1>
        %gt3A_224 = arith.cmpf ogt, %gather3A_158, %gather3A_205 : vector<16xf32>
        %or3A_225 = arith.ori %or3A_223, %gt3A_224 : vector<16xi1>
        %gt3A_226 = arith.cmpf ogt, %gather3A_159, %gather3A_206 : vector<16xf32>
        %or3A_227 = arith.ori %or3A_225, %gt3A_226 : vector<16xi1>
        %gt3A_228 = arith.cmpf ogt, %gather3A_160, %gather3A_207 : vector<16xf32>
        %gt3A_229 = arith.cmpf ogt, %gather3A_161, %gather3A_208 : vector<16xf32>
        %or3A_230 = arith.ori %gt3A_228, %gt3A_229 : vector<16xi1>
        %gt3A_231 = arith.cmpf ogt, %gather3A_162, %gather3A_209 : vector<16xf32>
        %or3A_232 = arith.ori %or3A_230, %gt3A_231 : vector<16xi1>
        %gt3A_233 = arith.cmpf ogt, %gather3A_163, %gather3A_210 : vector<16xf32>
        %or3A_234 = arith.ori %or3A_232, %gt3A_233 : vector<16xi1>
        %gt3A_235 = arith.cmpf ogt, %gather3A_164, %gather3A_211 : vector<16xf32>
        %gt3A_236 = arith.cmpf ogt, %gather3A_165, %gather3A_212 : vector<16xf32>
        %or3A_237 = arith.ori %gt3A_235, %gt3A_236 : vector<16xi1>
        %gt3A_238 = arith.cmpf ogt, %gather3A_166, %gather3A_213 : vector<16xf32>
        %or3A_239 = arith.ori %or3A_237, %gt3A_238 : vector<16xi1>
        %gt3A_240 = arith.cmpf ogt, %gather3A_167, %gather3A_214 : vector<16xf32>
        %or3A_241 = arith.ori %or3A_239, %gt3A_240 : vector<16xi1>
        %all_reduce_population_count3A = tpu.all_reduce %or3A_220 {dim = 0 : i64, kind = #tpu.reduction_kind<sum>} : vector<16xi1> -> vector<16xi32>
        %slice3A = vector.extract_strided_slice %all_reduce_population_count3A {offsets = [0], sizes = [1], strides = [1]} : vector<16xi32> to vector<1xi32>
        %squeeze3A = vector.extract %slice3A[0] : i32 from vector<1xi32>
        %mul3A_242 = arith.constant 4 : i32
        %mul3A_243 = arith.muli %scan3A_98, %mul3A_242 : i32
        %add3A_244 = arith.constant 0 : i32
        %add3A_245 = arith.addi %mul3A_243, %add3A_244 : i32
        %swap3A = arith.index_cast %scan3A_99 : i32 to index
        %swap3A_246 = memref.load %arg15[%swap3A] : memref<500xi32, #tpu.memory_space<smem>>
        memref.store %add3A_245, %arg15[%swap3A] : memref<500xi32, #tpu.memory_space<smem>>
        %gt3A_247 = arith.constant 0 : i32
        %gt3A_248 = arith.cmpi sgt, %squeeze3A, %gt3A_247 : i32
        %convert_element_type3A_249 = arith.extui %gt3A_248 : i1 to i32
        %add3A_250 = arith.addi %scan3A_99, %convert_element_type3A_249 : i32
        %all_reduce_population_count3A_251 = tpu.all_reduce %or3A_227 {dim = 0 : i64, kind = #tpu.reduction_kind<sum>} : vector<16xi1> -> vector<16xi32>
        %slice3A_252 = vector.extract_strided_slice %all_reduce_population_count3A_251 {offsets = [0], sizes = [1], strides = [1]} : vector<16xi32> to vector<1xi32>
        %squeeze3A_253 = vector.extract %slice3A_252[0] : i32 from vector<1xi32>
        %mul3A_254 = arith.constant 4 : i32
        %mul3A_255 = arith.muli %scan3A_98, %mul3A_254 : i32
        %add3A_256 = arith.constant 1 : i32
        %add3A_257 = arith.addi %mul3A_255, %add3A_256 : i32
        %swap3A_258 = arith.index_cast %add3A_250 : i32 to index
        %swap3A_259 = memref.load %arg15[%swap3A_258] : memref<500xi32, #tpu.memory_space<smem>>
        memref.store %add3A_257, %arg15[%swap3A_258] : memref<500xi32, #tpu.memory_space<smem>>
        %gt3A_260 = arith.constant 0 : i32
        %gt3A_261 = arith.cmpi sgt, %squeeze3A_253, %gt3A_260 : i32
        %convert_element_type3A_262 = arith.extui %gt3A_261 : i1 to i32
        %add3A_263 = arith.addi %add3A_250, %convert_element_type3A_262 : i32
        %all_reduce_population_count3A_264 = tpu.all_reduce %or3A_234 {dim = 0 : i64, kind = #tpu.reduction_kind<sum>} : vector<16xi1> -> vector<16xi32>
        %slice3A_265 = vector.extract_strided_slice %all_reduce_population_count3A_264 {offsets = [0], sizes = [1], strides = [1]} : vector<16xi32> to vector<1xi32>
        %squeeze3A_266 = vector.extract %slice3A_265[0] : i32 from vector<1xi32>
        %mul3A_267 = arith.constant 4 : i32
        %mul3A_268 = arith.muli %scan3A_98, %mul3A_267 : i32
        %add3A_269 = arith.constant 2 : i32
        %add3A_270 = arith.addi %mul3A_268, %add3A_269 : i32
        %swap3A_271 = arith.index_cast %add3A_263 : i32 to index
        %swap3A_272 = memref.load %arg15[%swap3A_271] : memref<500xi32, #tpu.memory_space<smem>>
        memref.store %add3A_270, %arg15[%swap3A_271] : memref<500xi32, #tpu.memory_space<smem>>
        %gt3A_273 = arith.constant 0 : i32
        %gt3A_274 = arith.cmpi sgt, %squeeze3A_266, %gt3A_273 : i32
        %convert_element_type3A_275 = arith.extui %gt3A_274 : i1 to i32
        %add3A_276 = arith.addi %add3A_263, %convert_element_type3A_275 : i32
        %all_reduce_population_count3A_277 = tpu.all_reduce %or3A_241 {dim = 0 : i64, kind = #tpu.reduction_kind<sum>} : vector<16xi1> -> vector<16xi32>
        %slice3A_278 = vector.extract_strided_slice %all_reduce_population_count3A_277 {offsets = [0], sizes = [1], strides = [1]} : vector<16xi32> to vector<1xi32>
        %squeeze3A_279 = vector.extract %slice3A_278[0] : i32 from vector<1xi32>
        %mul3A_280 = arith.constant 4 : i32
        %mul3A_281 = arith.muli %scan3A_98, %mul3A_280 : i32
        %add3A_282 = arith.constant 3 : i32
        %add3A_283 = arith.addi %mul3A_281, %add3A_282 : i32
        %swap3A_284 = arith.index_cast %add3A_276 : i32 to index
        %swap3A_285 = memref.load %arg15[%swap3A_284] : memref<500xi32, #tpu.memory_space<smem>>
        memref.store %add3A_283, %arg15[%swap3A_284] : memref<500xi32, #tpu.memory_space<smem>>
        %gt3A_286 = arith.constant 0 : i32
        %gt3A_287 = arith.cmpi sgt, %squeeze3A_279, %gt3A_286 : i32
        %convert_element_type3A_288 = arith.extui %gt3A_287 : i1 to i32
        %add3A_289 = arith.addi %add3A_276, %convert_element_type3A_288 : i32
        scf.yield %add3A_289 : i32
      }
      %scan3A_80 = arith.constant 125 : i32
      %while3A_81 = arith.constant 0 : i32
      %while3A_82 = arith.constant 0 : i32
      %while3A_83 = arith.subi %scan3A_79, %while3A_82 : i32
      %while3A_84 = arith.addi %while3A_82, %while3A_83 : i32
      %while3A_85 = arith.constant 1 : i32
      %while3A_86 = arith.divsi %while3A_83, %while3A_85 : i32
      %while3A_87 = arith.muli %while3A_86, %while3A_85 : i32
      %while3A_88 = arith.addi %while3A_82, %while3A_87 : i32
      %while3A_89 = arith.constant 1 : i32
      scf.for %while3A_98 = %while3A_82 to %while3A_88 step %while3A_89  : i32 {
        %get3A = arith.index_cast %while3A_98 : i32 to index
        %get3A_99 = memref.load %arg15[%get3A] : memref<500xi32, #tpu.memory_space<smem>>
        %mul3A_100 = arith.constant 16 : i32
        %mul3A_101 = arith.muli %get3A_99, %mul3A_100 : i32
        %get3A_102 = arith.index_cast %mul3A_101 : i32 to index
        %get3A_103 = tpu.vector_load %arg14[%get3A_102] {strides = array<i32>} : memref<8000xi32, #tpu.memory_space<vmem>>, vector<16xi32>,
        %and3A = arith.constant 16383 : i32
        %and3A_104 = vector.broadcast %and3A : i32 to vector<16xi32>
        %and3A_105 = arith.andi %get3A_103, %and3A_104 : vector<16xi32>
        %shift_right_logical3A = arith.constant 14 : i32
        %shift_right_logical3A_106 = vector.broadcast %shift_right_logical3A : i32 to vector<16xi32>
        %shift_right_logical3A_107 = arith.shrui %get3A_103, %shift_right_logical3A_106 : vector<16xi32>
        %gather3A = tpu.vector_load_idx %arg5[%broadcast_in_dim3A_23, %and3A_105] : memref<1x10240xf32, #tpu.memory_space<vmem>>[vector<16xi32>, vector<16xi32>], vector<16xf32>,
        %gather3A_108 = tpu.vector_load_idx %arg9[%broadcast_in_dim3A_23, %shift_right_logical3A_107] : memref<1x10240xf32, #tpu.memory_space<vmem>>[vector<16xi32>, vector<16xi32>], vector<16xf32>,
        %while3A_109 = scf.while (%while3A_119 = %gather3A_108) : (vector<16xf32>) -> vector<16xf32> {
          %gt3A = arith.cmpf ogt, %gather3A, %while3A_119 : vector<16xf32>
          %reduce_or3A = arith.constant 1.000000e+00 : f32
          %reduce_or3A_120 = arith.constant 0.000000e+00 : f32
          %reduce_or3A_121 = vector.broadcast %reduce_or3A : f32 to vector<16xf32>
          %reduce_or3A_122 = vector.broadcast %reduce_or3A_120 : f32 to vector<16xf32>
          %reduce_or3A_123 = arith.select %gt3A, %reduce_or3A_121, %reduce_or3A_122 : vector<16xi1>, vector<16xf32>
          %reduce_or3A_124 = arith.constant true
          %reduce_or3A_125 = vector.broadcast %reduce_or3A_124 : i1 to vector<16xi1>
          %reduce_or3A_126 = tpu.scan <max>, %reduce_or3A_123 masked %reduce_or3A_125 : vector<16xf32>, vector<16xi1> -> vector<16xf32>
          %reduce_or3A_127 = vector.extract %reduce_or3A_126[15] : f32 from vector<16xf32>
          %reduce_or3A_128 = arith.constant 0.000000e+00 : f32
          %reduce_or3A_129 = arith.cmpf ogt, %reduce_or3A_127, %reduce_or3A_128 : f32
          scf.condition(%reduce_or3A_129) %while3A_119 : vector<16xf32>
        } do {
        ^bb0(%while3A_119: vector<16xf32>):
          %gt3A = arith.cmpf ogt, %gather3A, %while3A_119 : vector<16xf32>
          tpu.vector_store_idx %arg9[%broadcast_in_dim3A_23, %shift_right_logical3A_107], %gather3A masked %gt3A : memref<1x10240xf32, #tpu.memory_space<vmem>>[vector<16xi32>, vector<16xi32>], vector<16xf32>, vector<16xi1>
          %gather3A_120 = tpu.vector_load_idx %arg9[%broadcast_in_dim3A_23, %shift_right_logical3A_107] : memref<1x10240xf32, #tpu.memory_space<vmem>>[vector<16xi32>, vector<16xi32>], vector<16xf32>,
          scf.yield %gather3A_120 : vector<16xf32>
        }
        %gather3A_110 = tpu.vector_load_idx %arg6[%broadcast_in_dim3A_23, %and3A_105] : memref<1x10240xf32, #tpu.memory_space<vmem>>[vector<16xi32>, vector<16xi32>], vector<16xf32>,
        %gather3A_111 = tpu.vector_load_idx %arg10[%broadcast_in_dim3A_23, %shift_right_logical3A_107] : memref<1x10240xf32, #tpu.memory_space<vmem>>[vector<16xi32>, vector<16xi32>], vector<16xf32>,
        %while3A_112 = scf.while (%while3A_119 = %gather3A_111) : (vector<16xf32>) -> vector<16xf32> {
          %gt3A = arith.cmpf ogt, %gather3A_110, %while3A_119 : vector<16xf32>
          %reduce_or3A = arith.constant 1.000000e+00 : f32
          %reduce_or3A_120 = arith.constant 0.000000e+00 : f32
          %reduce_or3A_121 = vector.broadcast %reduce_or3A : f32 to vector<16xf32>
          %reduce_or3A_122 = vector.broadcast %reduce_or3A_120 : f32 to vector<16xf32>
          %reduce_or3A_123 = arith.select %gt3A, %reduce_or3A_121, %reduce_or3A_122 : vector<16xi1>, vector<16xf32>
          %reduce_or3A_124 = arith.constant true
          %reduce_or3A_125 = vector.broadcast %reduce_or3A_124 : i1 to vector<16xi1>
          %reduce_or3A_126 = tpu.scan <max>, %reduce_or3A_123 masked %reduce_or3A_125 : vector<16xf32>, vector<16xi1> -> vector<16xf32>
          %reduce_or3A_127 = vector.extract %reduce_or3A_126[15] : f32 from vector<16xf32>
          %reduce_or3A_128 = arith.constant 0.000000e+00 : f32
          %reduce_or3A_129 = arith.cmpf ogt, %reduce_or3A_127, %reduce_or3A_128 : f32
          scf.condition(%reduce_or3A_129) %while3A_119 : vector<16xf32>
        } do {
        ^bb0(%while3A_119: vector<16xf32>):
          %gt3A = arith.cmpf ogt, %gather3A_110, %while3A_119 : vector<16xf32>
          tpu.vector_store_idx %arg10[%broadcast_in_dim3A_23, %shift_right_logical3A_107], %gather3A_110 masked %gt3A : memref<1x10240xf32, #tpu.memory_space<vmem>>[vector<16xi32>, vector<16xi32>], vector<16xf32>, vector<16xi1>
          %gather3A_120 = tpu.vector_load_idx %arg10[%broadcast_in_dim3A_23, %shift_right_logical3A_107] : memref<1x10240xf32, #tpu.memory_space<vmem>>[vector<16xi32>, vector<16xi32>], vector<16xf32>,
          scf.yield %gather3A_120 : vector<16xf32>
        }
        %gather3A_113 = tpu.vector_load_idx %arg7[%broadcast_in_dim3A_23, %and3A_105] : memref<1x10240xf32, #tpu.memory_space<vmem>>[vector<16xi32>, vector<16xi32>], vector<16xf32>,
        %gather3A_114 = tpu.vector_load_idx %arg11[%broadcast_in_dim3A_23, %shift_right_logical3A_107] : memref<1x10240xf32, #tpu.memory_space<vmem>>[vector<16xi32>, vector<16xi32>], vector<16xf32>,
        %while3A_115 = scf.while (%while3A_119 = %gather3A_114) : (vector<16xf32>) -> vector<16xf32> {
          %gt3A = arith.cmpf ogt, %gather3A_113, %while3A_119 : vector<16xf32>
          %reduce_or3A = arith.constant 1.000000e+00 : f32
          %reduce_or3A_120 = arith.constant 0.000000e+00 : f32
          %reduce_or3A_121 = vector.broadcast %reduce_or3A : f32 to vector<16xf32>
          %reduce_or3A_122 = vector.broadcast %reduce_or3A_120 : f32 to vector<16xf32>
          %reduce_or3A_123 = arith.select %gt3A, %reduce_or3A_121, %reduce_or3A_122 : vector<16xi1>, vector<16xf32>
          %reduce_or3A_124 = arith.constant true
          %reduce_or3A_125 = vector.broadcast %reduce_or3A_124 : i1 to vector<16xi1>
          %reduce_or3A_126 = tpu.scan <max>, %reduce_or3A_123 masked %reduce_or3A_125 : vector<16xf32>, vector<16xi1> -> vector<16xf32>
          %reduce_or3A_127 = vector.extract %reduce_or3A_126[15] : f32 from vector<16xf32>
          %reduce_or3A_128 = arith.constant 0.000000e+00 : f32
          %reduce_or3A_129 = arith.cmpf ogt, %reduce_or3A_127, %reduce_or3A_128 : f32
          scf.condition(%reduce_or3A_129) %while3A_119 : vector<16xf32>
        } do {
        ^bb0(%while3A_119: vector<16xf32>):
          %gt3A = arith.cmpf ogt, %gather3A_113, %while3A_119 : vector<16xf32>
          tpu.vector_store_idx %arg11[%broadcast_in_dim3A_23, %shift_right_logical3A_107], %gather3A_113 masked %gt3A : memref<1x10240xf32, #tpu.memory_space<vmem>>[vector<16xi32>, vector<16xi32>], vector<16xf32>, vector<16xi1>
          %gather3A_120 = tpu.vector_load_idx %arg11[%broadcast_in_dim3A_23, %shift_right_logical3A_107] : memref<1x10240xf32, #tpu.memory_space<vmem>>[vector<16xi32>, vector<16xi32>], vector<16xf32>,
          scf.yield %gather3A_120 : vector<16xf32>
        }
        %gather3A_116 = tpu.vector_load_idx %arg8[%broadcast_in_dim3A_23, %and3A_105] : memref<1x10240xf32, #tpu.memory_space<vmem>>[vector<16xi32>, vector<16xi32>], vector<16xf32>,
        %gather3A_117 = tpu.vector_load_idx %arg12[%broadcast_in_dim3A_23, %shift_right_logical3A_107] : memref<1x10240xf32, #tpu.memory_space<vmem>>[vector<16xi32>, vector<16xi32>], vector<16xf32>,
        %while3A_118 = scf.while (%while3A_119 = %gather3A_117) : (vector<16xf32>) -> vector<16xf32> {
          %gt3A = arith.cmpf ogt, %gather3A_116, %while3A_119 : vector<16xf32>
          %reduce_or3A = arith.constant 1.000000e+00 : f32
          %reduce_or3A_120 = arith.constant 0.000000e+00 : f32
          %reduce_or3A_121 = vector.broadcast %reduce_or3A : f32 to vector<16xf32>
          %reduce_or3A_122 = vector.broadcast %reduce_or3A_120 : f32 to vector<16xf32>
          %reduce_or3A_123 = arith.select %gt3A, %reduce_or3A_121, %reduce_or3A_122 : vector<16xi1>, vector<16xf32>
          %reduce_or3A_124 = arith.constant true
          %reduce_or3A_125 = vector.broadcast %reduce_or3A_124 : i1 to vector<16xi1>
          %reduce_or3A_126 = tpu.scan <max>, %reduce_or3A_123 masked %reduce_or3A_125 : vector<16xf32>, vector<16xi1> -> vector<16xf32>
          %reduce_or3A_127 = vector.extract %reduce_or3A_126[15] : f32 from vector<16xf32>
          %reduce_or3A_128 = arith.constant 0.000000e+00 : f32
          %reduce_or3A_129 = arith.cmpf ogt, %reduce_or3A_127, %reduce_or3A_128 : f32
          scf.condition(%reduce_or3A_129) %while3A_119 : vector<16xf32>
        } do {
        ^bb0(%while3A_119: vector<16xf32>):
          %gt3A = arith.cmpf ogt, %gather3A_116, %while3A_119 : vector<16xf32>
          tpu.vector_store_idx %arg12[%broadcast_in_dim3A_23, %shift_right_logical3A_107], %gather3A_116 masked %gt3A : memref<1x10240xf32, #tpu.memory_space<vmem>>[vector<16xi32>, vector<16xi32>], vector<16xf32>, vector<16xi1>
          %gather3A_120 = tpu.vector_load_idx %arg12[%broadcast_in_dim3A_23, %shift_right_logical3A_107] : memref<1x10240xf32, #tpu.memory_space<vmem>>[vector<16xi32>, vector<16xi32>], vector<16xf32>,
          scf.yield %gather3A_120 : vector<16xf32>
        }
      }
      %while3A_90 = arith.constant 1 : i32
      scf.for %while3A_98 = %while3A_88 to %while3A_84 step %while3A_90  : i32 {
        %get3A = arith.index_cast %while3A_98 : i32 to index
        %get3A_99 = memref.load %arg15[%get3A] : memref<500xi32, #tpu.memory_space<smem>>
        %mul3A_100 = arith.constant 16 : i32
        %mul3A_101 = arith.muli %get3A_99, %mul3A_100 : i32
        %get3A_102 = arith.index_cast %mul3A_101 : i32 to index
        %get3A_103 = tpu.vector_load %arg14[%get3A_102] {strides = array<i32>} : memref<8000xi32, #tpu.memory_space<vmem>>, vector<16xi32>,
        %and3A = arith.constant 16383 : i32
        %and3A_104 = vector.broadcast %and3A : i32 to vector<16xi32>
        %and3A_105 = arith.andi %get3A_103, %and3A_104 : vector<16xi32>
        %shift_right_logical3A = arith.constant 14 : i32
        %shift_right_logical3A_106 = vector.broadcast %shift_right_logical3A : i32 to vector<16xi32>
        %shift_right_logical3A_107 = arith.shrui %get3A_103, %shift_right_logical3A_106 : vector<16xi32>
        %gather3A = tpu.vector_load_idx %arg5[%broadcast_in_dim3A_23, %and3A_105] : memref<1x10240xf32, #tpu.memory_space<vmem>>[vector<16xi32>, vector<16xi32>], vector<16xf32>,
        %gather3A_108 = tpu.vector_load_idx %arg9[%broadcast_in_dim3A_23, %shift_right_logical3A_107] : memref<1x10240xf32, #tpu.memory_space<vmem>>[vector<16xi32>, vector<16xi32>], vector<16xf32>,
        %while3A_109 = scf.while (%while3A_119 = %gather3A_108) : (vector<16xf32>) -> vector<16xf32> {
          %gt3A = arith.cmpf ogt, %gather3A, %while3A_119 : vector<16xf32>
          %reduce_or3A = arith.constant 1.000000e+00 : f32
          %reduce_or3A_120 = arith.constant 0.000000e+00 : f32
          %reduce_or3A_121 = vector.broadcast %reduce_or3A : f32 to vector<16xf32>
          %reduce_or3A_122 = vector.broadcast %reduce_or3A_120 : f32 to vector<16xf32>
          %reduce_or3A_123 = arith.select %gt3A, %reduce_or3A_121, %reduce_or3A_122 : vector<16xi1>, vector<16xf32>
          %reduce_or3A_124 = arith.constant true
          %reduce_or3A_125 = vector.broadcast %reduce_or3A_124 : i1 to vector<16xi1>
          %reduce_or3A_126 = tpu.scan <max>, %reduce_or3A_123 masked %reduce_or3A_125 : vector<16xf32>, vector<16xi1> -> vector<16xf32>
          %reduce_or3A_127 = vector.extract %reduce_or3A_126[15] : f32 from vector<16xf32>
          %reduce_or3A_128 = arith.constant 0.000000e+00 : f32
          %reduce_or3A_129 = arith.cmpf ogt, %reduce_or3A_127, %reduce_or3A_128 : f32
          scf.condition(%reduce_or3A_129) %while3A_119 : vector<16xf32>
        } do {
        ^bb0(%while3A_119: vector<16xf32>):
          %gt3A = arith.cmpf ogt, %gather3A, %while3A_119 : vector<16xf32>
          tpu.vector_store_idx %arg9[%broadcast_in_dim3A_23, %shift_right_logical3A_107], %gather3A masked %gt3A : memref<1x10240xf32, #tpu.memory_space<vmem>>[vector<16xi32>, vector<16xi32>], vector<16xf32>, vector<16xi1>
          %gather3A_120 = tpu.vector_load_idx %arg9[%broadcast_in_dim3A_23, %shift_right_logical3A_107] : memref<1x10240xf32, #tpu.memory_space<vmem>>[vector<16xi32>, vector<16xi32>], vector<16xf32>,
          scf.yield %gather3A_120 : vector<16xf32>
        }
        %gather3A_110 = tpu.vector_load_idx %arg6[%broadcast_in_dim3A_23, %and3A_105] : memref<1x10240xf32, #tpu.memory_space<vmem>>[vector<16xi32>, vector<16xi32>], vector<16xf32>,
        %gather3A_111 = tpu.vector_load_idx %arg10[%broadcast_in_dim3A_23, %shift_right_logical3A_107] : memref<1x10240xf32, #tpu.memory_space<vmem>>[vector<16xi32>, vector<16xi32>], vector<16xf32>,
        %while3A_112 = scf.while (%while3A_119 = %gather3A_111) : (vector<16xf32>) -> vector<16xf32> {
          %gt3A = arith.cmpf ogt, %gather3A_110, %while3A_119 : vector<16xf32>
          %reduce_or3A = arith.constant 1.000000e+00 : f32
          %reduce_or3A_120 = arith.constant 0.000000e+00 : f32
          %reduce_or3A_121 = vector.broadcast %reduce_or3A : f32 to vector<16xf32>
          %reduce_or3A_122 = vector.broadcast %reduce_or3A_120 : f32 to vector<16xf32>
          %reduce_or3A_123 = arith.select %gt3A, %reduce_or3A_121, %reduce_or3A_122 : vector<16xi1>, vector<16xf32>
          %reduce_or3A_124 = arith.constant true
          %reduce_or3A_125 = vector.broadcast %reduce_or3A_124 : i1 to vector<16xi1>
          %reduce_or3A_126 = tpu.scan <max>, %reduce_or3A_123 masked %reduce_or3A_125 : vector<16xf32>, vector<16xi1> -> vector<16xf32>
          %reduce_or3A_127 = vector.extract %reduce_or3A_126[15] : f32 from vector<16xf32>
          %reduce_or3A_128 = arith.constant 0.000000e+00 : f32
          %reduce_or3A_129 = arith.cmpf ogt, %reduce_or3A_127, %reduce_or3A_128 : f32
          scf.condition(%reduce_or3A_129) %while3A_119 : vector<16xf32>
        } do {
        ^bb0(%while3A_119: vector<16xf32>):
          %gt3A = arith.cmpf ogt, %gather3A_110, %while3A_119 : vector<16xf32>
          tpu.vector_store_idx %arg10[%broadcast_in_dim3A_23, %shift_right_logical3A_107], %gather3A_110 masked %gt3A : memref<1x10240xf32, #tpu.memory_space<vmem>>[vector<16xi32>, vector<16xi32>], vector<16xf32>, vector<16xi1>
          %gather3A_120 = tpu.vector_load_idx %arg10[%broadcast_in_dim3A_23, %shift_right_logical3A_107] : memref<1x10240xf32, #tpu.memory_space<vmem>>[vector<16xi32>, vector<16xi32>], vector<16xf32>,
          scf.yield %gather3A_120 : vector<16xf32>
        }
        %gather3A_113 = tpu.vector_load_idx %arg7[%broadcast_in_dim3A_23, %and3A_105] : memref<1x10240xf32, #tpu.memory_space<vmem>>[vector<16xi32>, vector<16xi32>], vector<16xf32>,
        %gather3A_114 = tpu.vector_load_idx %arg11[%broadcast_in_dim3A_23, %shift_right_logical3A_107] : memref<1x10240xf32, #tpu.memory_space<vmem>>[vector<16xi32>, vector<16xi32>], vector<16xf32>,
        %while3A_115 = scf.while (%while3A_119 = %gather3A_114) : (vector<16xf32>) -> vector<16xf32> {
          %gt3A = arith.cmpf ogt, %gather3A_113, %while3A_119 : vector<16xf32>
          %reduce_or3A = arith.constant 1.000000e+00 : f32
          %reduce_or3A_120 = arith.constant 0.000000e+00 : f32
          %reduce_or3A_121 = vector.broadcast %reduce_or3A : f32 to vector<16xf32>
          %reduce_or3A_122 = vector.broadcast %reduce_or3A_120 : f32 to vector<16xf32>
          %reduce_or3A_123 = arith.select %gt3A, %reduce_or3A_121, %reduce_or3A_122 : vector<16xi1>, vector<16xf32>
          %reduce_or3A_124 = arith.constant true
          %reduce_or3A_125 = vector.broadcast %reduce_or3A_124 : i1 to vector<16xi1>
          %reduce_or3A_126 = tpu.scan <max>, %reduce_or3A_123 masked %reduce_or3A_125 : vector<16xf32>, vector<16xi1> -> vector<16xf32>
          %reduce_or3A_127 = vector.extract %reduce_or3A_126[15] : f32 from vector<16xf32>
          %reduce_or3A_128 = arith.constant 0.000000e+00 : f32
          %reduce_or3A_129 = arith.cmpf ogt, %reduce_or3A_127, %reduce_or3A_128 : f32
          scf.condition(%reduce_or3A_129) %while3A_119 : vector<16xf32>
        } do {
        ^bb0(%while3A_119: vector<16xf32>):
          %gt3A = arith.cmpf ogt, %gather3A_113, %while3A_119 : vector<16xf32>
          tpu.vector_store_idx %arg11[%broadcast_in_dim3A_23, %shift_right_logical3A_107], %gather3A_113 masked %gt3A : memref<1x10240xf32, #tpu.memory_space<vmem>>[vector<16xi32>, vector<16xi32>], vector<16xf32>, vector<16xi1>
          %gather3A_120 = tpu.vector_load_idx %arg11[%broadcast_in_dim3A_23, %shift_right_logical3A_107] : memref<1x10240xf32, #tpu.memory_space<vmem>>[vector<16xi32>, vector<16xi32>], vector<16xf32>,
          scf.yield %gather3A_120 : vector<16xf32>
        }
        %gather3A_116 = tpu.vector_load_idx %arg8[%broadcast_in_dim3A_23, %and3A_105] : memref<1x10240xf32, #tpu.memory_space<vmem>>[vector<16xi32>, vector<16xi32>], vector<16xf32>,
        %gather3A_117 = tpu.vector_load_idx %arg12[%broadcast_in_dim3A_23, %shift_right_logical3A_107] : memref<1x10240xf32, #tpu.memory_space<vmem>>[vector<16xi32>, vector<16xi32>], vector<16xf32>,
        %while3A_118 = scf.while (%while3A_119 = %gather3A_117) : (vector<16xf32>) -> vector<16xf32> {
          %gt3A = arith.cmpf ogt, %gather3A_116, %while3A_119 : vector<16xf32>
          %reduce_or3A = arith.constant 1.000000e+00 : f32
          %reduce_or3A_120 = arith.constant 0.000000e+00 : f32
          %reduce_or3A_121 = vector.broadcast %reduce_or3A : f32 to vector<16xf32>
          %reduce_or3A_122 = vector.broadcast %reduce_or3A_120 : f32 to vector<16xf32>
          %reduce_or3A_123 = arith.select %gt3A, %reduce_or3A_121, %reduce_or3A_122 : vector<16xi1>, vector<16xf32>
          %reduce_or3A_124 = arith.constant true
          %reduce_or3A_125 = vector.broadcast %reduce_or3A_124 : i1 to vector<16xi1>
          %reduce_or3A_126 = tpu.scan <max>, %reduce_or3A_123 masked %reduce_or3A_125 : vector<16xf32>, vector<16xi1> -> vector<16xf32>
          %reduce_or3A_127 = vector.extract %reduce_or3A_126[15] : f32 from vector<16xf32>
          %reduce_or3A_128 = arith.constant 0.000000e+00 : f32
          %reduce_or3A_129 = arith.cmpf ogt, %reduce_or3A_127, %reduce_or3A_128 : f32
          scf.condition(%reduce_or3A_129) %while3A_119 : vector<16xf32>
        } do {
        ^bb0(%while3A_119: vector<16xf32>):
          %gt3A = arith.cmpf ogt, %gather3A_116, %while3A_119 : vector<16xf32>
          tpu.vector_store_idx %arg12[%broadcast_in_dim3A_23, %shift_right_logical3A_107], %gather3A_116 masked %gt3A : memref<1x10240xf32, #tpu.memory_space<vmem>>[vector<16xi32>, vector<16xi32>], vector<16xf32>, vector<16xi1>
          %gather3A_120 = tpu.vector_load_idx %arg12[%broadcast_in_dim3A_23, %shift_right_logical3A_107] : memref<1x10240xf32, #tpu.memory_space<vmem>>[vector<16xi32>, vector<16xi32>], vector<16xf32>,
          scf.yield %gather3A_120 : vector<16xf32>
        }
      }
      %add3A_91 = arith.constant 2 : i32
      %add3A_92 = arith.addi %add3A_69, %add3A_91 : i32
      %lt3A_93 = arith.constant 40 : i32
      %lt3A_94 = arith.cmpi slt, %add3A_92, %lt3A_93 : i32
      %convert_element_type3A_95 = arith.extui %lt3A_94 : i1 to i32
      %cond3A_96 = arith.constant 0 : i32
      %cond3A_97 = arith.cmpi ne, %convert_element_type3A_95, %cond3A_96 : i32
      scf.if %cond3A_97 {
        %add3A_98 = arith.constant 2 : i32
        %add3A_99 = arith.addi %add3A_69, %add3A_98 : i32
        %mul3A_100 = arith.constant 8000 : i32
        %mul3A_101 = arith.muli %add3A_99, %mul3A_100 : i32
        %dma_start3A_102 = tpu.memref_slice %arg3[%mul3A_101] : memref<320000xi32, #tpu.memory_space<hbm>> -> memref<8000xi32, #tpu.memory_space<hbm>>
        %dma_start3A_103 = tpu.memref_slice %arg3[%mul3A_101] : memref<320000xi32, #tpu.memory_space<hbm>> -> memref<8000xi32, #tpu.memory_space<hbm>>
        tpu.enqueue_dma source(%dma_start3A_103 : memref<8000xi32, #tpu.memory_space<hbm>>) target(%arg14 : memref<8000xi32, #tpu.memory_space<vmem>>) target_semaphore(%arg17 : memref<!tpu.dma_semaphore, #tpu.memory_space<semaphore_mem>>)
      } else {
      }
    }
    %scan3A_29 = arith.constant 20 : i32
    %add3A_30 = arith.constant 0 : i32
    %add3A_31 = arith.addi %mul3A_2, %add3A_30 : i32
    "tpu.region"() ({
      %run_scoped3A = tpu.sem_alloc : memref<!tpu.dma_semaphore, #tpu.memory_space<semaphore_mem>>
      %dma_start3A_38 = arith.constant 0 : i32
      %dma_start3A_39 = tpu.memref_slice %arg4[%add3A_31, %dma_start3A_38] : memref<128x10240xf32, #tpu.memory_space<hbm>> -> memref<1x10240xf32, #tpu.memory_space<hbm>>
      %dma_start3A_40 = arith.constant 0 : i32
      %dma_start3A_41 = tpu.memref_slice %arg4[%add3A_31, %dma_start3A_40] : memref<128x10240xf32, #tpu.memory_space<hbm>> -> memref<1x10240xf32, #tpu.memory_space<hbm>>
      tpu.enqueue_dma source(%arg9 : memref<1x10240xf32, #tpu.memory_space<vmem>>) target(%dma_start3A_41 : memref<1x10240xf32, #tpu.memory_space<hbm>>) target_semaphore(%run_scoped3A : memref<!tpu.dma_semaphore, #tpu.memory_space<semaphore_mem>>)
      %dma_wait3A = arith.constant 0 : i32
      %dma_wait3A_42 = tpu.memref_slice %arg4[%add3A_31, %dma_wait3A] : memref<128x10240xf32, #tpu.memory_space<hbm>> -> memref<1x10240xf32, #tpu.memory_space<hbm>>
      %dma_wait3A_43 = arith.constant 0 : i32
      %dma_wait3A_44 = tpu.memref_slice %arg4[%add3A_31, %dma_wait3A_43] : memref<128x10240xf32, #tpu.memory_space<hbm>> -> memref<1x10240xf32, #tpu.memory_space<hbm>>
      tpu.wait_dma2 semaphore(%run_scoped3A : memref<!tpu.dma_semaphore, #tpu.memory_space<semaphore_mem>>) src(%arg9 : memref<1x10240xf32, #tpu.memory_space<vmem>>) dst(%dma_wait3A_44 : memref<1x10240xf32, #tpu.memory_space<hbm>>)
      tpu.yield
    }) : () -> ()
    %add3A_32 = arith.constant 1 : i32
    %add3A_33 = arith.addi %mul3A_2, %add3A_32 : i32
    "tpu.region"() ({
      %run_scoped3A = tpu.sem_alloc : memref<!tpu.dma_semaphore, #tpu.memory_space<semaphore_mem>>
      %dma_start3A_38 = arith.constant 0 : i32
      %dma_start3A_39 = tpu.memref_slice %arg4[%add3A_33, %dma_start3A_38] : memref<128x10240xf32, #tpu.memory_space<hbm>> -> memref<1x10240xf32, #tpu.memory_space<hbm>>
      %dma_start3A_40 = arith.constant 0 : i32
      %dma_start3A_41 = tpu.memref_slice %arg4[%add3A_33, %dma_start3A_40] : memref<128x10240xf32, #tpu.memory_space<hbm>> -> memref<1x10240xf32, #tpu.memory_space<hbm>>
      tpu.enqueue_dma source(%arg10 : memref<1x10240xf32, #tpu.memory_space<vmem>>) target(%dma_start3A_41 : memref<1x10240xf32, #tpu.memory_space<hbm>>) target_semaphore(%run_scoped3A : memref<!tpu.dma_semaphore, #tpu.memory_space<semaphore_mem>>)
      %dma_wait3A = arith.constant 0 : i32
      %dma_wait3A_42 = tpu.memref_slice %arg4[%add3A_33, %dma_wait3A] : memref<128x10240xf32, #tpu.memory_space<hbm>> -> memref<1x10240xf32, #tpu.memory_space<hbm>>
      %dma_wait3A_43 = arith.constant 0 : i32
      %dma_wait3A_44 = tpu.memref_slice %arg4[%add3A_33, %dma_wait3A_43] : memref<128x10240xf32, #tpu.memory_space<hbm>> -> memref<1x10240xf32, #tpu.memory_space<hbm>>
      tpu.wait_dma2 semaphore(%run_scoped3A : memref<!tpu.dma_semaphore, #tpu.memory_space<semaphore_mem>>) src(%arg10 : memref<1x10240xf32, #tpu.memory_space<vmem>>) dst(%dma_wait3A_44 : memref<1x10240xf32, #tpu.memory_space<hbm>>)
      tpu.yield
    }) : () -> ()
    %add3A_34 = arith.constant 2 : i32
    %add3A_35 = arith.addi %mul3A_2, %add3A_34 : i32
    "tpu.region"() ({
      %run_scoped3A = tpu.sem_alloc : memref<!tpu.dma_semaphore, #tpu.memory_space<semaphore_mem>>
      %dma_start3A_38 = arith.constant 0 : i32
      %dma_start3A_39 = tpu.memref_slice %arg4[%add3A_35, %dma_start3A_38] : memref<128x10240xf32, #tpu.memory_space<hbm>> -> memref<1x10240xf32, #tpu.memory_space<hbm>>
      %dma_start3A_40 = arith.constant 0 : i32
      %dma_start3A_41 = tpu.memref_slice %arg4[%add3A_35, %dma_start3A_40] : memref<128x10240xf32, #tpu.memory_space<hbm>> -> memref<1x10240xf32, #tpu.memory_space<hbm>>
      tpu.enqueue_dma source(%arg11 : memref<1x10240xf32, #tpu.memory_space<vmem>>) target(%dma_start3A_41 : memref<1x10240xf32, #tpu.memory_space<hbm>>) target_semaphore(%run_scoped3A : memref<!tpu.dma_semaphore, #tpu.memory_space<semaphore_mem>>)
      %dma_wait3A = arith.constant 0 : i32
      %dma_wait3A_42 = tpu.memref_slice %arg4[%add3A_35, %dma_wait3A] : memref<128x10240xf32, #tpu.memory_space<hbm>> -> memref<1x10240xf32, #tpu.memory_space<hbm>>
      %dma_wait3A_43 = arith.constant 0 : i32
      %dma_wait3A_44 = tpu.memref_slice %arg4[%add3A_35, %dma_wait3A_43] : memref<128x10240xf32, #tpu.memory_space<hbm>> -> memref<1x10240xf32, #tpu.memory_space<hbm>>
      tpu.wait_dma2 semaphore(%run_scoped3A : memref<!tpu.dma_semaphore, #tpu.memory_space<semaphore_mem>>) src(%arg11 : memref<1x10240xf32, #tpu.memory_space<vmem>>) dst(%dma_wait3A_44 : memref<1x10240xf32, #tpu.memory_space<hbm>>)
      tpu.yield
    }) : () -> ()
    %add3A_36 = arith.constant 3 : i32
    %add3A_37 = arith.addi %mul3A_2, %add3A_36 : i32
    "tpu.region"() ({
      %run_scoped3A = tpu.sem_alloc : memref<!tpu.dma_semaphore, #tpu.memory_space<semaphore_mem>>
      %dma_start3A_38 = arith.constant 0 : i32
      %dma_start3A_39 = tpu.memref_slice %arg4[%add3A_37, %dma_start3A_38] : memref<128x10240xf32, #tpu.memory_space<hbm>> -> memref<1x10240xf32, #tpu.memory_space<hbm>>
      %dma_start3A_40 = arith.constant 0 : i32
      %dma_start3A_41 = tpu.memref_slice %arg4[%add3A_37, %dma_start3A_40] : memref<128x10240xf32, #tpu.memory_space<hbm>> -> memref<1x10240xf32, #tpu.memory_space<hbm>>
      tpu.enqueue_dma source(%arg12 : memref<1x10240xf32, #tpu.memory_space<vmem>>) target(%dma_start3A_41 : memref<1x10240xf32, #tpu.memory_space<hbm>>) target_semaphore(%run_scoped3A : memref<!tpu.dma_semaphore, #tpu.memory_space<semaphore_mem>>)
      %dma_wait3A = arith.constant 0 : i32
      %dma_wait3A_42 = tpu.memref_slice %arg4[%add3A_37, %dma_wait3A] : memref<128x10240xf32, #tpu.memory_space<hbm>> -> memref<1x10240xf32, #tpu.memory_space<hbm>>
      %dma_wait3A_43 = arith.constant 0 : i32
      %dma_wait3A_44 = tpu.memref_slice %arg4[%add3A_37, %dma_wait3A_43] : memref<128x10240xf32, #tpu.memory_space<hbm>> -> memref<1x10240xf32, #tpu.memory_space<hbm>>
      tpu.wait_dma2 semaphore(%run_scoped3A : memref<!tpu.dma_semaphore, #tpu.memory_space<semaphore_mem>>) src(%arg12 : memref<1x10240xf32, #tpu.memory_space<vmem>>) dst(%dma_wait3A_44 : memref<1x10240xf32, #tpu.memory_space<hbm>>)
      tpu.yield
    }) : () -> ()
    return
  }
}

#map = affine_map<(d0, d1) -> (0, 0)>
#map1 = affine_map<(d0, d1) -> (0)>
module attributes {stable_mosaic.version = 14 : i64} {
  func.func @seg(%arg0: i32, %arg1: i32, %arg2: memref<32x10240xf32, #tpu.memory_space<hbm>>, %arg3: memref<320000xi32, #tpu.memory_space<hbm>>, %arg4: memref<32x10240xf32, #tpu.memory_space<hbm>>, %arg5: memref<1x10240xf32, #tpu.memory_space<vmem>>, %arg6: memref<1x10240xf32, #tpu.memory_space<vmem>>, %arg7: memref<1x10240xf32, #tpu.memory_space<vmem>>, %arg8: memref<1x10240xf32, #tpu.memory_space<vmem>>, %arg9: memref<1x10240xf32, #tpu.memory_space<vmem>>, %arg10: memref<1x10240xf32, #tpu.memory_space<vmem>>, %arg11: memref<1x10240xf32, #tpu.memory_space<vmem>>, %arg12: memref<1x10240xf32, #tpu.memory_space<vmem>>, %arg13: memref<1x10240xf32, #tpu.memory_space<vmem>>, %arg14: memref<1x10240xf32, #tpu.memory_space<vmem>>, %arg15: memref<1x10240xf32, #tpu.memory_space<vmem>>, %arg16: memref<8000xi32, #tpu.memory_space<vmem>>, %arg17: memref<8000xi32, #tpu.memory_space<vmem>>, %arg18: memref<500xi32, #tpu.memory_space<smem>>, %arg19: memref<!tpu.dma_semaphore, #tpu.memory_space<semaphore_mem>>, %arg20: memref<!tpu.dma_semaphore, #tpu.memory_space<semaphore_mem>>) attributes {dimension_semantics = [#tpu.dimension_semantics<core_parallel>, #tpu.dimension_semantics<subcore_parallel>], iteration_bounds = array<i64: 2, 16>, scalar_prefetch = 0 : i64, scratch_operands = 16 : i64, tpu.core_type = #tpu.core_type<sc_vector_subcore>, window_params = [{transform_indices = #map}, {transform_indices = #map1}, {transform_indices = #map}]} {
    %mul3A = arith.constant 2 : i32
    %mul3A_0 = arith.muli %arg1, %mul3A : i32
    %add3A = arith.addi %mul3A_0, %arg0 : i32
    %mul3A_1 = arith.constant 1 : i32
    %mul3A_2 = arith.muli %add3A, %mul3A_1 : i32
    %dma_start3A = arith.constant 0 : i32
    %dma_start3A_3 = tpu.memref_slice %arg3[%dma_start3A] : memref<320000xi32, #tpu.memory_space<hbm>> -> memref<8000xi32, #tpu.memory_space<hbm>>
    %dma_start3A_4 = arith.constant 0 : i32
    %dma_start3A_5 = tpu.memref_slice %arg3[%dma_start3A_4] : memref<320000xi32, #tpu.memory_space<hbm>> -> memref<8000xi32, #tpu.memory_space<hbm>>
    tpu.enqueue_dma source(%dma_start3A_5 : memref<8000xi32, #tpu.memory_space<hbm>>) target(%arg16 : memref<8000xi32, #tpu.memory_space<vmem>>) target_semaphore(%arg19 : memref<!tpu.dma_semaphore, #tpu.memory_space<semaphore_mem>>)
    %dma_start3A_6 = arith.constant 8000 : i32
    %dma_start3A_7 = tpu.memref_slice %arg3[%dma_start3A_6] : memref<320000xi32, #tpu.memory_space<hbm>> -> memref<8000xi32, #tpu.memory_space<hbm>>
    %dma_start3A_8 = arith.constant 8000 : i32
    %dma_start3A_9 = tpu.memref_slice %arg3[%dma_start3A_8] : memref<320000xi32, #tpu.memory_space<hbm>> -> memref<8000xi32, #tpu.memory_space<hbm>>
    tpu.enqueue_dma source(%dma_start3A_9 : memref<8000xi32, #tpu.memory_space<hbm>>) target(%arg17 : memref<8000xi32, #tpu.memory_space<vmem>>) target_semaphore(%arg20 : memref<!tpu.dma_semaphore, #tpu.memory_space<semaphore_mem>>)
    %add3A_10 = arith.constant 0 : i32
    %add3A_11 = arith.addi %mul3A_2, %add3A_10 : i32
    "tpu.region"() ({
      %run_scoped3A = tpu.sem_alloc : memref<!tpu.dma_semaphore, #tpu.memory_space<semaphore_mem>>
      %dma_start3A_32 = arith.constant 0 : i32
      %dma_start3A_33 = tpu.memref_slice %arg2[%add3A_11, %dma_start3A_32] : memref<32x10240xf32, #tpu.memory_space<hbm>> -> memref<1x10240xf32, #tpu.memory_space<hbm>>
      %dma_start3A_34 = arith.constant 0 : i32
      %dma_start3A_35 = tpu.memref_slice %arg2[%add3A_11, %dma_start3A_34] : memref<32x10240xf32, #tpu.memory_space<hbm>> -> memref<1x10240xf32, #tpu.memory_space<hbm>>
      tpu.enqueue_dma source(%dma_start3A_35 : memref<1x10240xf32, #tpu.memory_space<hbm>>) target(%arg5 : memref<1x10240xf32, #tpu.memory_space<vmem>>) target_semaphore(%run_scoped3A : memref<!tpu.dma_semaphore, #tpu.memory_space<semaphore_mem>>)
      %dma_wait3A = arith.constant 0 : i32
      %dma_wait3A_36 = tpu.memref_slice %arg2[%add3A_11, %dma_wait3A] : memref<32x10240xf32, #tpu.memory_space<hbm>> -> memref<1x10240xf32, #tpu.memory_space<hbm>>
      %dma_wait3A_37 = arith.constant 0 : i32
      %dma_wait3A_38 = tpu.memref_slice %arg2[%add3A_11, %dma_wait3A_37] : memref<32x10240xf32, #tpu.memory_space<hbm>> -> memref<1x10240xf32, #tpu.memory_space<hbm>>
      tpu.wait_dma2 semaphore(%run_scoped3A : memref<!tpu.dma_semaphore, #tpu.memory_space<semaphore_mem>>) src(%dma_wait3A_38 : memref<1x10240xf32, #tpu.memory_space<hbm>>) dst(%arg5 : memref<1x10240xf32, #tpu.memory_space<vmem>>)
      tpu.yield
    }) : () -> ()
    %scan3A = arith.constant 0 : i32
    %scan3A_12 = arith.constant 0 : i32
    %scan3A_13 = arith.constant 640 : i32
    %scan3A_14 = arith.addi %scan3A_12, %scan3A_13 : i32
    %scan3A_15 = arith.constant 1 : i32
    scf.for %scan3A_32 = %scan3A_12 to %scan3A_14 step %scan3A_15  : i32 {
      %broadcast_in_dim3A_33 = arith.constant 0.000000e+00 : f32
      %broadcast_in_dim3A_34 = vector.broadcast %broadcast_in_dim3A_33 : f32 to vector<16xf32>
      %mul3A_35 = arith.constant 16 : i32
      %mul3A_36 = arith.muli %scan3A_32, %mul3A_35 : i32
      %swap3A = arith.constant 0 : i32
      %swap3A_37 = arith.index_cast %swap3A : i32 to index
      %swap3A_38 = arith.index_cast %mul3A_36 : i32 to index
      %swap3A_39 = tpu.vector_load %arg6[%swap3A_37, %swap3A_38] {strides = array<i32>} : memref<1x10240xf32, #tpu.memory_space<vmem>>, vector<16xf32>,
      tpu.vector_store %arg6[%swap3A_37, %swap3A_38], %broadcast_in_dim3A_34 {strides = array<i32>} : memref<1x10240xf32, #tpu.memory_space<vmem>>, vector<16xf32>,
      %broadcast_in_dim3A_40 = arith.constant 0.000000e+00 : f32
      %broadcast_in_dim3A_41 = vector.broadcast %broadcast_in_dim3A_40 : f32 to vector<16xf32>
      %mul3A_42 = arith.constant 16 : i32
      %mul3A_43 = arith.muli %scan3A_32, %mul3A_42 : i32
      %swap3A_44 = arith.constant 0 : i32
      %swap3A_45 = arith.index_cast %swap3A_44 : i32 to index
      %swap3A_46 = arith.index_cast %mul3A_43 : i32 to index
      %swap3A_47 = tpu.vector_load %arg7[%swap3A_45, %swap3A_46] {strides = array<i32>} : memref<1x10240xf32, #tpu.memory_space<vmem>>, vector<16xf32>,
      tpu.vector_store %arg7[%swap3A_45, %swap3A_46], %broadcast_in_dim3A_41 {strides = array<i32>} : memref<1x10240xf32, #tpu.memory_space<vmem>>, vector<16xf32>,
      %broadcast_in_dim3A_48 = arith.constant 0.000000e+00 : f32
      %broadcast_in_dim3A_49 = vector.broadcast %broadcast_in_dim3A_48 : f32 to vector<16xf32>
      %mul3A_50 = arith.constant 16 : i32
      %mul3A_51 = arith.muli %scan3A_32, %mul3A_50 : i32
      %swap3A_52 = arith.constant 0 : i32
      %swap3A_53 = arith.index_cast %swap3A_52 : i32 to index
      %swap3A_54 = arith.index_cast %mul3A_51 : i32 to index
      %swap3A_55 = tpu.vector_load %arg8[%swap3A_53, %swap3A_54] {strides = array<i32>} : memref<1x10240xf32, #tpu.memory_space<vmem>>, vector<16xf32>,
      tpu.vector_store %arg8[%swap3A_53, %swap3A_54], %broadcast_in_dim3A_49 {strides = array<i32>} : memref<1x10240xf32, #tpu.memory_space<vmem>>, vector<16xf32>,
      %broadcast_in_dim3A_56 = arith.constant 0.000000e+00 : f32
      %broadcast_in_dim3A_57 = vector.broadcast %broadcast_in_dim3A_56 : f32 to vector<16xf32>
      %mul3A_58 = arith.constant 16 : i32
      %mul3A_59 = arith.muli %scan3A_32, %mul3A_58 : i32
      %swap3A_60 = arith.constant 0 : i32
      %swap3A_61 = arith.index_cast %swap3A_60 : i32 to index
      %swap3A_62 = arith.index_cast %mul3A_59 : i32 to index
      %swap3A_63 = tpu.vector_load %arg9[%swap3A_61, %swap3A_62] {strides = array<i32>} : memref<1x10240xf32, #tpu.memory_space<vmem>>, vector<16xf32>,
      tpu.vector_store %arg9[%swap3A_61, %swap3A_62], %broadcast_in_dim3A_57 {strides = array<i32>} : memref<1x10240xf32, #tpu.memory_space<vmem>>, vector<16xf32>,
      %broadcast_in_dim3A_64 = arith.constant 0.000000e+00 : f32
      %broadcast_in_dim3A_65 = vector.broadcast %broadcast_in_dim3A_64 : f32 to vector<16xf32>
      %mul3A_66 = arith.constant 16 : i32
      %mul3A_67 = arith.muli %scan3A_32, %mul3A_66 : i32
      %swap3A_68 = arith.constant 0 : i32
      %swap3A_69 = arith.index_cast %swap3A_68 : i32 to index
      %swap3A_70 = arith.index_cast %mul3A_67 : i32 to index
      %swap3A_71 = tpu.vector_load %arg10[%swap3A_69, %swap3A_70] {strides = array<i32>} : memref<1x10240xf32, #tpu.memory_space<vmem>>, vector<16xf32>,
      tpu.vector_store %arg10[%swap3A_69, %swap3A_70], %broadcast_in_dim3A_65 {strides = array<i32>} : memref<1x10240xf32, #tpu.memory_space<vmem>>, vector<16xf32>,
      %broadcast_in_dim3A_72 = arith.constant 0.000000e+00 : f32
      %broadcast_in_dim3A_73 = vector.broadcast %broadcast_in_dim3A_72 : f32 to vector<16xf32>
      %mul3A_74 = arith.constant 16 : i32
      %mul3A_75 = arith.muli %scan3A_32, %mul3A_74 : i32
      %swap3A_76 = arith.constant 0 : i32
      %swap3A_77 = arith.index_cast %swap3A_76 : i32 to index
      %swap3A_78 = arith.index_cast %mul3A_75 : i32 to index
      %swap3A_79 = tpu.vector_load %arg11[%swap3A_77, %swap3A_78] {strides = array<i32>} : memref<1x10240xf32, #tpu.memory_space<vmem>>, vector<16xf32>,
      tpu.vector_store %arg11[%swap3A_77, %swap3A_78], %broadcast_in_dim3A_73 {strides = array<i32>} : memref<1x10240xf32, #tpu.memory_space<vmem>>, vector<16xf32>,
      %broadcast_in_dim3A_80 = arith.constant 0.000000e+00 : f32
      %broadcast_in_dim3A_81 = vector.broadcast %broadcast_in_dim3A_80 : f32 to vector<16xf32>
      %mul3A_82 = arith.constant 16 : i32
      %mul3A_83 = arith.muli %scan3A_32, %mul3A_82 : i32
      %swap3A_84 = arith.constant 0 : i32
      %swap3A_85 = arith.index_cast %swap3A_84 : i32 to index
      %swap3A_86 = arith.index_cast %mul3A_83 : i32 to index
      %swap3A_87 = tpu.vector_load %arg12[%swap3A_85, %swap3A_86] {strides = array<i32>} : memref<1x10240xf32, #tpu.memory_space<vmem>>, vector<16xf32>,
      tpu.vector_store %arg12[%swap3A_85, %swap3A_86], %broadcast_in_dim3A_81 {strides = array<i32>} : memref<1x10240xf32, #tpu.memory_space<vmem>>, vector<16xf32>,
      %broadcast_in_dim3A_88 = arith.constant 0.000000e+00 : f32
      %broadcast_in_dim3A_89 = vector.broadcast %broadcast_in_dim3A_88 : f32 to vector<16xf32>
      %mul3A_90 = arith.constant 16 : i32
      %mul3A_91 = arith.muli %scan3A_32, %mul3A_90 : i32
      %swap3A_92 = arith.constant 0 : i32
      %swap3A_93 = arith.index_cast %swap3A_92 : i32 to index
      %swap3A_94 = arith.index_cast %mul3A_91 : i32 to index
      %swap3A_95 = tpu.vector_load %arg13[%swap3A_93, %swap3A_94] {strides = array<i32>} : memref<1x10240xf32, #tpu.memory_space<vmem>>, vector<16xf32>,
      tpu.vector_store %arg13[%swap3A_93, %swap3A_94], %broadcast_in_dim3A_89 {strides = array<i32>} : memref<1x10240xf32, #tpu.memory_space<vmem>>, vector<16xf32>,
      %broadcast_in_dim3A_96 = arith.constant 0.000000e+00 : f32
      %broadcast_in_dim3A_97 = vector.broadcast %broadcast_in_dim3A_96 : f32 to vector<16xf32>
      %mul3A_98 = arith.constant 16 : i32
      %mul3A_99 = arith.muli %scan3A_32, %mul3A_98 : i32
      %swap3A_100 = arith.constant 0 : i32
      %swap3A_101 = arith.index_cast %swap3A_100 : i32 to index
      %swap3A_102 = arith.index_cast %mul3A_99 : i32 to index
      %swap3A_103 = tpu.vector_load %arg14[%swap3A_101, %swap3A_102] {strides = array<i32>} : memref<1x10240xf32, #tpu.memory_space<vmem>>, vector<16xf32>,
      tpu.vector_store %arg14[%swap3A_101, %swap3A_102], %broadcast_in_dim3A_97 {strides = array<i32>} : memref<1x10240xf32, #tpu.memory_space<vmem>>, vector<16xf32>,
      %broadcast_in_dim3A_104 = arith.constant 0.000000e+00 : f32
      %broadcast_in_dim3A_105 = vector.broadcast %broadcast_in_dim3A_104 : f32 to vector<16xf32>
      %mul3A_106 = arith.constant 16 : i32
      %mul3A_107 = arith.muli %scan3A_32, %mul3A_106 : i32
      %swap3A_108 = arith.constant 0 : i32
      %swap3A_109 = arith.index_cast %swap3A_108 : i32 to index
      %swap3A_110 = arith.index_cast %mul3A_107 : i32 to index
      %swap3A_111 = tpu.vector_load %arg15[%swap3A_109, %swap3A_110] {strides = array<i32>} : memref<1x10240xf32, #tpu.memory_space<vmem>>, vector<16xf32>,
      tpu.vector_store %arg15[%swap3A_109, %swap3A_110], %broadcast_in_dim3A_105 {strides = array<i32>} : memref<1x10240xf32, #tpu.memory_space<vmem>>, vector<16xf32>,
    }
    %scan3A_16 = arith.constant 640 : i32
    %broadcast_in_dim3A = arith.constant 0 : i32
    %broadcast_in_dim3A_17 = vector.broadcast %broadcast_in_dim3A : i32 to vector<16xi32>
    %scan3A_18 = arith.constant 0 : i32
    %scan3A_19 = arith.constant 0 : i32
    %scan3A_20 = arith.constant 20 : i32
    %scan3A_21 = arith.addi %scan3A_19, %scan3A_20 : i32
    %scan3A_22 = arith.constant 1 : i32
    scf.for %scan3A_32 = %scan3A_19 to %scan3A_21 step %scan3A_22  : i32 {
      %mul3A_33 = arith.constant 2 : i32
      %mul3A_34 = arith.muli %mul3A_33, %scan3A_32 : i32
      %add3A_35 = arith.constant 0 : i32
      %add3A_36 = arith.addi %mul3A_34, %add3A_35 : i32
      %dma_wait3A = arith.constant 0 : i32
      %dma_wait3A_37 = tpu.memref_slice %arg3[%dma_wait3A] : memref<320000xi32, #tpu.memory_space<hbm>> -> memref<8000xi32, #tpu.memory_space<hbm>>
      %dma_wait3A_38 = arith.constant 0 : i32
      %dma_wait3A_39 = tpu.memref_slice %arg3[%dma_wait3A_38] : memref<320000xi32, #tpu.memory_space<hbm>> -> memref<8000xi32, #tpu.memory_space<hbm>>
      tpu.wait_dma2 semaphore(%arg19 : memref<!tpu.dma_semaphore, #tpu.memory_space<semaphore_mem>>) src(%dma_wait3A_39 : memref<8000xi32, #tpu.memory_space<hbm>>) dst(%arg16 : memref<8000xi32, #tpu.memory_space<vmem>>)
      %scan3A_40 = arith.constant 0 : i32
      %scan3A_41 = arith.constant 0 : i32
      %scan3A_42 = arith.constant 50 : i32
      %scan3A_43 = arith.addi %scan3A_41, %scan3A_42 : i32
      %scan3A_44 = arith.constant 1 : i32
      %scan3A_45 = scf.for %scan3A_92 = %scan3A_41 to %scan3A_43 step %scan3A_44 iter_args(%scan3A_93 = %scan3A_40) -> (i32)  : i32 {
        %mul3A_94 = arith.constant 10 : i32
        %mul3A_95 = arith.muli %scan3A_92, %mul3A_94 : i32
        %add3A_96 = arith.constant 0 : i32
        %add3A_97 = arith.addi %mul3A_95, %add3A_96 : i32
        %mul3A_98 = arith.constant 16 : i32
        %mul3A_99 = arith.muli %add3A_97, %mul3A_98 : i32
        %get3A = arith.index_cast %mul3A_99 : i32 to index
        %get3A_100 = tpu.vector_load %arg16[%get3A] {strides = array<i32>} : memref<8000xi32, #tpu.memory_space<vmem>>, vector<16xi32>,
        %and3A = arith.constant 16383 : i32
        %and3A_101 = vector.broadcast %and3A : i32 to vector<16xi32>
        %and3A_102 = arith.andi %get3A_100, %and3A_101 : vector<16xi32>
        %shift_right_logical3A = arith.constant 14 : i32
        %shift_right_logical3A_103 = vector.broadcast %shift_right_logical3A : i32 to vector<16xi32>
        %shift_right_logical3A_104 = arith.shrui %get3A_100, %shift_right_logical3A_103 : vector<16xi32>
        %mul3A_105 = arith.constant 10 : i32
        %mul3A_106 = arith.muli %scan3A_92, %mul3A_105 : i32
        %add3A_107 = arith.constant 1 : i32
        %add3A_108 = arith.addi %mul3A_106, %add3A_107 : i32
        %mul3A_109 = arith.constant 16 : i32
        %mul3A_110 = arith.muli %add3A_108, %mul3A_109 : i32
        %get3A_111 = arith.index_cast %mul3A_110 : i32 to index
        %get3A_112 = tpu.vector_load %arg16[%get3A_111] {strides = array<i32>} : memref<8000xi32, #tpu.memory_space<vmem>>, vector<16xi32>,
        %and3A_113 = arith.constant 16383 : i32
        %and3A_114 = vector.broadcast %and3A_113 : i32 to vector<16xi32>
        %and3A_115 = arith.andi %get3A_112, %and3A_114 : vector<16xi32>
        %shift_right_logical3A_116 = arith.constant 14 : i32
        %shift_right_logical3A_117 = vector.broadcast %shift_right_logical3A_116 : i32 to vector<16xi32>
        %shift_right_logical3A_118 = arith.shrui %get3A_112, %shift_right_logical3A_117 : vector<16xi32>
        %mul3A_119 = arith.constant 10 : i32
        %mul3A_120 = arith.muli %scan3A_92, %mul3A_119 : i32
        %add3A_121 = arith.constant 2 : i32
        %add3A_122 = arith.addi %mul3A_120, %add3A_121 : i32
        %mul3A_123 = arith.constant 16 : i32
        %mul3A_124 = arith.muli %add3A_122, %mul3A_123 : i32
        %get3A_125 = arith.index_cast %mul3A_124 : i32 to index
        %get3A_126 = tpu.vector_load %arg16[%get3A_125] {strides = array<i32>} : memref<8000xi32, #tpu.memory_space<vmem>>, vector<16xi32>,
        %and3A_127 = arith.constant 16383 : i32
        %and3A_128 = vector.broadcast %and3A_127 : i32 to vector<16xi32>
        %and3A_129 = arith.andi %get3A_126, %and3A_128 : vector<16xi32>
        %shift_right_logical3A_130 = arith.constant 14 : i32
        %shift_right_logical3A_131 = vector.broadcast %shift_right_logical3A_130 : i32 to vector<16xi32>
        %shift_right_logical3A_132 = arith.shrui %get3A_126, %shift_right_logical3A_131 : vector<16xi32>
        %mul3A_133 = arith.constant 10 : i32
        %mul3A_134 = arith.muli %scan3A_92, %mul3A_133 : i32
        %add3A_135 = arith.constant 3 : i32
        %add3A_136 = arith.addi %mul3A_134, %add3A_135 : i32
        %mul3A_137 = arith.constant 16 : i32
        %mul3A_138 = arith.muli %add3A_136, %mul3A_137 : i32
        %get3A_139 = arith.index_cast %mul3A_138 : i32 to index
        %get3A_140 = tpu.vector_load %arg16[%get3A_139] {strides = array<i32>} : memref<8000xi32, #tpu.memory_space<vmem>>, vector<16xi32>,
        %and3A_141 = arith.constant 16383 : i32
        %and3A_142 = vector.broadcast %and3A_141 : i32 to vector<16xi32>
        %and3A_143 = arith.andi %get3A_140, %and3A_142 : vector<16xi32>
        %shift_right_logical3A_144 = arith.constant 14 : i32
        %shift_right_logical3A_145 = vector.broadcast %shift_right_logical3A_144 : i32 to vector<16xi32>
        %shift_right_logical3A_146 = arith.shrui %get3A_140, %shift_right_logical3A_145 : vector<16xi32>
        %mul3A_147 = arith.constant 10 : i32
        %mul3A_148 = arith.muli %scan3A_92, %mul3A_147 : i32
        %add3A_149 = arith.constant 4 : i32
        %add3A_150 = arith.addi %mul3A_148, %add3A_149 : i32
        %mul3A_151 = arith.constant 16 : i32
        %mul3A_152 = arith.muli %add3A_150, %mul3A_151 : i32
        %get3A_153 = arith.index_cast %mul3A_152 : i32 to index
        %get3A_154 = tpu.vector_load %arg16[%get3A_153] {strides = array<i32>} : memref<8000xi32, #tpu.memory_space<vmem>>, vector<16xi32>,
        %and3A_155 = arith.constant 16383 : i32
        %and3A_156 = vector.broadcast %and3A_155 : i32 to vector<16xi32>
        %and3A_157 = arith.andi %get3A_154, %and3A_156 : vector<16xi32>
        %shift_right_logical3A_158 = arith.constant 14 : i32
        %shift_right_logical3A_159 = vector.broadcast %shift_right_logical3A_158 : i32 to vector<16xi32>
        %shift_right_logical3A_160 = arith.shrui %get3A_154, %shift_right_logical3A_159 : vector<16xi32>
        %mul3A_161 = arith.constant 10 : i32
        %mul3A_162 = arith.muli %scan3A_92, %mul3A_161 : i32
        %add3A_163 = arith.constant 5 : i32
        %add3A_164 = arith.addi %mul3A_162, %add3A_163 : i32
        %mul3A_165 = arith.constant 16 : i32
        %mul3A_166 = arith.muli %add3A_164, %mul3A_165 : i32
        %get3A_167 = arith.index_cast %mul3A_166 : i32 to index
        %get3A_168 = tpu.vector_load %arg16[%get3A_167] {strides = array<i32>} : memref<8000xi32, #tpu.memory_space<vmem>>, vector<16xi32>,
        %and3A_169 = arith.constant 16383 : i32
        %and3A_170 = vector.broadcast %and3A_169 : i32 to vector<16xi32>
        %and3A_171 = arith.andi %get3A_168, %and3A_170 : vector<16xi32>
        %shift_right_logical3A_172 = arith.constant 14 : i32
        %shift_right_logical3A_173 = vector.broadcast %shift_right_logical3A_172 : i32 to vector<16xi32>
        %shift_right_logical3A_174 = arith.shrui %get3A_168, %shift_right_logical3A_173 : vector<16xi32>
        %mul3A_175 = arith.constant 10 : i32
        %mul3A_176 = arith.muli %scan3A_92, %mul3A_175 : i32
        %add3A_177 = arith.constant 6 : i32
        %add3A_178 = arith.addi %mul3A_176, %add3A_177 : i32
        %mul3A_179 = arith.constant 16 : i32
        %mul3A_180 = arith.muli %add3A_178, %mul3A_179 : i32
        %get3A_181 = arith.index_cast %mul3A_180 : i32 to index
        %get3A_182 = tpu.vector_load %arg16[%get3A_181] {strides = array<i32>} : memref<8000xi32, #tpu.memory_space<vmem>>, vector<16xi32>,
        %and3A_183 = arith.constant 16383 : i32
        %and3A_184 = vector.broadcast %and3A_183 : i32 to vector<16xi32>
        %and3A_185 = arith.andi %get3A_182, %and3A_184 : vector<16xi32>
        %shift_right_logical3A_186 = arith.constant 14 : i32
        %shift_right_logical3A_187 = vector.broadcast %shift_right_logical3A_186 : i32 to vector<16xi32>
        %shift_right_logical3A_188 = arith.shrui %get3A_182, %shift_right_logical3A_187 : vector<16xi32>
        %mul3A_189 = arith.constant 10 : i32
        %mul3A_190 = arith.muli %scan3A_92, %mul3A_189 : i32
        %add3A_191 = arith.constant 7 : i32
        %add3A_192 = arith.addi %mul3A_190, %add3A_191 : i32
        %mul3A_193 = arith.constant 16 : i32
        %mul3A_194 = arith.muli %add3A_192, %mul3A_193 : i32
        %get3A_195 = arith.index_cast %mul3A_194 : i32 to index
        %get3A_196 = tpu.vector_load %arg16[%get3A_195] {strides = array<i32>} : memref<8000xi32, #tpu.memory_space<vmem>>, vector<16xi32>,
        %and3A_197 = arith.constant 16383 : i32
        %and3A_198 = vector.broadcast %and3A_197 : i32 to vector<16xi32>
        %and3A_199 = arith.andi %get3A_196, %and3A_198 : vector<16xi32>
        %shift_right_logical3A_200 = arith.constant 14 : i32
        %shift_right_logical3A_201 = vector.broadcast %shift_right_logical3A_200 : i32 to vector<16xi32>
        %shift_right_logical3A_202 = arith.shrui %get3A_196, %shift_right_logical3A_201 : vector<16xi32>
        %mul3A_203 = arith.constant 10 : i32
        %mul3A_204 = arith.muli %scan3A_92, %mul3A_203 : i32
        %add3A_205 = arith.constant 8 : i32
        %add3A_206 = arith.addi %mul3A_204, %add3A_205 : i32
        %mul3A_207 = arith.constant 16 : i32
        %mul3A_208 = arith.muli %add3A_206, %mul3A_207 : i32
        %get3A_209 = arith.index_cast %mul3A_208 : i32 to index
        %get3A_210 = tpu.vector_load %arg16[%get3A_209] {strides = array<i32>} : memref<8000xi32, #tpu.memory_space<vmem>>, vector<16xi32>,
        %and3A_211 = arith.constant 16383 : i32
        %and3A_212 = vector.broadcast %and3A_211 : i32 to vector<16xi32>
        %and3A_213 = arith.andi %get3A_210, %and3A_212 : vector<16xi32>
        %shift_right_logical3A_214 = arith.constant 14 : i32
        %shift_right_logical3A_215 = vector.broadcast %shift_right_logical3A_214 : i32 to vector<16xi32>
        %shift_right_logical3A_216 = arith.shrui %get3A_210, %shift_right_logical3A_215 : vector<16xi32>
        %mul3A_217 = arith.constant 10 : i32
        %mul3A_218 = arith.muli %scan3A_92, %mul3A_217 : i32
        %add3A_219 = arith.constant 9 : i32
        %add3A_220 = arith.addi %mul3A_218, %add3A_219 : i32
        %mul3A_221 = arith.constant 16 : i32
        %mul3A_222 = arith.muli %add3A_220, %mul3A_221 : i32
        %get3A_223 = arith.index_cast %mul3A_222 : i32 to index
        %get3A_224 = tpu.vector_load %arg16[%get3A_223] {strides = array<i32>} : memref<8000xi32, #tpu.memory_space<vmem>>, vector<16xi32>,
        %and3A_225 = arith.constant 16383 : i32
        %and3A_226 = vector.broadcast %and3A_225 : i32 to vector<16xi32>
        %and3A_227 = arith.andi %get3A_224, %and3A_226 : vector<16xi32>
        %shift_right_logical3A_228 = arith.constant 14 : i32
        %shift_right_logical3A_229 = vector.broadcast %shift_right_logical3A_228 : i32 to vector<16xi32>
        %shift_right_logical3A_230 = arith.shrui %get3A_224, %shift_right_logical3A_229 : vector<16xi32>
        %gather3A = tpu.vector_load_idx %arg5[%broadcast_in_dim3A_17, %and3A_102] : memref<1x10240xf32, #tpu.memory_space<vmem>>[vector<16xi32>, vector<16xi32>], vector<16xf32>,
        %gather3A_231 = tpu.vector_load_idx %arg5[%broadcast_in_dim3A_17, %and3A_115] : memref<1x10240xf32, #tpu.memory_space<vmem>>[vector<16xi32>, vector<16xi32>], vector<16xf32>,
        %gather3A_232 = tpu.vector_load_idx %arg5[%broadcast_in_dim3A_17, %and3A_129] : memref<1x10240xf32, #tpu.memory_space<vmem>>[vector<16xi32>, vector<16xi32>], vector<16xf32>,
        %gather3A_233 = tpu.vector_load_idx %arg5[%broadcast_in_dim3A_17, %and3A_143] : memref<1x10240xf32, #tpu.memory_space<vmem>>[vector<16xi32>, vector<16xi32>], vector<16xf32>,
        %gather3A_234 = tpu.vector_load_idx %arg5[%broadcast_in_dim3A_17, %and3A_157] : memref<1x10240xf32, #tpu.memory_space<vmem>>[vector<16xi32>, vector<16xi32>], vector<16xf32>,
        %gather3A_235 = tpu.vector_load_idx %arg5[%broadcast_in_dim3A_17, %and3A_171] : memref<1x10240xf32, #tpu.memory_space<vmem>>[vector<16xi32>, vector<16xi32>], vector<16xf32>,
        %gather3A_236 = tpu.vector_load_idx %arg5[%broadcast_in_dim3A_17, %and3A_185] : memref<1x10240xf32, #tpu.memory_space<vmem>>[vector<16xi32>, vector<16xi32>], vector<16xf32>,
        %gather3A_237 = tpu.vector_load_idx %arg5[%broadcast_in_dim3A_17, %and3A_199] : memref<1x10240xf32, #tpu.memory_space<vmem>>[vector<16xi32>, vector<16xi32>], vector<16xf32>,
        %gather3A_238 = tpu.vector_load_idx %arg5[%broadcast_in_dim3A_17, %and3A_213] : memref<1x10240xf32, #tpu.memory_space<vmem>>[vector<16xi32>, vector<16xi32>], vector<16xf32>,
        %gather3A_239 = tpu.vector_load_idx %arg5[%broadcast_in_dim3A_17, %and3A_227] : memref<1x10240xf32, #tpu.memory_space<vmem>>[vector<16xi32>, vector<16xi32>], vector<16xf32>,
        %gather3A_240 = tpu.vector_load_idx %arg6[%broadcast_in_dim3A_17, %shift_right_logical3A_104] : memref<1x10240xf32, #tpu.memory_space<vmem>>[vector<16xi32>, vector<16xi32>], vector<16xf32>,
        %gather3A_241 = tpu.vector_load_idx %arg7[%broadcast_in_dim3A_17, %shift_right_logical3A_118] : memref<1x10240xf32, #tpu.memory_space<vmem>>[vector<16xi32>, vector<16xi32>], vector<16xf32>,
        %gather3A_242 = tpu.vector_load_idx %arg8[%broadcast_in_dim3A_17, %shift_right_logical3A_132] : memref<1x10240xf32, #tpu.memory_space<vmem>>[vector<16xi32>, vector<16xi32>], vector<16xf32>,
        %gather3A_243 = tpu.vector_load_idx %arg9[%broadcast_in_dim3A_17, %shift_right_logical3A_146] : memref<1x10240xf32, #tpu.memory_space<vmem>>[vector<16xi32>, vector<16xi32>], vector<16xf32>,
        %gather3A_244 = tpu.vector_load_idx %arg10[%broadcast_in_dim3A_17, %shift_right_logical3A_160] : memref<1x10240xf32, #tpu.memory_space<vmem>>[vector<16xi32>, vector<16xi32>], vector<16xf32>,
        %gather3A_245 = tpu.vector_load_idx %arg11[%broadcast_in_dim3A_17, %shift_right_logical3A_174] : memref<1x10240xf32, #tpu.memory_space<vmem>>[vector<16xi32>, vector<16xi32>], vector<16xf32>,
        %gather3A_246 = tpu.vector_load_idx %arg12[%broadcast_in_dim3A_17, %shift_right_logical3A_188] : memref<1x10240xf32, #tpu.memory_space<vmem>>[vector<16xi32>, vector<16xi32>], vector<16xf32>,
        %gather3A_247 = tpu.vector_load_idx %arg13[%broadcast_in_dim3A_17, %shift_right_logical3A_202] : memref<1x10240xf32, #tpu.memory_space<vmem>>[vector<16xi32>, vector<16xi32>], vector<16xf32>,
        %gather3A_248 = tpu.vector_load_idx %arg14[%broadcast_in_dim3A_17, %shift_right_logical3A_216] : memref<1x10240xf32, #tpu.memory_space<vmem>>[vector<16xi32>, vector<16xi32>], vector<16xf32>,
        %gather3A_249 = tpu.vector_load_idx %arg15[%broadcast_in_dim3A_17, %shift_right_logical3A_230] : memref<1x10240xf32, #tpu.memory_space<vmem>>[vector<16xi32>, vector<16xi32>], vector<16xf32>,
        %gt3A = arith.cmpf ogt, %gather3A, %gather3A_240 : vector<16xf32>
        tpu.vector_store_idx %arg6[%broadcast_in_dim3A_17, %shift_right_logical3A_104], %gather3A masked %gt3A : memref<1x10240xf32, #tpu.memory_space<vmem>>[vector<16xi32>, vector<16xi32>], vector<16xf32>, vector<16xi1>
        %gt3A_250 = arith.cmpf ogt, %gather3A_231, %gather3A_241 : vector<16xf32>
        tpu.vector_store_idx %arg7[%broadcast_in_dim3A_17, %shift_right_logical3A_118], %gather3A_231 masked %gt3A_250 : memref<1x10240xf32, #tpu.memory_space<vmem>>[vector<16xi32>, vector<16xi32>], vector<16xf32>, vector<16xi1>
        %gt3A_251 = arith.cmpf ogt, %gather3A_232, %gather3A_242 : vector<16xf32>
        tpu.vector_store_idx %arg8[%broadcast_in_dim3A_17, %shift_right_logical3A_132], %gather3A_232 masked %gt3A_251 : memref<1x10240xf32, #tpu.memory_space<vmem>>[vector<16xi32>, vector<16xi32>], vector<16xf32>, vector<16xi1>
        %gt3A_252 = arith.cmpf ogt, %gather3A_233, %gather3A_243 : vector<16xf32>
        tpu.vector_store_idx %arg9[%broadcast_in_dim3A_17, %shift_right_logical3A_146], %gather3A_233 masked %gt3A_252 : memref<1x10240xf32, #tpu.memory_space<vmem>>[vector<16xi32>, vector<16xi32>], vector<16xf32>, vector<16xi1>
        %gt3A_253 = arith.cmpf ogt, %gather3A_234, %gather3A_244 : vector<16xf32>
        tpu.vector_store_idx %arg10[%broadcast_in_dim3A_17, %shift_right_logical3A_160], %gather3A_234 masked %gt3A_253 : memref<1x10240xf32, #tpu.memory_space<vmem>>[vector<16xi32>, vector<16xi32>], vector<16xf32>, vector<16xi1>
        %gt3A_254 = arith.cmpf ogt, %gather3A_235, %gather3A_245 : vector<16xf32>
        tpu.vector_store_idx %arg11[%broadcast_in_dim3A_17, %shift_right_logical3A_174], %gather3A_235 masked %gt3A_254 : memref<1x10240xf32, #tpu.memory_space<vmem>>[vector<16xi32>, vector<16xi32>], vector<16xf32>, vector<16xi1>
        %gt3A_255 = arith.cmpf ogt, %gather3A_236, %gather3A_246 : vector<16xf32>
        tpu.vector_store_idx %arg12[%broadcast_in_dim3A_17, %shift_right_logical3A_188], %gather3A_236 masked %gt3A_255 : memref<1x10240xf32, #tpu.memory_space<vmem>>[vector<16xi32>, vector<16xi32>], vector<16xf32>, vector<16xi1>
        %gt3A_256 = arith.cmpf ogt, %gather3A_237, %gather3A_247 : vector<16xf32>
        tpu.vector_store_idx %arg13[%broadcast_in_dim3A_17, %shift_right_logical3A_202], %gather3A_237 masked %gt3A_256 : memref<1x10240xf32, #tpu.memory_space<vmem>>[vector<16xi32>, vector<16xi32>], vector<16xf32>, vector<16xi1>
        %gt3A_257 = arith.cmpf ogt, %gather3A_238, %gather3A_248 : vector<16xf32>
        tpu.vector_store_idx %arg14[%broadcast_in_dim3A_17, %shift_right_logical3A_216], %gather3A_238 masked %gt3A_257 : memref<1x10240xf32, #tpu.memory_space<vmem>>[vector<16xi32>, vector<16xi32>], vector<16xf32>, vector<16xi1>
        %gt3A_258 = arith.cmpf ogt, %gather3A_239, %gather3A_249 : vector<16xf32>
        tpu.vector_store_idx %arg15[%broadcast_in_dim3A_17, %shift_right_logical3A_230], %gather3A_239 masked %gt3A_258 : memref<1x10240xf32, #tpu.memory_space<vmem>>[vector<16xi32>, vector<16xi32>], vector<16xf32>, vector<16xi1>
        %gather3A_259 = tpu.vector_load_idx %arg6[%broadcast_in_dim3A_17, %shift_right_logical3A_104] : memref<1x10240xf32, #tpu.memory_space<vmem>>[vector<16xi32>, vector<16xi32>], vector<16xf32>,
        %gather3A_260 = tpu.vector_load_idx %arg7[%broadcast_in_dim3A_17, %shift_right_logical3A_118] : memref<1x10240xf32, #tpu.memory_space<vmem>>[vector<16xi32>, vector<16xi32>], vector<16xf32>,
        %gather3A_261 = tpu.vector_load_idx %arg8[%broadcast_in_dim3A_17, %shift_right_logical3A_132] : memref<1x10240xf32, #tpu.memory_space<vmem>>[vector<16xi32>, vector<16xi32>], vector<16xf32>,
        %gather3A_262 = tpu.vector_load_idx %arg9[%broadcast_in_dim3A_17, %shift_right_logical3A_146] : memref<1x10240xf32, #tpu.memory_space<vmem>>[vector<16xi32>, vector<16xi32>], vector<16xf32>,
        %gather3A_263 = tpu.vector_load_idx %arg10[%broadcast_in_dim3A_17, %shift_right_logical3A_160] : memref<1x10240xf32, #tpu.memory_space<vmem>>[vector<16xi32>, vector<16xi32>], vector<16xf32>,
        %gather3A_264 = tpu.vector_load_idx %arg11[%broadcast_in_dim3A_17, %shift_right_logical3A_174] : memref<1x10240xf32, #tpu.memory_space<vmem>>[vector<16xi32>, vector<16xi32>], vector<16xf32>,
        %gather3A_265 = tpu.vector_load_idx %arg12[%broadcast_in_dim3A_17, %shift_right_logical3A_188] : memref<1x10240xf32, #tpu.memory_space<vmem>>[vector<16xi32>, vector<16xi32>], vector<16xf32>,
        %gather3A_266 = tpu.vector_load_idx %arg13[%broadcast_in_dim3A_17, %shift_right_logical3A_202] : memref<1x10240xf32, #tpu.memory_space<vmem>>[vector<16xi32>, vector<16xi32>], vector<16xf32>,
        %gather3A_267 = tpu.vector_load_idx %arg14[%broadcast_in_dim3A_17, %shift_right_logical3A_216] : memref<1x10240xf32, #tpu.memory_space<vmem>>[vector<16xi32>, vector<16xi32>], vector<16xf32>,
        %gather3A_268 = tpu.vector_load_idx %arg15[%broadcast_in_dim3A_17, %shift_right_logical3A_230] : memref<1x10240xf32, #tpu.memory_space<vmem>>[vector<16xi32>, vector<16xi32>], vector<16xf32>,
        %gt3A_269 = arith.cmpf ogt, %gather3A, %gather3A_259 : vector<16xf32>
        %gt3A_270 = arith.cmpf ogt, %gather3A_231, %gather3A_260 : vector<16xf32>
        %gt3A_271 = arith.cmpf ogt, %gather3A_232, %gather3A_261 : vector<16xf32>
        %gt3A_272 = arith.cmpf ogt, %gather3A_233, %gather3A_262 : vector<16xf32>
        %gt3A_273 = arith.cmpf ogt, %gather3A_234, %gather3A_263 : vector<16xf32>
        %gt3A_274 = arith.cmpf ogt, %gather3A_235, %gather3A_264 : vector<16xf32>
        %gt3A_275 = arith.cmpf ogt, %gather3A_236, %gather3A_265 : vector<16xf32>
        %gt3A_276 = arith.cmpf ogt, %gather3A_237, %gather3A_266 : vector<16xf32>
        %gt3A_277 = arith.cmpf ogt, %gather3A_238, %gather3A_267 : vector<16xf32>
        %gt3A_278 = arith.cmpf ogt, %gather3A_239, %gather3A_268 : vector<16xf32>
        %all_reduce_population_count3A = tpu.all_reduce %gt3A_269 {dim = 0 : i64, kind = #tpu.reduction_kind<sum>} : vector<16xi1> -> vector<16xi32>
        %slice3A = vector.extract_strided_slice %all_reduce_population_count3A {offsets = [0], sizes = [1], strides = [1]} : vector<16xi32> to vector<1xi32>
        %squeeze3A = vector.extract %slice3A[0] : i32 from vector<1xi32>
        %mul3A_279 = arith.constant 10 : i32
        %mul3A_280 = arith.muli %scan3A_92, %mul3A_279 : i32
        %add3A_281 = arith.constant 0 : i32
        %add3A_282 = arith.addi %mul3A_280, %add3A_281 : i32
        %swap3A = arith.index_cast %scan3A_93 : i32 to index
        %swap3A_283 = memref.load %arg18[%swap3A] : memref<500xi32, #tpu.memory_space<smem>>
        memref.store %add3A_282, %arg18[%swap3A] : memref<500xi32, #tpu.memory_space<smem>>
        %gt3A_284 = arith.constant 0 : i32
        %gt3A_285 = arith.cmpi sgt, %squeeze3A, %gt3A_284 : i32
        %convert_element_type3A_286 = arith.extui %gt3A_285 : i1 to i32
        %add3A_287 = arith.addi %scan3A_93, %convert_element_type3A_286 : i32
        %all_reduce_population_count3A_288 = tpu.all_reduce %gt3A_270 {dim = 0 : i64, kind = #tpu.reduction_kind<sum>} : vector<16xi1> -> vector<16xi32>
        %slice3A_289 = vector.extract_strided_slice %all_reduce_population_count3A_288 {offsets = [0], sizes = [1], strides = [1]} : vector<16xi32> to vector<1xi32>
        %squeeze3A_290 = vector.extract %slice3A_289[0] : i32 from vector<1xi32>
        %mul3A_291 = arith.constant 10 : i32
        %mul3A_292 = arith.muli %scan3A_92, %mul3A_291 : i32
        %add3A_293 = arith.constant 1 : i32
        %add3A_294 = arith.addi %mul3A_292, %add3A_293 : i32
        %swap3A_295 = arith.index_cast %add3A_287 : i32 to index
        %swap3A_296 = memref.load %arg18[%swap3A_295] : memref<500xi32, #tpu.memory_space<smem>>
        memref.store %add3A_294, %arg18[%swap3A_295] : memref<500xi32, #tpu.memory_space<smem>>
        %gt3A_297 = arith.constant 0 : i32
        %gt3A_298 = arith.cmpi sgt, %squeeze3A_290, %gt3A_297 : i32
        %convert_element_type3A_299 = arith.extui %gt3A_298 : i1 to i32
        %add3A_300 = arith.addi %add3A_287, %convert_element_type3A_299 : i32
        %all_reduce_population_count3A_301 = tpu.all_reduce %gt3A_271 {dim = 0 : i64, kind = #tpu.reduction_kind<sum>} : vector<16xi1> -> vector<16xi32>
        %slice3A_302 = vector.extract_strided_slice %all_reduce_population_count3A_301 {offsets = [0], sizes = [1], strides = [1]} : vector<16xi32> to vector<1xi32>
        %squeeze3A_303 = vector.extract %slice3A_302[0] : i32 from vector<1xi32>
        %mul3A_304 = arith.constant 10 : i32
        %mul3A_305 = arith.muli %scan3A_92, %mul3A_304 : i32
        %add3A_306 = arith.constant 2 : i32
        %add3A_307 = arith.addi %mul3A_305, %add3A_306 : i32
        %swap3A_308 = arith.index_cast %add3A_300 : i32 to index
        %swap3A_309 = memref.load %arg18[%swap3A_308] : memref<500xi32, #tpu.memory_space<smem>>
        memref.store %add3A_307, %arg18[%swap3A_308] : memref<500xi32, #tpu.memory_space<smem>>
        %gt3A_310 = arith.constant 0 : i32
        %gt3A_311 = arith.cmpi sgt, %squeeze3A_303, %gt3A_310 : i32
        %convert_element_type3A_312 = arith.extui %gt3A_311 : i1 to i32
        %add3A_313 = arith.addi %add3A_300, %convert_element_type3A_312 : i32
        %all_reduce_population_count3A_314 = tpu.all_reduce %gt3A_272 {dim = 0 : i64, kind = #tpu.reduction_kind<sum>} : vector<16xi1> -> vector<16xi32>
        %slice3A_315 = vector.extract_strided_slice %all_reduce_population_count3A_314 {offsets = [0], sizes = [1], strides = [1]} : vector<16xi32> to vector<1xi32>
        %squeeze3A_316 = vector.extract %slice3A_315[0] : i32 from vector<1xi32>
        %mul3A_317 = arith.constant 10 : i32
        %mul3A_318 = arith.muli %scan3A_92, %mul3A_317 : i32
        %add3A_319 = arith.constant 3 : i32
        %add3A_320 = arith.addi %mul3A_318, %add3A_319 : i32
        %swap3A_321 = arith.index_cast %add3A_313 : i32 to index
        %swap3A_322 = memref.load %arg18[%swap3A_321] : memref<500xi32, #tpu.memory_space<smem>>
        memref.store %add3A_320, %arg18[%swap3A_321] : memref<500xi32, #tpu.memory_space<smem>>
        %gt3A_323 = arith.constant 0 : i32
        %gt3A_324 = arith.cmpi sgt, %squeeze3A_316, %gt3A_323 : i32
        %convert_element_type3A_325 = arith.extui %gt3A_324 : i1 to i32
        %add3A_326 = arith.addi %add3A_313, %convert_element_type3A_325 : i32
        %all_reduce_population_count3A_327 = tpu.all_reduce %gt3A_273 {dim = 0 : i64, kind = #tpu.reduction_kind<sum>} : vector<16xi1> -> vector<16xi32>
        %slice3A_328 = vector.extract_strided_slice %all_reduce_population_count3A_327 {offsets = [0], sizes = [1], strides = [1]} : vector<16xi32> to vector<1xi32>
        %squeeze3A_329 = vector.extract %slice3A_328[0] : i32 from vector<1xi32>
        %mul3A_330 = arith.constant 10 : i32
        %mul3A_331 = arith.muli %scan3A_92, %mul3A_330 : i32
        %add3A_332 = arith.constant 4 : i32
        %add3A_333 = arith.addi %mul3A_331, %add3A_332 : i32
        %swap3A_334 = arith.index_cast %add3A_326 : i32 to index
        %swap3A_335 = memref.load %arg18[%swap3A_334] : memref<500xi32, #tpu.memory_space<smem>>
        memref.store %add3A_333, %arg18[%swap3A_334] : memref<500xi32, #tpu.memory_space<smem>>
        %gt3A_336 = arith.constant 0 : i32
        %gt3A_337 = arith.cmpi sgt, %squeeze3A_329, %gt3A_336 : i32
        %convert_element_type3A_338 = arith.extui %gt3A_337 : i1 to i32
        %add3A_339 = arith.addi %add3A_326, %convert_element_type3A_338 : i32
        %all_reduce_population_count3A_340 = tpu.all_reduce %gt3A_274 {dim = 0 : i64, kind = #tpu.reduction_kind<sum>} : vector<16xi1> -> vector<16xi32>
        %slice3A_341 = vector.extract_strided_slice %all_reduce_population_count3A_340 {offsets = [0], sizes = [1], strides = [1]} : vector<16xi32> to vector<1xi32>
        %squeeze3A_342 = vector.extract %slice3A_341[0] : i32 from vector<1xi32>
        %mul3A_343 = arith.constant 10 : i32
        %mul3A_344 = arith.muli %scan3A_92, %mul3A_343 : i32
        %add3A_345 = arith.constant 5 : i32
        %add3A_346 = arith.addi %mul3A_344, %add3A_345 : i32
        %swap3A_347 = arith.index_cast %add3A_339 : i32 to index
        %swap3A_348 = memref.load %arg18[%swap3A_347] : memref<500xi32, #tpu.memory_space<smem>>
        memref.store %add3A_346, %arg18[%swap3A_347] : memref<500xi32, #tpu.memory_space<smem>>
        %gt3A_349 = arith.constant 0 : i32
        %gt3A_350 = arith.cmpi sgt, %squeeze3A_342, %gt3A_349 : i32
        %convert_element_type3A_351 = arith.extui %gt3A_350 : i1 to i32
        %add3A_352 = arith.addi %add3A_339, %convert_element_type3A_351 : i32
        %all_reduce_population_count3A_353 = tpu.all_reduce %gt3A_275 {dim = 0 : i64, kind = #tpu.reduction_kind<sum>} : vector<16xi1> -> vector<16xi32>
        %slice3A_354 = vector.extract_strided_slice %all_reduce_population_count3A_353 {offsets = [0], sizes = [1], strides = [1]} : vector<16xi32> to vector<1xi32>
        %squeeze3A_355 = vector.extract %slice3A_354[0] : i32 from vector<1xi32>
        %mul3A_356 = arith.constant 10 : i32
        %mul3A_357 = arith.muli %scan3A_92, %mul3A_356 : i32
        %add3A_358 = arith.constant 6 : i32
        %add3A_359 = arith.addi %mul3A_357, %add3A_358 : i32
        %swap3A_360 = arith.index_cast %add3A_352 : i32 to index
        %swap3A_361 = memref.load %arg18[%swap3A_360] : memref<500xi32, #tpu.memory_space<smem>>
        memref.store %add3A_359, %arg18[%swap3A_360] : memref<500xi32, #tpu.memory_space<smem>>
        %gt3A_362 = arith.constant 0 : i32
        %gt3A_363 = arith.cmpi sgt, %squeeze3A_355, %gt3A_362 : i32
        %convert_element_type3A_364 = arith.extui %gt3A_363 : i1 to i32
        %add3A_365 = arith.addi %add3A_352, %convert_element_type3A_364 : i32
        %all_reduce_population_count3A_366 = tpu.all_reduce %gt3A_276 {dim = 0 : i64, kind = #tpu.reduction_kind<sum>} : vector<16xi1> -> vector<16xi32>
        %slice3A_367 = vector.extract_strided_slice %all_reduce_population_count3A_366 {offsets = [0], sizes = [1], strides = [1]} : vector<16xi32> to vector<1xi32>
        %squeeze3A_368 = vector.extract %slice3A_367[0] : i32 from vector<1xi32>
        %mul3A_369 = arith.constant 10 : i32
        %mul3A_370 = arith.muli %scan3A_92, %mul3A_369 : i32
        %add3A_371 = arith.constant 7 : i32
        %add3A_372 = arith.addi %mul3A_370, %add3A_371 : i32
        %swap3A_373 = arith.index_cast %add3A_365 : i32 to index
        %swap3A_374 = memref.load %arg18[%swap3A_373] : memref<500xi32, #tpu.memory_space<smem>>
        memref.store %add3A_372, %arg18[%swap3A_373] : memref<500xi32, #tpu.memory_space<smem>>
        %gt3A_375 = arith.constant 0 : i32
        %gt3A_376 = arith.cmpi sgt, %squeeze3A_368, %gt3A_375 : i32
        %convert_element_type3A_377 = arith.extui %gt3A_376 : i1 to i32
        %add3A_378 = arith.addi %add3A_365, %convert_element_type3A_377 : i32
        %all_reduce_population_count3A_379 = tpu.all_reduce %gt3A_277 {dim = 0 : i64, kind = #tpu.reduction_kind<sum>} : vector<16xi1> -> vector<16xi32>
        %slice3A_380 = vector.extract_strided_slice %all_reduce_population_count3A_379 {offsets = [0], sizes = [1], strides = [1]} : vector<16xi32> to vector<1xi32>
        %squeeze3A_381 = vector.extract %slice3A_380[0] : i32 from vector<1xi32>
        %mul3A_382 = arith.constant 10 : i32
        %mul3A_383 = arith.muli %scan3A_92, %mul3A_382 : i32
        %add3A_384 = arith.constant 8 : i32
        %add3A_385 = arith.addi %mul3A_383, %add3A_384 : i32
        %swap3A_386 = arith.index_cast %add3A_378 : i32 to index
        %swap3A_387 = memref.load %arg18[%swap3A_386] : memref<500xi32, #tpu.memory_space<smem>>
        memref.store %add3A_385, %arg18[%swap3A_386] : memref<500xi32, #tpu.memory_space<smem>>
        %gt3A_388 = arith.constant 0 : i32
        %gt3A_389 = arith.cmpi sgt, %squeeze3A_381, %gt3A_388 : i32
        %convert_element_type3A_390 = arith.extui %gt3A_389 : i1 to i32
        %add3A_391 = arith.addi %add3A_378, %convert_element_type3A_390 : i32
        %all_reduce_population_count3A_392 = tpu.all_reduce %gt3A_278 {dim = 0 : i64, kind = #tpu.reduction_kind<sum>} : vector<16xi1> -> vector<16xi32>
        %slice3A_393 = vector.extract_strided_slice %all_reduce_population_count3A_392 {offsets = [0], sizes = [1], strides = [1]} : vector<16xi32> to vector<1xi32>
        %squeeze3A_394 = vector.extract %slice3A_393[0] : i32 from vector<1xi32>
        %mul3A_395 = arith.constant 10 : i32
        %mul3A_396 = arith.muli %scan3A_92, %mul3A_395 : i32
        %add3A_397 = arith.constant 9 : i32
        %add3A_398 = arith.addi %mul3A_396, %add3A_397 : i32
        %swap3A_399 = arith.index_cast %add3A_391 : i32 to index
        %swap3A_400 = memref.load %arg18[%swap3A_399] : memref<500xi32, #tpu.memory_space<smem>>
        memref.store %add3A_398, %arg18[%swap3A_399] : memref<500xi32, #tpu.memory_space<smem>>
        %gt3A_401 = arith.constant 0 : i32
        %gt3A_402 = arith.cmpi sgt, %squeeze3A_394, %gt3A_401 : i32
        %convert_element_type3A_403 = arith.extui %gt3A_402 : i1 to i32
        %add3A_404 = arith.addi %add3A_391, %convert_element_type3A_403 : i32
        scf.yield %add3A_404 : i32
      }
      %scan3A_46 = arith.constant 50 : i32
      %while3A = arith.constant 0 : i32
      %while3A_47 = arith.constant 0 : i32
      %while3A_48 = arith.subi %scan3A_45, %while3A_47 : i32
      %while3A_49 = arith.addi %while3A_47, %while3A_48 : i32
      %while3A_50 = arith.constant 1 : i32
      %while3A_51 = arith.divsi %while3A_48, %while3A_50 : i32
      %while3A_52 = arith.muli %while3A_51, %while3A_50 : i32
      %while3A_53 = arith.addi %while3A_47, %while3A_52 : i32
      %while3A_54 = arith.constant 1 : i32
      scf.for %while3A_92 = %while3A_47 to %while3A_53 step %while3A_54  : i32 {
        %get3A = arith.index_cast %while3A_92 : i32 to index
        %get3A_93 = memref.load %arg18[%get3A] : memref<500xi32, #tpu.memory_space<smem>>
        %mul3A_94 = arith.constant 16 : i32
        %mul3A_95 = arith.muli %get3A_93, %mul3A_94 : i32
        %get3A_96 = arith.index_cast %mul3A_95 : i32 to index
        %get3A_97 = tpu.vector_load %arg16[%get3A_96] {strides = array<i32>} : memref<8000xi32, #tpu.memory_space<vmem>>, vector<16xi32>,
        %and3A = arith.constant 16383 : i32
        %and3A_98 = vector.broadcast %and3A : i32 to vector<16xi32>
        %and3A_99 = arith.andi %get3A_97, %and3A_98 : vector<16xi32>
        %shift_right_logical3A = arith.constant 14 : i32
        %shift_right_logical3A_100 = vector.broadcast %shift_right_logical3A : i32 to vector<16xi32>
        %shift_right_logical3A_101 = arith.shrui %get3A_97, %shift_right_logical3A_100 : vector<16xi32>
        %gather3A = tpu.vector_load_idx %arg5[%broadcast_in_dim3A_17, %and3A_99] : memref<1x10240xf32, #tpu.memory_space<vmem>>[vector<16xi32>, vector<16xi32>], vector<16xf32>,
        %gather3A_102 = tpu.vector_load_idx %arg6[%broadcast_in_dim3A_17, %shift_right_logical3A_101] : memref<1x10240xf32, #tpu.memory_space<vmem>>[vector<16xi32>, vector<16xi32>], vector<16xf32>,
        %while3A_103 = scf.while (%while3A_104 = %gather3A_102) : (vector<16xf32>) -> vector<16xf32> {
          %gt3A = arith.cmpf ogt, %gather3A, %while3A_104 : vector<16xf32>
          %reduce_or3A = arith.constant 1.000000e+00 : f32
          %reduce_or3A_105 = arith.constant 0.000000e+00 : f32
          %reduce_or3A_106 = vector.broadcast %reduce_or3A : f32 to vector<16xf32>
          %reduce_or3A_107 = vector.broadcast %reduce_or3A_105 : f32 to vector<16xf32>
          %reduce_or3A_108 = arith.select %gt3A, %reduce_or3A_106, %reduce_or3A_107 : vector<16xi1>, vector<16xf32>
          %reduce_or3A_109 = arith.constant true
          %reduce_or3A_110 = vector.broadcast %reduce_or3A_109 : i1 to vector<16xi1>
          %reduce_or3A_111 = tpu.scan <max>, %reduce_or3A_108 masked %reduce_or3A_110 : vector<16xf32>, vector<16xi1> -> vector<16xf32>
          %reduce_or3A_112 = vector.extract %reduce_or3A_111[15] : f32 from vector<16xf32>
          %reduce_or3A_113 = arith.constant 0.000000e+00 : f32
          %reduce_or3A_114 = arith.cmpf ogt, %reduce_or3A_112, %reduce_or3A_113 : f32
          scf.condition(%reduce_or3A_114) %while3A_104 : vector<16xf32>
        } do {
        ^bb0(%while3A_104: vector<16xf32>):
          %gt3A = arith.cmpf ogt, %gather3A, %while3A_104 : vector<16xf32>
          tpu.vector_store_idx %arg6[%broadcast_in_dim3A_17, %shift_right_logical3A_101], %gather3A masked %gt3A : memref<1x10240xf32, #tpu.memory_space<vmem>>[vector<16xi32>, vector<16xi32>], vector<16xf32>, vector<16xi1>
          %gather3A_105 = tpu.vector_load_idx %arg6[%broadcast_in_dim3A_17, %shift_right_logical3A_101] : memref<1x10240xf32, #tpu.memory_space<vmem>>[vector<16xi32>, vector<16xi32>], vector<16xf32>,
          scf.yield %gather3A_105 : vector<16xf32>
        }
      }
      %while3A_55 = arith.constant 1 : i32
      scf.for %while3A_92 = %while3A_53 to %while3A_49 step %while3A_55  : i32 {
        %get3A = arith.index_cast %while3A_92 : i32 to index
        %get3A_93 = memref.load %arg18[%get3A] : memref<500xi32, #tpu.memory_space<smem>>
        %mul3A_94 = arith.constant 16 : i32
        %mul3A_95 = arith.muli %get3A_93, %mul3A_94 : i32
        %get3A_96 = arith.index_cast %mul3A_95 : i32 to index
        %get3A_97 = tpu.vector_load %arg16[%get3A_96] {strides = array<i32>} : memref<8000xi32, #tpu.memory_space<vmem>>, vector<16xi32>,
        %and3A = arith.constant 16383 : i32
        %and3A_98 = vector.broadcast %and3A : i32 to vector<16xi32>
        %and3A_99 = arith.andi %get3A_97, %and3A_98 : vector<16xi32>
        %shift_right_logical3A = arith.constant 14 : i32
        %shift_right_logical3A_100 = vector.broadcast %shift_right_logical3A : i32 to vector<16xi32>
        %shift_right_logical3A_101 = arith.shrui %get3A_97, %shift_right_logical3A_100 : vector<16xi32>
        %gather3A = tpu.vector_load_idx %arg5[%broadcast_in_dim3A_17, %and3A_99] : memref<1x10240xf32, #tpu.memory_space<vmem>>[vector<16xi32>, vector<16xi32>], vector<16xf32>,
        %gather3A_102 = tpu.vector_load_idx %arg6[%broadcast_in_dim3A_17, %shift_right_logical3A_101] : memref<1x10240xf32, #tpu.memory_space<vmem>>[vector<16xi32>, vector<16xi32>], vector<16xf32>,
        %while3A_103 = scf.while (%while3A_104 = %gather3A_102) : (vector<16xf32>) -> vector<16xf32> {
          %gt3A = arith.cmpf ogt, %gather3A, %while3A_104 : vector<16xf32>
          %reduce_or3A = arith.constant 1.000000e+00 : f32
          %reduce_or3A_105 = arith.constant 0.000000e+00 : f32
          %reduce_or3A_106 = vector.broadcast %reduce_or3A : f32 to vector<16xf32>
          %reduce_or3A_107 = vector.broadcast %reduce_or3A_105 : f32 to vector<16xf32>
          %reduce_or3A_108 = arith.select %gt3A, %reduce_or3A_106, %reduce_or3A_107 : vector<16xi1>, vector<16xf32>
          %reduce_or3A_109 = arith.constant true
          %reduce_or3A_110 = vector.broadcast %reduce_or3A_109 : i1 to vector<16xi1>
          %reduce_or3A_111 = tpu.scan <max>, %reduce_or3A_108 masked %reduce_or3A_110 : vector<16xf32>, vector<16xi1> -> vector<16xf32>
          %reduce_or3A_112 = vector.extract %reduce_or3A_111[15] : f32 from vector<16xf32>
          %reduce_or3A_113 = arith.constant 0.000000e+00 : f32
          %reduce_or3A_114 = arith.cmpf ogt, %reduce_or3A_112, %reduce_or3A_113 : f32
          scf.condition(%reduce_or3A_114) %while3A_104 : vector<16xf32>
        } do {
        ^bb0(%while3A_104: vector<16xf32>):
          %gt3A = arith.cmpf ogt, %gather3A, %while3A_104 : vector<16xf32>
          tpu.vector_store_idx %arg6[%broadcast_in_dim3A_17, %shift_right_logical3A_101], %gather3A masked %gt3A : memref<1x10240xf32, #tpu.memory_space<vmem>>[vector<16xi32>, vector<16xi32>], vector<16xf32>, vector<16xi1>
          %gather3A_105 = tpu.vector_load_idx %arg6[%broadcast_in_dim3A_17, %shift_right_logical3A_101] : memref<1x10240xf32, #tpu.memory_space<vmem>>[vector<16xi32>, vector<16xi32>], vector<16xf32>,
          scf.yield %gather3A_105 : vector<16xf32>
        }
      }
      %add3A_56 = arith.constant 2 : i32
      %add3A_57 = arith.addi %add3A_36, %add3A_56 : i32
      %lt3A = arith.constant 40 : i32
      %lt3A_58 = arith.cmpi slt, %add3A_57, %lt3A : i32
      %convert_element_type3A = arith.extui %lt3A_58 : i1 to i32
      %cond3A = arith.constant 0 : i32
      %cond3A_59 = arith.cmpi ne, %convert_element_type3A, %cond3A : i32
      scf.if %cond3A_59 {
        %add3A_92 = arith.constant 2 : i32
        %add3A_93 = arith.addi %add3A_36, %add3A_92 : i32
        %mul3A_94 = arith.constant 8000 : i32
        %mul3A_95 = arith.muli %add3A_93, %mul3A_94 : i32
        %dma_start3A_96 = tpu.memref_slice %arg3[%mul3A_95] : memref<320000xi32, #tpu.memory_space<hbm>> -> memref<8000xi32, #tpu.memory_space<hbm>>
        %dma_start3A_97 = tpu.memref_slice %arg3[%mul3A_95] : memref<320000xi32, #tpu.memory_space<hbm>> -> memref<8000xi32, #tpu.memory_space<hbm>>
        tpu.enqueue_dma source(%dma_start3A_97 : memref<8000xi32, #tpu.memory_space<hbm>>) target(%arg16 : memref<8000xi32, #tpu.memory_space<vmem>>) target_semaphore(%arg19 : memref<!tpu.dma_semaphore, #tpu.memory_space<semaphore_mem>>)
      } else {
      }
      %mul3A_60 = arith.constant 2 : i32
      %mul3A_61 = arith.muli %mul3A_60, %scan3A_32 : i32
      %add3A_62 = arith.constant 1 : i32
      %add3A_63 = arith.addi %mul3A_61, %add3A_62 : i32
      %dma_wait3A_64 = arith.constant 0 : i32
      %dma_wait3A_65 = tpu.memref_slice %arg3[%dma_wait3A_64] : memref<320000xi32, #tpu.memory_space<hbm>> -> memref<8000xi32, #tpu.memory_space<hbm>>
      %dma_wait3A_66 = arith.constant 0 : i32
      %dma_wait3A_67 = tpu.memref_slice %arg3[%dma_wait3A_66] : memref<320000xi32, #tpu.memory_space<hbm>> -> memref<8000xi32, #tpu.memory_space<hbm>>
      tpu.wait_dma2 semaphore(%arg20 : memref<!tpu.dma_semaphore, #tpu.memory_space<semaphore_mem>>) src(%dma_wait3A_67 : memref<8000xi32, #tpu.memory_space<hbm>>) dst(%arg17 : memref<8000xi32, #tpu.memory_space<vmem>>)
      %scan3A_68 = arith.constant 0 : i32
      %scan3A_69 = arith.constant 0 : i32
      %scan3A_70 = arith.constant 50 : i32
      %scan3A_71 = arith.addi %scan3A_69, %scan3A_70 : i32
      %scan3A_72 = arith.constant 1 : i32
      %scan3A_73 = scf.for %scan3A_92 = %scan3A_69 to %scan3A_71 step %scan3A_72 iter_args(%scan3A_93 = %scan3A_68) -> (i32)  : i32 {
        %mul3A_94 = arith.constant 10 : i32
        %mul3A_95 = arith.muli %scan3A_92, %mul3A_94 : i32
        %add3A_96 = arith.constant 0 : i32
        %add3A_97 = arith.addi %mul3A_95, %add3A_96 : i32
        %mul3A_98 = arith.constant 16 : i32
        %mul3A_99 = arith.muli %add3A_97, %mul3A_98 : i32
        %get3A = arith.index_cast %mul3A_99 : i32 to index
        %get3A_100 = tpu.vector_load %arg17[%get3A] {strides = array<i32>} : memref<8000xi32, #tpu.memory_space<vmem>>, vector<16xi32>,
        %and3A = arith.constant 16383 : i32
        %and3A_101 = vector.broadcast %and3A : i32 to vector<16xi32>
        %and3A_102 = arith.andi %get3A_100, %and3A_101 : vector<16xi32>
        %shift_right_logical3A = arith.constant 14 : i32
        %shift_right_logical3A_103 = vector.broadcast %shift_right_logical3A : i32 to vector<16xi32>
        %shift_right_logical3A_104 = arith.shrui %get3A_100, %shift_right_logical3A_103 : vector<16xi32>
        %mul3A_105 = arith.constant 10 : i32
        %mul3A_106 = arith.muli %scan3A_92, %mul3A_105 : i32
        %add3A_107 = arith.constant 1 : i32
        %add3A_108 = arith.addi %mul3A_106, %add3A_107 : i32
        %mul3A_109 = arith.constant 16 : i32
        %mul3A_110 = arith.muli %add3A_108, %mul3A_109 : i32
        %get3A_111 = arith.index_cast %mul3A_110 : i32 to index
        %get3A_112 = tpu.vector_load %arg17[%get3A_111] {strides = array<i32>} : memref<8000xi32, #tpu.memory_space<vmem>>, vector<16xi32>,
        %and3A_113 = arith.constant 16383 : i32
        %and3A_114 = vector.broadcast %and3A_113 : i32 to vector<16xi32>
        %and3A_115 = arith.andi %get3A_112, %and3A_114 : vector<16xi32>
        %shift_right_logical3A_116 = arith.constant 14 : i32
        %shift_right_logical3A_117 = vector.broadcast %shift_right_logical3A_116 : i32 to vector<16xi32>
        %shift_right_logical3A_118 = arith.shrui %get3A_112, %shift_right_logical3A_117 : vector<16xi32>
        %mul3A_119 = arith.constant 10 : i32
        %mul3A_120 = arith.muli %scan3A_92, %mul3A_119 : i32
        %add3A_121 = arith.constant 2 : i32
        %add3A_122 = arith.addi %mul3A_120, %add3A_121 : i32
        %mul3A_123 = arith.constant 16 : i32
        %mul3A_124 = arith.muli %add3A_122, %mul3A_123 : i32
        %get3A_125 = arith.index_cast %mul3A_124 : i32 to index
        %get3A_126 = tpu.vector_load %arg17[%get3A_125] {strides = array<i32>} : memref<8000xi32, #tpu.memory_space<vmem>>, vector<16xi32>,
        %and3A_127 = arith.constant 16383 : i32
        %and3A_128 = vector.broadcast %and3A_127 : i32 to vector<16xi32>
        %and3A_129 = arith.andi %get3A_126, %and3A_128 : vector<16xi32>
        %shift_right_logical3A_130 = arith.constant 14 : i32
        %shift_right_logical3A_131 = vector.broadcast %shift_right_logical3A_130 : i32 to vector<16xi32>
        %shift_right_logical3A_132 = arith.shrui %get3A_126, %shift_right_logical3A_131 : vector<16xi32>
        %mul3A_133 = arith.constant 10 : i32
        %mul3A_134 = arith.muli %scan3A_92, %mul3A_133 : i32
        %add3A_135 = arith.constant 3 : i32
        %add3A_136 = arith.addi %mul3A_134, %add3A_135 : i32
        %mul3A_137 = arith.constant 16 : i32
        %mul3A_138 = arith.muli %add3A_136, %mul3A_137 : i32
        %get3A_139 = arith.index_cast %mul3A_138 : i32 to index
        %get3A_140 = tpu.vector_load %arg17[%get3A_139] {strides = array<i32>} : memref<8000xi32, #tpu.memory_space<vmem>>, vector<16xi32>,
        %and3A_141 = arith.constant 16383 : i32
        %and3A_142 = vector.broadcast %and3A_141 : i32 to vector<16xi32>
        %and3A_143 = arith.andi %get3A_140, %and3A_142 : vector<16xi32>
        %shift_right_logical3A_144 = arith.constant 14 : i32
        %shift_right_logical3A_145 = vector.broadcast %shift_right_logical3A_144 : i32 to vector<16xi32>
        %shift_right_logical3A_146 = arith.shrui %get3A_140, %shift_right_logical3A_145 : vector<16xi32>
        %mul3A_147 = arith.constant 10 : i32
        %mul3A_148 = arith.muli %scan3A_92, %mul3A_147 : i32
        %add3A_149 = arith.constant 4 : i32
        %add3A_150 = arith.addi %mul3A_148, %add3A_149 : i32
        %mul3A_151 = arith.constant 16 : i32
        %mul3A_152 = arith.muli %add3A_150, %mul3A_151 : i32
        %get3A_153 = arith.index_cast %mul3A_152 : i32 to index
        %get3A_154 = tpu.vector_load %arg17[%get3A_153] {strides = array<i32>} : memref<8000xi32, #tpu.memory_space<vmem>>, vector<16xi32>,
        %and3A_155 = arith.constant 16383 : i32
        %and3A_156 = vector.broadcast %and3A_155 : i32 to vector<16xi32>
        %and3A_157 = arith.andi %get3A_154, %and3A_156 : vector<16xi32>
        %shift_right_logical3A_158 = arith.constant 14 : i32
        %shift_right_logical3A_159 = vector.broadcast %shift_right_logical3A_158 : i32 to vector<16xi32>
        %shift_right_logical3A_160 = arith.shrui %get3A_154, %shift_right_logical3A_159 : vector<16xi32>
        %mul3A_161 = arith.constant 10 : i32
        %mul3A_162 = arith.muli %scan3A_92, %mul3A_161 : i32
        %add3A_163 = arith.constant 5 : i32
        %add3A_164 = arith.addi %mul3A_162, %add3A_163 : i32
        %mul3A_165 = arith.constant 16 : i32
        %mul3A_166 = arith.muli %add3A_164, %mul3A_165 : i32
        %get3A_167 = arith.index_cast %mul3A_166 : i32 to index
        %get3A_168 = tpu.vector_load %arg17[%get3A_167] {strides = array<i32>} : memref<8000xi32, #tpu.memory_space<vmem>>, vector<16xi32>,
        %and3A_169 = arith.constant 16383 : i32
        %and3A_170 = vector.broadcast %and3A_169 : i32 to vector<16xi32>
        %and3A_171 = arith.andi %get3A_168, %and3A_170 : vector<16xi32>
        %shift_right_logical3A_172 = arith.constant 14 : i32
        %shift_right_logical3A_173 = vector.broadcast %shift_right_logical3A_172 : i32 to vector<16xi32>
        %shift_right_logical3A_174 = arith.shrui %get3A_168, %shift_right_logical3A_173 : vector<16xi32>
        %mul3A_175 = arith.constant 10 : i32
        %mul3A_176 = arith.muli %scan3A_92, %mul3A_175 : i32
        %add3A_177 = arith.constant 6 : i32
        %add3A_178 = arith.addi %mul3A_176, %add3A_177 : i32
        %mul3A_179 = arith.constant 16 : i32
        %mul3A_180 = arith.muli %add3A_178, %mul3A_179 : i32
        %get3A_181 = arith.index_cast %mul3A_180 : i32 to index
        %get3A_182 = tpu.vector_load %arg17[%get3A_181] {strides = array<i32>} : memref<8000xi32, #tpu.memory_space<vmem>>, vector<16xi32>,
        %and3A_183 = arith.constant 16383 : i32
        %and3A_184 = vector.broadcast %and3A_183 : i32 to vector<16xi32>
        %and3A_185 = arith.andi %get3A_182, %and3A_184 : vector<16xi32>
        %shift_right_logical3A_186 = arith.constant 14 : i32
        %shift_right_logical3A_187 = vector.broadcast %shift_right_logical3A_186 : i32 to vector<16xi32>
        %shift_right_logical3A_188 = arith.shrui %get3A_182, %shift_right_logical3A_187 : vector<16xi32>
        %mul3A_189 = arith.constant 10 : i32
        %mul3A_190 = arith.muli %scan3A_92, %mul3A_189 : i32
        %add3A_191 = arith.constant 7 : i32
        %add3A_192 = arith.addi %mul3A_190, %add3A_191 : i32
        %mul3A_193 = arith.constant 16 : i32
        %mul3A_194 = arith.muli %add3A_192, %mul3A_193 : i32
        %get3A_195 = arith.index_cast %mul3A_194 : i32 to index
        %get3A_196 = tpu.vector_load %arg17[%get3A_195] {strides = array<i32>} : memref<8000xi32, #tpu.memory_space<vmem>>, vector<16xi32>,
        %and3A_197 = arith.constant 16383 : i32
        %and3A_198 = vector.broadcast %and3A_197 : i32 to vector<16xi32>
        %and3A_199 = arith.andi %get3A_196, %and3A_198 : vector<16xi32>
        %shift_right_logical3A_200 = arith.constant 14 : i32
        %shift_right_logical3A_201 = vector.broadcast %shift_right_logical3A_200 : i32 to vector<16xi32>
        %shift_right_logical3A_202 = arith.shrui %get3A_196, %shift_right_logical3A_201 : vector<16xi32>
        %mul3A_203 = arith.constant 10 : i32
        %mul3A_204 = arith.muli %scan3A_92, %mul3A_203 : i32
        %add3A_205 = arith.constant 8 : i32
        %add3A_206 = arith.addi %mul3A_204, %add3A_205 : i32
        %mul3A_207 = arith.constant 16 : i32
        %mul3A_208 = arith.muli %add3A_206, %mul3A_207 : i32
        %get3A_209 = arith.index_cast %mul3A_208 : i32 to index
        %get3A_210 = tpu.vector_load %arg17[%get3A_209] {strides = array<i32>} : memref<8000xi32, #tpu.memory_space<vmem>>, vector<16xi32>,
        %and3A_211 = arith.constant 16383 : i32
        %and3A_212 = vector.broadcast %and3A_211 : i32 to vector<16xi32>
        %and3A_213 = arith.andi %get3A_210, %and3A_212 : vector<16xi32>
        %shift_right_logical3A_214 = arith.constant 14 : i32
        %shift_right_logical3A_215 = vector.broadcast %shift_right_logical3A_214 : i32 to vector<16xi32>
        %shift_right_logical3A_216 = arith.shrui %get3A_210, %shift_right_logical3A_215 : vector<16xi32>
        %mul3A_217 = arith.constant 10 : i32
        %mul3A_218 = arith.muli %scan3A_92, %mul3A_217 : i32
        %add3A_219 = arith.constant 9 : i32
        %add3A_220 = arith.addi %mul3A_218, %add3A_219 : i32
        %mul3A_221 = arith.constant 16 : i32
        %mul3A_222 = arith.muli %add3A_220, %mul3A_221 : i32
        %get3A_223 = arith.index_cast %mul3A_222 : i32 to index
        %get3A_224 = tpu.vector_load %arg17[%get3A_223] {strides = array<i32>} : memref<8000xi32, #tpu.memory_space<vmem>>, vector<16xi32>,
        %and3A_225 = arith.constant 16383 : i32
        %and3A_226 = vector.broadcast %and3A_225 : i32 to vector<16xi32>
        %and3A_227 = arith.andi %get3A_224, %and3A_226 : vector<16xi32>
        %shift_right_logical3A_228 = arith.constant 14 : i32
        %shift_right_logical3A_229 = vector.broadcast %shift_right_logical3A_228 : i32 to vector<16xi32>
        %shift_right_logical3A_230 = arith.shrui %get3A_224, %shift_right_logical3A_229 : vector<16xi32>
        %gather3A = tpu.vector_load_idx %arg5[%broadcast_in_dim3A_17, %and3A_102] : memref<1x10240xf32, #tpu.memory_space<vmem>>[vector<16xi32>, vector<16xi32>], vector<16xf32>,
        %gather3A_231 = tpu.vector_load_idx %arg5[%broadcast_in_dim3A_17, %and3A_115] : memref<1x10240xf32, #tpu.memory_space<vmem>>[vector<16xi32>, vector<16xi32>], vector<16xf32>,
        %gather3A_232 = tpu.vector_load_idx %arg5[%broadcast_in_dim3A_17, %and3A_129] : memref<1x10240xf32, #tpu.memory_space<vmem>>[vector<16xi32>, vector<16xi32>], vector<16xf32>,
        %gather3A_233 = tpu.vector_load_idx %arg5[%broadcast_in_dim3A_17, %and3A_143] : memref<1x10240xf32, #tpu.memory_space<vmem>>[vector<16xi32>, vector<16xi32>], vector<16xf32>,
        %gather3A_234 = tpu.vector_load_idx %arg5[%broadcast_in_dim3A_17, %and3A_157] : memref<1x10240xf32, #tpu.memory_space<vmem>>[vector<16xi32>, vector<16xi32>], vector<16xf32>,
        %gather3A_235 = tpu.vector_load_idx %arg5[%broadcast_in_dim3A_17, %and3A_171] : memref<1x10240xf32, #tpu.memory_space<vmem>>[vector<16xi32>, vector<16xi32>], vector<16xf32>,
        %gather3A_236 = tpu.vector_load_idx %arg5[%broadcast_in_dim3A_17, %and3A_185] : memref<1x10240xf32, #tpu.memory_space<vmem>>[vector<16xi32>, vector<16xi32>], vector<16xf32>,
        %gather3A_237 = tpu.vector_load_idx %arg5[%broadcast_in_dim3A_17, %and3A_199] : memref<1x10240xf32, #tpu.memory_space<vmem>>[vector<16xi32>, vector<16xi32>], vector<16xf32>,
        %gather3A_238 = tpu.vector_load_idx %arg5[%broadcast_in_dim3A_17, %and3A_213] : memref<1x10240xf32, #tpu.memory_space<vmem>>[vector<16xi32>, vector<16xi32>], vector<16xf32>,
        %gather3A_239 = tpu.vector_load_idx %arg5[%broadcast_in_dim3A_17, %and3A_227] : memref<1x10240xf32, #tpu.memory_space<vmem>>[vector<16xi32>, vector<16xi32>], vector<16xf32>,
        %gather3A_240 = tpu.vector_load_idx %arg6[%broadcast_in_dim3A_17, %shift_right_logical3A_104] : memref<1x10240xf32, #tpu.memory_space<vmem>>[vector<16xi32>, vector<16xi32>], vector<16xf32>,
        %gather3A_241 = tpu.vector_load_idx %arg7[%broadcast_in_dim3A_17, %shift_right_logical3A_118] : memref<1x10240xf32, #tpu.memory_space<vmem>>[vector<16xi32>, vector<16xi32>], vector<16xf32>,
        %gather3A_242 = tpu.vector_load_idx %arg8[%broadcast_in_dim3A_17, %shift_right_logical3A_132] : memref<1x10240xf32, #tpu.memory_space<vmem>>[vector<16xi32>, vector<16xi32>], vector<16xf32>,
        %gather3A_243 = tpu.vector_load_idx %arg9[%broadcast_in_dim3A_17, %shift_right_logical3A_146] : memref<1x10240xf32, #tpu.memory_space<vmem>>[vector<16xi32>, vector<16xi32>], vector<16xf32>,
        %gather3A_244 = tpu.vector_load_idx %arg10[%broadcast_in_dim3A_17, %shift_right_logical3A_160] : memref<1x10240xf32, #tpu.memory_space<vmem>>[vector<16xi32>, vector<16xi32>], vector<16xf32>,
        %gather3A_245 = tpu.vector_load_idx %arg11[%broadcast_in_dim3A_17, %shift_right_logical3A_174] : memref<1x10240xf32, #tpu.memory_space<vmem>>[vector<16xi32>, vector<16xi32>], vector<16xf32>,
        %gather3A_246 = tpu.vector_load_idx %arg12[%broadcast_in_dim3A_17, %shift_right_logical3A_188] : memref<1x10240xf32, #tpu.memory_space<vmem>>[vector<16xi32>, vector<16xi32>], vector<16xf32>,
        %gather3A_247 = tpu.vector_load_idx %arg13[%broadcast_in_dim3A_17, %shift_right_logical3A_202] : memref<1x10240xf32, #tpu.memory_space<vmem>>[vector<16xi32>, vector<16xi32>], vector<16xf32>,
        %gather3A_248 = tpu.vector_load_idx %arg14[%broadcast_in_dim3A_17, %shift_right_logical3A_216] : memref<1x10240xf32, #tpu.memory_space<vmem>>[vector<16xi32>, vector<16xi32>], vector<16xf32>,
        %gather3A_249 = tpu.vector_load_idx %arg15[%broadcast_in_dim3A_17, %shift_right_logical3A_230] : memref<1x10240xf32, #tpu.memory_space<vmem>>[vector<16xi32>, vector<16xi32>], vector<16xf32>,
        %gt3A = arith.cmpf ogt, %gather3A, %gather3A_240 : vector<16xf32>
        tpu.vector_store_idx %arg6[%broadcast_in_dim3A_17, %shift_right_logical3A_104], %gather3A masked %gt3A : memref<1x10240xf32, #tpu.memory_space<vmem>>[vector<16xi32>, vector<16xi32>], vector<16xf32>, vector<16xi1>
        %gt3A_250 = arith.cmpf ogt, %gather3A_231, %gather3A_241 : vector<16xf32>
        tpu.vector_store_idx %arg7[%broadcast_in_dim3A_17, %shift_right_logical3A_118], %gather3A_231 masked %gt3A_250 : memref<1x10240xf32, #tpu.memory_space<vmem>>[vector<16xi32>, vector<16xi32>], vector<16xf32>, vector<16xi1>
        %gt3A_251 = arith.cmpf ogt, %gather3A_232, %gather3A_242 : vector<16xf32>
        tpu.vector_store_idx %arg8[%broadcast_in_dim3A_17, %shift_right_logical3A_132], %gather3A_232 masked %gt3A_251 : memref<1x10240xf32, #tpu.memory_space<vmem>>[vector<16xi32>, vector<16xi32>], vector<16xf32>, vector<16xi1>
        %gt3A_252 = arith.cmpf ogt, %gather3A_233, %gather3A_243 : vector<16xf32>
        tpu.vector_store_idx %arg9[%broadcast_in_dim3A_17, %shift_right_logical3A_146], %gather3A_233 masked %gt3A_252 : memref<1x10240xf32, #tpu.memory_space<vmem>>[vector<16xi32>, vector<16xi32>], vector<16xf32>, vector<16xi1>
        %gt3A_253 = arith.cmpf ogt, %gather3A_234, %gather3A_244 : vector<16xf32>
        tpu.vector_store_idx %arg10[%broadcast_in_dim3A_17, %shift_right_logical3A_160], %gather3A_234 masked %gt3A_253 : memref<1x10240xf32, #tpu.memory_space<vmem>>[vector<16xi32>, vector<16xi32>], vector<16xf32>, vector<16xi1>
        %gt3A_254 = arith.cmpf ogt, %gather3A_235, %gather3A_245 : vector<16xf32>
        tpu.vector_store_idx %arg11[%broadcast_in_dim3A_17, %shift_right_logical3A_174], %gather3A_235 masked %gt3A_254 : memref<1x10240xf32, #tpu.memory_space<vmem>>[vector<16xi32>, vector<16xi32>], vector<16xf32>, vector<16xi1>
        %gt3A_255 = arith.cmpf ogt, %gather3A_236, %gather3A_246 : vector<16xf32>
        tpu.vector_store_idx %arg12[%broadcast_in_dim3A_17, %shift_right_logical3A_188], %gather3A_236 masked %gt3A_255 : memref<1x10240xf32, #tpu.memory_space<vmem>>[vector<16xi32>, vector<16xi32>], vector<16xf32>, vector<16xi1>
        %gt3A_256 = arith.cmpf ogt, %gather3A_237, %gather3A_247 : vector<16xf32>
        tpu.vector_store_idx %arg13[%broadcast_in_dim3A_17, %shift_right_logical3A_202], %gather3A_237 masked %gt3A_256 : memref<1x10240xf32, #tpu.memory_space<vmem>>[vector<16xi32>, vector<16xi32>], vector<16xf32>, vector<16xi1>
        %gt3A_257 = arith.cmpf ogt, %gather3A_238, %gather3A_248 : vector<16xf32>
        tpu.vector_store_idx %arg14[%broadcast_in_dim3A_17, %shift_right_logical3A_216], %gather3A_238 masked %gt3A_257 : memref<1x10240xf32, #tpu.memory_space<vmem>>[vector<16xi32>, vector<16xi32>], vector<16xf32>, vector<16xi1>
        %gt3A_258 = arith.cmpf ogt, %gather3A_239, %gather3A_249 : vector<16xf32>
        tpu.vector_store_idx %arg15[%broadcast_in_dim3A_17, %shift_right_logical3A_230], %gather3A_239 masked %gt3A_258 : memref<1x10240xf32, #tpu.memory_space<vmem>>[vector<16xi32>, vector<16xi32>], vector<16xf32>, vector<16xi1>
        %gather3A_259 = tpu.vector_load_idx %arg6[%broadcast_in_dim3A_17, %shift_right_logical3A_104] : memref<1x10240xf32, #tpu.memory_space<vmem>>[vector<16xi32>, vector<16xi32>], vector<16xf32>,
        %gather3A_260 = tpu.vector_load_idx %arg7[%broadcast_in_dim3A_17, %shift_right_logical3A_118] : memref<1x10240xf32, #tpu.memory_space<vmem>>[vector<16xi32>, vector<16xi32>], vector<16xf32>,
        %gather3A_261 = tpu.vector_load_idx %arg8[%broadcast_in_dim3A_17, %shift_right_logical3A_132] : memref<1x10240xf32, #tpu.memory_space<vmem>>[vector<16xi32>, vector<16xi32>], vector<16xf32>,
        %gather3A_262 = tpu.vector_load_idx %arg9[%broadcast_in_dim3A_17, %shift_right_logical3A_146] : memref<1x10240xf32, #tpu.memory_space<vmem>>[vector<16xi32>, vector<16xi32>], vector<16xf32>,
        %gather3A_263 = tpu.vector_load_idx %arg10[%broadcast_in_dim3A_17, %shift_right_logical3A_160] : memref<1x10240xf32, #tpu.memory_space<vmem>>[vector<16xi32>, vector<16xi32>], vector<16xf32>,
        %gather3A_264 = tpu.vector_load_idx %arg11[%broadcast_in_dim3A_17, %shift_right_logical3A_174] : memref<1x10240xf32, #tpu.memory_space<vmem>>[vector<16xi32>, vector<16xi32>], vector<16xf32>,
        %gather3A_265 = tpu.vector_load_idx %arg12[%broadcast_in_dim3A_17, %shift_right_logical3A_188] : memref<1x10240xf32, #tpu.memory_space<vmem>>[vector<16xi32>, vector<16xi32>], vector<16xf32>,
        %gather3A_266 = tpu.vector_load_idx %arg13[%broadcast_in_dim3A_17, %shift_right_logical3A_202] : memref<1x10240xf32, #tpu.memory_space<vmem>>[vector<16xi32>, vector<16xi32>], vector<16xf32>,
        %gather3A_267 = tpu.vector_load_idx %arg14[%broadcast_in_dim3A_17, %shift_right_logical3A_216] : memref<1x10240xf32, #tpu.memory_space<vmem>>[vector<16xi32>, vector<16xi32>], vector<16xf32>,
        %gather3A_268 = tpu.vector_load_idx %arg15[%broadcast_in_dim3A_17, %shift_right_logical3A_230] : memref<1x10240xf32, #tpu.memory_space<vmem>>[vector<16xi32>, vector<16xi32>], vector<16xf32>,
        %gt3A_269 = arith.cmpf ogt, %gather3A, %gather3A_259 : vector<16xf32>
        %gt3A_270 = arith.cmpf ogt, %gather3A_231, %gather3A_260 : vector<16xf32>
        %gt3A_271 = arith.cmpf ogt, %gather3A_232, %gather3A_261 : vector<16xf32>
        %gt3A_272 = arith.cmpf ogt, %gather3A_233, %gather3A_262 : vector<16xf32>
        %gt3A_273 = arith.cmpf ogt, %gather3A_234, %gather3A_263 : vector<16xf32>
        %gt3A_274 = arith.cmpf ogt, %gather3A_235, %gather3A_264 : vector<16xf32>
        %gt3A_275 = arith.cmpf ogt, %gather3A_236, %gather3A_265 : vector<16xf32>
        %gt3A_276 = arith.cmpf ogt, %gather3A_237, %gather3A_266 : vector<16xf32>
        %gt3A_277 = arith.cmpf ogt, %gather3A_238, %gather3A_267 : vector<16xf32>
        %gt3A_278 = arith.cmpf ogt, %gather3A_239, %gather3A_268 : vector<16xf32>
        %all_reduce_population_count3A = tpu.all_reduce %gt3A_269 {dim = 0 : i64, kind = #tpu.reduction_kind<sum>} : vector<16xi1> -> vector<16xi32>
        %slice3A = vector.extract_strided_slice %all_reduce_population_count3A {offsets = [0], sizes = [1], strides = [1]} : vector<16xi32> to vector<1xi32>
        %squeeze3A = vector.extract %slice3A[0] : i32 from vector<1xi32>
        %mul3A_279 = arith.constant 10 : i32
        %mul3A_280 = arith.muli %scan3A_92, %mul3A_279 : i32
        %add3A_281 = arith.constant 0 : i32
        %add3A_282 = arith.addi %mul3A_280, %add3A_281 : i32
        %swap3A = arith.index_cast %scan3A_93 : i32 to index
        %swap3A_283 = memref.load %arg18[%swap3A] : memref<500xi32, #tpu.memory_space<smem>>
        memref.store %add3A_282, %arg18[%swap3A] : memref<500xi32, #tpu.memory_space<smem>>
        %gt3A_284 = arith.constant 0 : i32
        %gt3A_285 = arith.cmpi sgt, %squeeze3A, %gt3A_284 : i32
        %convert_element_type3A_286 = arith.extui %gt3A_285 : i1 to i32
        %add3A_287 = arith.addi %scan3A_93, %convert_element_type3A_286 : i32
        %all_reduce_population_count3A_288 = tpu.all_reduce %gt3A_270 {dim = 0 : i64, kind = #tpu.reduction_kind<sum>} : vector<16xi1> -> vector<16xi32>
        %slice3A_289 = vector.extract_strided_slice %all_reduce_population_count3A_288 {offsets = [0], sizes = [1], strides = [1]} : vector<16xi32> to vector<1xi32>
        %squeeze3A_290 = vector.extract %slice3A_289[0] : i32 from vector<1xi32>
        %mul3A_291 = arith.constant 10 : i32
        %mul3A_292 = arith.muli %scan3A_92, %mul3A_291 : i32
        %add3A_293 = arith.constant 1 : i32
        %add3A_294 = arith.addi %mul3A_292, %add3A_293 : i32
        %swap3A_295 = arith.index_cast %add3A_287 : i32 to index
        %swap3A_296 = memref.load %arg18[%swap3A_295] : memref<500xi32, #tpu.memory_space<smem>>
        memref.store %add3A_294, %arg18[%swap3A_295] : memref<500xi32, #tpu.memory_space<smem>>
        %gt3A_297 = arith.constant 0 : i32
        %gt3A_298 = arith.cmpi sgt, %squeeze3A_290, %gt3A_297 : i32
        %convert_element_type3A_299 = arith.extui %gt3A_298 : i1 to i32
        %add3A_300 = arith.addi %add3A_287, %convert_element_type3A_299 : i32
        %all_reduce_population_count3A_301 = tpu.all_reduce %gt3A_271 {dim = 0 : i64, kind = #tpu.reduction_kind<sum>} : vector<16xi1> -> vector<16xi32>
        %slice3A_302 = vector.extract_strided_slice %all_reduce_population_count3A_301 {offsets = [0], sizes = [1], strides = [1]} : vector<16xi32> to vector<1xi32>
        %squeeze3A_303 = vector.extract %slice3A_302[0] : i32 from vector<1xi32>
        %mul3A_304 = arith.constant 10 : i32
        %mul3A_305 = arith.muli %scan3A_92, %mul3A_304 : i32
        %add3A_306 = arith.constant 2 : i32
        %add3A_307 = arith.addi %mul3A_305, %add3A_306 : i32
        %swap3A_308 = arith.index_cast %add3A_300 : i32 to index
        %swap3A_309 = memref.load %arg18[%swap3A_308] : memref<500xi32, #tpu.memory_space<smem>>
        memref.store %add3A_307, %arg18[%swap3A_308] : memref<500xi32, #tpu.memory_space<smem>>
        %gt3A_310 = arith.constant 0 : i32
        %gt3A_311 = arith.cmpi sgt, %squeeze3A_303, %gt3A_310 : i32
        %convert_element_type3A_312 = arith.extui %gt3A_311 : i1 to i32
        %add3A_313 = arith.addi %add3A_300, %convert_element_type3A_312 : i32
        %all_reduce_population_count3A_314 = tpu.all_reduce %gt3A_272 {dim = 0 : i64, kind = #tpu.reduction_kind<sum>} : vector<16xi1> -> vector<16xi32>
        %slice3A_315 = vector.extract_strided_slice %all_reduce_population_count3A_314 {offsets = [0], sizes = [1], strides = [1]} : vector<16xi32> to vector<1xi32>
        %squeeze3A_316 = vector.extract %slice3A_315[0] : i32 from vector<1xi32>
        %mul3A_317 = arith.constant 10 : i32
        %mul3A_318 = arith.muli %scan3A_92, %mul3A_317 : i32
        %add3A_319 = arith.constant 3 : i32
        %add3A_320 = arith.addi %mul3A_318, %add3A_319 : i32
        %swap3A_321 = arith.index_cast %add3A_313 : i32 to index
        %swap3A_322 = memref.load %arg18[%swap3A_321] : memref<500xi32, #tpu.memory_space<smem>>
        memref.store %add3A_320, %arg18[%swap3A_321] : memref<500xi32, #tpu.memory_space<smem>>
        %gt3A_323 = arith.constant 0 : i32
        %gt3A_324 = arith.cmpi sgt, %squeeze3A_316, %gt3A_323 : i32
        %convert_element_type3A_325 = arith.extui %gt3A_324 : i1 to i32
        %add3A_326 = arith.addi %add3A_313, %convert_element_type3A_325 : i32
        %all_reduce_population_count3A_327 = tpu.all_reduce %gt3A_273 {dim = 0 : i64, kind = #tpu.reduction_kind<sum>} : vector<16xi1> -> vector<16xi32>
        %slice3A_328 = vector.extract_strided_slice %all_reduce_population_count3A_327 {offsets = [0], sizes = [1], strides = [1]} : vector<16xi32> to vector<1xi32>
        %squeeze3A_329 = vector.extract %slice3A_328[0] : i32 from vector<1xi32>
        %mul3A_330 = arith.constant 10 : i32
        %mul3A_331 = arith.muli %scan3A_92, %mul3A_330 : i32
        %add3A_332 = arith.constant 4 : i32
        %add3A_333 = arith.addi %mul3A_331, %add3A_332 : i32
        %swap3A_334 = arith.index_cast %add3A_326 : i32 to index
        %swap3A_335 = memref.load %arg18[%swap3A_334] : memref<500xi32, #tpu.memory_space<smem>>
        memref.store %add3A_333, %arg18[%swap3A_334] : memref<500xi32, #tpu.memory_space<smem>>
        %gt3A_336 = arith.constant 0 : i32
        %gt3A_337 = arith.cmpi sgt, %squeeze3A_329, %gt3A_336 : i32
        %convert_element_type3A_338 = arith.extui %gt3A_337 : i1 to i32
        %add3A_339 = arith.addi %add3A_326, %convert_element_type3A_338 : i32
        %all_reduce_population_count3A_340 = tpu.all_reduce %gt3A_274 {dim = 0 : i64, kind = #tpu.reduction_kind<sum>} : vector<16xi1> -> vector<16xi32>
        %slice3A_341 = vector.extract_strided_slice %all_reduce_population_count3A_340 {offsets = [0], sizes = [1], strides = [1]} : vector<16xi32> to vector<1xi32>
        %squeeze3A_342 = vector.extract %slice3A_341[0] : i32 from vector<1xi32>
        %mul3A_343 = arith.constant 10 : i32
        %mul3A_344 = arith.muli %scan3A_92, %mul3A_343 : i32
        %add3A_345 = arith.constant 5 : i32
        %add3A_346 = arith.addi %mul3A_344, %add3A_345 : i32
        %swap3A_347 = arith.index_cast %add3A_339 : i32 to index
        %swap3A_348 = memref.load %arg18[%swap3A_347] : memref<500xi32, #tpu.memory_space<smem>>
        memref.store %add3A_346, %arg18[%swap3A_347] : memref<500xi32, #tpu.memory_space<smem>>
        %gt3A_349 = arith.constant 0 : i32
        %gt3A_350 = arith.cmpi sgt, %squeeze3A_342, %gt3A_349 : i32
        %convert_element_type3A_351 = arith.extui %gt3A_350 : i1 to i32
        %add3A_352 = arith.addi %add3A_339, %convert_element_type3A_351 : i32
        %all_reduce_population_count3A_353 = tpu.all_reduce %gt3A_275 {dim = 0 : i64, kind = #tpu.reduction_kind<sum>} : vector<16xi1> -> vector<16xi32>
        %slice3A_354 = vector.extract_strided_slice %all_reduce_population_count3A_353 {offsets = [0], sizes = [1], strides = [1]} : vector<16xi32> to vector<1xi32>
        %squeeze3A_355 = vector.extract %slice3A_354[0] : i32 from vector<1xi32>
        %mul3A_356 = arith.constant 10 : i32
        %mul3A_357 = arith.muli %scan3A_92, %mul3A_356 : i32
        %add3A_358 = arith.constant 6 : i32
        %add3A_359 = arith.addi %mul3A_357, %add3A_358 : i32
        %swap3A_360 = arith.index_cast %add3A_352 : i32 to index
        %swap3A_361 = memref.load %arg18[%swap3A_360] : memref<500xi32, #tpu.memory_space<smem>>
        memref.store %add3A_359, %arg18[%swap3A_360] : memref<500xi32, #tpu.memory_space<smem>>
        %gt3A_362 = arith.constant 0 : i32
        %gt3A_363 = arith.cmpi sgt, %squeeze3A_355, %gt3A_362 : i32
        %convert_element_type3A_364 = arith.extui %gt3A_363 : i1 to i32
        %add3A_365 = arith.addi %add3A_352, %convert_element_type3A_364 : i32
        %all_reduce_population_count3A_366 = tpu.all_reduce %gt3A_276 {dim = 0 : i64, kind = #tpu.reduction_kind<sum>} : vector<16xi1> -> vector<16xi32>
        %slice3A_367 = vector.extract_strided_slice %all_reduce_population_count3A_366 {offsets = [0], sizes = [1], strides = [1]} : vector<16xi32> to vector<1xi32>
        %squeeze3A_368 = vector.extract %slice3A_367[0] : i32 from vector<1xi32>
        %mul3A_369 = arith.constant 10 : i32
        %mul3A_370 = arith.muli %scan3A_92, %mul3A_369 : i32
        %add3A_371 = arith.constant 7 : i32
        %add3A_372 = arith.addi %mul3A_370, %add3A_371 : i32
        %swap3A_373 = arith.index_cast %add3A_365 : i32 to index
        %swap3A_374 = memref.load %arg18[%swap3A_373] : memref<500xi32, #tpu.memory_space<smem>>
        memref.store %add3A_372, %arg18[%swap3A_373] : memref<500xi32, #tpu.memory_space<smem>>
        %gt3A_375 = arith.constant 0 : i32
        %gt3A_376 = arith.cmpi sgt, %squeeze3A_368, %gt3A_375 : i32
        %convert_element_type3A_377 = arith.extui %gt3A_376 : i1 to i32
        %add3A_378 = arith.addi %add3A_365, %convert_element_type3A_377 : i32
        %all_reduce_population_count3A_379 = tpu.all_reduce %gt3A_277 {dim = 0 : i64, kind = #tpu.reduction_kind<sum>} : vector<16xi1> -> vector<16xi32>
        %slice3A_380 = vector.extract_strided_slice %all_reduce_population_count3A_379 {offsets = [0], sizes = [1], strides = [1]} : vector<16xi32> to vector<1xi32>
        %squeeze3A_381 = vector.extract %slice3A_380[0] : i32 from vector<1xi32>
        %mul3A_382 = arith.constant 10 : i32
        %mul3A_383 = arith.muli %scan3A_92, %mul3A_382 : i32
        %add3A_384 = arith.constant 8 : i32
        %add3A_385 = arith.addi %mul3A_383, %add3A_384 : i32
        %swap3A_386 = arith.index_cast %add3A_378 : i32 to index
        %swap3A_387 = memref.load %arg18[%swap3A_386] : memref<500xi32, #tpu.memory_space<smem>>
        memref.store %add3A_385, %arg18[%swap3A_386] : memref<500xi32, #tpu.memory_space<smem>>
        %gt3A_388 = arith.constant 0 : i32
        %gt3A_389 = arith.cmpi sgt, %squeeze3A_381, %gt3A_388 : i32
        %convert_element_type3A_390 = arith.extui %gt3A_389 : i1 to i32
        %add3A_391 = arith.addi %add3A_378, %convert_element_type3A_390 : i32
        %all_reduce_population_count3A_392 = tpu.all_reduce %gt3A_278 {dim = 0 : i64, kind = #tpu.reduction_kind<sum>} : vector<16xi1> -> vector<16xi32>
        %slice3A_393 = vector.extract_strided_slice %all_reduce_population_count3A_392 {offsets = [0], sizes = [1], strides = [1]} : vector<16xi32> to vector<1xi32>
        %squeeze3A_394 = vector.extract %slice3A_393[0] : i32 from vector<1xi32>
        %mul3A_395 = arith.constant 10 : i32
        %mul3A_396 = arith.muli %scan3A_92, %mul3A_395 : i32
        %add3A_397 = arith.constant 9 : i32
        %add3A_398 = arith.addi %mul3A_396, %add3A_397 : i32
        %swap3A_399 = arith.index_cast %add3A_391 : i32 to index
        %swap3A_400 = memref.load %arg18[%swap3A_399] : memref<500xi32, #tpu.memory_space<smem>>
        memref.store %add3A_398, %arg18[%swap3A_399] : memref<500xi32, #tpu.memory_space<smem>>
        %gt3A_401 = arith.constant 0 : i32
        %gt3A_402 = arith.cmpi sgt, %squeeze3A_394, %gt3A_401 : i32
        %convert_element_type3A_403 = arith.extui %gt3A_402 : i1 to i32
        %add3A_404 = arith.addi %add3A_391, %convert_element_type3A_403 : i32
        scf.yield %add3A_404 : i32
      }
      %scan3A_74 = arith.constant 50 : i32
      %while3A_75 = arith.constant 0 : i32
      %while3A_76 = arith.constant 0 : i32
      %while3A_77 = arith.subi %scan3A_73, %while3A_76 : i32
      %while3A_78 = arith.addi %while3A_76, %while3A_77 : i32
      %while3A_79 = arith.constant 1 : i32
      %while3A_80 = arith.divsi %while3A_77, %while3A_79 : i32
      %while3A_81 = arith.muli %while3A_80, %while3A_79 : i32
      %while3A_82 = arith.addi %while3A_76, %while3A_81 : i32
      %while3A_83 = arith.constant 1 : i32
      scf.for %while3A_92 = %while3A_76 to %while3A_82 step %while3A_83  : i32 {
        %get3A = arith.index_cast %while3A_92 : i32 to index
        %get3A_93 = memref.load %arg18[%get3A] : memref<500xi32, #tpu.memory_space<smem>>
        %mul3A_94 = arith.constant 16 : i32
        %mul3A_95 = arith.muli %get3A_93, %mul3A_94 : i32
        %get3A_96 = arith.index_cast %mul3A_95 : i32 to index
        %get3A_97 = tpu.vector_load %arg17[%get3A_96] {strides = array<i32>} : memref<8000xi32, #tpu.memory_space<vmem>>, vector<16xi32>,
        %and3A = arith.constant 16383 : i32
        %and3A_98 = vector.broadcast %and3A : i32 to vector<16xi32>
        %and3A_99 = arith.andi %get3A_97, %and3A_98 : vector<16xi32>
        %shift_right_logical3A = arith.constant 14 : i32
        %shift_right_logical3A_100 = vector.broadcast %shift_right_logical3A : i32 to vector<16xi32>
        %shift_right_logical3A_101 = arith.shrui %get3A_97, %shift_right_logical3A_100 : vector<16xi32>
        %gather3A = tpu.vector_load_idx %arg5[%broadcast_in_dim3A_17, %and3A_99] : memref<1x10240xf32, #tpu.memory_space<vmem>>[vector<16xi32>, vector<16xi32>], vector<16xf32>,
        %gather3A_102 = tpu.vector_load_idx %arg6[%broadcast_in_dim3A_17, %shift_right_logical3A_101] : memref<1x10240xf32, #tpu.memory_space<vmem>>[vector<16xi32>, vector<16xi32>], vector<16xf32>,
        %while3A_103 = scf.while (%while3A_104 = %gather3A_102) : (vector<16xf32>) -> vector<16xf32> {
          %gt3A = arith.cmpf ogt, %gather3A, %while3A_104 : vector<16xf32>
          %reduce_or3A = arith.constant 1.000000e+00 : f32
          %reduce_or3A_105 = arith.constant 0.000000e+00 : f32
          %reduce_or3A_106 = vector.broadcast %reduce_or3A : f32 to vector<16xf32>
          %reduce_or3A_107 = vector.broadcast %reduce_or3A_105 : f32 to vector<16xf32>
          %reduce_or3A_108 = arith.select %gt3A, %reduce_or3A_106, %reduce_or3A_107 : vector<16xi1>, vector<16xf32>
          %reduce_or3A_109 = arith.constant true
          %reduce_or3A_110 = vector.broadcast %reduce_or3A_109 : i1 to vector<16xi1>
          %reduce_or3A_111 = tpu.scan <max>, %reduce_or3A_108 masked %reduce_or3A_110 : vector<16xf32>, vector<16xi1> -> vector<16xf32>
          %reduce_or3A_112 = vector.extract %reduce_or3A_111[15] : f32 from vector<16xf32>
          %reduce_or3A_113 = arith.constant 0.000000e+00 : f32
          %reduce_or3A_114 = arith.cmpf ogt, %reduce_or3A_112, %reduce_or3A_113 : f32
          scf.condition(%reduce_or3A_114) %while3A_104 : vector<16xf32>
        } do {
        ^bb0(%while3A_104: vector<16xf32>):
          %gt3A = arith.cmpf ogt, %gather3A, %while3A_104 : vector<16xf32>
          tpu.vector_store_idx %arg6[%broadcast_in_dim3A_17, %shift_right_logical3A_101], %gather3A masked %gt3A : memref<1x10240xf32, #tpu.memory_space<vmem>>[vector<16xi32>, vector<16xi32>], vector<16xf32>, vector<16xi1>
          %gather3A_105 = tpu.vector_load_idx %arg6[%broadcast_in_dim3A_17, %shift_right_logical3A_101] : memref<1x10240xf32, #tpu.memory_space<vmem>>[vector<16xi32>, vector<16xi32>], vector<16xf32>,
          scf.yield %gather3A_105 : vector<16xf32>
        }
      }
      %while3A_84 = arith.constant 1 : i32
      scf.for %while3A_92 = %while3A_82 to %while3A_78 step %while3A_84  : i32 {
        %get3A = arith.index_cast %while3A_92 : i32 to index
        %get3A_93 = memref.load %arg18[%get3A] : memref<500xi32, #tpu.memory_space<smem>>
        %mul3A_94 = arith.constant 16 : i32
        %mul3A_95 = arith.muli %get3A_93, %mul3A_94 : i32
        %get3A_96 = arith.index_cast %mul3A_95 : i32 to index
        %get3A_97 = tpu.vector_load %arg17[%get3A_96] {strides = array<i32>} : memref<8000xi32, #tpu.memory_space<vmem>>, vector<16xi32>,
        %and3A = arith.constant 16383 : i32
        %and3A_98 = vector.broadcast %and3A : i32 to vector<16xi32>
        %and3A_99 = arith.andi %get3A_97, %and3A_98 : vector<16xi32>
        %shift_right_logical3A = arith.constant 14 : i32
        %shift_right_logical3A_100 = vector.broadcast %shift_right_logical3A : i32 to vector<16xi32>
        %shift_right_logical3A_101 = arith.shrui %get3A_97, %shift_right_logical3A_100 : vector<16xi32>
        %gather3A = tpu.vector_load_idx %arg5[%broadcast_in_dim3A_17, %and3A_99] : memref<1x10240xf32, #tpu.memory_space<vmem>>[vector<16xi32>, vector<16xi32>], vector<16xf32>,
        %gather3A_102 = tpu.vector_load_idx %arg6[%broadcast_in_dim3A_17, %shift_right_logical3A_101] : memref<1x10240xf32, #tpu.memory_space<vmem>>[vector<16xi32>, vector<16xi32>], vector<16xf32>,
        %while3A_103 = scf.while (%while3A_104 = %gather3A_102) : (vector<16xf32>) -> vector<16xf32> {
          %gt3A = arith.cmpf ogt, %gather3A, %while3A_104 : vector<16xf32>
          %reduce_or3A = arith.constant 1.000000e+00 : f32
          %reduce_or3A_105 = arith.constant 0.000000e+00 : f32
          %reduce_or3A_106 = vector.broadcast %reduce_or3A : f32 to vector<16xf32>
          %reduce_or3A_107 = vector.broadcast %reduce_or3A_105 : f32 to vector<16xf32>
          %reduce_or3A_108 = arith.select %gt3A, %reduce_or3A_106, %reduce_or3A_107 : vector<16xi1>, vector<16xf32>
          %reduce_or3A_109 = arith.constant true
          %reduce_or3A_110 = vector.broadcast %reduce_or3A_109 : i1 to vector<16xi1>
          %reduce_or3A_111 = tpu.scan <max>, %reduce_or3A_108 masked %reduce_or3A_110 : vector<16xf32>, vector<16xi1> -> vector<16xf32>
          %reduce_or3A_112 = vector.extract %reduce_or3A_111[15] : f32 from vector<16xf32>
          %reduce_or3A_113 = arith.constant 0.000000e+00 : f32
          %reduce_or3A_114 = arith.cmpf ogt, %reduce_or3A_112, %reduce_or3A_113 : f32
          scf.condition(%reduce_or3A_114) %while3A_104 : vector<16xf32>
        } do {
        ^bb0(%while3A_104: vector<16xf32>):
          %gt3A = arith.cmpf ogt, %gather3A, %while3A_104 : vector<16xf32>
          tpu.vector_store_idx %arg6[%broadcast_in_dim3A_17, %shift_right_logical3A_101], %gather3A masked %gt3A : memref<1x10240xf32, #tpu.memory_space<vmem>>[vector<16xi32>, vector<16xi32>], vector<16xf32>, vector<16xi1>
          %gather3A_105 = tpu.vector_load_idx %arg6[%broadcast_in_dim3A_17, %shift_right_logical3A_101] : memref<1x10240xf32, #tpu.memory_space<vmem>>[vector<16xi32>, vector<16xi32>], vector<16xf32>,
          scf.yield %gather3A_105 : vector<16xf32>
        }
      }
      %add3A_85 = arith.constant 2 : i32
      %add3A_86 = arith.addi %add3A_63, %add3A_85 : i32
      %lt3A_87 = arith.constant 40 : i32
      %lt3A_88 = arith.cmpi slt, %add3A_86, %lt3A_87 : i32
      %convert_element_type3A_89 = arith.extui %lt3A_88 : i1 to i32
      %cond3A_90 = arith.constant 0 : i32
      %cond3A_91 = arith.cmpi ne, %convert_element_type3A_89, %cond3A_90 : i32
      scf.if %cond3A_91 {
        %add3A_92 = arith.constant 2 : i32
        %add3A_93 = arith.addi %add3A_63, %add3A_92 : i32
        %mul3A_94 = arith.constant 8000 : i32
        %mul3A_95 = arith.muli %add3A_93, %mul3A_94 : i32
        %dma_start3A_96 = tpu.memref_slice %arg3[%mul3A_95] : memref<320000xi32, #tpu.memory_space<hbm>> -> memref<8000xi32, #tpu.memory_space<hbm>>
        %dma_start3A_97 = tpu.memref_slice %arg3[%mul3A_95] : memref<320000xi32, #tpu.memory_space<hbm>> -> memref<8000xi32, #tpu.memory_space<hbm>>
        tpu.enqueue_dma source(%dma_start3A_97 : memref<8000xi32, #tpu.memory_space<hbm>>) target(%arg17 : memref<8000xi32, #tpu.memory_space<vmem>>) target_semaphore(%arg20 : memref<!tpu.dma_semaphore, #tpu.memory_space<semaphore_mem>>)
      } else {
      }
    }
    %scan3A_23 = arith.constant 20 : i32
    %scan3A_24 = arith.constant 0 : i32
    %scan3A_25 = arith.constant 0 : i32
    %scan3A_26 = arith.constant 640 : i32
    %scan3A_27 = arith.addi %scan3A_25, %scan3A_26 : i32
    %scan3A_28 = arith.constant 1 : i32
    scf.for %scan3A_32 = %scan3A_25 to %scan3A_27 step %scan3A_28  : i32 {
      %mul3A_33 = arith.constant 16 : i32
      %mul3A_34 = arith.muli %scan3A_32, %mul3A_33 : i32
      %get3A = arith.constant 0 : i32
      %get3A_35 = arith.index_cast %get3A : i32 to index
      %get3A_36 = arith.index_cast %mul3A_34 : i32 to index
      %get3A_37 = tpu.vector_load %arg6[%get3A_35, %get3A_36] {strides = array<i32>} : memref<1x10240xf32, #tpu.memory_space<vmem>>, vector<16xf32>,
      %mul3A_38 = arith.constant 16 : i32
      %mul3A_39 = arith.muli %scan3A_32, %mul3A_38 : i32
      %get3A_40 = arith.constant 0 : i32
      %get3A_41 = arith.index_cast %get3A_40 : i32 to index
      %get3A_42 = arith.index_cast %mul3A_39 : i32 to index
      %get3A_43 = tpu.vector_load %arg7[%get3A_41, %get3A_42] {strides = array<i32>} : memref<1x10240xf32, #tpu.memory_space<vmem>>, vector<16xf32>,
      %max3A = arith.maximumf %get3A_37, %get3A_43 : vector<16xf32>
      %mul3A_44 = arith.constant 16 : i32
      %mul3A_45 = arith.muli %scan3A_32, %mul3A_44 : i32
      %get3A_46 = arith.constant 0 : i32
      %get3A_47 = arith.index_cast %get3A_46 : i32 to index
      %get3A_48 = arith.index_cast %mul3A_45 : i32 to index
      %get3A_49 = tpu.vector_load %arg8[%get3A_47, %get3A_48] {strides = array<i32>} : memref<1x10240xf32, #tpu.memory_space<vmem>>, vector<16xf32>,
      %max3A_50 = arith.maximumf %max3A, %get3A_49 : vector<16xf32>
      %mul3A_51 = arith.constant 16 : i32
      %mul3A_52 = arith.muli %scan3A_32, %mul3A_51 : i32
      %get3A_53 = arith.constant 0 : i32
      %get3A_54 = arith.index_cast %get3A_53 : i32 to index
      %get3A_55 = arith.index_cast %mul3A_52 : i32 to index
      %get3A_56 = tpu.vector_load %arg9[%get3A_54, %get3A_55] {strides = array<i32>} : memref<1x10240xf32, #tpu.memory_space<vmem>>, vector<16xf32>,
      %max3A_57 = arith.maximumf %max3A_50, %get3A_56 : vector<16xf32>
      %mul3A_58 = arith.constant 16 : i32
      %mul3A_59 = arith.muli %scan3A_32, %mul3A_58 : i32
      %get3A_60 = arith.constant 0 : i32
      %get3A_61 = arith.index_cast %get3A_60 : i32 to index
      %get3A_62 = arith.index_cast %mul3A_59 : i32 to index
      %get3A_63 = tpu.vector_load %arg10[%get3A_61, %get3A_62] {strides = array<i32>} : memref<1x10240xf32, #tpu.memory_space<vmem>>, vector<16xf32>,
      %max3A_64 = arith.maximumf %max3A_57, %get3A_63 : vector<16xf32>
      %mul3A_65 = arith.constant 16 : i32
      %mul3A_66 = arith.muli %scan3A_32, %mul3A_65 : i32
      %get3A_67 = arith.constant 0 : i32
      %get3A_68 = arith.index_cast %get3A_67 : i32 to index
      %get3A_69 = arith.index_cast %mul3A_66 : i32 to index
      %get3A_70 = tpu.vector_load %arg11[%get3A_68, %get3A_69] {strides = array<i32>} : memref<1x10240xf32, #tpu.memory_space<vmem>>, vector<16xf32>,
      %max3A_71 = arith.maximumf %max3A_64, %get3A_70 : vector<16xf32>
      %mul3A_72 = arith.constant 16 : i32
      %mul3A_73 = arith.muli %scan3A_32, %mul3A_72 : i32
      %get3A_74 = arith.constant 0 : i32
      %get3A_75 = arith.index_cast %get3A_74 : i32 to index
      %get3A_76 = arith.index_cast %mul3A_73 : i32 to index
      %get3A_77 = tpu.vector_load %arg12[%get3A_75, %get3A_76] {strides = array<i32>} : memref<1x10240xf32, #tpu.memory_space<vmem>>, vector<16xf32>,
      %max3A_78 = arith.maximumf %max3A_71, %get3A_77 : vector<16xf32>
      %mul3A_79 = arith.constant 16 : i32
      %mul3A_80 = arith.muli %scan3A_32, %mul3A_79 : i32
      %get3A_81 = arith.constant 0 : i32
      %get3A_82 = arith.index_cast %get3A_81 : i32 to index
      %get3A_83 = arith.index_cast %mul3A_80 : i32 to index
      %get3A_84 = tpu.vector_load %arg13[%get3A_82, %get3A_83] {strides = array<i32>} : memref<1x10240xf32, #tpu.memory_space<vmem>>, vector<16xf32>,
      %max3A_85 = arith.maximumf %max3A_78, %get3A_84 : vector<16xf32>
      %mul3A_86 = arith.constant 16 : i32
      %mul3A_87 = arith.muli %scan3A_32, %mul3A_86 : i32
      %get3A_88 = arith.constant 0 : i32
      %get3A_89 = arith.index_cast %get3A_88 : i32 to index
      %get3A_90 = arith.index_cast %mul3A_87 : i32 to index
      %get3A_91 = tpu.vector_load %arg14[%get3A_89, %get3A_90] {strides = array<i32>} : memref<1x10240xf32, #tpu.memory_space<vmem>>, vector<16xf32>,
      %max3A_92 = arith.maximumf %max3A_85, %get3A_91 : vector<16xf32>
      %mul3A_93 = arith.constant 16 : i32
      %mul3A_94 = arith.muli %scan3A_32, %mul3A_93 : i32
      %get3A_95 = arith.constant 0 : i32
      %get3A_96 = arith.index_cast %get3A_95 : i32 to index
      %get3A_97 = arith.index_cast %mul3A_94 : i32 to index
      %get3A_98 = tpu.vector_load %arg15[%get3A_96, %get3A_97] {strides = array<i32>} : memref<1x10240xf32, #tpu.memory_space<vmem>>, vector<16xf32>,
      %max3A_99 = arith.maximumf %max3A_92, %get3A_98 : vector<16xf32>
      %mul3A_100 = arith.constant 16 : i32
      %mul3A_101 = arith.muli %scan3A_32, %mul3A_100 : i32
      %swap3A = arith.constant 0 : i32
      %swap3A_102 = arith.index_cast %swap3A : i32 to index
      %swap3A_103 = arith.index_cast %mul3A_101 : i32 to index
      %swap3A_104 = tpu.vector_load %arg6[%swap3A_102, %swap3A_103] {strides = array<i32>} : memref<1x10240xf32, #tpu.memory_space<vmem>>, vector<16xf32>,
      tpu.vector_store %arg6[%swap3A_102, %swap3A_103], %max3A_99 {strides = array<i32>} : memref<1x10240xf32, #tpu.memory_space<vmem>>, vector<16xf32>,
    }
    %scan3A_29 = arith.constant 640 : i32
    %add3A_30 = arith.constant 0 : i32
    %add3A_31 = arith.addi %mul3A_2, %add3A_30 : i32
    "tpu.region"() ({
      %run_scoped3A = tpu.sem_alloc : memref<!tpu.dma_semaphore, #tpu.memory_space<semaphore_mem>>
      %dma_start3A_32 = arith.constant 0 : i32
      %dma_start3A_33 = tpu.memref_slice %arg4[%add3A_31, %dma_start3A_32] : memref<32x10240xf32, #tpu.memory_space<hbm>> -> memref<1x10240xf32, #tpu.memory_space<hbm>>
      %dma_start3A_34 = arith.constant 0 : i32
      %dma_start3A_35 = tpu.memref_slice %arg4[%add3A_31, %dma_start3A_34] : memref<32x10240xf32, #tpu.memory_space<hbm>> -> memref<1x10240xf32, #tpu.memory_space<hbm>>
      tpu.enqueue_dma source(%arg6 : memref<1x10240xf32, #tpu.memory_space<vmem>>) target(%dma_start3A_35 : memref<1x10240xf32, #tpu.memory_space<hbm>>) target_semaphore(%run_scoped3A : memref<!tpu.dma_semaphore, #tpu.memory_space<semaphore_mem>>)
      %dma_wait3A = arith.constant 0 : i32
      %dma_wait3A_36 = tpu.memref_slice %arg4[%add3A_31, %dma_wait3A] : memref<32x10240xf32, #tpu.memory_space<hbm>> -> memref<1x10240xf32, #tpu.memory_space<hbm>>
      %dma_wait3A_37 = arith.constant 0 : i32
      %dma_wait3A_38 = tpu.memref_slice %arg4[%add3A_31, %dma_wait3A_37] : memref<32x10240xf32, #tpu.memory_space<hbm>> -> memref<1x10240xf32, #tpu.memory_space<hbm>>
      tpu.wait_dma2 semaphore(%run_scoped3A : memref<!tpu.dma_semaphore, #tpu.memory_space<semaphore_mem>>) src(%arg6 : memref<1x10240xf32, #tpu.memory_space<vmem>>) dst(%dma_wait3A_38 : memref<1x10240xf32, #tpu.memory_space<hbm>>)
      tpu.yield
    }) : () -> ()
    return
  }
}

module attributes {stable_mosaic.version = 14 : i64} {
  func.func @_tc1_body(%arg0: i32, %arg1: memref<1024x128xf32, #tpu.memory_space<vmem>>, %arg2: memref<128x128xf32, #tpu.memory_space<vmem>>, %arg3: memref<128x1xf32, #tpu.memory_space<vmem>>, %arg4: memref<128x1024xf32, #tpu.memory_space<vmem>>) attributes {dimension_semantics = [#tpu.dimension_semantics<arbitrary>], iteration_bounds = array<i64: 10>, scalar_prefetch = 0 : i64, scratch_operands = 0 : i64, tpu.core_type = #tpu.core_type<tc>, window_params = [{transform_indices = @transform_0, window_bounds = array<i64: 1024, 128>}, {pipeline_mode = #tpu.pipeline_mode<synchronous>, transform_indices = @transform_1, window_bounds = array<i64: 128, 128>}, {pipeline_mode = #tpu.pipeline_mode<synchronous>, transform_indices = @transform_2, window_bounds = array<i64: 128, 1>}, {transform_indices = @transform_3, window_bounds = array<i64: 128, 1024>}]} {
    %get3A = arith.constant 0 : index
    %get3A_0 = arith.constant 0 : index
    %get3A_1 = vector.load %arg2[%get3A, %get3A_0] : memref<128x128xf32, #tpu.memory_space<vmem>>, vector<128x128xf32>
    %get3A_2 = arith.constant 0 : index
    %get3A_3 = arith.constant 0 : index
    %get3A_4 = vector.load %arg1[%get3A_2, %get3A_3] : memref<1024x128xf32, #tpu.memory_space<vmem>>, vector<1024x128xf32>
    %dot_general3A = arith.constant dense<0.000000e+00> : vector<128x1024xf32>
    %dot_general3A_5 = tpu.matmul %get3A_1, %get3A_4, %dot_general3A {dimension_numbers = #tpu.dot_dimension_numbers<[0], [1], [1], [0], [0, 1, 1, 0], [], []>, transpose_lhs_hint = false} : vector<128x128xf32>, vector<1024x128xf32>, vector<128x1024xf32> -> vector<128x1024xf32>
    %get3A_6 = arith.constant 0 : index
    %get3A_7 = arith.constant 0 : index
    %get3A_8 = vector.load %arg3[%get3A_6, %get3A_7] : memref<128x1xf32, #tpu.memory_space<vmem>>, vector<128x1xf32>
    %add3A = vector.broadcast %get3A_8 : vector<128x1xf32> to vector<128x1024xf32>
    %add3A_9 = arith.addf %dot_general3A_5, %add3A : vector<128x1024xf32>
    %max3A = arith.constant 0.000000e+00 : f32
    %max3A_10 = vector.broadcast %max3A : f32 to vector<128x1024xf32>
    %max3A_11 = arith.maximumf %add3A_9, %max3A_10 : vector<128x1024xf32>
    %swap3A = arith.constant 0 : index
    %swap3A_12 = arith.constant 0 : index
    %swap3A_13 = vector.load %arg4[%swap3A, %swap3A_12] : memref<128x1024xf32, #tpu.memory_space<vmem>>, vector<128x1024xf32>
    tpu.vector_store %arg4[%swap3A, %swap3A_12], %max3A_11 {strides = array<i32>} : memref<128x1024xf32, #tpu.memory_space<vmem>>, vector<128x1024xf32>,
    return
  }
  func.func @transform_0(%arg0: i32) -> (i32, i32) {
    %c0_i32 = arith.constant 0 : i32
    %c0_i32_0 = arith.constant 0 : i32
    return %arg0, %c0_i32 : i32, i32
  }
  func.func @transform_1(%arg0: i32) -> (i32, i32) {
    %c0_i32 = arith.constant 0 : i32
    %c0_i32_0 = arith.constant 0 : i32
    %c0_i32_1 = arith.constant 0 : i32
    return %c0_i32, %c0_i32_0 : i32, i32
  }
  func.func @transform_2(%arg0: i32) -> (i32, i32) {
    %c0_i32 = arith.constant 0 : i32
    %c0_i32_0 = arith.constant 0 : i32
    %c0_i32_1 = arith.constant 0 : i32
    return %c0_i32, %c0_i32_0 : i32, i32
  }
  func.func @transform_3(%arg0: i32) -> (i32, i32) {
    %c0_i32 = arith.constant 0 : i32
    %c0_i32_0 = arith.constant 0 : i32
    return %c0_i32, %arg0 : i32, i32
  }
}

module attributes {stable_mosaic.version = 14 : i64} {
  func.func @_tc2_body(%arg0: i32, %arg1: memref<1024x128xf32, #tpu.memory_space<vmem>>, %arg2: memref<128x1024xf32, #tpu.memory_space<vmem>>, %arg3: memref<128x32xf32, #tpu.memory_space<vmem>>, %arg4: memref<32x1xf32, #tpu.memory_space<vmem>>, %arg5: memref<128x32xf32, #tpu.memory_space<vmem>>, %arg6: memref<32x32xf32, #tpu.memory_space<vmem>>, %arg7: memref<32x1xf32, #tpu.memory_space<vmem>>, %arg8: memref<32x1024xf32, #tpu.memory_space<vmem>>, %arg9: memref<32x1024xf32, #tpu.memory_space<vmem>>) attributes {dimension_semantics = [#tpu.dimension_semantics<arbitrary>], iteration_bounds = array<i64: 10>, scalar_prefetch = 0 : i64, scratch_operands = 0 : i64, tpu.core_type = #tpu.core_type<tc>, window_params = [{transform_indices = @transform_0, window_bounds = array<i64: 1024, 128>}, {transform_indices = @transform_1, window_bounds = array<i64: 128, 1024>}, {pipeline_mode = #tpu.pipeline_mode<synchronous>, transform_indices = @transform_2, window_bounds = array<i64: 128, 32>}, {pipeline_mode = #tpu.pipeline_mode<synchronous>, transform_indices = @transform_3, window_bounds = array<i64: 32, 1>}, {pipeline_mode = #tpu.pipeline_mode<synchronous>, transform_indices = @transform_4, window_bounds = array<i64: 128, 32>}, {pipeline_mode = #tpu.pipeline_mode<synchronous>, transform_indices = @transform_5, window_bounds = array<i64: 32, 32>}, {pipeline_mode = #tpu.pipeline_mode<synchronous>, transform_indices = @transform_6, window_bounds = array<i64: 32, 1>}, {transform_indices = @transform_7, window_bounds = array<i64: 32, 1024>}, {transform_indices = @transform_8, window_bounds = array<i64: 32, 1024>}]} {
    %get3A = arith.constant 0 : index
    %get3A_0 = arith.constant 0 : index
    %get3A_1 = vector.load %arg3[%get3A, %get3A_0] : memref<128x32xf32, #tpu.memory_space<vmem>>, vector<128x32xf32>
    %get3A_2 = arith.constant 0 : index
    %get3A_3 = arith.constant 0 : index
    %get3A_4 = vector.load %arg1[%get3A_2, %get3A_3] : memref<1024x128xf32, #tpu.memory_space<vmem>>, vector<1024x128xf32>
    %dot_general3A = arith.constant dense<0.000000e+00> : vector<32x1024xf32>
    %dot_general3A_5 = tpu.matmul %get3A_1, %get3A_4, %dot_general3A {dimension_numbers = #tpu.dot_dimension_numbers<[0], [1], [1], [0], [0, 1, 1, 0], [], []>, transpose_lhs_hint = false} : vector<128x32xf32>, vector<1024x128xf32>, vector<32x1024xf32> -> vector<32x1024xf32>
    %get3A_6 = arith.constant 0 : index
    %get3A_7 = arith.constant 0 : index
    %get3A_8 = vector.load %arg4[%get3A_6, %get3A_7] : memref<32x1xf32, #tpu.memory_space<vmem>>, vector<32x1xf32>
    %add3A = vector.broadcast %get3A_8 : vector<32x1xf32> to vector<32x1024xf32>
    %add3A_9 = arith.addf %dot_general3A_5, %add3A : vector<32x1024xf32>
    %get3A_10 = arith.constant 0 : index
    %get3A_11 = arith.constant 0 : index
    %get3A_12 = vector.load %arg5[%get3A_10, %get3A_11] : memref<128x32xf32, #tpu.memory_space<vmem>>, vector<128x32xf32>
    %get3A_13 = arith.constant 0 : index
    %get3A_14 = arith.constant 0 : index
    %get3A_15 = vector.load %arg2[%get3A_13, %get3A_14] : memref<128x1024xf32, #tpu.memory_space<vmem>>, vector<128x1024xf32>
    %dot_general3A_16 = arith.constant dense<0.000000e+00> : vector<32x1024xf32>
    %dot_general3A_17 = tpu.matmul %get3A_12, %get3A_15, %dot_general3A_16 {dimension_numbers = #tpu.dot_dimension_numbers<[0], [0], [1], [1], [0, 1, 1, 1], [], []>, transpose_lhs_hint = false} : vector<128x32xf32>, vector<128x1024xf32>, vector<32x1024xf32> -> vector<32x1024xf32>
    %add3A_18 = arith.addf %add3A_9, %dot_general3A_17 : vector<32x1024xf32>
    %max3A = arith.constant 0.000000e+00 : f32
    %max3A_19 = vector.broadcast %max3A : f32 to vector<32x1024xf32>
    %max3A_20 = arith.maximumf %add3A_18, %max3A_19 : vector<32x1024xf32>
    %swap3A = arith.constant 0 : index
    %swap3A_21 = arith.constant 0 : index
    %swap3A_22 = vector.load %arg8[%swap3A, %swap3A_21] : memref<32x1024xf32, #tpu.memory_space<vmem>>, vector<32x1024xf32>
    tpu.vector_store %arg8[%swap3A, %swap3A_21], %max3A_20 {strides = array<i32>} : memref<32x1024xf32, #tpu.memory_space<vmem>>, vector<32x1024xf32>,
    %get3A_23 = arith.constant 0 : index
    %get3A_24 = arith.constant 0 : index
    %get3A_25 = vector.load %arg6[%get3A_23, %get3A_24] : memref<32x32xf32, #tpu.memory_space<vmem>>, vector<32x32xf32>
    %dot_general3A_26 = arith.constant dense<0.000000e+00> : vector<32x1024xf32>
    %dot_general3A_27 = tpu.matmul %get3A_25, %max3A_20, %dot_general3A_26 {dimension_numbers = #tpu.dot_dimension_numbers<[0], [0], [1], [1], [0, 1, 1, 1], [], []>, transpose_lhs_hint = false} : vector<32x32xf32>, vector<32x1024xf32>, vector<32x1024xf32> -> vector<32x1024xf32>
    %get3A_28 = arith.constant 0 : index
    %get3A_29 = arith.constant 0 : index
    %get3A_30 = vector.load %arg7[%get3A_28, %get3A_29] : memref<32x1xf32, #tpu.memory_space<vmem>>, vector<32x1xf32>
    %add3A_31 = vector.broadcast %get3A_30 : vector<32x1xf32> to vector<32x1024xf32>
    %add3A_32 = arith.addf %dot_general3A_27, %add3A_31 : vector<32x1024xf32>
    %max3A_33 = arith.constant 0.000000e+00 : f32
    %max3A_34 = vector.broadcast %max3A_33 : f32 to vector<32x1024xf32>
    %max3A_35 = arith.maximumf %add3A_32, %max3A_34 : vector<32x1024xf32>
    %swap3A_36 = arith.constant 0 : index
    %swap3A_37 = arith.constant 0 : index
    %swap3A_38 = vector.load %arg9[%swap3A_36, %swap3A_37] : memref<32x1024xf32, #tpu.memory_space<vmem>>, vector<32x1024xf32>
    tpu.vector_store %arg9[%swap3A_36, %swap3A_37], %max3A_35 {strides = array<i32>} : memref<32x1024xf32, #tpu.memory_space<vmem>>, vector<32x1024xf32>,
    return
  }
  func.func @transform_0(%arg0: i32) -> (i32, i32) {
    %c0_i32 = arith.constant 0 : i32
    %c0_i32_0 = arith.constant 0 : i32
    return %arg0, %c0_i32 : i32, i32
  }
  func.func @transform_1(%arg0: i32) -> (i32, i32) {
    %c0_i32 = arith.constant 0 : i32
    %c0_i32_0 = arith.constant 0 : i32
    return %c0_i32, %arg0 : i32, i32
  }
  func.func @transform_2(%arg0: i32) -> (i32, i32) {
    %c0_i32 = arith.constant 0 : i32
    %c0_i32_0 = arith.constant 0 : i32
    %c0_i32_1 = arith.constant 0 : i32
    return %c0_i32, %c0_i32_0 : i32, i32
  }
  func.func @transform_3(%arg0: i32) -> (i32, i32) {
    %c0_i32 = arith.constant 0 : i32
    %c0_i32_0 = arith.constant 0 : i32
    %c0_i32_1 = arith.constant 0 : i32
    return %c0_i32, %c0_i32_0 : i32, i32
  }
  func.func @transform_4(%arg0: i32) -> (i32, i32) {
    %c0_i32 = arith.constant 0 : i32
    %c0_i32_0 = arith.constant 0 : i32
    %c0_i32_1 = arith.constant 0 : i32
    return %c0_i32, %c0_i32_0 : i32, i32
  }
  func.func @transform_5(%arg0: i32) -> (i32, i32) {
    %c0_i32 = arith.constant 0 : i32
    %c0_i32_0 = arith.constant 0 : i32
    %c0_i32_1 = arith.constant 0 : i32
    return %c0_i32, %c0_i32_0 : i32, i32
  }
  func.func @transform_6(%arg0: i32) -> (i32, i32) {
    %c0_i32 = arith.constant 0 : i32
    %c0_i32_0 = arith.constant 0 : i32
    %c0_i32_1 = arith.constant 0 : i32
    return %c0_i32, %c0_i32_0 : i32, i32
  }
  func.func @transform_7(%arg0: i32) -> (i32, i32) {
    %c0_i32 = arith.constant 0 : i32
    %c0_i32_0 = arith.constant 0 : i32
    return %c0_i32, %arg0 : i32, i32
  }
  func.func @transform_8(%arg0: i32) -> (i32, i32) {
    %c0_i32 = arith.constant 0 : i32
    %c0_i32_0 = arith.constant 0 : i32
    return %c0_i32, %arg0 : i32, i32
  }
}

module attributes {stable_mosaic.version = 14 : i64} {
  func.func @_tc3_body(%arg0: i32, %arg1: memref<32x1024xf32, #tpu.memory_space<vmem>>, %arg2: memref<32x1024xf32, #tpu.memory_space<vmem>>, %arg3: memref<32x32xf32, #tpu.memory_space<vmem>>, %arg4: memref<32x1xf32, #tpu.memory_space<vmem>>, %arg5: memref<32x32xf32, #tpu.memory_space<vmem>>, %arg6: memref<32x2xf32, #tpu.memory_space<vmem>>, %arg7: memref<2x1xf32, #tpu.memory_space<vmem>>, %arg8: memref<2x1024xf32, #tpu.memory_space<vmem>>) attributes {dimension_semantics = [#tpu.dimension_semantics<arbitrary>], iteration_bounds = array<i64: 10>, scalar_prefetch = 0 : i64, scratch_operands = 0 : i64, tpu.core_type = #tpu.core_type<tc>, window_params = [{transform_indices = @transform_0, window_bounds = array<i64: 32, 1024>}, {transform_indices = @transform_1, window_bounds = array<i64: 32, 1024>}, {pipeline_mode = #tpu.pipeline_mode<synchronous>, transform_indices = @transform_2, window_bounds = array<i64: 32, 32>}, {pipeline_mode = #tpu.pipeline_mode<synchronous>, transform_indices = @transform_3, window_bounds = array<i64: 32, 1>}, {pipeline_mode = #tpu.pipeline_mode<synchronous>, transform_indices = @transform_4, window_bounds = array<i64: 32, 32>}, {pipeline_mode = #tpu.pipeline_mode<synchronous>, transform_indices = @transform_5, window_bounds = array<i64: 32, 2>}, {pipeline_mode = #tpu.pipeline_mode<synchronous>, transform_indices = @transform_6, window_bounds = array<i64: 2, 1>}, {transform_indices = @transform_7, window_bounds = array<i64: 2, 1024>}]} {
    %get3A = arith.constant 0 : index
    %get3A_0 = arith.constant 0 : index
    %get3A_1 = vector.load %arg3[%get3A, %get3A_0] : memref<32x32xf32, #tpu.memory_space<vmem>>, vector<32x32xf32>
    %get3A_2 = arith.constant 0 : index
    %get3A_3 = arith.constant 0 : index
    %get3A_4 = vector.load %arg1[%get3A_2, %get3A_3] : memref<32x1024xf32, #tpu.memory_space<vmem>>, vector<32x1024xf32>
    %dot_general3A = arith.constant dense<0.000000e+00> : vector<32x1024xf32>
    %dot_general3A_5 = tpu.matmul %get3A_1, %get3A_4, %dot_general3A {dimension_numbers = #tpu.dot_dimension_numbers<[0], [0], [1], [1], [0, 1, 1, 1], [], []>, transpose_lhs_hint = false} : vector<32x32xf32>, vector<32x1024xf32>, vector<32x1024xf32> -> vector<32x1024xf32>
    %get3A_6 = arith.constant 0 : index
    %get3A_7 = arith.constant 0 : index
    %get3A_8 = vector.load %arg4[%get3A_6, %get3A_7] : memref<32x1xf32, #tpu.memory_space<vmem>>, vector<32x1xf32>
    %add3A = vector.broadcast %get3A_8 : vector<32x1xf32> to vector<32x1024xf32>
    %add3A_9 = arith.addf %dot_general3A_5, %add3A : vector<32x1024xf32>
    %get3A_10 = arith.constant 0 : index
    %get3A_11 = arith.constant 0 : index
    %get3A_12 = vector.load %arg5[%get3A_10, %get3A_11] : memref<32x32xf32, #tpu.memory_space<vmem>>, vector<32x32xf32>
    %get3A_13 = arith.constant 0 : index
    %get3A_14 = arith.constant 0 : index
    %get3A_15 = vector.load %arg2[%get3A_13, %get3A_14] : memref<32x1024xf32, #tpu.memory_space<vmem>>, vector<32x1024xf32>
    %dot_general3A_16 = arith.constant dense<0.000000e+00> : vector<32x1024xf32>
    %dot_general3A_17 = tpu.matmul %get3A_12, %get3A_15, %dot_general3A_16 {dimension_numbers = #tpu.dot_dimension_numbers<[0], [0], [1], [1], [0, 1, 1, 1], [], []>, transpose_lhs_hint = false} : vector<32x32xf32>, vector<32x1024xf32>, vector<32x1024xf32> -> vector<32x1024xf32>
    %add3A_18 = arith.addf %add3A_9, %dot_general3A_17 : vector<32x1024xf32>
    %max3A = arith.constant 0.000000e+00 : f32
    %max3A_19 = vector.broadcast %max3A : f32 to vector<32x1024xf32>
    %max3A_20 = arith.maximumf %add3A_18, %max3A_19 : vector<32x1024xf32>
    %get3A_21 = arith.constant 0 : index
    %get3A_22 = arith.constant 0 : index
    %get3A_23 = vector.load %arg6[%get3A_21, %get3A_22] : memref<32x2xf32, #tpu.memory_space<vmem>>, vector<32x2xf32>
    %dot_general3A_24 = arith.constant dense<0.000000e+00> : vector<2x1024xf32>
    %dot_general3A_25 = tpu.matmul %get3A_23, %max3A_20, %dot_general3A_24 {dimension_numbers = #tpu.dot_dimension_numbers<[0], [0], [1], [1], [0, 1, 1, 1], [], []>, transpose_lhs_hint = false} : vector<32x2xf32>, vector<32x1024xf32>, vector<2x1024xf32> -> vector<2x1024xf32>
    %get3A_26 = arith.constant 0 : index
    %get3A_27 = arith.constant 0 : index
    %get3A_28 = vector.load %arg7[%get3A_26, %get3A_27] : memref<2x1xf32, #tpu.memory_space<vmem>>, vector<2x1xf32>
    %add3A_29 = vector.broadcast %get3A_28 : vector<2x1xf32> to vector<2x1024xf32>
    %add3A_30 = arith.addf %dot_general3A_25, %add3A_29 : vector<2x1024xf32>
    %swap3A = arith.constant 0 : index
    %swap3A_31 = arith.constant 0 : index
    %swap3A_32 = vector.load %arg8[%swap3A, %swap3A_31] : memref<2x1024xf32, #tpu.memory_space<vmem>>, vector<2x1024xf32>
    tpu.vector_store %arg8[%swap3A, %swap3A_31], %add3A_30 {strides = array<i32>} : memref<2x1024xf32, #tpu.memory_space<vmem>>, vector<2x1024xf32>,
    return
  }
  func.func @transform_0(%arg0: i32) -> (i32, i32) {
    %c0_i32 = arith.constant 0 : i32
    %c0_i32_0 = arith.constant 0 : i32
    return %c0_i32, %arg0 : i32, i32
  }
  func.func @transform_1(%arg0: i32) -> (i32, i32) {
    %c0_i32 = arith.constant 0 : i32
    %c0_i32_0 = arith.constant 0 : i32
    return %c0_i32, %arg0 : i32, i32
  }
  func.func @transform_2(%arg0: i32) -> (i32, i32) {
    %c0_i32 = arith.constant 0 : i32
    %c0_i32_0 = arith.constant 0 : i32
    %c0_i32_1 = arith.constant 0 : i32
    return %c0_i32, %c0_i32_0 : i32, i32
  }
  func.func @transform_3(%arg0: i32) -> (i32, i32) {
    %c0_i32 = arith.constant 0 : i32
    %c0_i32_0 = arith.constant 0 : i32
    %c0_i32_1 = arith.constant 0 : i32
    return %c0_i32, %c0_i32_0 : i32, i32
  }
  func.func @transform_4(%arg0: i32) -> (i32, i32) {
    %c0_i32 = arith.constant 0 : i32
    %c0_i32_0 = arith.constant 0 : i32
    %c0_i32_1 = arith.constant 0 : i32
    return %c0_i32, %c0_i32_0 : i32, i32
  }
  func.func @transform_5(%arg0: i32) -> (i32, i32) {
    %c0_i32 = arith.constant 0 : i32
    %c0_i32_0 = arith.constant 0 : i32
    %c0_i32_1 = arith.constant 0 : i32
    return %c0_i32, %c0_i32_0 : i32, i32
  }
  func.func @transform_6(%arg0: i32) -> (i32, i32) {
    %c0_i32 = arith.constant 0 : i32
    %c0_i32_0 = arith.constant 0 : i32
    %c0_i32_1 = arith.constant 0 : i32
    return %c0_i32, %c0_i32_0 : i32, i32
  }
  func.func @transform_7(%arg0: i32) -> (i32, i32) {
    %c0_i32 = arith.constant 0 : i32
    %c0_i32_0 = arith.constant 0 : i32
    return %c0_i32, %arg0 : i32, i32
  }
}

</mosaic_0001>

<sc_bundles>
// kernel: kernel.10.cloned.1.call-start
scs
__scs_entry_jumppad:
0x0: {  	(pc) =	sbr.rel $0x88, $3  }
0x1: {  	(tag) =	ssettag $0x0;
	lr =	simm.s32 $0x1  }
0x2: {  	[smem:$0x3F93] =	sst lr;
	_ =	strace $0xD0000000  }
0x3: {  	_ = 	snop  }
0x4: {  	_ = 	snop  }
0x5: {  	_ = 	snop  }
0x6: {  	_ = 	snop  }
0x7: {  	_ = 	snop  }
__scs_overlays_trampoline_lowered:
0x8: {  	[smem:$0x3FA2] =	sst s0  }
0x9: {  	[smem:$0x3FA3] =	sst s1  }
0xa: {  	[smem:$0x3FA4] =	sst s2  }
0xb: {  	[smem:$0x3FA5] =	sst s3  }
0xc: {  	[smem:$0x3FA6] =	sst s4  }
0xd: {  	[smem:$0x3FA7] =	sst s5  }
0xe: {  	[smem:$0x3FA8] =	sst s6  }
0xf: {  	[smem:$0x3FA9] =	sst s7  }
0x10: {  	[smem:$0x3FAA] =	sst s8  }
0x11: {  	[smem:$0x3FAB] =	sst s9;
	s0 =	simm.s32 @!p0 $0x0  }
0x12: {  	s1 =	sld [smem:$0x3F91];
	s0 =	simm.s32 @p0 $0x1  }
0x13: {  	[smem:$0x3FAC] =	sst s0;
	s0 =	simm.s32 @!p1 $0x0  }
0x14: {  	s2 =	sld [smem:$0x3F90];
	s0 =	simm.s32 @p1 $0x1  }
0x15: {  	[smem:$0x3FAD] =	sst s0;
	s0 =	simm.s32 @!p2 $0x0  }
0x16: {  	s3 =	sld [smem:$0x3FDB];
	s0 =	simm.s32 @p2 $0x1  }
0x17: {  	s4 =	simm.s32 $0x1BF5;
	[smem:$0x3FAF] =	sst s0  }
0x18: {  	s0 =	sld [smem:$0x3F92];
	_ =	swait.ge [sflag:s4], $0x0  }
0x19: {  	s7 =	sld [smem:$0x3F93]  }
0x1a: {  	s8 =	sadd.s32 $0xFFFFE003, lr  }
0x1b: {  	s9 =	sadd.s32 $0xFFFFFEF7, lr;
	s5 =	simm.s32 $0xFFFFFFFF;
	p2 =	slt.u32 s8, $0xFFFFF086  }
0x1c: {  	p1 =	slt.u32 s9, $0xF7A;
	s5 =	simm.s32 @!p2 $0x0  }
0x1d: {  	s5 =	simm.s32 @p1 $0x1;
	p0 =	seq.s32 s7, s2  }
0x1e: {  	s7 =	smul.u32 @!p0 $0xF7A, s2;
	p2 =	seq.s32 @!p0 s5, $0x0  }
0x1f: {  	s9 =	smul.u32 $0xF7A, s1;
	s8 =	simm.s32 @!p0 $0x1BF5;
	p2 =	por !p2, p0  }
0x20: {  	[sflag:s8] =	ssyncset.s32 @!p0 $0xFFFFF086;
	s6 =	sadd.s32 @!p0 s3, s7;
	s7 =	simm.s32 @!p0 $0x108  }
0x21: {  	s3 =	sadd.s32 s3, s9;
	s6 =	sadd.s32 @!p0 $0x88, s6;
	s7 =	simm.s32 @p2 $0x1082  }
0x22: {  	[simem:s7], [sflag:s8] =	dma.local @!p0 [hbm:s6], $0xF7A  }
0x23: {  	s9 =	sor.u32 $0xD0000000, s2;
	s6 =	simm.s32 $0x108;
	_ =	swait.ge @!p0 [sflag:s8], $0x0  }
0x24: {  	s3 =	sadd.s32 $0x88, s3;
	s6 =	simm.s32 @!p1 $0x1082;
	[sflag:s4] =	ssyncset.s32 $0xFFFFF086  }
0x25: {  	[simem:s6], [sflag:s4] =	dma.local [hbm:s3], $0xF7A  }
0x26: {  	[smem:$0x3F93] =	sst s1;
	(tag) =	ssettag s2;
	_ =	strace s9  }
0x27: {  	s1 =	sld [smem:$0x3FA3]  }
0x28: {  	s2 =	sld [smem:$0x3FA4]  }
0x29: {  	s4 =	sld [smem:$0x3FA6]  }
0x2a: {  	p0 =	seq.s32 s5, $0x0;
	s5 =	sld [smem:$0x3FA7]  }
0x2b: {  	s6 =	sld [smem:$0x3FA8]  }
0x2c: {  	s7 =	sld [smem:$0x3FA9]  }
0x2d: {  	s3 =	simm.s32 $0x108;
	s8 =	sld [smem:$0x3FAA]  }
0x2e: {  	s3 =	simm.s32 @!p0 $0x1082;
	s9 =	sld [smem:$0x3FAB]  }
0x2f: {  	lr =	sadd.s32 s0, s3;
	s0 =	sld [smem:$0x3FA2]  }
0x30: {  	s3 =	sld [smem:$0x3FA5]  }
0x31: {  	[smem:$0x3FAE] =	sst s10  }
0x32: {  	s10 =	sld [smem:$0x3FAC];
	_ =	sdelay $0x3  }
0x33: {  	p0 =	seq.s32 s10, $0x1;
	s10 =	sld [smem:$0x3FAE];
	_ =	sdelay $0x3  }
0x34: {  	[smem:$0x3FAE] =	sst s10  }
0x35: {  	s10 =	sld [smem:$0x3FAD];
	_ =	sdelay $0x3  }
0x36: {  	p1 =	seq.s32 s10, $0x1;
	s10 =	sld [smem:$0x3FAE];
	_ =	sdelay $0x3  }
0x37: {  	[smem:$0x3FAE] =	sst s10  }
0x38: {  	s10 =	sld [smem:$0x3FAF]  }
0x39: {  	_ = 	snop;
	(pc) =	sbr.ind lr, $3  }
0x3a: {  	_ = 	snop  }
0x3b: {  	_ = 	snop  }
0x3c: {  	p2 =	seq.s32 s10, $0x1;
	s10 =	sld [smem:$0x3FAE]  }
0x3d: {  	_ =	shalt  }
0x3e: {  	_ =	shalt  }
0x3f: {  	_ =	shalt  }
0x40: {  	_ =	shalt  }
0x41: {  	_ =	shalt  }
0x42: {  	_ =	shalt  }
0x43: {  	_ =	shalt  }
0x44: {  	_ =	shalt  }
0x45: {  	_ =	shalt  }
0x46: {  	_ =	shalt  }
0x47: {  	_ =	shalt  }
0x48: {  	_ =	shalt  }
0x49: {  	_ =	shalt  }
0x4a: {  	_ =	shalt  }
0x4b: {  	_ =	shalt  }
0x4c: {  	_ =	shalt  }
0x4d: {  	_ =	shalt  }
0x4e: {  	_ =	shalt  }
0x4f: {  	_ =	shalt  }
0x50: {  	_ =	shalt  }
0x51: {  	_ =	shalt  }
0x52: {  	_ =	shalt  }
0x53: {  	_ =	shalt  }
0x54: {  	_ =	shalt  }
0x55: {  	_ =	shalt  }
0x56: {  	_ =	shalt  }
0x57: {  	_ =	shalt  }
0x58: {  	_ =	shalt  }
0x59: {  	_ =	shalt  }
0x5a: {  	_ =	shalt  }
0x5b: {  	_ =	shalt  }
0x5c: {  	_ =	shalt  }
0x5d: {  	_ =	shalt  }
0x5e: {  	_ =	shalt  }
0x5f: {  	_ =	shalt  }
0x60: {  	_ =	shalt  }
0x61: {  	_ =	shalt  }
0x62: {  	_ =	shalt  }
0x63: {  	_ =	shalt  }
0x64: {  	_ =	shalt  }
0x65: {  	_ =	shalt  }
0x66: {  	_ =	shalt  }
0x67: {  	_ =	shalt  }
0x68: {  	_ =	shalt  }
0x69: {  	_ =	shalt  }
0x6a: {  	_ =	shalt  }
0x6b: {  	_ =	shalt  }
0x6c: {  	_ =	shalt  }
0x6d: {  	_ =	shalt  }
0x6e: {  	_ =	shalt  }
0x6f: {  	_ =	shalt  }
0x70: {  	_ =	shalt  }
0x71: {  	_ =	shalt  }
0x72: {  	_ =	shalt  }
0x73: {  	_ =	shalt  }
0x74: {  	_ =	shalt  }
0x75: {  	_ =	shalt  }
0x76: {  	_ =	shalt  }
0x77: {  	_ =	shalt  }
0x78: {  	_ =	shalt  }
0x79: {  	_ =	shalt  }
0x7a: {  	_ =	shalt  }
0x7b: {  	_ =	shalt  }
0x7c: {  	_ =	shalt  }
0x7d: {  	_ =	shalt  }
0x7e: {  	_ =	shalt  }
0x7f: {  	_ =	shalt  }
0x80: {  	_ =	shalt  }
0x81: {  	_ =	shalt  }
0x82: {  	_ =	shalt  }
0x83: {  	_ =	shalt  }
0x84: {  	_ =	shalt  }
0x85: {  	_ =	shalt  }
0x86: {  	_ =	shalt  }
0x87: {  	_ =	shalt  }
.Lfunc_end0:
.L_simem_size_0:
called_computation.1_lowered:
.L_overlay_start_0:
0x88: {  	s2 =	sld [smem:$0x3FD9]  }
0x89: {  	s3 =	sld [smem:$0x3FFE];
	_ =	sdelay $0x1  }
0x8a: {  	s1 =	srdreg.scid  }
0x8b: {  	s0 =	sand.u32 $0x1, s1  }
0x8c: {  	s16 =	sshll.u32 s0, $0xA;
	s2 =	sadd.s32 s3, s2  }
0x8d: {  	s2 =	sadd.s32 s2, s16  }
0x8e: {  	[smem:$0x3FBA] =	sst s2  }
0x8f: {  	_ = 	snop  }
0x90: {  	(tm) =	ssettm $0x1  }
0x91: {  	s17 =	sld [smem:$0x3FFB];
	_ =	sdelay $0x3  }
0x92: {  	_ =	strace s17  }
0x93: {  	s2 =	sld [smem:$0x3FFC];
	_ =	sdelay $0x3  }
0x94: {  	_ =	strace s2  }
0x95: {  	s2 =	sld [smem:$0x3FFD];
	_ =	sdelay $0x3  }
0x96: {  	_ =	strace s2  }
0x97: {  	_ =	strace $0x8FFFFFFF  }
0x98: {  	s18 =	sld [smem:$0x3FDB];
	_ =	sdelay $0x1  }
0x99: {  	s19 =	simm.s32 $_scs_section_size  }
0x9a: {  	s4 =	simm.s32 $_size__tile_overlayer_lowered;
	s5 =	simm.s32 $_tile_overlayer_lowered  }
0x9b: {  	s22 =	simm.s32 $0x1BFF;
	s21 =	sshll.u32 s5, $0x1;
	s2 =	sadd.s32 s19, s18  }
0x9c: {  	s6 =	simm.s32 $0x0;
	s20 =	sshll.u32 s4, $0x1;
	s4 =	sadd.s32 s21, s2  }
0x9d: {  	[timem:s6], [sflag:s22] =	dma.local [hbm:s4], s20  }
0x9e: {  	_ =	swait.ge [sflag:s22], s20  }
0x9f: {  	s3 =	ssub.s32 $0x0, s20;
	[sflag:s22] =	ssyncset.done $0x0  }
0xa0: {  	[sflag:s22] =	ssyncadd.s32 s3;
	_ =	sdelay $0x1  }
0xa1: {  	s23 =	simm.s32 $0x1B8B  }
0xa2: {  	_ =	swait.ge [sflag:s23], $0x1  }
0xa3: {  	[sflag:s23] =	ssyncset.done $0x0  }
0xa4: {  	s25 =	simm.s32 $0x1B8E;
	s24 =	sld [smem:$0x3FFE];
	[sflag:s23] =	ssyncadd.s32 $0xFFFFFFFF  }
0xa5: {  	s26 =	simm.s32 $execute0_lowered;
	[smem:$0x3FD2] =	sst s25  }
0xa6: {  	s4 =	sshll.u32 s26, $0x1;
	_ =	strace $0x80000049;
	[dreg:$0x1] =	wrdreg $0xFFFFFFFF  }
0xa7: {  	s28 =	simm.s32 $_size_execute0_lowered;
	s2 =	sadd.s32 s2, s4;
	[dreg:$0x0] =	wrdreg $0x0  }
0xa8: {  	s4 =	sshll.u32 s28, $0x1;
	[dreg:$0x2] =	wrdreg s2  }
0xa9: {  	[dreg:$0x3] =	wrdreg s4  }
0xaa: {  	[dreg:$0x4] =	wrdreg $0xC0  }
0xab: {  	_ =	task [dreg:s6], $0x5FFFF  }
0xac: {  	[dreg:$0x1] =	wrdreg $0xFFFFFFFF  }
0xad: {  	[dreg:$0x0] =	wrdreg $0x60  }
0xae: {  	[dreg:$0x2] =	wrdreg s24  }
0xaf: {  	[dreg:$0x3] =	wrdreg $0x9  }
0xb0: {  	_ =	task.clear_ibuf [dreg:s6], $0x4FFFF;
	_ =	strace $0x90000049  }
0xb1: {  	s29 =	simm.s32 $0x9;
	_ =	strace $0x8000004B  }
0xb2: {  	_ =	swait.ge [sflag:s29], $0x1  }
0xb3: {  	[sflag:s29] =	ssyncadd.s32 $0xFFFFFFFF  }
0xb4: {  	_ =	strace $0x9000004B  }
0xb5: {  	_ =	sfence  }
0xb6: {  	s30 =	sld [smem:$0x0];
	_ =	sdelay $0x2  }
0xb7: {  	s31 =	sshll.u32 s1, $0xD;
	s1 =	sshrl.u32 s1, $0x2  }
0xb8: {  	s3 =	sand.u32 $0x4000, s31;
	s1 =	sadd.s32 s1, s30  }
0xb9: {  	s0 =	sor.u32 s3, s0;
	s1 =	sshll.u32 s1, $0x11  }
0xba: {  	s0 =	sor.u32 s1, s0  }
0xbb: {  	s0 =	sadd.s32 $0x8F2B, s0  }
0xbc: {  	[sflag:s0] =	ssyncadd.remote.s32 $0x1  }
0xbd: {  	_ =	sfence.sel $0xFFFF  }
0xbe: {  	[dreg:$0x0] =	wrdreg $0xFFFFFFFF;
	(pc) =	sbr.abs _section_cstart, $3  }
0xbf: {  	[dreg:$0x1] =	wrdreg $0xFFFFFFFF  }
0xc0: {  	_ =	task.clear_ibuf [dreg:s6], $0x2FFFF;
	_ =	strace $0x9FFFFFFF  }
0xc1: {  	(tm) =	ssettm $0x7FFFFFFF  }
tec
execute0_lowered:
.L_overlay_start_1:
0x0: {  	(tag) =	ssettag $0x1  }
0x1: {  	s0 =	rddreg [dreg:$0x0]  }
0x2: {  	s2 =	simm.s32 $0x0;
	s1 =	srdreg.scid;
	s4 =	stileid.u32  }
0x3: {  	s6 =	simm.s32 $0x3;
	s14 =	simm.s32 $0x2800;
	s15 =	simm.s32 $0x5000  }
0x4: {  	s16 =	simm.s32 $0x7800;
	s17 =	simm.s32 $0xA000;
	s18 =	simm.s32 $0xC800  }
0x5: {  	s19 =	simm.s32 $0xF000;
	s20 =	simm.s32 $0x11800;
	s21 =	simm.s32 $0x14000  }
0x6: {  	s22 =	simm.s32 $0x16800;
	s23 =	simm.s32 $0x19000;
	s3 =	sshrl.u32 s4, $0x2  }
0x7: {  	s1 =	sand.u32 $0x1, s1;
	s4 =	sshll.u32 s4, $0x8;
	s3 =	smul.u32 $0x14000, s3  }
0x8: {  	s5 =	sshll.u32 s1, $0x7;
	s4 =	sand.u32 $0x300, s4;
	s1 =	ssub.s32 $0x2, s1  }
0x9: {  	[smem:$0x7FF] =	sst s2;
	s4 =	sor.u32 s5, s4;
	s28 =	sshrl.u32 s1, $0x1  }
0xa: {  	_ =	strace $0x8000004A;
	s4 =	sor.u32 s3, s4;
	s1 =	ssub.s32 s1, s28  }
0xb: {  	s3 =	sadd.s32 $0x2400, s0;
	s4 =	sshrl.u32 s4, $0x3;
	s31 =	smax.u32 s1, $0x1  }
0xc: {  	s4 =	sadd.s32 s4, s0;
	s0 =	sadd.s32 $0x27E8, s0;
	[dreg:$0x5] =	wrdreg s31  }
0xd: {  	s24 =	simm.s32 $0x2;
	[dreg:$0x2] =	wrdreg s0;
	s29 =	sadd.s32 $0xC200, s4  }
0xe: {  	s5 =	simm.s32 $0x400;
	s30 =	sadd.s32 $0x16200, s4;
	[dreg:$0x3] =	wrdreg s29  }
0xf: {  	v0 =	vimm.f32 $0.0e+00;
	s1 =	simm.s32 $0x0;
	s4 =	simm.s32 $0x80;
	[dreg:$0x4] =	wrdreg s30  }
.LBB2_1:
0x10: {  	[dreg:$0x6] =	wrdreg s1;
	s0 =	simm.s32 $0x1B800  }
0x11: {  	[tilespmem:s0], [sflag:$0x1] =	stream.linear.gather [hbm4b:s3+s2], $0x1F40, $0x38;
	[tilespmem:$0x1F700] =	vst v63  }
0x12: {  	s29 =	rddreg [dreg:$0x2];
	s30 =	simm.s32 $0x1D780  }
0x13: {  	[tilespmem:s30], [sflag:$0x2] =	stream.linear.gather [hbm4b:s29+s2], $0x1F40, $0x38;
	[tilespmem:$0x1F700] =	vst v63  }
0x14: {  	s31 =	rddreg [dreg:$0x3]  }
0x15: {  	[tilespmem:s2], [sflag:$0x3] =	stream.strided.gather [hbm4b:s31+s4], $0x2800, s5, s4, $0x38;
	[tilespmem:$0x1F700] =	vst v63  }
0x16: {  	_ =	swait.ge [sflag:s6], $0x2800  }
0x17: {  	[sflag:s6] =	ssyncset.done $0x0  }
0x18: {  	s1 =	simm.s32 $0x40;
	s0 =	simm.s32 $0x0;
	[sflag:s6] =	ssyncadd.s32 $0xFFFFD800  }
.LBB2_2:
0x19: {  	p0 =	sne.s32 s1, $0x9FC0;
	[tilespmem:s0+$0x19000] =	vst v0  }
0x1a: {  	[tilespmem:s0+$0x2800] =	vst v0  }
0x1b: {  	[tilespmem:s0+$0x5000] =	vst v0  }
0x1c: {  	[tilespmem:s0+$0x7800] =	vst v0  }
0x1d: {  	[tilespmem:s0+$0xA000] =	vst v0  }
.Ltmp0:
0x1e: {  	[tilespmem:s0+$0xC800] =	vst v0;
	(pc) =	sbr.rel @p0 .LBB2_2-.Ltmp0, $4  }
0x1f: {  	[tilespmem:s0+$0xF000] =	vst v0  }
0x20: {  	[tilespmem:s0+$0x11800] =	vst v0  }
0x21: {  	[tilespmem:s0+$0x14000] =	vst v0  }
0x22: {  	[tilespmem:s0+$0x16800] =	vst v0;
	s0 =	sshra.s32 s1, $0x2;
	s1 =	sadd.s32 $0x40, s1  }
0x23: {  	[tilespmem:s0+$0x19000] =	vst v0  }
0x24: {  	[tilespmem:s0+$0x2800] =	vst v0  }
0x25: {  	[tilespmem:s0+$0x5000] =	vst v0  }
0x26: {  	[tilespmem:s0+$0x7800] =	vst v0  }
0x27: {  	[tilespmem:s0+$0xA000] =	vst v0  }
0x28: {  	[tilespmem:s0+$0xC800] =	vst v0  }
0x29: {  	[tilespmem:s0+$0xF000] =	vst v0  }
0x2a: {  	[tilespmem:s0+$0x11800] =	vst v0  }
0x2b: {  	[tilespmem:s0+$0x14000] =	vst v0  }
0x2c: {  	[tilespmem:s0+$0x16800] =	vst v0;
	s28 =	simm.s32 $0x0  }
.LBB2_4:
0x2d: {  	s0 =	simm.s32 $0x1  }
0x2e: {  	_ =	swait.ge [sflag:s0], $0x1F40  }
0x2f: {  	[sflag:s0] =	ssyncset.done $0x0  }
0x30: {  	s8 =	simm.s32 $0x1B850;
	[sflag:s0] =	ssyncadd.s32 $0xFFFFE0C0  }
0x31: {  	v1 =	vld [tilespmem:s8+$0xFFFFFFD0]  }
0x32: {  	v2 =	vld [tilespmem:s8+$0x20]  }
0x33: {  	v3 =	vld [tilespmem:s8+$0xFFFFFFE0]  }
0x34: {  	v4 =	vld [tilespmem:s8+$0xFFFFFFB0]  }
0x35: {  	v5 =	vld [tilespmem:s8+$0xFFFFFFC0]  }
0x36: {  	v6 =	vld [tilespmem:s8+$0xFFFFFFF0];
	v7 =	vand.u32 $0x3FFF, v1  }
0x37: {  	v8 =	vld [tilespmem:s8+$0x30];
	v9 =	vand.u32 $0x3FFF, v2  }
0x38: {  	v10 =	vld [tilespmem:s8+$0x40];
	v1 =	vshrl.u32 v1, $0xE  }
0x39: {  	v11 =	vld [tilespmem:s8+$0x0];
	v12 =	vand.u32 $0x3FFF, v4  }
0x3a: {  	v14 =	vld [tilespmem:s8+$0x10];
	v13 =	vand.u32 $0x3FFF, v5  }
0x3b: {  	v15 =	vand.u32 $0x3FFF, v6;
	v17 =	vld.idx.msk [tilespmem:v7+s2+$0x0], $0xffff  }
0x3c: {  	v5 =	vshrl.u32 v5, $0xE;
	v20 =	vld.idx.msk [tilespmem:v9+s2+$0x0], $0xffff  }
0x3d: {  	v4 =	vshrl.u32 v4, $0xE;
	v9 =	vld.idx.msk [tilespmem:v1+s16+$0x0], $0xffff  }
0x3e: {  	v6 =	vshrl.u32 v6, $0xE;
	v23 =	vld.idx.msk [tilespmem:v12+s2+$0x0], $0xffff  }
0x3f: {  	v21 =	vshrl.u32 v14, $0xE;
	v16 =	vld.idx.msk [tilespmem:v13+s2+$0x0], $0xffff  }
0x40: {  	v19 =	vand.u32 $0x3FFF, v10;
	v15 =	vld.idx.msk [tilespmem:v15+s2+$0x0], $0xffff  }
0x41: {  	v7 =	vshrl.u32 v3, $0xE;
	v3 =	vand.u32 $0x3FFF, v3;
	v13 =	vld.idx.msk [tilespmem:v5+s15+$0x0], $0xffff  }
0x42: {  	v25 =	vshrl.u32 v2, $0xE;
	v2 =	vld.idx.msk [tilespmem:v4+s14+$0x0], $0xffff  }
0x43: {  	v12 =	vshrl.u32 v11, $0xE;
	v11 =	vand.u32 $0x3FFF, v11;
	v27 =	vld.idx.msk [tilespmem:v6+s18+$0x0], $0xffff  }
0x44: {  	v28 =	vld.idx.msk [tilespmem:v21+s20+$0x0], $0xffff  }
0x45: {  	v29 =	vshrl.u32 v8, $0xE;
	v22 =	vld.idx.msk [tilespmem:v19+s2+$0x0], $0xffff  }
0x46: {  	v24 =	vld.idx.msk [tilespmem:v3+s2+$0x0], $0xffff;
	v3 =	vand.u32 $0x3FFF, v14  }
0x47: {  	v18 =	vld.idx.msk [tilespmem:v7+s17+$0x0], $0xffff  }
0x48: {  	v26 =	vld.idx.msk [tilespmem:v11+s2+$0x0], $0xffff;
	v11 =	vand.u32 $0x3FFF, v8  }
0x49: {  	v31 =	vshrl.u32 v10, $0xE;
	v14 =	vld.idx.msk [tilespmem:v12+s19+$0x0], $0xffff  }
0x4a: {  	vm0 =	vgt.f32 v23, v2;
	v2 =	vld.idx.msk [tilespmem:v29+s22+$0x0], $0xffff  }
0x4b: {  	vm1 =	vgt.f32 v16, v13;
	v30 =	vld.idx.msk [tilespmem:v3+s2+$0x0], $0xffff  }
0x4c: {  	vm2 =	vgt.f32 v17, v9;
	v3 =	vld.idx.msk [tilespmem:v25+s21+$0x0], $0xffff  }
0x4d: {  	v32 =	vld.idx.msk [tilespmem:v11+s2+$0x0], $0xffff;
	vm3 =	vgt.f32 v24, v18  }
0x4e: {  	vm4 =	vgt.f32 v15, v27;
	v8 =	vld.idx.msk [tilespmem:v31+s23+$0x0], $0xffff  }
0x4f: {  	vm5 =	vgt.f32 v26, v14  }
0x50: {  	[tilespmem:v4+s14+$0x0] =	vst.idx.msk vm0, v23;
	vm6 =	vgt.f32 v30, v28  }
0x51: {  	[tilespmem:v5+s15+$0x0] =	vst.idx.msk vm1, v16;
	vm13 =	vgt.f32 v20, v3  }
0x52: {  	[tilespmem:v1+s16+$0x0] =	vst.idx.msk vm2, v17;
	vm14 =	vgt.f32 v32, v2  }
0x53: {  	vm15 =	vgt.f32 v22, v8;
	[tilespmem:v7+s17+$0x0] =	vst.idx.msk vm3, v24  }
0x54: {  	[tilespmem:v6+s18+$0x0] =	vst.idx.msk vm4, v15  }
0x55: {  	[tilespmem:v12+s19+$0x0] =	vst.idx.msk vm5, v26  }
0x56: {  	[tilespmem:v21+s20+$0x0] =	vst.idx.msk vm6, v30  }
0x57: {  	[tilespmem:v25+s21+$0x0] =	vst.idx.msk vm13, v20  }
0x58: {  	[tilespmem:v29+s22+$0x0] =	vst.idx.msk vm14, v32  }
0x59: {  	s9 =	simm.s32 $0x1B8F0;
	[tilespmem:v31+s23+$0x0] =	vst.idx.msk vm15, v22  }
0x5a: {  	v3 =	vld [tilespmem:s9+$0xFFFFFFE0]  }
0x5b: {  	v9 =	vld [tilespmem:s9+$0x30]  }
0x5c: {  	v8 =	vld [tilespmem:s9+$0x20]  }
0x5d: {  	v2 =	vld [tilespmem:s9+$0xFFFFFFD0]  }
0x5e: {  	v10 =	vld [tilespmem:s9+$0xFFFFFFC0]  }
0x5f: {  	v27 =	vld [tilespmem:s9+$0x40]  }
0x60: {  	v14 =	vld [tilespmem:s9+$0x0]  }
0x61: {  	v28 =	vld [tilespmem:s9+$0xFFFFFFF0]  }
0x62: {  	v33 =	vld [tilespmem:s9+$0xFFFFFFB0]  }
0x63: {  	v34 =	vld.idx.msk [tilespmem:v4+s14+$0x0], $0xffff  }
0x64: {  	v5 =	vld.idx.msk [tilespmem:v5+s15+$0x0], $0xffff  }
0x65: {  	v35 =	vld.idx.msk [tilespmem:v1+s16+$0x0], $0xffff  }
0x66: {  	v36 =	vld [tilespmem:s9+$0x10]  }
0x67: {  	v37 =	vld.idx.msk [tilespmem:v7+s17+$0x0], $0xffff;
	v11 =	vand.u32 $0x3FFF, v2  }
0x68: {  	v6 =	vld.idx.msk [tilespmem:v6+s18+$0x0], $0xffff;
	v13 =	vand.u32 $0x3FFF, v8  }
0x69: {  	v41 =	vld.idx.msk [tilespmem:v21+s20+$0x0], $0xffff;
	v19 =	vshrl.u32 v2, $0xE  }
0x6a: {  	v25 =	vld.idx.msk [tilespmem:v25+s21+$0x0], $0xffff;
	v2 =	vand.u32 $0x3FFF, v33  }
0x6b: {  	v7 =	vand.u32 $0x3FFF, v10;
	v18 =	vshrl.u32 v10, $0xE;
	v10 =	vld.idx.msk [tilespmem:v12+s19+$0x0], $0xffff  }
0x6c: {  	v38 =	vand.u32 $0x3FFF, v28;
	v4 =	vld.idx.msk [tilespmem:v11+s2+$0x0], $0xffff  }
0x6d: {  	v1 =	vld.idx.msk [tilespmem:v13+s2+$0x0], $0xffff  }
0x6e: {  	v40 =	vand.u32 $0x3FFF, v3;
	v39 =	vld.idx.msk [tilespmem:v19+s16+$0x0], $0xffff  }
0x6f: {  	v42 =	vand.u32 $0x3FFF, v14;
	vm5 =	vgt.f32 v16, v5;
	v2 =	vld.idx.msk [tilespmem:v2+s2+$0x0], $0xffff  }
0x70: {  	v16 =	vshrl.u32 v28, $0xE;
	v21 =	vshrl.u32 v33, $0xE;
	vm6 =	vgt.f32 v17, v35;
	v12 =	vld.idx.msk [tilespmem:v7+s2+$0x0], $0xffff  }
0x71: {  	vm7 =	vgt.f32 v24, v37;
	v5 =	vmpcnt.ones.xlane vm5;
	v13 =	vshrl.u32 v3, $0xE;
	v3 =	vld.idx.msk [tilespmem:v38+s2+$0x0], $0xffff  }
0x72: {  	vm8 =	vgt.f32 v15, v6;
	v60 =	vand.u32 $0x3FFF, v9;
	v17 =	vmpcnt.ones.xlane vm6;
	v28 =	vld.idx.msk [tilespmem:v18+s15+$0x0], $0xffff  }
0x73: {  	(v2sf) =	vpush v5, $0x0;
	v5 =	vand.u32 $0x3FFF, v36;
	v7 =	vshrl.u32 v8, $0xE;
	v8 =	vld.idx.msk [tilespmem:v40+s2+$0x0], $0xffff  }
0x74: {  	vm11 =	vgt.f32 v23, v34;
	v23 =	vand.u32 $0x3FFF, v27;
	v15 =	vmpcnt.ones.xlane vm7;
	v6 =	vld.idx.msk [tilespmem:v42+s2+$0x0], $0xffff  }
0x75: {  	(v2sf) =	vpush v17, $0x0;
	v17 =	vmpcnt.ones.xlane vm8;
	vm9 =	vgt.f32 v26, v10;
	v26 =	vld.idx.msk [tilespmem:v16+s18+$0x0], $0xffff  }
0x76: {  	vm10 =	vgt.f32 v30, v41;
	(v2sf) =	vpush v15, $0x0;
	v30 =	vld.idx.msk [tilespmem:v21+s14+$0x0], $0xffff;
	v10 =	vmpcnt.ones.xlane vm9  }
0x77: {  	v11 =	vshrl.u32 v14, $0xE;
	(v2sf) =	vpush v17, $0x0;
	v17 =	vshrl.u32 v9, $0xE;
	v9 =	vld.idx.msk [tilespmem:v60+s2+$0x0], $0xffff  }
0x78: {  	v14 =	vshrl.u32 v36, $0xE;
	v15 =	vmpcnt.ones.xlane vm10;
	(v2sf) =	vpush v10, $0x0;
	v10 =	vld.idx.msk [tilespmem:v5+s2+$0x0], $0xffff  }
0x79: {  	v59 =	vmpcnt.ones.xlane vm11;
	v5 =	vld.idx.msk [tilespmem:v23+s2+$0x0], $0xffff  }
0x7a: {  	(v2sf) =	vpush v15, $0x0;
	v57 =	vld.idx.msk [tilespmem:v13+s17+$0x0], $0xffff  }
0x7b: {  	v15 =	vshrl.u32 v27, $0xE;
	v27 =	vld.idx.msk [tilespmem:v29+s22+$0x0], $0xffff;
	(v2sf) =	vpush v59, $0x0  }
0x7c: {  	v24 =	vld.idx.msk [tilespmem:v11+s19+$0x0], $0xffff;
	vm12 =	vgt.f32 v2, v30  }
0x7d: {  	v58 =	vld.idx.msk [tilespmem:v14+s20+$0x0], $0xffff;
	vm1 =	vgt.f32 v12, v28  }
0x7e: {  	v61 =	vld.idx.msk [tilespmem:v7+s21+$0x0], $0xffff;
	vm13 =	vgt.f32 v4, v39  }
0x7f: {  	v23 =	vld.idx.msk [tilespmem:v17+s22+$0x0], $0xffff;
	vm14 =	vgt.f32 v8, v57  }
0x80: {  	vm15 =	vgt.f32 v20, v25;
	vm4 =	vgt.f32 v3, v26;
	v26 =	vld.idx.msk [tilespmem:v15+s23+$0x0], $0xffff  }
0x81: {  	v20 =	vmpcnt.ones.xlane vm15;
	vm5 =	vgt.f32 v6, v24;
	v24 =	vld.idx.msk [tilespmem:v31+s23+$0x0], $0xffff  }
0x82: {  	vm8 =	vgt.f32 v32, v27;
	vm7 =	vgt.f32 v10, v58;
	[tilespmem:v21+s14+$0x0] =	vst.idx.msk vm12, v2  }
0x83: {  	v25 =	vmpcnt.ones.xlane vm8;
	vm12 =	vgt.f32 v1, v61;
	[tilespmem:v18+s15+$0x0] =	vst.idx.msk vm1, v12;
	s10 =	spop (v2sf);
	(v2sf) =	vpush v20, $0x0  }
0x84: {  	s30 =	simm.s32 $0xA;
	s29 =	simm.s32 $0x14;
	s31 =	simm.s32 $0x1E;
	[tilespmem:v19+s16+$0x0] =	vst.idx.msk vm13, v4;
	vm13 =	vgt.f32 v9, v23  }
0x85: {  	s25 =	simm.s32 $0x4;
	s5 =	simm.s32 $0x0;
	s1 =	spop (v2sf);
	(v2sf) =	vpush v25, $0x0;
	[tilespmem:v13+s17+$0x0] =	vst.idx.msk vm14, v8;
	vm14 =	vgt.f32 v5, v26  }
0x86: {  	s6 =	simm.s32 $0x3;
	s0 =	simm.s32 $0x1B990;
	s4 =	spop (v2sf);
	vm15 =	vgt.f32 v22, v24;
	[tilespmem:v16+s18+$0x0] =	vst.idx.msk vm4, v3  }
0x87: {  	s8 =	simm.s32 $0x2;
	[smem:s5] =	sst s5;
	s11 =	spop (v2sf);
	v20 =	vmpcnt.ones.xlane vm15;
	[tilespmem:v11+s19+$0x0] =	vst.idx.msk vm5, v6  }
0x88: {  	s5 =	simm.s32 $0x5;
	s9 =	simm.s32 $0x7;
	s12 =	spop (v2sf);
	[tilespmem:v14+s20+$0x0] =	vst.idx.msk vm7, v10  }
0x89: {  	p5 =	sgt.s32 s10, $0x0;
	s10 =	simm.s32 $0x1;
	(v2sf) =	vpush v20, $0x0;
	s13 =	spop (v2sf);
	[tilespmem:v7+s21+$0x0] =	vst.idx.msk vm12, v1  }
0x8a: {  	p4 =	sgt.s32 s1, $0x0;
	s10 =	simm.s32 @!p5 $0x0;
	s26 =	spop (v2sf);
	[tilespmem:v17+s22+$0x0] =	vst.idx.msk vm13, v9  }
0x8b: {  	p3 =	sgt.s32 s4, $0x0;
	s4 =	simm.s32 $0x1;
	p6 =	sgt.s32 s26, $0x0;
	[tilespmem:v15+s23+$0x0] =	vst.idx.msk vm14, v5  }
0x8c: {  	p1 =	sgt.s32 s11, $0x0;
	s11 =	simm.s32 $0x1;
	s4 =	simm.s32 @!p6 $0x0;
	v23 =	vld [tilespmem:s0+$0xFFFFFFE0]  }
0x8d: {  	p2 =	sgt.s32 s12, $0x0;
	p0 =	sgt.s32 s13, $0x0;
	s4 =	sadd.s32 $0x0, s4;
	v20 =	vld [tilespmem:s0+$0x30]  }
0x8e: {  	v24 =	vld [tilespmem:s0+$0x20];
	[smem:s4] =	sst s11;
	s4 =	sadd.s32 s10, s4;
	s10 =	simm.s32 $0x1  }
0x8f: {  	v25 =	vld [tilespmem:s0+$0xFFFFFFD0];
	s11 =	simm.s32 $0x1;
	s10 =	simm.s32 @!p4 $0x0;
	[smem:s4] =	sst s8  }
0x90: {  	v28 =	vld [tilespmem:s0+$0xFFFFFFC0];
	s8 =	simm.s32 $0x1;
	s4 =	sadd.s32 s10, s4;
	s10 =	simm.s32 $0x1  }
0x91: {  	v22 =	vld [tilespmem:s0+$0x40];
	s8 =	simm.s32 @!p1 $0x0;
	s10 =	simm.s32 @!p3 $0x0;
	[smem:s4] =	sst s6  }
0x92: {  	v30 =	vld [tilespmem:s0+$0x0];
	s4 =	sadd.s32 s10, s4;
	s10 =	simm.s32 $0x1;
	s12 =	spop (v2sf)  }
0x93: {  	v62 =	vld [tilespmem:s0+$0xFFFFFFF0];
	s10 =	simm.s32 @!p2 $0x0;
	[smem:s4] =	sst s25;
	s7 =	sadd.s32 s8, s4  }
0x94: {  	v32 =	vld [tilespmem:s0+$0xFFFFFFB0];
	v29 =	vand.u32 $0x3FFF, v25;
	s8 =	simm.s32 $0x1;
	s13 =	spop (v2sf);
	s25 =	simm.s32 $0x6  }
0x95: {  	v21 =	vld.idx.msk [tilespmem:v21+s14+$0x0], $0xffff;
	v63 =	vand.u32 $0x3FFF, v24;
	s4 =	simm.s32 $0x9;
	[smem:s7] =	sst s5;
	s1 =	sadd.s32 s10, s7  }
0x96: {  	v35 =	vld.idx.msk [tilespmem:v18+s15+$0x0], $0xffff;
	p1 =	sgt.s32 s13, $0x0;
	s8 =	simm.s32 @!p0 $0x0;
	p0 =	sgt.s32 s12, $0x0  }
0x97: {  	v34 =	vld.idx.msk [tilespmem:v19+s16+$0x0], $0xffff;
	v18 =	vshrl.u32 v25, $0xE;
	v25 =	vshrl.u32 v23, $0xE;
	s10 =	simm.s32 $0x8;
	s5 =	simm.s32 $0x1;
	[smem:s1] =	sst s25  }
0x98: {  	v37 =	vld [tilespmem:s0+$0x10];
	v36 =	vand.u32 $0x3FFF, v28;
	v33 =	vand.u32 $0x3FFF, v23;
	v31 =	vand.u32 $0x3FFF, v30;
	s1 =	sadd.s32 s8, s1;
	s8 =	simm.s32 $0x1;
	s26 =	spop (v2sf)  }
0x99: {  	v26 =	vand.u32 $0x3FFF, v20;
	v27 =	vand.u32 $0x3FFF, v22;
	v23 =	vshrl.u32 v62, $0xE;
	s5 =	simm.s32 @!p0 $0x0;
	s8 =	simm.s32 @!p1 $0x0;
	v29 =	vld.idx.msk [tilespmem:v29+s2+$0x0], $0xffff;
	p0 =	sgt.s32 s26, $0x0  }
0x9a: {  	v38 =	vand.u32 $0x3FFF, v62;
	v39 =	vand.u32 $0x3FFF, v32;
	v30 =	vshrl.u32 v30, $0xE;
	[smem:s1] =	sst s9;
	s1 =	sadd.s32 s5, s1;
	v19 =	vld.idx.msk [tilespmem:v63+s2+$0x0], $0xffff;
	s11 =	simm.s32 @!p0 $0x0  }
.LBB2_5:
0x9b: {  	vm0 =	vgt.f32 v12, v35  }
0x9c: {  	vm13 =	vgt.f32 v4, v34;
	v35 =	vmpcnt.ones.xlane vm0  }
0x9d: {  	v34 =	vmpcnt.ones.xlane vm13  }
0x9e: {  	v40 =	vld.idx.msk [tilespmem:v13+s17+$0x0], $0xffff;
	(v2sf) =	vpush v35, $0x0  }
0x9f: {  	v41 =	vld.idx.msk [tilespmem:v16+s18+$0x0], $0xffff;
	(v2sf) =	vpush v34, $0x0  }
0xa0: {  	v16 =	vmov v23;
	v23 =	vshrl.u32 v28, $0xE;
	v28 =	vld.idx.msk [tilespmem:v18+s16+$0x0], $0xffff  }
0xa1: {  	v53 =	vld.idx.msk [tilespmem:v11+s19+$0x0], $0xffff  }
0xa2: {  	v54 =	vld.idx.msk [tilespmem:v14+s20+$0x0], $0xffff;
	_ =	sdelay $0x1  }
0xa3: {  	v13 =	vmovc v25;
	v25 =	vshrl.u32 v32, $0xE;
	v11 =	vmovc v30;
	v12 =	vshrl.u32 v37, $0xE;
	vm14 =	vgt.f32 v8, v40  }
0xa4: {  	v30 =	vld.idx.msk [tilespmem:v39+s2+$0x0], $0xffff;
	v4 =	vmovc v29;
	vm5 =	vgt.f32 v2, v21;
	vm1 =	vgt.f32 v3, v41;
	v8 =	vmpcnt.ones.xlane vm14  }
0xa5: {  	v60 =	vld.idx.msk [tilespmem:v7+s21+$0x0], $0xffff;
	vm15 =	vgt.f32 v4, v28;
	vm10 =	vgt.f32 v6, v53;
	v56 =	vmpcnt.ones.xlane vm1  }
0xa6: {  	v21 =	vld.idx.msk [tilespmem:v26+s2+$0x0], $0xffff;
	vm11 =	vgt.f32 v10, v54;
	v28 =	vmpcnt.ones.xlane vm10;
	(v2sf) =	vpush v8, $0x0  }
0xa7: {  	v14 =	vmov v12;
	v12 =	vld.idx.msk [tilespmem:v36+s2+$0x0], $0xffff;
	v10 =	vmpcnt.ones.xlane vm11;
	(v2sf) =	vpush v56, $0x0  }
0xa8: {  	v3 =	vld.idx.msk [tilespmem:v38+s2+$0x0], $0xffff;
	(v2sf) =	vpush v28, $0x0  }
0xa9: {  	v29 =	vand.u32 $0x3FFF, v37;
	v55 =	vld.idx.msk [tilespmem:v23+s15+$0x0], $0xffff;
	(v2sf) =	vpush v10, $0x0  }
0xaa: {  	v24 =	vshrl.u32 v24, $0xE;
	v57 =	vld.idx.msk [tilespmem:v13+s17+$0x0], $0xffff  }
0xab: {  	v59 =	vld.idx.msk [tilespmem:v25+s14+$0x0], $0xffff;
	v26 =	vmpcnt.ones.xlane vm5  }
0xac: {  	v28 =	vld.idx.msk [tilespmem:v16+s18+$0x0], $0xffff;
	s7 =	spop (v2sf)  }
0xad: {  	v8 =	vld.idx.msk [tilespmem:v33+s2+$0x0], $0xffff;
	s9 =	spop (v2sf);
	(v2sf) =	vpush v26, $0x0  }
0xae: {  	v10 =	vld.idx.msk [tilespmem:v29+s2+$0x0], $0xffff  }
0xaf: {  	v29 =	vld.idx.msk [tilespmem:v24+s21+$0x0], $0xffff  }
0xb0: {  	v7 =	vmov v24;
	v24 =	vld.idx.msk [tilespmem:v17+s22+$0x0], $0xffff  }
0xb1: {  	v20 =	vshrl.u32 v20, $0xE;
	vm4 =	vgt.f32 v3, v28;
	v28 =	vld.idx.msk [tilespmem:v15+s23+$0x0], $0xffff  }
0xb2: {  	v22 =	vshrl.u32 v22, $0xE;
	v58 =	vld.idx.msk [tilespmem:v11+s19+$0x0], $0xffff  }
0xb3: {  	v6 =	vld.idx.msk [tilespmem:v31+s2+$0x0], $0xffff;
	vm7 =	vgt.f32 v30, v59  }
0xb4: {  	vm8 =	vgt.f32 v1, v60;
	v31 =	vld.idx.msk [tilespmem:v14+s20+$0x0], $0xffff;
	vm3 =	vgt.f32 v12, v55  }
0xb5: {  	[smem:s1] =	sst s10;
	s6 =	sadd.s32 s8, s1;
	v27 =	vld.idx.msk [tilespmem:v27+s2+$0x0], $0xffff;
	v1 =	vmovc v19;
	vm2 =	vgt.f32 v8, v57;
	vm9 =	vgt.f32 v9, v24;
	v26 =	vmpcnt.ones.xlane vm8;
	s10 =	spop (v2sf)  }
0xb6: {  	s8 =	sadd.s32 s11, s6;
	v17 =	vmovc v20;
	v20 =	vld.idx.msk [tilespmem:v20+s22+$0x0], $0xffff;
	vm12 =	vgt.f32 v19, v29;
	v19 =	vmpcnt.ones.xlane vm9;
	vm13 =	vgt.f32 v5, v28;
	s11 =	spop (v2sf)  }
0xb7: {  	p0 =	seq.s32 s31, $0x1EA;
	s1 =	smov.u32 s30;
	v15 =	vmov v22;
	v22 =	vld.idx.msk [tilespmem:v22+s23+$0x0], $0xffff;
	v24 =	vmpcnt.ones.xlane vm13;
	s12 =	spop (v2sf);
	(v2sf) =	vpush v26, $0x0  }
0xb8: {  	s0 =	sadd.s32 $0xA0, s0;
	s26 =	simm.s32 $0x1;
	v2 =	vmov v30;
	vm1 =	vgt.f32 v6, v58;
	s13 =	spop (v2sf);
	(v2sf) =	vpush v19, $0x0  }
0xb9: {  	s5 =	simm.s32 @!p0 $0x0;
	[smem:s6] =	sst s4;
	s6 =	sadd.s32 $0x2, s1;
	[tilespmem:v25+s14+$0x0] =	vst.idx.msk vm7, v2;
	vm6 =	vgt.f32 v10, v31;
	(v2sf) =	vpush v24, $0x0  }
0xba: {  	s25 =	sadd.s32 $0x1, s1;
	s5 =	simm.s32 @p0 $0x1;
	[smem:s8] =	sst s1;
	[tilespmem:v23+s15+$0x0] =	vst.idx.msk vm3, v12;
	v9 =	vmov v21  }
0xbb: {  	[smem:$0x7FD] =	sst s5;
	s5 =	sadd.s32 $0x4, s1;
	[tilespmem:v18+s16+$0x0] =	vst.idx.msk vm15, v4;
	vm14 =	vgt.f32 v9, v20;
	v5 =	vmov v27;
	p1 =	sgt.s32 s7, $0x0  }
0xbc: {  	[tilespmem:v13+s17+$0x0] =	vst.idx.msk vm2, v8;
	vm15 =	vgt.f32 v5, v22;
	s7 =	sadd.s32 $0x3, s1;
	p5 =	sgt.s32 s12, $0x0;
	s12 =	spop (v2sf)  }
0xbd: {  	[tilespmem:v16+s18+$0x0] =	vst.idx.msk vm4, v3;
	p2 =	sgt.s32 s9, $0x0;
	s9 =	simm.s32 $0x1;
	p0 =	sgt.s32 s12, $0x0  }
0xbe: {  	[tilespmem:v11+s19+$0x0] =	vst.idx.msk vm1, v6;
	p4 =	sgt.s32 s10, $0x0;
	s10 =	sadd.s32 $0x6, s1;
	s9 =	simm.s32 @!p0 $0x0  }
0xbf: {  	[tilespmem:v14+s20+$0x0] =	vst.idx.msk vm6, v10;
	p3 =	sgt.s32 s11, $0x0;
	s8 =	sadd.s32 s9, s8;
	s9 =	simm.s32 $0x1  }
0xc0: {  	[tilespmem:v7+s21+$0x0] =	vst.idx.msk vm12, v1;
	s11 =	sadd.s32 $0x5, s1;
	p6 =	sgt.s32 s13, $0x0;
	s9 =	simm.s32 @!p1 $0x0  }
0xc1: {  	[tilespmem:v17+s22+$0x0] =	vst.idx.msk vm14, v9;
	[smem:s8] =	sst s25;
	s8 =	sadd.s32 s9, s8;
	s9 =	simm.s32 $0x1  }
0xc2: {  	[tilespmem:v15+s23+$0x0] =	vst.idx.msk vm15, v5;
	s26 =	simm.s32 @!p6 $0x0;
	s12 =	simm.s32 $0x1;
	s9 =	simm.s32 @!p2 $0x0  }
0xc3: {  	v19 =	vld [tilespmem:s0+$0xFFFFFFE0];
	[smem:s8] =	sst s6;
	s25 =	sadd.s32 s9, s8;
	s8 =	simm.s32 $0x1  }
0xc4: {  	v20 =	vld [tilespmem:s0+$0x30];
	s8 =	simm.s32 @!p4 $0x0;
	[smem:s25] =	sst s7;
	s7 =	simm.s32 $0x1  }
0xc5: {  	v24 =	vld [tilespmem:s0+$0x20];
	s12 =	simm.s32 @!p5 $0x0;
	s6 =	sadd.s32 s8, s25;
	s7 =	simm.s32 @!p3 $0x0  }
0xc6: {  	v21 =	vld [tilespmem:s0+$0xFFFFFFD0];
	s13 =	spop (v2sf);
	[smem:s6] =	sst s5;
	s8 =	sadd.s32 s7, s6  }
0xc7: {  	v28 =	vld [tilespmem:s0+$0xFFFFFFC0];
	s9 =	spop (v2sf);
	[smem:s8] =	sst s11;
	s5 =	sadd.s32 s12, s8  }
0xc8: {  	v22 =	vld [tilespmem:s0+$0x40];
	p0 =	sgt.s32 s9, $0x0;
	s25 =	spop (v2sf);
	[smem:s5] =	sst s10  }
0xc9: {  	v30 =	vld [tilespmem:s0+$0x0];
	s8 =	simm.s32 $0x1;
	s5 =	sadd.s32 s26, s5;
	s26 =	sld [smem:$0x7FD]  }
0xca: {  	v29 =	vld [tilespmem:s0+$0xFFFFFFF0];
	s6 =	simm.s32 $0x1;
	s8 =	simm.s32 @!p0 $0x0;
	p0 =	sgt.s32 s13, $0x0  }
0xcb: {  	v32 =	vld [tilespmem:s0+$0xFFFFFFB0];
	v62 =	vand.u32 $0x3FFF, v21;
	s11 =	simm.s32 $0x1;
	s6 =	simm.s32 @!p0 $0x0;
	p0 =	sgt.s32 s25, $0x0  }
0xcc: {  	v35 =	vld.idx.msk [tilespmem:v23+s15+$0x0], $0xffff;
	v63 =	vand.u32 $0x3FFF, v24;
	s11 =	simm.s32 @!p0 $0x0;
	p0 =	seq.s32 s26, $0x1  }
.Ltmp1:
0xcd: {  	v34 =	vld.idx.msk [tilespmem:v18+s16+$0x0], $0xffff;
	(pc) =	sbr.rel @!p0 .LBB2_5-.Ltmp1, $4  }
0xce: {  	v61 =	vshrl.u32 v21, $0xE;
	v21 =	vld.idx.msk [tilespmem:v25+s14+$0x0], $0xffff;
	v25 =	vshrl.u32 v19, $0xE  }
0xcf: {  	s30 =	smov.u32 s29;
	s29 =	smov.u32 s31;
	v37 =	vld [tilespmem:s0+$0x10];
	v36 =	vand.u32 $0x3FFF, v28;
	v33 =	vand.u32 $0x3FFF, v19;
	v31 =	vand.u32 $0x3FFF, v30  }
0xd0: {  	s31 =	sadd.s32 $0xA, s31;
	s4 =	sadd.s32 $0x7, s1;
	v26 =	vand.u32 $0x3FFF, v20;
	v23 =	vshrl.u32 v29, $0xE;
	v38 =	vand.u32 $0x3FFF, v29;
	v29 =	vld.idx.msk [tilespmem:v62+s2+$0x0], $0xffff;
	s10 =	sadd.s32 $0x8, s1  }
0xd1: {  	v27 =	vand.u32 $0x3FFF, v22;
	v39 =	vand.u32 $0x3FFF, v32;
	v30 =	vshrl.u32 v30, $0xE;
	v18 =	vmovc v61;
	v19 =	vld.idx.msk [tilespmem:v63+s2+$0x0], $0xffff;
	[smem:s5] =	sst s4;
	s4 =	sadd.s32 $0x9, s1;
	s1 =	sadd.s32 s6, s5  }
0xd2: {  	_ =	sdelay $0x3  }
0xd3: {  	v40 =	vld.idx.msk [tilespmem:v13+s17+$0x0], $0xffff  }
0xd4: {  	v16 =	vld.idx.msk [tilespmem:v16+s18+$0x0], $0xffff  }
0xd5: {  	v41 =	vld.idx.msk [tilespmem:v18+s16+$0x0], $0xffff  }
0xd6: {  	v42 =	vld.idx.msk [tilespmem:v11+s19+$0x0], $0xffff  }
0xd7: {  	v13 =	vld.idx.msk [tilespmem:v39+s2+$0x0], $0xffff  }
0xd8: {  	v61 =	vld.idx.msk [tilespmem:v14+s20+$0x0], $0xffff  }
0xd9: {  	v36 =	vld.idx.msk [tilespmem:v36+s2+$0x0], $0xffff  }
0xda: {  	v38 =	vld.idx.msk [tilespmem:v38+s2+$0x0], $0xffff  }
0xdb: {  	v32 =	vshrl.u32 v32, $0xE;
	v44 =	vld.idx.msk [tilespmem:v25+s17+$0x0], $0xffff  }
0xdc: {  	v28 =	vshrl.u32 v28, $0xE;
	v33 =	vld.idx.msk [tilespmem:v33+s2+$0x0], $0xffff  }
0xdd: {  	v63 =	vld.idx.msk [tilespmem:v30+s19+$0x0], $0xffff  }
0xde: {  	v31 =	vld.idx.msk [tilespmem:v31+s2+$0x0], $0xffff  }
0xdf: {  	v46 =	vld.idx.msk [tilespmem:v23+s18+$0x0], $0xffff  }
0xe0: {  	v45 =	vshrl.u32 v37, $0xE;
	v47 =	vld.idx.msk [tilespmem:v32+s14+$0x0], $0xffff  }
0xe1: {  	v62 =	vand.u32 $0x3FFF, v37;
	v43 =	vld.idx.msk [tilespmem:v28+s15+$0x0], $0xffff  }
0xe2: {  	v24 =	vshrl.u32 v24, $0xE;
	v52 =	vld.idx.msk [tilespmem:v7+s21+$0x0], $0xffff  }
0xe3: {  	v51 =	vshrl.u32 v20, $0xE;
	v54 =	vld.idx.msk [tilespmem:v27+s2+$0x0], $0xffff  }
0xe4: {  	v53 =	vshrl.u32 v22, $0xE;
	v55 =	vld.idx.msk [tilespmem:v26+s2+$0x0], $0xffff  }
0xe5: {  	v48 =	vld.idx.msk [tilespmem:v45+s20+$0x0], $0xffff;
	vm0 =	vgt.f32 v13, v47  }
0xe6: {  	v49 =	vld.idx.msk [tilespmem:v62+s2+$0x0], $0xffff;
	vm2 =	vgt.f32 v36, v43  }
0xe7: {  	v50 =	vld.idx.msk [tilespmem:v24+s21+$0x0], $0xffff;
	vm14 =	vgt.f32 v29, v41  }
0xe8: {  	vm1 =	vgt.f32 v12, v35;
	vm15 =	vgt.f32 v33, v44;
	v57 =	vld.idx.msk [tilespmem:v51+s22+$0x0], $0xffff  }
0xe9: {  	v12 =	vmpcnt.ones.xlane vm1;
	vm4 =	vgt.f32 v38, v46;
	v58 =	vld.idx.msk [tilespmem:v53+s23+$0x0], $0xffff  }
0xea: {  	v17 =	vld.idx.msk [tilespmem:v17+s22+$0x0], $0xffff;
	vm3 =	vgt.f32 v4, v34;
	vm6 =	vgt.f32 v31, v63  }
0xeb: {  	v59 =	vld.idx.msk [tilespmem:v15+s23+$0x0], $0xffff;
	(v2sf) =	vpush v12, $0x0;
	vm8 =	vgt.f32 v49, v48;
	[tilespmem:v32+s14+$0x0] =	vst.idx.msk vm0, v13  }
0xec: {  	v56 =	vmpcnt.ones.xlane vm3;
	vm10 =	vgt.f32 v19, v50;
	[tilespmem:v28+s15+$0x0] =	vst.idx.msk vm2, v36  }
0xed: {  	vm11 =	vgt.f32 v55, v57;
	[tilespmem:v18+s16+$0x0] =	vst.idx.msk vm14, v29  }
0xee: {  	(v2sf) =	vpush v56, $0x0;
	vm5 =	vgt.f32 v8, v40;
	vm13 =	vgt.f32 v54, v58;
	[tilespmem:v25+s17+$0x0] =	vst.idx.msk vm15, v33  }
0xef: {  	vm7 =	vgt.f32 v3, v16;
	v3 =	vmpcnt.ones.xlane vm5;
	[tilespmem:v23+s18+$0x0] =	vst.idx.msk vm4, v38  }
0xf0: {  	vm9 =	vgt.f32 v6, v42;
	v60 =	vmpcnt.ones.xlane vm7;
	[tilespmem:v30+s19+$0x0] =	vst.idx.msk vm6, v31  }
0xf1: {  	vm12 =	vgt.f32 v10, v61;
	(v2sf) =	vpush v3, $0x0;
	v3 =	vmpcnt.ones.xlane vm9;
	[tilespmem:v45+s20+$0x0] =	vst.idx.msk vm8, v49  }
0xf2: {  	v61 =	vmpcnt.ones.xlane vm12;
	(v2sf) =	vpush v60, $0x0;
	vm14 =	vgt.f32 v2, v21;
	[tilespmem:v24+s21+$0x0] =	vst.idx.msk vm10, v19  }
0xf3: {  	(v2sf) =	vpush v3, $0x0;
	v2 =	vmpcnt.ones.xlane vm14;
	[tilespmem:v51+s22+$0x0] =	vst.idx.msk vm11, v55  }
0xf4: {  	(v2sf) =	vpush v61, $0x0;
	[tilespmem:v53+s23+$0x0] =	vst.idx.msk vm13, v54  }
0xf5: {  	vm15 =	vgt.f32 v1, v52;
	(v2sf) =	vpush v2, $0x0;
	v1 =	vld.idx.msk [tilespmem:v28+s15+$0x0], $0xffff  }
0xf6: {  	vm4 =	vgt.f32 v9, v17;
	v2 =	vmpcnt.ones.xlane vm15  }
0xf7: {  	vm5 =	vgt.f32 v5, v59;
	v3 =	vmpcnt.ones.xlane vm4  }
0xf8: {  	v5 =	vmpcnt.ones.xlane vm5;
	(v2sf) =	vpush v2, $0x0  }
0xf9: {  	(v2sf) =	vpush v3, $0x0;
	v2 =	vld.idx.msk [tilespmem:v18+s16+$0x0], $0xffff  }
0xfa: {  	s0 =	spop (v2sf);
	(v2sf) =	vpush v5, $0x0;
	vm6 =	vgt.f32 v36, v1  }
0xfb: {  	[smem:s1] =	sst s10;
	v1 =	vmpcnt.ones.xlane vm6  }
0xfc: {  	s31 =	sadd.s32 s8, s1;
	s8 =	sadd.s32 $0x2, s30;
	s10 =	simm.s32 $0x1  }
0xfd: {  	s13 =	sadd.s32 $0x1, s30;
	[smem:s31] =	sst s4;
	s5 =	spop (v2sf);
	(v2sf) =	vpush v1, $0x0;
	v1 =	vld.idx.msk [tilespmem:v25+s17+$0x0], $0xffff  }
0xfe: {  	s1 =	sadd.s32 s11, s31;
	s4 =	sadd.s32 $0x4, s30;
	s31 =	sadd.s32 $0x3, s30;
	vm7 =	vgt.f32 v29, v2;
	v2 =	vld.idx.msk [tilespmem:v23+s18+$0x0], $0xffff  }
0xff: {  	s11 =	simm.s32 $0x1;
	[smem:s1] =	sst s30;
	p4 =	sgt.s32 s0, $0x0;
	v3 =	vmpcnt.ones.xlane vm7  }
0x100: {  	s0 =	sadd.s32 $0x7, s30;
	p3 =	sgt.s32 s5, $0x0;
	s6 =	spop (v2sf);
	v62 =	vld.idx.msk [tilespmem:v30+s19+$0x0], $0xffff  }
0x101: {  	s5 =	sadd.s32 $0x5, s30;
	s11 =	simm.s32 @!p3 $0x0;
	s7 =	spop (v2sf);
	v63 =	vld.idx.msk [tilespmem:v45+s20+$0x0], $0xffff;
	(v2sf) =	vpush v3, $0x0  }
0x102: {  	p2 =	sgt.s32 s6, $0x0;
	s9 =	spop (v2sf);
	p1 =	sgt.s32 s7, $0x0;
	vm8 =	vgt.f32 v33, v1  }
0x103: {  	s7 =	simm.s32 $0x1;
	s6 =	spop (v2sf);
	p5 =	sgt.s32 s9, $0x0;
	vm9 =	vgt.f32 v38, v2;
	v2 =	vmpcnt.ones.xlane vm8  }
0x104: {  	s9 =	simm.s32 $0x1;
	s7 =	simm.s32 @!p2 $0x0;
	s12 =	spop (v2sf);
	v1 =	vld.idx.msk [tilespmem:v32+s14+$0x0], $0xffff  }
0x105: {  	p0 =	sgt.s32 s6, $0x0;
	s6 =	sadd.s32 $0x6, s30;
	vm10 =	vgt.f32 v31, v62;
	p6 =	sgt.s32 s12, $0x0;
	v3 =	vmpcnt.ones.xlane vm9;
	(v2sf) =	vpush v2, $0x0  }
0x106: {  	s10 =	simm.s32 @!p5 $0x0;
	vm11 =	vgt.f32 v49, v63;
	s12 =	simm.s32 $0x1;
	s9 =	simm.s32 @!p6 $0x0;
	v2 =	vmpcnt.ones.xlane vm10  }
0x107: {  	s12 =	simm.s32 @!p4 $0x0;
	s25 =	spop (v2sf);
	s1 =	sadd.s32 s9, s1;
	(v2sf) =	vpush v3, $0x0;
	v3 =	vmpcnt.ones.xlane vm11  }
0x108: {  	s9 =	simm.s32 $0x1;
	[smem:s1] =	sst s13;
	s13 =	spop (v2sf);
	(v2sf) =	vpush v2, $0x0;
	v2 =	vld.idx.msk [tilespmem:v24+s21+$0x0], $0xffff  }
0x109: {  	s1 =	sadd.s32 s12, s1;
	s12 =	simm.s32 $0x1;
	s26 =	spop (v2sf);
	vm12 =	vgt.f32 v13, v1;
	(v2sf) =	vpush v3, $0x0  }
0x10a: {  	[smem:s1] =	sst s8;
	s1 =	sadd.s32 s11, s1;
	s8 =	simm.s32 $0x1;
	v1 =	vmpcnt.ones.xlane vm12  }
0x10b: {  	s11 =	simm.s32 $0x1;
	[smem:s1] =	sst s31;
	s1 =	sadd.s32 s7, s1  }
0x10c: {  	s8 =	simm.s32 @!p1 $0x0;
	s11 =	simm.s32 @!p0 $0x0;
	s31 =	spop (v2sf);
	(v2sf) =	vpush v1, $0x0;
	v1 =	vld.idx.msk [tilespmem:v51+s22+$0x0], $0xffff  }
0x10d: {  	p0 =	sgt.s32 s13, $0x0;
	[smem:s1] =	sst s4;
	s1 =	sadd.s32 s8, s1;
	vm13 =	vgt.f32 v19, v2  }
0x10e: {  	s4 =	simm.s32 $0x1;
	s8 =	sadd.s32 $0x2, s29;
	[smem:s1] =	sst s5;
	v2 =	vmpcnt.ones.xlane vm13  }
0x10f: {  	s1 =	sadd.s32 s10, s1;
	s4 =	simm.s32 @!p0 $0x0;
	p0 =	sgt.s32 s25, $0x0  }
0x110: {  	s25 =	sadd.s32 $0x8, s30;
	s5 =	sadd.s32 $0x5, s29;
	s13 =	spop (v2sf);
	(v2sf) =	vpush v2, $0x0;
	v2 =	vld.idx.msk [tilespmem:v53+s23+$0x0], $0xffff  }
0x111: {  	s10 =	simm.s32 $0x1;
	[smem:s1] =	sst s6;
	s1 =	sadd.s32 s11, s1;
	vm14 =	vgt.f32 v55, v1  }
0x112: {  	s11 =	simm.s32 $0x1;
	[smem:s1] =	sst s0;
	s0 =	simm.s32 $0x1;
	v1 =	vmpcnt.ones.xlane vm14  }
0x113: {  	s0 =	simm.s32 @!p0 $0x0;
	p0 =	sgt.s32 s26, $0x0;
	s26 =	sadd.s32 $0x9, s30  }
0x114: {  	s0 =	sadd.s32 s0, s1;
	s1 =	simm.s32 $0x1;
	s30 =	spop (v2sf);
	(v2sf) =	vpush v1, $0x0  }
0x115: {  	s1 =	simm.s32 @!p0 $0x0;
	[smem:s0] =	sst s25;
	s0 =	sadd.s32 s4, s0;
	vm15 =	vgt.f32 v54, v2  }
0x116: {  	s4 =	sadd.s32 $0x4, s29;
	p3 =	sgt.s32 s31, $0x0;
	s31 =	spop (v2sf);
	v1 =	vmpcnt.ones.xlane vm15  }
0x117: {  	s25 =	sadd.s32 $0x3, s29;
	[smem:s0] =	sst s26;
	s6 =	spop (v2sf)  }
0x118: {  	s0 =	sadd.s32 s1, s0;
	s1 =	sadd.s32 $0x7, s29;
	s7 =	spop (v2sf);
	(v2sf) =	vpush v1, $0x0  }
0x119: {  	p2 =	sgt.s32 s13, $0x0;
	[smem:s0] =	sst s29;
	s13 =	simm.s32 $0x1  }
0x11a: {  	s13 =	simm.s32 @!p3 $0x0;
	s9 =	simm.s32 @!p2 $0x0;
	p1 =	sgt.s32 s30, $0x0  }
0x11b: {  	s30 =	sadd.s32 $0x1, s29;
	p0 =	sgt.s32 s31, $0x0;
	s26 =	spop (v2sf)  }
0x11c: {  	p5 =	sgt.s32 s6, $0x0;
	s6 =	sadd.s32 $0x6, s29;
	p6 =	sgt.s32 s26, $0x0  }
0x11d: {  	p4 =	sgt.s32 s7, $0x0;
	s10 =	simm.s32 @!p5 $0x0;
	s11 =	simm.s32 @!p6 $0x0  }
0x11e: {  	s7 =	simm.s32 $0x1;
	s12 =	simm.s32 @!p4 $0x0;
	s0 =	sadd.s32 s11, s0  }
0x11f: {  	s7 =	simm.s32 @!p1 $0x0;
	[smem:s0] =	sst s30;
	s0 =	sadd.s32 s13, s0  }
0x120: {  	s31 =	spop (v2sf);
	[smem:s0] =	sst s8;
	s0 =	sadd.s32 s9, s0  }
0x121: {  	s9 =	simm.s32 $0x1;
	[smem:s0] =	sst s25;
	s0 =	sadd.s32 s7, s0  }
0x122: {  	s30 =	sadd.s32 $0x8, s29;
	s9 =	simm.s32 @!p0 $0x0;
	[smem:s0] =	sst s4  }
0x123: {  	s0 =	sadd.s32 s9, s0;
	s4 =	simm.s32 $0x1;
	s25 =	spop (v2sf)  }
0x124: {  	[smem:s0] =	sst s5;
	s0 =	sadd.s32 s10, s0;
	s5 =	simm.s32 $0x1  }
0x125: {  	p0 =	sgt.s32 s25, $0x0;
	[smem:s0] =	sst s6;
	s0 =	sadd.s32 s12, s0  }
0x126: {  	s4 =	simm.s32 @!p0 $0x0;
	[smem:s0] =	sst s1;
	p0 =	sgt.s32 s31, $0x0  }
0x127: {  	s31 =	sadd.s32 $0x9, s29;
	s26 =	spop (v2sf);
	s5 =	simm.s32 @!p0 $0x0  }
0x128: {  	p0 =	sgt.s32 s26, $0x0;
	s0 =	sadd.s32 s5, s0;
	s5 =	simm.s32 $0x1  }
0x129: {  	s5 =	simm.s32 @!p0 $0x0;
	[smem:s0] =	sst s30;
	s0 =	sadd.s32 s4, s0  }
0x12a: {  	[smem:s0] =	sst s31;
	s0 =	sadd.s32 s5, s0  }
0x12b: {  	p0 =	sgt.s32 s0, $0x0  }
.Ltmp2:
0x12c: {  	_ = 	snop;
	(pc) =	sbr.rel @p0 .LBB2_7-.Ltmp2, $2  }
0x12d: {  	_ =	sdelay $0x2  }
0x12e: {  	s1 =	simm.s32 $0x0  }
.LBB2_10:
0x12f: {  	p0 =	seq.s32 s28, $0x13  }
0x130: {  	s0 =	smul.u32 @!p0 $0x3E80, s28;
	_ =	sdelay $0x1  }
0x131: {  	s5 =	simm.s32 @!p0 $0x0;
	s0 =	sshrl.u32 @!p0 s0, $0x3  }
0x132: {  	s1 =	simm.s32 @!p0 $0x0;
	s5 =	simm.s32 @p0 $0x1;
	s0 =	sadd.s32 @!p0 s3, s0  }
0x133: {  	s4 =	simm.s32 @!p0 $0x1B800;
	[smem:$0x7FC] =	sst s5;
	s0 =	sadd.s32 @!p0 $0x7D0, s0  }
0x134: {  	[tilespmem:s4], [sflag:$0x1] =	stream.linear.gather @!p0 [hbm4b:s0+s1], $0x1F40, $0x38;
	[tilespmem:$0x1F700] =	vst v63  }
0x135: {  	_ =	swait.ge [sflag:s24], $0x1F40  }
0x136: {  	[sflag:s24] =	ssyncset.done $0x0  }
0x137: {  	s7 =	simm.s32 $0x1D7D0;
	[sflag:s24] =	ssyncadd.s32 $0xFFFFE0C0  }
0x138: {  	v1 =	vld [tilespmem:s7+$0xFFFFFFD0]  }
0x139: {  	v2 =	vld [tilespmem:s7+$0x20]  }
0x13a: {  	v3 =	vld [tilespmem:s7+$0xFFFFFFE0]  }
0x13b: {  	v4 =	vld [tilespmem:s7+$0xFFFFFFB0]  }
0x13c: {  	v5 =	vld [tilespmem:s7+$0xFFFFFFC0]  }
0x13d: {  	v6 =	vld [tilespmem:s7+$0xFFFFFFF0];
	v7 =	vand.u32 $0x3FFF, v1  }
0x13e: {  	v8 =	vld [tilespmem:s7+$0x30];
	v9 =	vand.u32 $0x3FFF, v2  }
0x13f: {  	v10 =	vld [tilespmem:s7+$0x40];
	v1 =	vshrl.u32 v1, $0xE  }
0x140: {  	v11 =	vld [tilespmem:s7+$0x0];
	v12 =	vand.u32 $0x3FFF, v4  }
0x141: {  	v14 =	vld [tilespmem:s7+$0x10];
	v13 =	vand.u32 $0x3FFF, v5  }
0x142: {  	v15 =	vand.u32 $0x3FFF, v6;
	v17 =	vld.idx.msk [tilespmem:v7+s2+$0x0], $0xffff  }
0x143: {  	v5 =	vshrl.u32 v5, $0xE;
	v20 =	vld.idx.msk [tilespmem:v9+s2+$0x0], $0xffff  }
0x144: {  	v4 =	vshrl.u32 v4, $0xE;
	v9 =	vld.idx.msk [tilespmem:v1+s16+$0x0], $0xffff  }
0x145: {  	v6 =	vshrl.u32 v6, $0xE;
	v23 =	vld.idx.msk [tilespmem:v12+s2+$0x0], $0xffff  }
0x146: {  	v21 =	vshrl.u32 v14, $0xE;
	v16 =	vld.idx.msk [tilespmem:v13+s2+$0x0], $0xffff  }
0x147: {  	v19 =	vand.u32 $0x3FFF, v10;
	v15 =	vld.idx.msk [tilespmem:v15+s2+$0x0], $0xffff  }
0x148: {  	v7 =	vshrl.u32 v3, $0xE;
	v3 =	vand.u32 $0x3FFF, v3;
	v13 =	vld.idx.msk [tilespmem:v5+s15+$0x0], $0xffff  }
0x149: {  	v25 =	vshrl.u32 v2, $0xE;
	v2 =	vld.idx.msk [tilespmem:v4+s14+$0x0], $0xffff  }
0x14a: {  	v12 =	vshrl.u32 v11, $0xE;
	v11 =	vand.u32 $0x3FFF, v11;
	v27 =	vld.idx.msk [tilespmem:v6+s18+$0x0], $0xffff  }
0x14b: {  	v28 =	vld.idx.msk [tilespmem:v21+s20+$0x0], $0xffff  }
0x14c: {  	v29 =	vshrl.u32 v8, $0xE;
	v22 =	vld.idx.msk [tilespmem:v19+s2+$0x0], $0xffff  }
0x14d: {  	v24 =	vld.idx.msk [tilespmem:v3+s2+$0x0], $0xffff;
	v3 =	vand.u32 $0x3FFF, v14  }
0x14e: {  	v18 =	vld.idx.msk [tilespmem:v7+s17+$0x0], $0xffff  }
0x14f: {  	v26 =	vld.idx.msk [tilespmem:v11+s2+$0x0], $0xffff;
	v11 =	vand.u32 $0x3FFF, v8  }
0x150: {  	v31 =	vshrl.u32 v10, $0xE;
	v14 =	vld.idx.msk [tilespmem:v12+s19+$0x0], $0xffff  }
0x151: {  	vm0 =	vgt.f32 v23, v2;
	v2 =	vld.idx.msk [tilespmem:v29+s22+$0x0], $0xffff  }
0x152: {  	vm1 =	vgt.f32 v16, v13;
	v30 =	vld.idx.msk [tilespmem:v3+s2+$0x0], $0xffff  }
0x153: {  	vm2 =	vgt.f32 v17, v9;
	v3 =	vld.idx.msk [tilespmem:v25+s21+$0x0], $0xffff  }
0x154: {  	v32 =	vld.idx.msk [tilespmem:v11+s2+$0x0], $0xffff;
	vm3 =	vgt.f32 v24, v18  }
0x155: {  	vm4 =	vgt.f32 v15, v27;
	v8 =	vld.idx.msk [tilespmem:v31+s23+$0x0], $0xffff  }
0x156: {  	vm5 =	vgt.f32 v26, v14  }
0x157: {  	[tilespmem:v4+s14+$0x0] =	vst.idx.msk vm0, v23;
	vm6 =	vgt.f32 v30, v28  }
0x158: {  	[tilespmem:v5+s15+$0x0] =	vst.idx.msk vm1, v16;
	vm13 =	vgt.f32 v20, v3  }
0x159: {  	[tilespmem:v1+s16+$0x0] =	vst.idx.msk vm2, v17;
	vm14 =	vgt.f32 v32, v2  }
0x15a: {  	vm15 =	vgt.f32 v22, v8;
	[tilespmem:v7+s17+$0x0] =	vst.idx.msk vm3, v24  }
0x15b: {  	[tilespmem:v6+s18+$0x0] =	vst.idx.msk vm4, v15  }
0x15c: {  	[tilespmem:v12+s19+$0x0] =	vst.idx.msk vm5, v26  }
0x15d: {  	[tilespmem:v21+s20+$0x0] =	vst.idx.msk vm6, v30  }
0x15e: {  	[tilespmem:v25+s21+$0x0] =	vst.idx.msk vm13, v20  }
0x15f: {  	[tilespmem:v29+s22+$0x0] =	vst.idx.msk vm14, v32  }
0x160: {  	s8 =	simm.s32 $0x1D870;
	[tilespmem:v31+s23+$0x0] =	vst.idx.msk vm15, v22  }
0x161: {  	v3 =	vld [tilespmem:s8+$0xFFFFFFE0]  }
0x162: {  	v9 =	vld [tilespmem:s8+$0x30]  }
0x163: {  	v8 =	vld [tilespmem:s8+$0x20]  }
0x164: {  	v2 =	vld [tilespmem:s8+$0xFFFFFFD0]  }
0x165: {  	v10 =	vld [tilespmem:s8+$0xFFFFFFC0]  }
0x166: {  	v27 =	vld [tilespmem:s8+$0x40]  }
0x167: {  	v14 =	vld [tilespmem:s8+$0x0]  }
0x168: {  	v28 =	vld [tilespmem:s8+$0xFFFFFFF0]  }
0x169: {  	v33 =	vld [tilespmem:s8+$0xFFFFFFB0]  }
0x16a: {  	v34 =	vld.idx.msk [tilespmem:v4+s14+$0x0], $0xffff  }
0x16b: {  	v5 =	vld.idx.msk [tilespmem:v5+s15+$0x0], $0xffff  }
0x16c: {  	v35 =	vld.idx.msk [tilespmem:v1+s16+$0x0], $0xffff  }
0x16d: {  	v36 =	vld [tilespmem:s8+$0x10]  }
0x16e: {  	v37 =	vld.idx.msk [tilespmem:v7+s17+$0x0], $0xffff;
	v11 =	vand.u32 $0x3FFF, v2  }
0x16f: {  	v6 =	vld.idx.msk [tilespmem:v6+s18+$0x0], $0xffff;
	v13 =	vand.u32 $0x3FFF, v8  }
0x170: {  	v41 =	vld.idx.msk [tilespmem:v21+s20+$0x0], $0xffff;
	v19 =	vshrl.u32 v2, $0xE  }
0x171: {  	v25 =	vld.idx.msk [tilespmem:v25+s21+$0x0], $0xffff;
	v2 =	vand.u32 $0x3FFF, v33  }
0x172: {  	v7 =	vand.u32 $0x3FFF, v10;
	v18 =	vshrl.u32 v10, $0xE;
	v10 =	vld.idx.msk [tilespmem:v12+s19+$0x0], $0xffff  }
0x173: {  	v38 =	vand.u32 $0x3FFF, v28;
	v4 =	vld.idx.msk [tilespmem:v11+s2+$0x0], $0xffff  }
0x174: {  	v1 =	vld.idx.msk [tilespmem:v13+s2+$0x0], $0xffff  }
0x175: {  	v40 =	vand.u32 $0x3FFF, v3;
	v39 =	vld.idx.msk [tilespmem:v19+s16+$0x0], $0xffff  }
0x176: {  	v42 =	vand.u32 $0x3FFF, v14;
	vm5 =	vgt.f32 v16, v5;
	v2 =	vld.idx.msk [tilespmem:v2+s2+$0x0], $0xffff  }
0x177: {  	v16 =	vshrl.u32 v28, $0xE;
	v21 =	vshrl.u32 v33, $0xE;
	vm6 =	vgt.f32 v17, v35;
	v12 =	vld.idx.msk [tilespmem:v7+s2+$0x0], $0xffff  }
0x178: {  	vm7 =	vgt.f32 v24, v37;
	v5 =	vmpcnt.ones.xlane vm5;
	v13 =	vshrl.u32 v3, $0xE;
	v3 =	vld.idx.msk [tilespmem:v38+s2+$0x0], $0xffff  }
0x179: {  	vm8 =	vgt.f32 v15, v6;
	v60 =	vand.u32 $0x3FFF, v9;
	v17 =	vmpcnt.ones.xlane vm6;
	v28 =	vld.idx.msk [tilespmem:v18+s15+$0x0], $0xffff  }
0x17a: {  	(v2sf) =	vpush v5, $0x0;
	v5 =	vand.u32 $0x3FFF, v36;
	v7 =	vshrl.u32 v8, $0xE;
	v8 =	vld.idx.msk [tilespmem:v40+s2+$0x0], $0xffff  }
0x17b: {  	vm11 =	vgt.f32 v23, v34;
	v23 =	vand.u32 $0x3FFF, v27;
	v15 =	vmpcnt.ones.xlane vm7;
	v6 =	vld.idx.msk [tilespmem:v42+s2+$0x0], $0xffff  }
0x17c: {  	(v2sf) =	vpush v17, $0x0;
	v17 =	vmpcnt.ones.xlane vm8;
	vm9 =	vgt.f32 v26, v10;
	v26 =	vld.idx.msk [tilespmem:v16+s18+$0x0], $0xffff  }
0x17d: {  	vm10 =	vgt.f32 v30, v41;
	(v2sf) =	vpush v15, $0x0;
	v30 =	vld.idx.msk [tilespmem:v21+s14+$0x0], $0xffff;
	v10 =	vmpcnt.ones.xlane vm9  }
0x17e: {  	v11 =	vshrl.u32 v14, $0xE;
	(v2sf) =	vpush v17, $0x0;
	v17 =	vshrl.u32 v9, $0xE;
	v9 =	vld.idx.msk [tilespmem:v60+s2+$0x0], $0xffff  }
0x17f: {  	v14 =	vshrl.u32 v36, $0xE;
	(v2sf) =	vpush v10, $0x0;
	v10 =	vld.idx.msk [tilespmem:v5+s2+$0x0], $0xffff  }
0x180: {  	v15 =	vmpcnt.ones.xlane vm10;
	v5 =	vld.idx.msk [tilespmem:v23+s2+$0x0], $0xffff  }
0x181: {  	v59 =	vmpcnt.ones.xlane vm11;
	v57 =	vld.idx.msk [tilespmem:v13+s17+$0x0], $0xffff  }
0x182: {  	(v2sf) =	vpush v15, $0x0;
	v15 =	vshrl.u32 v27, $0xE;
	v27 =	vld.idx.msk [tilespmem:v29+s22+$0x0], $0xffff  }
0x183: {  	v24 =	vld.idx.msk [tilespmem:v11+s19+$0x0], $0xffff;
	(v2sf) =	vpush v59, $0x0;
	vm12 =	vgt.f32 v2, v30  }
0x184: {  	v58 =	vld.idx.msk [tilespmem:v14+s20+$0x0], $0xffff;
	vm1 =	vgt.f32 v12, v28  }
0x185: {  	v61 =	vld.idx.msk [tilespmem:v7+s21+$0x0], $0xffff;
	vm13 =	vgt.f32 v4, v39  }
0x186: {  	v23 =	vld.idx.msk [tilespmem:v17+s22+$0x0], $0xffff;
	vm14 =	vgt.f32 v8, v57  }
0x187: {  	vm4 =	vgt.f32 v3, v26;
	v26 =	vld.idx.msk [tilespmem:v15+s23+$0x0], $0xffff  }
0x188: {  	vm5 =	vgt.f32 v6, v24;
	v24 =	vld.idx.msk [tilespmem:v31+s23+$0x0], $0xffff  }
0x189: {  	vm15 =	vgt.f32 v20, v25;
	vm7 =	vgt.f32 v10, v58;
	[tilespmem:v21+s14+$0x0] =	vst.idx.msk vm12, v2  }
0x18a: {  	s30 =	simm.s32 $0xA;
	v20 =	vmpcnt.ones.xlane vm15;
	vm8 =	vgt.f32 v32, v27;
	vm12 =	vgt.f32 v1, v61;
	[tilespmem:v18+s15+$0x0] =	vst.idx.msk vm1, v12  }
0x18b: {  	s29 =	simm.s32 $0x14;
	s31 =	simm.s32 $0x1E;
	s26 =	simm.s32 $0x4;
	v25 =	vmpcnt.ones.xlane vm8;
	[tilespmem:v19+s16+$0x0] =	vst.idx.msk vm13, v4;
	vm13 =	vgt.f32 v9, v23  }
0x18c: {  	s6 =	simm.s32 $0x2;
	s5 =	simm.s32 $0x1;
	s9 =	spop (v2sf);
	(v2sf) =	vpush v20, $0x0;
	[tilespmem:v13+s17+$0x0] =	vst.idx.msk vm14, v8;
	vm14 =	vgt.f32 v5, v26  }
0x18d: {  	s1 =	simm.s32 $0x0;
	s0 =	simm.s32 $0x1D910;
	s10 =	spop (v2sf);
	(v2sf) =	vpush v25, $0x0;
	vm15 =	vgt.f32 v22, v24;
	[tilespmem:v16+s18+$0x0] =	vst.idx.msk vm4, v3  }
0x18e: {  	s4 =	simm.s32 $0x9;
	[smem:s1] =	sst s1;
	s11 =	spop (v2sf);
	v20 =	vmpcnt.ones.xlane vm15;
	[tilespmem:v11+s19+$0x0] =	vst.idx.msk vm5, v6  }
0x18f: {  	s1 =	simm.s32 $0x1;
	s7 =	simm.s32 $0x1;
	s12 =	spop (v2sf);
	[tilespmem:v14+s20+$0x0] =	vst.idx.msk vm7, v10  }
0x190: {  	p5 =	sgt.s32 s9, $0x0;
	s9 =	simm.s32 $0x5;
	s13 =	spop (v2sf);
	(v2sf) =	vpush v20, $0x0;
	[tilespmem:v7+s21+$0x0] =	vst.idx.msk vm12, v1  }
0x191: {  	p4 =	sgt.s32 s10, $0x0;
	s1 =	simm.s32 @!p5 $0x0;
	s25 =	spop (v2sf);
	[tilespmem:v17+s22+$0x0] =	vst.idx.msk vm13, v9  }
0x192: {  	s10 =	simm.s32 $0x3;
	p3 =	sgt.s32 s11, $0x0;
	s8 =	spop (v2sf);
	[tilespmem:v15+s23+$0x0] =	vst.idx.msk vm14, v5  }
0x193: {  	s11 =	simm.s32 $0x7;
	p0 =	sgt.s32 s12, $0x0;
	p6 =	sgt.s32 s8, $0x0;
	v23 =	vld [tilespmem:s0+$0xFFFFFFE0]  }
0x194: {  	p2 =	sgt.s32 s13, $0x0;
	p1 =	sgt.s32 s25, $0x0;
	s5 =	simm.s32 @!p6 $0x0;
	v20 =	vld [tilespmem:s0+$0x30]  }
0x195: {  	s25 =	simm.s32 $0x6;
	s8 =	simm.s32 $0x1;
	s5 =	sadd.s32 $0x0, s5;
	v24 =	vld [tilespmem:s0+$0x20]  }
0x196: {  	v25 =	vld [tilespmem:s0+$0xFFFFFFD0];
	[smem:s5] =	sst s7;
	s1 =	sadd.s32 s1, s5;
	s5 =	simm.s32 $0x1  }
0x197: {  	v28 =	vld [tilespmem:s0+$0xFFFFFFC0];
	s7 =	simm.s32 $0x1;
	s5 =	simm.s32 @!p4 $0x0;
	[smem:s1] =	sst s6  }
0x198: {  	v22 =	vld [tilespmem:s0+$0x40];
	s6 =	simm.s32 $0x1;
	s1 =	sadd.s32 s5, s1;
	s5 =	simm.s32 $0x1  }
0x199: {  	v30 =	vld [tilespmem:s0+$0x0];
	s7 =	simm.s32 @!p1 $0x0;
	s6 =	simm.s32 @!p0 $0x0;
	s5 =	simm.s32 @!p3 $0x0  }
0x19a: {  	v62 =	vld [tilespmem:s0+$0xFFFFFFF0];
	[smem:s1] =	sst s10;
	s1 =	sadd.s32 s5, s1;
	s5 =	simm.s32 $0x1  }
0x19b: {  	v32 =	vld [tilespmem:s0+$0xFFFFFFB0];
	s12 =	spop (v2sf);
	v29 =	vand.u32 $0x3FFF, v25;
	[smem:s1] =	sst s26;
	s1 =	sadd.s32 s6, s1  }
0x19c: {  	v21 =	vld.idx.msk [tilespmem:v21+s14+$0x0], $0xffff;
	v63 =	vand.u32 $0x3FFF, v24;
	s5 =	simm.s32 @!p2 $0x0;
	s13 =	spop (v2sf);
	[smem:s1] =	sst s9  }
0x19d: {  	v35 =	vld.idx.msk [tilespmem:v18+s15+$0x0], $0xffff;
	s1 =	sadd.s32 s5, s1;
	p0 =	sgt.s32 s13, $0x0;
	s5 =	simm.s32 $0x1  }
0x19e: {  	v34 =	vld.idx.msk [tilespmem:v19+s16+$0x0], $0xffff;
	v18 =	vshrl.u32 v25, $0xE;
	v25 =	vshrl.u32 v23, $0xE;
	[smem:s1] =	sst s25;
	s1 =	sadd.s32 s7, s1;
	s8 =	simm.s32 @!p0 $0x0  }
0x19f: {  	v37 =	vld [tilespmem:s0+$0x10];
	v36 =	vand.u32 $0x3FFF, v28;
	v33 =	vand.u32 $0x3FFF, v23;
	v31 =	vand.u32 $0x3FFF, v30;
	p0 =	sgt.s32 s12, $0x0;
	[smem:s1] =	sst s11;
	s26 =	spop (v2sf)  }
0x1a0: {  	v26 =	vand.u32 $0x3FFF, v20;
	v27 =	vand.u32 $0x3FFF, v22;
	v23 =	vshrl.u32 v62, $0xE;
	s5 =	simm.s32 @!p0 $0x0;
	s11 =	simm.s32 $0x1;
	v29 =	vld.idx.msk [tilespmem:v29+s2+$0x0], $0xffff;
	p0 =	sgt.s32 s26, $0x0  }
0x1a1: {  	s10 =	simm.s32 $0x8;
	v38 =	vand.u32 $0x3FFF, v62;
	v39 =	vand.u32 $0x3FFF, v32;
	v30 =	vshrl.u32 v30, $0xE;
	v19 =	vld.idx.msk [tilespmem:v63+s2+$0x0], $0xffff;
	s1 =	sadd.s32 s5, s1;
	s11 =	simm.s32 @!p0 $0x0  }
.LBB2_11:
0x1a2: {  	vm0 =	vgt.f32 v12, v35  }
0x1a3: {  	v40 =	vld.idx.msk [tilespmem:v13+s17+$0x0], $0xffff;
	vm13 =	vgt.f32 v4, v34;
	v35 =	vmpcnt.ones.xlane vm0  }
0x1a4: {  	v41 =	vld.idx.msk [tilespmem:v16+s18+$0x0], $0xffff;
	v34 =	vmpcnt.ones.xlane vm13  }
0x1a5: {  	v53 =	vld.idx.msk [tilespmem:v11+s19+$0x0], $0xffff;
	(v2sf) =	vpush v35, $0x0  }
0x1a6: {  	v16 =	vmov v23;
	v23 =	vshrl.u32 v28, $0xE;
	v28 =	vld.idx.msk [tilespmem:v18+s16+$0x0], $0xffff;
	(v2sf) =	vpush v34, $0x0  }
0x1a7: {  	v54 =	vld.idx.msk [tilespmem:v14+s20+$0x0], $0xffff  }
0x1a8: {  	vm14 =	vgt.f32 v8, v40  }
0x1a9: {  	vm1 =	vgt.f32 v3, v41;
	v8 =	vmpcnt.ones.xlane vm14  }
0x1aa: {  	v13 =	vmovc v25;
	v25 =	vshrl.u32 v32, $0xE;
	v4 =	vmovc v29;
	vm10 =	vgt.f32 v6, v53;
	v56 =	vmpcnt.ones.xlane vm1  }
0x1ab: {  	v11 =	vmovc v30;
	v30 =	vld.idx.msk [tilespmem:v39+s2+$0x0], $0xffff;
	vm15 =	vgt.f32 v4, v28;
	v28 =	vmpcnt.ones.xlane vm10;
	(v2sf) =	vpush v8, $0x0  }
0x1ac: {  	v60 =	vld.idx.msk [tilespmem:v7+s21+$0x0], $0xffff;
	v12 =	vshrl.u32 v37, $0xE;
	vm11 =	vgt.f32 v10, v54;
	(v2sf) =	vpush v56, $0x0  }
0x1ad: {  	vm5 =	vgt.f32 v2, v21;
	v21 =	vld.idx.msk [tilespmem:v26+s2+$0x0], $0xffff;
	v10 =	vmpcnt.ones.xlane vm11;
	(v2sf) =	vpush v28, $0x0  }
0x1ae: {  	v14 =	vmov v12;
	v12 =	vld.idx.msk [tilespmem:v36+s2+$0x0], $0xffff  }
0x1af: {  	v29 =	vand.u32 $0x3FFF, v37;
	v3 =	vld.idx.msk [tilespmem:v38+s2+$0x0], $0xffff;
	(v2sf) =	vpush v10, $0x0  }
0x1b0: {  	v24 =	vshrl.u32 v24, $0xE;
	v55 =	vld.idx.msk [tilespmem:v23+s15+$0x0], $0xffff  }
0x1b1: {  	p0 =	seq.s32 s31, $0x1EA;
	v57 =	vld.idx.msk [tilespmem:v13+s17+$0x0], $0xffff  }
0x1b2: {  	s5 =	simm.s32 @!p0 $0x0;
	v59 =	vld.idx.msk [tilespmem:v25+s14+$0x0], $0xffff  }
0x1b3: {  	s5 =	simm.s32 @p0 $0x1;
	v26 =	vmpcnt.ones.xlane vm5;
	v28 =	vld.idx.msk [tilespmem:v16+s18+$0x0], $0xffff  }
0x1b4: {  	[smem:$0x7FB] =	sst s5;
	v10 =	vld.idx.msk [tilespmem:v29+s2+$0x0], $0xffff;
	s5 =	spop (v2sf)  }
0x1b5: {  	v29 =	vld.idx.msk [tilespmem:v24+s21+$0x0], $0xffff;
	s6 =	spop (v2sf);
	(v2sf) =	vpush v26, $0x0  }
0x1b6: {  	v7 =	vmov v24;
	v24 =	vld.idx.msk [tilespmem:v17+s22+$0x0], $0xffff  }
0x1b7: {  	v58 =	vld.idx.msk [tilespmem:v11+s19+$0x0], $0xffff  }
0x1b8: {  	v20 =	vshrl.u32 v20, $0xE;
	v8 =	vld.idx.msk [tilespmem:v33+s2+$0x0], $0xffff  }
0x1b9: {  	v22 =	vshrl.u32 v22, $0xE;
	v6 =	vld.idx.msk [tilespmem:v31+s2+$0x0], $0xffff;
	vm8 =	vgt.f32 v1, v60  }
0x1ba: {  	vm7 =	vgt.f32 v30, v59;
	vm4 =	vgt.f32 v3, v28;
	v28 =	vld.idx.msk [tilespmem:v15+s23+$0x0], $0xffff;
	v26 =	vmpcnt.ones.xlane vm8;
	s7 =	spop (v2sf)  }
0x1bb: {  	v31 =	vld.idx.msk [tilespmem:v14+s20+$0x0], $0xffff;
	vm3 =	vgt.f32 v12, v55;
	vm9 =	vgt.f32 v9, v24;
	s9 =	spop (v2sf)  }
0x1bc: {  	[smem:s1] =	sst s10;
	v27 =	vld.idx.msk [tilespmem:v27+s2+$0x0], $0xffff;
	v1 =	vmovc v19;
	vm12 =	vgt.f32 v19, v29;
	v19 =	vmpcnt.ones.xlane vm9;
	s10 =	spop (v2sf);
	(v2sf) =	vpush v26, $0x0  }
0x1bd: {  	s26 =	sadd.s32 s8, s1;
	v17 =	vmov v20;
	v20 =	vld.idx.msk [tilespmem:v20+s22+$0x0], $0xffff;
	vm2 =	vgt.f32 v8, v57  }
0x1be: {  	s8 =	sadd.s32 s11, s26;
	v15 =	vmov v22;
	v22 =	vld.idx.msk [tilespmem:v22+s23+$0x0], $0xffff;
	s11 =	spop (v2sf);
	(v2sf) =	vpush v19, $0x0  }
0x1bf: {  	v2 =	vmov v30;
	vm1 =	vgt.f32 v6, v58;
	vm13 =	vgt.f32 v5, v28  }
0x1c0: {  	s1 =	smov.u32 s30;
	s0 =	sadd.s32 $0xA0, s0;
	[smem:s26] =	sst s4;
	[tilespmem:v25+s14+$0x0] =	vst.idx.msk vm7, v2;
	vm6 =	vgt.f32 v10, v31;
	v24 =	vmpcnt.ones.xlane vm13  }
0x1c1: {  	s13 =	simm.s32 $0x1;
	s25 =	simm.s32 $0x1;
	[smem:s8] =	sst s1;
	[tilespmem:v23+s15+$0x0] =	vst.idx.msk vm3, v12;
	v9 =	vmov v21  }
0x1c2: {  	[tilespmem:v18+s16+$0x0] =	vst.idx.msk vm15, v4;
	vm14 =	vgt.f32 v9, v20;
	v5 =	vmov v27;
	p2 =	sgt.s32 s5, $0x0;
	s5 =	sadd.s32 $0x4, s1;
	p3 =	sgt.s32 s6, $0x0;
	(v2sf) =	vpush v24, $0x0  }
0x1c3: {  	[tilespmem:v13+s17+$0x0] =	vst.idx.msk vm2, v8;
	vm15 =	vgt.f32 v5, v22;
	s6 =	sadd.s32 $0x5, s1;
	p5 =	sgt.s32 s7, $0x0;
	s7 =	sadd.s32 $0x2, s1  }
0x1c4: {  	[tilespmem:v16+s18+$0x0] =	vst.idx.msk vm4, v3;
	p4 =	sgt.s32 s9, $0x0;
	s9 =	sadd.s32 $0x3, s1;
	s12 =	spop (v2sf)  }
0x1c5: {  	[tilespmem:v11+s19+$0x0] =	vst.idx.msk vm1, v6;
	p6 =	sgt.s32 s10, $0x0;
	s10 =	sadd.s32 $0x6, s1;
	p0 =	sgt.s32 s12, $0x0  }
0x1c6: {  	[tilespmem:v14+s20+$0x0] =	vst.idx.msk vm6, v10;
	p1 =	sgt.s32 s11, $0x0;
	s11 =	simm.s32 $0x1;
	s13 =	simm.s32 @!p0 $0x0  }
0x1c7: {  	[tilespmem:v7+s21+$0x0] =	vst.idx.msk vm12, v1;
	s12 =	sadd.s32 $0x1, s1;
	s8 =	sadd.s32 s13, s8;
	s13 =	simm.s32 $0x1  }
0x1c8: {  	[tilespmem:v17+s22+$0x0] =	vst.idx.msk vm14, v9;
	s13 =	simm.s32 @!p2 $0x0;
	[smem:s8] =	sst s12;
	s12 =	simm.s32 $0x1  }
0x1c9: {  	[tilespmem:v15+s23+$0x0] =	vst.idx.msk vm15, v5;
	s11 =	simm.s32 @!p6 $0x0;
	s8 =	sadd.s32 s13, s8;
	s12 =	simm.s32 @!p3 $0x0  }
0x1ca: {  	v19 =	vld [tilespmem:s0+$0xFFFFFFE0];
	[smem:s8] =	sst s7;
	s13 =	sadd.s32 s12, s8;
	s8 =	simm.s32 $0x1  }
0x1cb: {  	v20 =	vld [tilespmem:s0+$0x30];
	s25 =	simm.s32 @!p1 $0x0;
	s26 =	spop (v2sf);
	s8 =	simm.s32 @!p5 $0x0  }
0x1cc: {  	v24 =	vld [tilespmem:s0+$0x20];
	[smem:s13] =	sst s9;
	s7 =	sadd.s32 s8, s13;
	s8 =	simm.s32 $0x1  }
0x1cd: {  	v21 =	vld [tilespmem:s0+$0xFFFFFFD0];
	s13 =	spop (v2sf);
	s8 =	simm.s32 @!p4 $0x0;
	[smem:s7] =	sst s5  }
0x1ce: {  	v28 =	vld [tilespmem:s0+$0xFFFFFFC0];
	p0 =	sgt.s32 s13, $0x0;
	s12 =	sadd.s32 s8, s7;
	s8 =	simm.s32 $0x1  }
0x1cf: {  	v22 =	vld [tilespmem:s0+$0x40];
	[smem:s12] =	sst s6;
	s5 =	sadd.s32 s11, s12;
	s8 =	simm.s32 @!p0 $0x0  }
0x1d0: {  	v30 =	vld [tilespmem:s0+$0x0];
	p0 =	sgt.s32 s26, $0x0;
	s6 =	simm.s32 $0x1;
	s26 =	sld [smem:$0x7FB]  }
0x1d1: {  	v29 =	vld [tilespmem:s0+$0xFFFFFFF0];
	[smem:s5] =	sst s10;
	s5 =	sadd.s32 s25, s5;
	s25 =	spop (v2sf)  }
0x1d2: {  	v32 =	vld [tilespmem:s0+$0xFFFFFFB0];
	v62 =	vand.u32 $0x3FFF, v21;
	s11 =	simm.s32 $0x1;
	s6 =	simm.s32 @!p0 $0x0;
	p0 =	sgt.s32 s25, $0x0  }
0x1d3: {  	v35 =	vld.idx.msk [tilespmem:v23+s15+$0x0], $0xffff;
	v63 =	vand.u32 $0x3FFF, v24;
	s11 =	simm.s32 @!p0 $0x0;
	p0 =	seq.s32 s26, $0x1  }
.Ltmp3:
0x1d4: {  	v34 =	vld.idx.msk [tilespmem:v18+s16+$0x0], $0xffff;
	(pc) =	sbr.rel @!p0 .LBB2_11-.Ltmp3, $4  }
0x1d5: {  	v61 =	vshrl.u32 v21, $0xE;
	v21 =	vld.idx.msk [tilespmem:v25+s14+$0x0], $0xffff;
	v25 =	vshrl.u32 v19, $0xE  }
0x1d6: {  	s30 =	smov.u32 s29;
	s29 =	smov.u32 s31;
	v37 =	vld [tilespmem:s0+$0x10];
	v36 =	vand.u32 $0x3FFF, v28;
	v33 =	vand.u32 $0x3FFF, v19;
	v31 =	vand.u32 $0x3FFF, v30  }
0x1d7: {  	s31 =	sadd.s32 $0xA, s31;
	s4 =	sadd.s32 $0x7, s1;
	v26 =	vand.u32 $0x3FFF, v20;
	v23 =	vshrl.u32 v29, $0xE;
	v38 =	vand.u32 $0x3FFF, v29;
	v29 =	vld.idx.msk [tilespmem:v62+s2+$0x0], $0xffff;
	s10 =	sadd.s32 $0x8, s1  }
0x1d8: {  	v27 =	vand.u32 $0x3FFF, v22;
	v39 =	vand.u32 $0x3FFF, v32;
	v30 =	vshrl.u32 v30, $0xE;
	v18 =	vmovc v61;
	v19 =	vld.idx.msk [tilespmem:v63+s2+$0x0], $0xffff;
	[smem:s5] =	sst s4;
	s4 =	sadd.s32 $0x9, s1;
	s1 =	sadd.s32 s6, s5  }
0x1d9: {  	_ =	sdelay $0x3  }
0x1da: {  	v40 =	vld.idx.msk [tilespmem:v13+s17+$0x0], $0xffff  }
0x1db: {  	v16 =	vld.idx.msk [tilespmem:v16+s18+$0x0], $0xffff  }
0x1dc: {  	v41 =	vld.idx.msk [tilespmem:v18+s16+$0x0], $0xffff  }
0x1dd: {  	v42 =	vld.idx.msk [tilespmem:v11+s19+$0x0], $0xffff  }
0x1de: {  	v13 =	vld.idx.msk [tilespmem:v39+s2+$0x0], $0xffff  }
0x1df: {  	v61 =	vld.idx.msk [tilespmem:v14+s20+$0x0], $0xffff  }
0x1e0: {  	v36 =	vld.idx.msk [tilespmem:v36+s2+$0x0], $0xffff  }
0x1e1: {  	v38 =	vld.idx.msk [tilespmem:v38+s2+$0x0], $0xffff  }
0x1e2: {  	v32 =	vshrl.u32 v32, $0xE;
	v44 =	vld.idx.msk [tilespmem:v25+s17+$0x0], $0xffff  }
0x1e3: {  	v28 =	vshrl.u32 v28, $0xE;
	v33 =	vld.idx.msk [tilespmem:v33+s2+$0x0], $0xffff  }
0x1e4: {  	v63 =	vld.idx.msk [tilespmem:v30+s19+$0x0], $0xffff  }
0x1e5: {  	v31 =	vld.idx.msk [tilespmem:v31+s2+$0x0], $0xffff  }
0x1e6: {  	v46 =	vld.idx.msk [tilespmem:v23+s18+$0x0], $0xffff  }
0x1e7: {  	v45 =	vshrl.u32 v37, $0xE;
	v47 =	vld.idx.msk [tilespmem:v32+s14+$0x0], $0xffff  }
0x1e8: {  	v62 =	vand.u32 $0x3FFF, v37;
	v43 =	vld.idx.msk [tilespmem:v28+s15+$0x0], $0xffff  }
0x1e9: {  	v24 =	vshrl.u32 v24, $0xE;
	v52 =	vld.idx.msk [tilespmem:v7+s21+$0x0], $0xffff  }
0x1ea: {  	v51 =	vshrl.u32 v20, $0xE;
	v54 =	vld.idx.msk [tilespmem:v27+s2+$0x0], $0xffff  }
0x1eb: {  	v53 =	vshrl.u32 v22, $0xE;
	v55 =	vld.idx.msk [tilespmem:v26+s2+$0x0], $0xffff  }
0x1ec: {  	v48 =	vld.idx.msk [tilespmem:v45+s20+$0x0], $0xffff;
	vm0 =	vgt.f32 v13, v47  }
0x1ed: {  	v49 =	vld.idx.msk [tilespmem:v62+s2+$0x0], $0xffff;
	vm2 =	vgt.f32 v36, v43  }
0x1ee: {  	v50 =	vld.idx.msk [tilespmem:v24+s21+$0x0], $0xffff;
	vm14 =	vgt.f32 v29, v41  }
0x1ef: {  	vm1 =	vgt.f32 v12, v35;
	vm15 =	vgt.f32 v33, v44;
	v57 =	vld.idx.msk [tilespmem:v51+s22+$0x0], $0xffff  }
0x1f0: {  	v12 =	vmpcnt.ones.xlane vm1;
	vm4 =	vgt.f32 v38, v46;
	v58 =	vld.idx.msk [tilespmem:v53+s23+$0x0], $0xffff  }
0x1f1: {  	v17 =	vld.idx.msk [tilespmem:v17+s22+$0x0], $0xffff;
	vm3 =	vgt.f32 v4, v34;
	vm6 =	vgt.f32 v31, v63  }
0x1f2: {  	v59 =	vld.idx.msk [tilespmem:v15+s23+$0x0], $0xffff;
	(v2sf) =	vpush v12, $0x0;
	vm8 =	vgt.f32 v49, v48;
	[tilespmem:v32+s14+$0x0] =	vst.idx.msk vm0, v13  }
0x1f3: {  	v56 =	vmpcnt.ones.xlane vm3;
	vm10 =	vgt.f32 v19, v50;
	[tilespmem:v28+s15+$0x0] =	vst.idx.msk vm2, v36  }
0x1f4: {  	vm11 =	vgt.f32 v55, v57;
	[tilespmem:v18+s16+$0x0] =	vst.idx.msk vm14, v29  }
0x1f5: {  	(v2sf) =	vpush v56, $0x0;
	vm5 =	vgt.f32 v8, v40;
	vm13 =	vgt.f32 v54, v58;
	[tilespmem:v25+s17+$0x0] =	vst.idx.msk vm15, v33  }
0x1f6: {  	vm7 =	vgt.f32 v3, v16;
	v3 =	vmpcnt.ones.xlane vm5;
	[tilespmem:v23+s18+$0x0] =	vst.idx.msk vm4, v38  }
0x1f7: {  	vm9 =	vgt.f32 v6, v42;
	v60 =	vmpcnt.ones.xlane vm7;
	[tilespmem:v30+s19+$0x0] =	vst.idx.msk vm6, v31  }
0x1f8: {  	vm12 =	vgt.f32 v10, v61;
	(v2sf) =	vpush v3, $0x0;
	v3 =	vmpcnt.ones.xlane vm9;
	[tilespmem:v45+s20+$0x0] =	vst.idx.msk vm8, v49  }
0x1f9: {  	v61 =	vmpcnt.ones.xlane vm12;
	(v2sf) =	vpush v60, $0x0;
	vm14 =	vgt.f32 v2, v21;
	[tilespmem:v24+s21+$0x0] =	vst.idx.msk vm10, v19  }
0x1fa: {  	(v2sf) =	vpush v3, $0x0;
	v2 =	vmpcnt.ones.xlane vm14;
	[tilespmem:v51+s22+$0x0] =	vst.idx.msk vm11, v55  }
0x1fb: {  	(v2sf) =	vpush v61, $0x0;
	[tilespmem:v53+s23+$0x0] =	vst.idx.msk vm13, v54  }
0x1fc: {  	vm15 =	vgt.f32 v1, v52;
	(v2sf) =	vpush v2, $0x0;
	v1 =	vld.idx.msk [tilespmem:v28+s15+$0x0], $0xffff  }
0x1fd: {  	vm4 =	vgt.f32 v9, v17;
	v2 =	vmpcnt.ones.xlane vm15  }
0x1fe: {  	vm5 =	vgt.f32 v5, v59;
	v3 =	vmpcnt.ones.xlane vm4  }
0x1ff: {  	v5 =	vmpcnt.ones.xlane vm5;
	(v2sf) =	vpush v2, $0x0  }
0x200: {  	(v2sf) =	vpush v3, $0x0;
	v2 =	vld.idx.msk [tilespmem:v18+s16+$0x0], $0xffff  }
0x201: {  	s0 =	spop (v2sf);
	(v2sf) =	vpush v5, $0x0;
	vm6 =	vgt.f32 v36, v1  }
0x202: {  	[smem:s1] =	sst s10;
	v1 =	vmpcnt.ones.xlane vm6  }
0x203: {  	s31 =	sadd.s32 s8, s1;
	s8 =	sadd.s32 $0x2, s30;
	s10 =	simm.s32 $0x1  }
0x204: {  	s13 =	sadd.s32 $0x1, s30;
	[smem:s31] =	sst s4;
	s5 =	spop (v2sf);
	(v2sf) =	vpush v1, $0x0;
	v1 =	vld.idx.msk [tilespmem:v25+s17+$0x0], $0xffff  }
0x205: {  	s1 =	sadd.s32 s11, s31;
	s4 =	sadd.s32 $0x4, s30;
	s31 =	sadd.s32 $0x3, s30;
	vm7 =	vgt.f32 v29, v2;
	v2 =	vld.idx.msk [tilespmem:v23+s18+$0x0], $0xffff  }
0x206: {  	s11 =	simm.s32 $0x1;
	[smem:s1] =	sst s30;
	p0 =	sgt.s32 s0, $0x0;
	v3 =	vmpcnt.ones.xlane vm7  }
0x207: {  	s0 =	sadd.s32 $0x7, s30;
	p4 =	sgt.s32 s5, $0x0;
	s6 =	spop (v2sf);
	v62 =	vld.idx.msk [tilespmem:v30+s19+$0x0], $0xffff  }
0x208: {  	s5 =	sadd.s32 $0x5, s30;
	s11 =	simm.s32 @!p4 $0x0;
	s7 =	spop (v2sf);
	v63 =	vld.idx.msk [tilespmem:v45+s20+$0x0], $0xffff;
	(v2sf) =	vpush v3, $0x0  }
0x209: {  	p3 =	sgt.s32 s6, $0x0;
	s9 =	spop (v2sf);
	p2 =	sgt.s32 s7, $0x0;
	vm8 =	vgt.f32 v33, v1  }
0x20a: {  	s7 =	simm.s32 $0x1;
	s6 =	spop (v2sf);
	p5 =	sgt.s32 s9, $0x0;
	vm9 =	vgt.f32 v38, v2;
	v2 =	vmpcnt.ones.xlane vm8  }
0x20b: {  	s9 =	simm.s32 $0x1;
	s7 =	simm.s32 @!p3 $0x0;
	s12 =	spop (v2sf);
	v1 =	vld.idx.msk [tilespmem:v32+s14+$0x0], $0xffff  }
0x20c: {  	p1 =	sgt.s32 s6, $0x0;
	s6 =	sadd.s32 $0x6, s30;
	vm10 =	vgt.f32 v31, v62;
	p6 =	sgt.s32 s12, $0x0;
	v3 =	vmpcnt.ones.xlane vm9;
	(v2sf) =	vpush v2, $0x0  }
0x20d: {  	s10 =	simm.s32 @!p5 $0x0;
	vm11 =	vgt.f32 v49, v63;
	s12 =	simm.s32 $0x1;
	s9 =	simm.s32 @!p6 $0x0;
	v2 =	vmpcnt.ones.xlane vm10  }
0x20e: {  	s12 =	simm.s32 @!p0 $0x0;
	s25 =	spop (v2sf);
	s1 =	sadd.s32 s9, s1;
	(v2sf) =	vpush v3, $0x0;
	v3 =	vmpcnt.ones.xlane vm11  }
0x20f: {  	s9 =	simm.s32 $0x1;
	[smem:s1] =	sst s13;
	s13 =	spop (v2sf);
	(v2sf) =	vpush v2, $0x0;
	v2 =	vld.idx.msk [tilespmem:v24+s21+$0x0], $0xffff  }
0x210: {  	s1 =	sadd.s32 s12, s1;
	s12 =	simm.s32 $0x1;
	s26 =	spop (v2sf);
	vm12 =	vgt.f32 v13, v1;
	(v2sf) =	vpush v3, $0x0  }
0x211: {  	[smem:s1] =	sst s8;
	s1 =	sadd.s32 s11, s1;
	s8 =	simm.s32 $0x1;
	v1 =	vmpcnt.ones.xlane vm12  }
0x212: {  	s11 =	simm.s32 $0x1;
	p0 =	sgt.s32 s13, $0x0;
	[smem:s1] =	sst s31  }
0x213: {  	s1 =	sadd.s32 s7, s1;
	s8 =	simm.s32 @!p2 $0x0;
	s31 =	spop (v2sf);
	(v2sf) =	vpush v1, $0x0;
	v1 =	vld.idx.msk [tilespmem:v51+s22+$0x0], $0xffff  }
0x214: {  	s11 =	simm.s32 @!p1 $0x0;
	[smem:s1] =	sst s4;
	s1 =	sadd.s32 s8, s1;
	vm13 =	vgt.f32 v19, v2  }
0x215: {  	s4 =	simm.s32 $0x1;
	s8 =	sadd.s32 $0x2, s29;
	[smem:s1] =	sst s5;
	v2 =	vmpcnt.ones.xlane vm13  }
0x216: {  	s1 =	sadd.s32 s10, s1;
	s4 =	simm.s32 @!p0 $0x0;
	p0 =	sgt.s32 s25, $0x0  }
0x217: {  	s25 =	sadd.s32 $0x8, s30;
	s5 =	sadd.s32 $0x5, s29;
	s13 =	spop (v2sf);
	(v2sf) =	vpush v2, $0x0;
	v2 =	vld.idx.msk [tilespmem:v53+s23+$0x0], $0xffff  }
0x218: {  	s10 =	simm.s32 $0x1;
	[smem:s1] =	sst s6;
	s1 =	sadd.s32 s11, s1;
	vm14 =	vgt.f32 v55, v1  }
0x219: {  	s11 =	simm.s32 $0x1;
	[smem:s1] =	sst s0;
	s0 =	simm.s32 $0x1;
	v1 =	vmpcnt.ones.xlane vm14  }
0x21a: {  	s0 =	simm.s32 @!p0 $0x0;
	p0 =	sgt.s32 s26, $0x0;
	s26 =	sadd.s32 $0x9, s30  }
0x21b: {  	s0 =	sadd.s32 s0, s1;
	s1 =	simm.s32 $0x1;
	s30 =	spop (v2sf);
	(v2sf) =	vpush v1, $0x0  }
0x21c: {  	s1 =	simm.s32 @!p0 $0x0;
	[smem:s0] =	sst s25;
	s0 =	sadd.s32 s4, s0;
	vm15 =	vgt.f32 v54, v2  }
0x21d: {  	s4 =	sadd.s32 $0x4, s29;
	p3 =	sgt.s32 s31, $0x0;
	s31 =	spop (v2sf);
	v1 =	vmpcnt.ones.xlane vm15  }
0x21e: {  	s25 =	sadd.s32 $0x3, s29;
	[smem:s0] =	sst s26;
	s6 =	spop (v2sf)  }
0x21f: {  	s0 =	sadd.s32 s1, s0;
	s1 =	sadd.s32 $0x7, s29;
	s7 =	spop (v2sf);
	(v2sf) =	vpush v1, $0x0  }
0x220: {  	p2 =	sgt.s32 s13, $0x0;
	[smem:s0] =	sst s29;
	s13 =	simm.s32 $0x1  }
0x221: {  	s13 =	simm.s32 @!p3 $0x0;
	s9 =	simm.s32 @!p2 $0x0;
	p1 =	sgt.s32 s30, $0x0  }
0x222: {  	s30 =	sadd.s32 $0x1, s29;
	p0 =	sgt.s32 s31, $0x0;
	s26 =	spop (v2sf)  }
0x223: {  	p5 =	sgt.s32 s6, $0x0;
	s6 =	sadd.s32 $0x6, s29;
	p6 =	sgt.s32 s26, $0x0  }
0x224: {  	p4 =	sgt.s32 s7, $0x0;
	s10 =	simm.s32 @!p5 $0x0;
	s11 =	simm.s32 @!p6 $0x0  }
0x225: {  	s7 =	simm.s32 $0x1;
	s12 =	simm.s32 @!p4 $0x0;
	s0 =	sadd.s32 s11, s0  }
0x226: {  	s7 =	simm.s32 @!p1 $0x0;
	[smem:s0] =	sst s30;
	s0 =	sadd.s32 s13, s0  }
0x227: {  	s31 =	spop (v2sf);
	[smem:s0] =	sst s8;
	s0 =	sadd.s32 s9, s0  }
0x228: {  	s9 =	simm.s32 $0x1;
	[smem:s0] =	sst s25;
	s0 =	sadd.s32 s7, s0  }
0x229: {  	s30 =	sadd.s32 $0x8, s29;
	s9 =	simm.s32 @!p0 $0x0;
	[smem:s0] =	sst s4  }
0x22a: {  	s0 =	sadd.s32 s9, s0;
	s4 =	simm.s32 $0x1;
	s25 =	spop (v2sf)  }
0x22b: {  	[smem:s0] =	sst s5;
	s0 =	sadd.s32 s10, s0;
	s5 =	simm.s32 $0x1  }
0x22c: {  	p0 =	sgt.s32 s25, $0x0;
	[smem:s0] =	sst s6;
	s0 =	sadd.s32 s12, s0  }
0x22d: {  	s4 =	simm.s32 @!p0 $0x0;
	[smem:s0] =	sst s1;
	p0 =	sgt.s32 s31, $0x0  }
0x22e: {  	s31 =	sadd.s32 $0x9, s29;
	s26 =	spop (v2sf);
	s5 =	simm.s32 @!p0 $0x0  }
0x22f: {  	p0 =	sgt.s32 s26, $0x0;
	s0 =	sadd.s32 s5, s0;
	s5 =	simm.s32 $0x1  }
0x230: {  	s5 =	simm.s32 @!p0 $0x0;
	[smem:s0] =	sst s30;
	s0 =	sadd.s32 s4, s0  }
0x231: {  	[smem:s0] =	sst s31;
	s0 =	sadd.s32 s5, s0  }
0x232: {  	p0 =	sgt.s32 s0, $0x0  }
.Ltmp4:
0x233: {  	_ = 	snop;
	(pc) =	sbr.rel @p0 .LBB2_13-.Ltmp4, $2  }
0x234: {  	_ =	sdelay $0x2  }
0x235: {  	s1 =	simm.s32 $0x0  }
.LBB2_16:
0x236: {  	s0 =	sld [smem:$0x7FC];
	_ =	sdelay $0x2  }
0x237: {  	p0 =	seq.s32 s0, $0x1  }
.Ltmp5:
0x238: {  	_ = 	snop;
	(pc) =	sbr.rel @p0 .LBB2_18-.Ltmp5, $1  }
0x239: {  	_ =	sdelay $0x3  }
0x23a: {  	s0 =	smul.u32 $0x3E80, s28  }
.Ltmp6:
0x23b: {  	_ = 	snop;
	(pc) =	sbr.rel .LBB2_4-.Ltmp6, $4  }
0x23c: {  	s0 =	sshrl.u32 s0, $0x3  }
0x23d: {  	s0 =	sadd.s32 s3, s0  }
0x23e: {  	s1 =	simm.s32 $0x1D780;
	s28 =	sadd.s32 $0x1, s28;
	s0 =	sadd.s32 $0xBB8, s0  }
0x23f: {  	[tilespmem:s1], [sflag:$0x2] =	stream.linear.gather [hbm4b:s0+s2], $0x1F40, $0x38;
	[tilespmem:$0x1F700] =	vst v63  }
.LBB2_9:
0x240: {  	s1 =	sadd.s32 $0x1, s1  }
0x241: {  	p0 =	slt.s32 s1, s0  }
.Ltmp7:
0x242: {  	_ = 	snop;
	(pc) =	sbr.rel @!p0 .LBB2_10-.Ltmp7, $1  }
0x243: {  	_ =	sdelay $0x3  }
.LBB2_7:
0x244: {  	s4 =	sld [smem:s1+$0x0];
	_ =	sdelay $0x2  }
0x245: {  	s4 =	sshll.u32 s4, $0x6  }
0x246: {  	s4 =	sshra.s32 s4, $0x2  }
0x247: {  	v1 =	vld [tilespmem:s4+$0x1B800];
	_ =	sdelay $0x4  }
0x248: {  	v2 =	vand.u32 $0x3FFF, v1  }
0x249: {  	v1 =	vshrl.u32 v1, $0xE;
	_ =	sdelay $0x3  }
0x24a: {  	v2 =	vld.idx.msk [tilespmem:v2+s2+$0x0], $0xffff  }
0x24b: {  	v3 =	vld.idx.msk [tilespmem:v1+s14+$0x0], $0xffff;
	_ =	sdelay $0x4  }
0x24c: {  	vm0 =	vgt.f32 v2, v3  }
0x24d: {  	v3 =	vsel vm0, $0x3F800000, v0  }
0x24e: {  	(xrf0) =	vmax.scan.msk.f32 $0xffff, v3;
	_ =	sdelay $0x5  }
0x24f: {  	v3, _, _ =	vpop (xrf0)  }
0x250: {  	(v2sf) =	vpush v3, $0xF;
	_ =	sdelay $0xe  }
0x251: {  	s31 =	spop (v2sf)  }
0x252: {  	p0 =	sgt.f32 s31, $0.0e+00  }
.Ltmp8:
0x253: {  	_ = 	snop;
	(pc) =	sbr.rel @!p0 .LBB2_9-.Ltmp8, $1  }
0x254: {  	_ =	sdelay $0x3  }
.LBB2_8:
0x255: {  	[tilespmem:v1+s14+$0x0] =	vst.idx.msk vm0, v2  }
0x256: {  	v3 =	vld.idx.msk [tilespmem:v1+s14+$0x0], $0xffff;
	_ =	sdelay $0x4  }
0x257: {  	vm0 =	vgt.f32 v2, v3  }
0x258: {  	v3 =	vsel vm0, $0x3F800000, v0  }
0x259: {  	(xrf0) =	vmax.scan.msk.f32 $0xffff, v3;
	_ =	sdelay $0x5  }
0x25a: {  	v3, _, _ =	vpop (xrf0)  }
0x25b: {  	(v2sf) =	vpush v3, $0xF;
	_ =	sdelay $0xe  }
0x25c: {  	s4 =	spop (v2sf)  }
0x25d: {  	p0 =	sgt.f32 s4, $0.0e+00  }
.Ltmp9:
0x25e: {  	_ = 	snop;
	(pc) =	sbr.rel @p0 .LBB2_8-.Ltmp9, $1  }
0x25f: {  	_ =	sdelay $0x3  }
.Ltmp10:
0x260: {  	_ = 	snop;
	(pc) =	sbr.rel .LBB2_9-.Ltmp10, $1  }
0x261: {  	_ =	sdelay $0x3  }
.LBB2_15:
0x262: {  	s1 =	sadd.s32 $0x1, s1  }
0x263: {  	p0 =	slt.s32 s1, s0  }
.Ltmp11:
0x264: {  	_ = 	snop;
	(pc) =	sbr.rel @!p0 .LBB2_16-.Ltmp11, $1  }
0x265: {  	_ =	sdelay $0x3  }
.LBB2_13:
0x266: {  	s4 =	sld [smem:s1+$0x0];
	_ =	sdelay $0x2  }
0x267: {  	s4 =	sshll.u32 s4, $0x6  }
0x268: {  	s4 =	sshra.s32 s4, $0x2  }
0x269: {  	v1 =	vld [tilespmem:s4+$0x1D780];
	_ =	sdelay $0x4  }
0x26a: {  	v2 =	vand.u32 $0x3FFF, v1  }
0x26b: {  	v1 =	vshrl.u32 v1, $0xE;
	_ =	sdelay $0x3  }
0x26c: {  	v2 =	vld.idx.msk [tilespmem:v2+s2+$0x0], $0xffff  }
0x26d: {  	v3 =	vld.idx.msk [tilespmem:v1+s14+$0x0], $0xffff;
	_ =	sdelay $0x4  }
0x26e: {  	vm0 =	vgt.f32 v2, v3  }
0x26f: {  	v3 =	vsel vm0, $0x3F800000, v0  }
0x270: {  	(xrf0) =	vmax.scan.msk.f32 $0xffff, v3;
	_ =	sdelay $0x5  }
0x271: {  	v3, _, _ =	vpop (xrf0)  }
0x272: {  	(v2sf) =	vpush v3, $0xF;
	_ =	sdelay $0xe  }
0x273: {  	s31 =	spop (v2sf)  }
0x274: {  	p0 =	sgt.f32 s31, $0.0e+00  }
.Ltmp12:
0x275: {  	_ = 	snop;
	(pc) =	sbr.rel @!p0 .LBB2_15-.Ltmp12, $1  }
0x276: {  	_ =	sdelay $0x3  }
.LBB2_14:
0x277: {  	[tilespmem:v1+s14+$0x0] =	vst.idx.msk vm0, v2  }
0x278: {  	v3 =	vld.idx.msk [tilespmem:v1+s14+$0x0], $0xffff;
	_ =	sdelay $0x4  }
0x279: {  	vm0 =	vgt.f32 v2, v3  }
0x27a: {  	v3 =	vsel vm0, $0x3F800000, v0  }
0x27b: {  	(xrf0) =	vmax.scan.msk.f32 $0xffff, v3;
	_ =	sdelay $0x5  }
0x27c: {  	v3, _, _ =	vpop (xrf0)  }
0x27d: {  	(v2sf) =	vpush v3, $0xF;
	_ =	sdelay $0xe  }
0x27e: {  	s4 =	spop (v2sf)  }
0x27f: {  	p0 =	sgt.f32 s4, $0.0e+00  }
.Ltmp13:
0x280: {  	_ = 	snop;
	(pc) =	sbr.rel @p0 .LBB2_14-.Ltmp13, $1  }
0x281: {  	_ =	sdelay $0x3  }
.Ltmp14:
0x282: {  	_ = 	snop;
	(pc) =	sbr.rel .LBB2_15-.Ltmp14, $1  }
0x283: {  	_ =	sdelay $0x3  }
.LBB2_18:
0x284: {  	s0 =	simm.s32 $0x0  }
0x285: {  	s1 =	simm.s32 $0x40;
	s5 =	simm.s32 $0x400;
	s6 =	simm.s32 $0x3;
	v1 =	vld [tilespmem:s0+$0x5000]  }
.LBB2_19:
0x286: {  	p0 =	sne.s32 s1, $0x9FC0;
	v2 =	vld [tilespmem:s0+$0x2800]  }
0x287: {  	v3 =	vld [tilespmem:s0+$0x7800]  }
0x288: {  	v4 =	vld [tilespmem:s0+$0xA000]  }
0x289: {  	v5 =	vld [tilespmem:s0+$0xC800]  }
0x28a: {  	v6 =	vld [tilespmem:s0+$0xF000]  }
0x28b: {  	v1 =	vmax.f32 v2, v1;
	v2 =	vld [tilespmem:s0+$0x11800]  }
0x28c: {  	v1 =	vmax.f32 v1, v3;
	v3 =	vld [tilespmem:s0+$0x14000]  }
0x28d: {  	v1 =	vmax.f32 v1, v4;
	v4 =	vld [tilespmem:s0+$0x16800]  }
0x28e: {  	v1 =	vmax.f32 v1, v5;
	v5 =	vld [tilespmem:s0+$0x19000]  }
0x28f: {  	v1 =	vmax.f32 v1, v6  }
.Ltmp15:
0x290: {  	v1 =	vmax.f32 v1, v2;
	(pc) =	sbr.rel @p0 .LBB2_19-.Ltmp15, $4  }
0x291: {  	v1 =	vmax.f32 v1, v3  }
0x292: {  	v1 =	vmax.f32 v1, v4  }
0x293: {  	s4 =	sshra.s32 s1, $0x2;
	v2 =	vmax.f32 v1, v5  }
0x294: {  	s1 =	sadd.s32 $0x40, s1;
	v1 =	vld [tilespmem:s4+$0x5000];
	[tilespmem:s0+$0x2800] =	vst v2;
	s0 =	smov.u32 s4  }
0x295: {  	v2 =	vld [tilespmem:s0+$0x2800]  }
0x296: {  	v3 =	vld [tilespmem:s0+$0x7800]  }
0x297: {  	v4 =	vld [tilespmem:s0+$0xA000]  }
0x298: {  	v5 =	vld [tilespmem:s0+$0xC800]  }
0x299: {  	v6 =	vld [tilespmem:s0+$0xF000]  }
0x29a: {  	v1 =	vmax.f32 v2, v1;
	v2 =	vld [tilespmem:s0+$0x11800]  }
0x29b: {  	v1 =	vmax.f32 v1, v3;
	v3 =	vld [tilespmem:s0+$0x14000]  }
0x29c: {  	v62 =	vld [tilespmem:s0+$0x16800];
	v1 =	vmax.f32 v1, v4  }
0x29d: {  	v63 =	vld [tilespmem:s0+$0x19000];
	v1 =	vmax.f32 v1, v5  }
0x29e: {  	v1 =	vmax.f32 v1, v6  }
0x29f: {  	v1 =	vmax.f32 v1, v2  }
0x2a0: {  	v1 =	vmax.f32 v1, v3  }
0x2a1: {  	v1 =	vmax.f32 v1, v62  }
0x2a2: {  	v1 =	vmax.f32 v1, v63  }
0x2a3: {  	s30 =	rddreg [dreg:$0x4];
	s4 =	simm.s32 $0x80;
	[tilespmem:s0+$0x2800] =	vst v1  }
0x2a4: {  	[hbm4b:s30+s4] =	stream.strided.scatter [tilespmem:s14], [sflag:$0x3], $0x2800, s5, s4, $0x38;
	[tilespmem:$0x1F700] =	vst v63  }
0x2a5: {  	_ =	swait.ge [sflag:s6], $0x2800  }
0x2a6: {  	s1 =	rddreg [dreg:$0x6]  }
0x2a7: {  	s31 =	rddreg [dreg:$0x5];
	s1 =	sadd.s32 $0x1, s1  }
0x2a8: {  	p0 =	sne.s32 s1, s31  }
.Ltmp16:
0x2a9: {  	_ = 	snop;
	(pc) =	sbr.rel @p0 .LBB2_1-.Ltmp16, $3  }
0x2aa: {  	_ =	sdelay $0x1  }
0x2ab: {  	[sflag:s6] =	ssyncset.done $0x0  }
0x2ac: {  	[sflag:s6] =	ssyncadd.s32 $0xFFFFD800  }
0x2ad: {  	_ =	sfence.sel $0x180000  }
0x2ae: {  	[bflag:$0x0] =	sbarrier.arrive $0xFFFF  }
0x2af: {  	_ =	strace $0x9000004A  }
0x2b0: {  	s0 =	stileid.u32;
	[bflag:$0x2] =	sbarrier.arrive $0xFFFF  }
0x2b1: {  	p0 =	sne.s32 s0, $0x0;
	s0 =	rddreg [dreg:$0x1]  }
0x2b2: {  	s0 =	sadd.s32 @!p0 $0x100000, s0  }
0x2b3: {  	[sflag:s0] =	ssyncadd.tile.s32 @!p0 $0x1;
	_ =	shalt  }
.Lfunc_end2:
_tile_overlayer_lowered:
.L_overlay_start_2:
0x2b4: {  	(tag) =	ssettag $0x2  }
0x2b5: {  	s0 =	rddreg [dreg:$0x0];
	s2 =	stileid.u32  }
0x2b6: {  	s1 =	rddreg [dreg:$0x1];
	p0 =	sne.s32 s2, $0x0  }
0x2b7: {  	s3 =	rddreg [dreg:$0x2];
	[bflag:$0x3] =	sbarrier.arrive $0xFFFF;
	s2 =	simm.s32 @!p0 $0x1C03  }
0x2b8: {  	[timem:s3], [sflag:s2] =	dma.local @!p0 [hbm:s0], s1  }
0x2b9: {  	s0 =	simm.s32 @!p0 $0x3  }
0x2ba: {  	_ =	swait.ge @!p0 [sflag:s0], s1  }
0x2bb: {  	s1 =	ssub.s32 @!p0 $0x0, s1;
	[sflag:s0] =	ssyncset.done @!p0 $0x0  }
0x2bc: {  	[sflag:s0] =	ssyncadd.s32 @!p0 s1  }
0x2bd: {  	[bflag:$0x3] =	sbarrier.arrive $0xFFFF  }
0x2be: {  	_ =	shalt  }

// kernel: kernel.7.cloned.1.call-start
scs
__scs_entry_jumppad:
0x0: {  	(pc) =	sbr.rel $0x88, $3  }
0x1: {  	(tag) =	ssettag $0x0;
	lr =	simm.s32 $0x1  }
0x2: {  	[smem:$0x3F93] =	sst lr;
	_ =	strace $0xD0000000  }
0x3: {  	_ = 	snop  }
0x4: {  	_ = 	snop  }
0x5: {  	_ = 	snop  }
0x6: {  	_ = 	snop  }
0x7: {  	_ = 	snop  }
__scs_overlays_trampoline_lowered:
0x8: {  	[smem:$0x3FA2] =	sst s0  }
0x9: {  	[smem:$0x3FA3] =	sst s1  }
0xa: {  	[smem:$0x3FA4] =	sst s2  }
0xb: {  	[smem:$0x3FA5] =	sst s3  }
0xc: {  	[smem:$0x3FA6] =	sst s4  }
0xd: {  	[smem:$0x3FA7] =	sst s5  }
0xe: {  	[smem:$0x3FA8] =	sst s6  }
0xf: {  	[smem:$0x3FA9] =	sst s7  }
0x10: {  	[smem:$0x3FAA] =	sst s8  }
0x11: {  	[smem:$0x3FAB] =	sst s9;
	s0 =	simm.s32 @!p0 $0x0  }
0x12: {  	s1 =	sld [smem:$0x3F91];
	s0 =	simm.s32 @p0 $0x1  }
0x13: {  	[smem:$0x3FAC] =	sst s0;
	s0 =	simm.s32 @!p1 $0x0  }
0x14: {  	s2 =	sld [smem:$0x3F90];
	s0 =	simm.s32 @p1 $0x1  }
0x15: {  	[smem:$0x3FAD] =	sst s0;
	s0 =	simm.s32 @!p2 $0x0  }
0x16: {  	s3 =	sld [smem:$0x3FDB];
	s0 =	simm.s32 @p2 $0x1  }
0x17: {  	s4 =	simm.s32 $0x1BF5;
	[smem:$0x3FAF] =	sst s0  }
0x18: {  	s0 =	sld [smem:$0x3F92];
	_ =	swait.ge [sflag:s4], $0x0  }
0x19: {  	s7 =	sld [smem:$0x3F93]  }
0x1a: {  	s8 =	sadd.s32 $0xFFFFE003, lr  }
0x1b: {  	s9 =	sadd.s32 $0xFFFFFEF7, lr;
	s5 =	simm.s32 $0xFFFFFFFF;
	p2 =	slt.u32 s8, $0xFFFFF086  }
0x1c: {  	p1 =	slt.u32 s9, $0xF7A;
	s5 =	simm.s32 @!p2 $0x0  }
0x1d: {  	s5 =	simm.s32 @p1 $0x1;
	p0 =	seq.s32 s7, s2  }
0x1e: {  	s7 =	smul.u32 @!p0 $0xF7A, s2;
	p2 =	seq.s32 @!p0 s5, $0x0  }
0x1f: {  	s9 =	smul.u32 $0xF7A, s1;
	s8 =	simm.s32 @!p0 $0x1BF5;
	p2 =	por !p2, p0  }
0x20: {  	[sflag:s8] =	ssyncset.s32 @!p0 $0xFFFFF086;
	s6 =	sadd.s32 @!p0 s3, s7;
	s7 =	simm.s32 @!p0 $0x108  }
0x21: {  	s3 =	sadd.s32 s3, s9;
	s6 =	sadd.s32 @!p0 $0x88, s6;
	s7 =	simm.s32 @p2 $0x1082  }
0x22: {  	[simem:s7], [sflag:s8] =	dma.local @!p0 [hbm:s6], $0xF7A  }
0x23: {  	s9 =	sor.u32 $0xD0000000, s2;
	s6 =	simm.s32 $0x108;
	_ =	swait.ge @!p0 [sflag:s8], $0x0  }
0x24: {  	s3 =	sadd.s32 $0x88, s3;
	s6 =	simm.s32 @!p1 $0x1082;
	[sflag:s4] =	ssyncset.s32 $0xFFFFF086  }
0x25: {  	[simem:s6], [sflag:s4] =	dma.local [hbm:s3], $0xF7A  }
0x26: {  	[smem:$0x3F93] =	sst s1;
	(tag) =	ssettag s2;
	_ =	strace s9  }
0x27: {  	s1 =	sld [smem:$0x3FA3]  }
0x28: {  	s2 =	sld [smem:$0x3FA4]  }
0x29: {  	s4 =	sld [smem:$0x3FA6]  }
0x2a: {  	p0 =	seq.s32 s5, $0x0;
	s5 =	sld [smem:$0x3FA7]  }
0x2b: {  	s6 =	sld [smem:$0x3FA8]  }
0x2c: {  	s7 =	sld [smem:$0x3FA9]  }
0x2d: {  	s3 =	simm.s32 $0x108;
	s8 =	sld [smem:$0x3FAA]  }
0x2e: {  	s3 =	simm.s32 @!p0 $0x1082;
	s9 =	sld [smem:$0x3FAB]  }
0x2f: {  	lr =	sadd.s32 s0, s3;
	s0 =	sld [smem:$0x3FA2]  }
0x30: {  	s3 =	sld [smem:$0x3FA5]  }
0x31: {  	[smem:$0x3FAE] =	sst s10  }
0x32: {  	s10 =	sld [smem:$0x3FAC];
	_ =	sdelay $0x3  }
0x33: {  	p0 =	seq.s32 s10, $0x1;
	s10 =	sld [smem:$0x3FAE];
	_ =	sdelay $0x3  }
0x34: {  	[smem:$0x3FAE] =	sst s10  }
0x35: {  	s10 =	sld [smem:$0x3FAD];
	_ =	sdelay $0x3  }
0x36: {  	p1 =	seq.s32 s10, $0x1;
	s10 =	sld [smem:$0x3FAE];
	_ =	sdelay $0x3  }
0x37: {  	[smem:$0x3FAE] =	sst s10  }
0x38: {  	s10 =	sld [smem:$0x3FAF]  }
0x39: {  	_ = 	snop;
	(pc) =	sbr.ind lr, $3  }
0x3a: {  	_ = 	snop  }
0x3b: {  	_ = 	snop  }
0x3c: {  	p2 =	seq.s32 s10, $0x1;
	s10 =	sld [smem:$0x3FAE]  }
0x3d: {  	_ =	shalt  }
0x3e: {  	_ =	shalt  }
0x3f: {  	_ =	shalt  }
0x40: {  	_ =	shalt  }
0x41: {  	_ =	shalt  }
0x42: {  	_ =	shalt  }
0x43: {  	_ =	shalt  }
0x44: {  	_ =	shalt  }
0x45: {  	_ =	shalt  }
0x46: {  	_ =	shalt  }
0x47: {  	_ =	shalt  }
0x48: {  	_ =	shalt  }
0x49: {  	_ =	shalt  }
0x4a: {  	_ =	shalt  }
0x4b: {  	_ =	shalt  }
0x4c: {  	_ =	shalt  }
0x4d: {  	_ =	shalt  }
0x4e: {  	_ =	shalt  }
0x4f: {  	_ =	shalt  }
0x50: {  	_ =	shalt  }
0x51: {  	_ =	shalt  }
0x52: {  	_ =	shalt  }
0x53: {  	_ =	shalt  }
0x54: {  	_ =	shalt  }
0x55: {  	_ =	shalt  }
0x56: {  	_ =	shalt  }
0x57: {  	_ =	shalt  }
0x58: {  	_ =	shalt  }
0x59: {  	_ =	shalt  }
0x5a: {  	_ =	shalt  }
0x5b: {  	_ =	shalt  }
0x5c: {  	_ =	shalt  }
0x5d: {  	_ =	shalt  }
0x5e: {  	_ =	shalt  }
0x5f: {  	_ =	shalt  }
0x60: {  	_ =	shalt  }
0x61: {  	_ =	shalt  }
0x62: {  	_ =	shalt  }
0x63: {  	_ =	shalt  }
0x64: {  	_ =	shalt  }
0x65: {  	_ =	shalt  }
0x66: {  	_ =	shalt  }
0x67: {  	_ =	shalt  }
0x68: {  	_ =	shalt  }
0x69: {  	_ =	shalt  }
0x6a: {  	_ =	shalt  }
0x6b: {  	_ =	shalt  }
0x6c: {  	_ =	shalt  }
0x6d: {  	_ =	shalt  }
0x6e: {  	_ =	shalt  }
0x6f: {  	_ =	shalt  }
0x70: {  	_ =	shalt  }
0x71: {  	_ =	shalt  }
0x72: {  	_ =	shalt  }
0x73: {  	_ =	shalt  }
0x74: {  	_ =	shalt  }
0x75: {  	_ =	shalt  }
0x76: {  	_ =	shalt  }
0x77: {  	_ =	shalt  }
0x78: {  	_ =	shalt  }
0x79: {  	_ =	shalt  }
0x7a: {  	_ =	shalt  }
0x7b: {  	_ =	shalt  }
0x7c: {  	_ =	shalt  }
0x7d: {  	_ =	shalt  }
0x7e: {  	_ =	shalt  }
0x7f: {  	_ =	shalt  }
0x80: {  	_ =	shalt  }
0x81: {  	_ =	shalt  }
0x82: {  	_ =	shalt  }
0x83: {  	_ =	shalt  }
0x84: {  	_ =	shalt  }
0x85: {  	_ =	shalt  }
0x86: {  	_ =	shalt  }
0x87: {  	_ =	shalt  }
.Lfunc_end0:
.L_simem_size_0:
called_computation_lowered:
.L_overlay_start_0:
0x88: {  	s2 =	sld [smem:$0x3FD9]  }
0x89: {  	s3 =	sld [smem:$0x3FFE];
	_ =	sdelay $0x1  }
0x8a: {  	s1 =	srdreg.scid  }
0x8b: {  	s0 =	sand.u32 $0x1, s1  }
0x8c: {  	s16 =	sshll.u32 s0, $0xA;
	s2 =	sadd.s32 s3, s2  }
0x8d: {  	s2 =	sadd.s32 s2, s16  }
0x8e: {  	[smem:$0x3FBA] =	sst s2  }
0x8f: {  	_ = 	snop  }
0x90: {  	(tm) =	ssettm $0x1  }
0x91: {  	s17 =	sld [smem:$0x3FFB];
	_ =	sdelay $0x3  }
0x92: {  	_ =	strace s17  }
0x93: {  	s2 =	sld [smem:$0x3FFC];
	_ =	sdelay $0x3  }
0x94: {  	_ =	strace s2  }
0x95: {  	s2 =	sld [smem:$0x3FFD];
	_ =	sdelay $0x3  }
0x96: {  	_ =	strace s2  }
0x97: {  	_ =	strace $0x8FFFFFFF  }
0x98: {  	s18 =	sld [smem:$0x3FDB];
	_ =	sdelay $0x1  }
0x99: {  	s19 =	simm.s32 $_scs_section_size  }
0x9a: {  	s4 =	simm.s32 $_size__tile_overlayer_lowered;
	s5 =	simm.s32 $_tile_overlayer_lowered  }
0x9b: {  	s22 =	simm.s32 $0x1BFF;
	s21 =	sshll.u32 s5, $0x1;
	s2 =	sadd.s32 s19, s18  }
0x9c: {  	s6 =	simm.s32 $0x0;
	s20 =	sshll.u32 s4, $0x1;
	s4 =	sadd.s32 s21, s2  }
0x9d: {  	[timem:s6], [sflag:s22] =	dma.local [hbm:s4], s20  }
0x9e: {  	_ =	swait.ge [sflag:s22], s20  }
0x9f: {  	s3 =	ssub.s32 $0x0, s20;
	[sflag:s22] =	ssyncset.done $0x0  }
0xa0: {  	[sflag:s22] =	ssyncadd.s32 s3;
	_ =	sdelay $0x1  }
0xa1: {  	s23 =	simm.s32 $0x1B8B  }
0xa2: {  	_ =	swait.ge [sflag:s23], $0x1  }
0xa3: {  	[sflag:s23] =	ssyncset.done $0x0  }
0xa4: {  	s25 =	simm.s32 $0x1B8E;
	s24 =	sld [smem:$0x3FFE];
	[sflag:s23] =	ssyncadd.s32 $0xFFFFFFFF  }
0xa5: {  	s26 =	simm.s32 $execute0_lowered;
	[smem:$0x3FD2] =	sst s25  }
0xa6: {  	s4 =	sshll.u32 s26, $0x1;
	_ =	strace $0x80000046;
	[dreg:$0x1] =	wrdreg $0xFFFFFFFF  }
0xa7: {  	s28 =	simm.s32 $_size_execute0_lowered;
	s2 =	sadd.s32 s2, s4;
	[dreg:$0x0] =	wrdreg $0x0  }
0xa8: {  	s4 =	sshll.u32 s28, $0x1;
	[dreg:$0x2] =	wrdreg s2  }
0xa9: {  	[dreg:$0x3] =	wrdreg s4  }
0xaa: {  	[dreg:$0x4] =	wrdreg $0xC0  }
0xab: {  	_ =	task [dreg:s6], $0x5FFFF  }
0xac: {  	[dreg:$0x1] =	wrdreg $0xFFFFFFFF  }
0xad: {  	[dreg:$0x0] =	wrdreg $0x60  }
0xae: {  	[dreg:$0x2] =	wrdreg s24  }
0xaf: {  	[dreg:$0x3] =	wrdreg $0x9  }
0xb0: {  	_ =	task.clear_ibuf [dreg:s6], $0x4FFFF;
	_ =	strace $0x90000046  }
0xb1: {  	s29 =	simm.s32 $0x9;
	_ =	strace $0x80000048  }
0xb2: {  	_ =	swait.ge [sflag:s29], $0x1  }
0xb3: {  	[sflag:s29] =	ssyncadd.s32 $0xFFFFFFFF  }
0xb4: {  	_ =	strace $0x90000048  }
0xb5: {  	_ =	sfence  }
0xb6: {  	s30 =	sld [smem:$0x0];
	_ =	sdelay $0x2  }
0xb7: {  	s31 =	sshll.u32 s1, $0xD;
	s1 =	sshrl.u32 s1, $0x2  }
0xb8: {  	s3 =	sand.u32 $0x4000, s31;
	s1 =	sadd.s32 s1, s30  }
0xb9: {  	s0 =	sor.u32 s3, s0;
	s1 =	sshll.u32 s1, $0x11  }
0xba: {  	s0 =	sor.u32 s1, s0  }
0xbb: {  	s0 =	sadd.s32 $0x8F2B, s0  }
0xbc: {  	[sflag:s0] =	ssyncadd.remote.s32 $0x1  }
0xbd: {  	_ =	sfence.sel $0xFFFF  }
0xbe: {  	[dreg:$0x0] =	wrdreg $0xFFFFFFFF;
	(pc) =	sbr.abs _section_cstart, $3  }
0xbf: {  	[dreg:$0x1] =	wrdreg $0xFFFFFFFF  }
0xc0: {  	_ =	task.clear_ibuf [dreg:s6], $0x2FFFF;
	_ =	strace $0x9FFFFFFF  }
0xc1: {  	(tm) =	ssettm $0x7FFFFFFF  }
tec
execute0_lowered:
.L_overlay_start_1:
0x0: {  	(tag) =	ssettag $0x1  }
0x1: {  	s0 =	rddreg [dreg:$0x0]  }
0x2: {  	s2 =	simm.s32 $0x0;
	s1 =	srdreg.scid;
	s3 =	stileid.u32  }
0x3: {  	s15 =	simm.s32 $0x15F80;
	s16 =	simm.s32 $0x80;
	s17 =	simm.s32 $0x400  }
0x4: {  	s18 =	simm.s32 $0x3;
	s19 =	simm.s32 $0x2800;
	s20 =	simm.s32 $0x5000  }
0x5: {  	s21 =	simm.s32 $0x7800;
	s22 =	simm.s32 $0x1;
	s28 =	simm.s32 $0x2  }
0x6: {  	s29 =	simm.s32 $0x0;
	[smem:$0x7FF] =	sst s2;
	s4 =	sadd.s32 $0xC200, s0  }
0x7: {  	s1 =	sand.u32 $0x1, s1;
	s5 =	smul.u32 $0x14000, s3;
	s3 =	sadd.s32 $0x2400, s0  }
0x8: {  	s12 =	sadd.s32 $0x34200, s0;
	s6 =	ssub.s32 $0x2, s1;
	s1 =	sshll.u32 s1, $0x9  }
0x9: {  	s0 =	sadd.s32 $0x27E8, s0;
	_ =	strace $0x80000047;
	s1 =	sor.u32 s1, s5  }
0xa: {  	[dreg:$0x2] =	wrdreg s0;
	s7 =	sshrl.u32 s6, $0x1;
	s24 =	sshrl.u32 s1, $0x3  }
0xb: {  	s23 =	ssub.s32 s6, s7;
	s1 =	sadd.s32 s4, s24;
	s25 =	sor.u32 $0x10, s24  }
0xc: {  	s11 =	sor.u32 $0x20, s24;
	s13 =	sor.u32 $0x30, s24;
	s0 =	sadd.s32 s12, s24  }
0xd: {  	s24 =	simm.s32 $0xC800;
	[dreg:$0x3] =	wrdreg s1;
	s26 =	sadd.s32 s4, s25  }
.Ltmp0:
0xe: {  	s30 =	sadd.s32 s4, s11;
	[dreg:$0x7] =	wrdreg s0;
	(pc) =	sbr.rel .LBB2_1-.Ltmp0, $4  }
0xf: {  	s4 =	sadd.s32 s4, s13;
	s31 =	sadd.s32 s12, s25;
	[dreg:$0x4] =	wrdreg s26  }
0x10: {  	s11 =	sadd.s32 s12, s11;
	s12 =	sadd.s32 s12, s13;
	[dreg:$0x5] =	wrdreg s30  }
0x11: {  	s13 =	smax.u32 s23, $0x1;
	s23 =	simm.s32 $0xA000;
	[dreg:$0x6] =	wrdreg s4  }
0x12: {  	v0 =	vimm.f32 $0.0e+00;
	s25 =	simm.s32 $0xF000;
	[dreg:$0x8] =	wrdreg s31;
	s26 =	simm.s32 $0x11800  }
.LBB2_30:
0x13: {  	s0 =	rddreg [dreg:$0x7]  }
0x14: {  	[hbm4b:s0+s16] =	stream.strided.scatter [tilespmem:s23], [sflag:$0x3], $0x2800, s17, s16, $0x38;
	[tilespmem:$0x17F00] =	vst v63  }
0x15: {  	_ =	swait.ge [sflag:s18], $0x2800  }
0x16: {  	[sflag:s18] =	ssyncset.done $0x0  }
0x17: {  	s31 =	rddreg [dreg:$0x8];
	[sflag:s18] =	ssyncadd.s32 $0xFFFFD800  }
0x18: {  	[hbm4b:s31+s16] =	stream.strided.scatter [tilespmem:s24], [sflag:$0x3], $0x2800, s17, s16, $0x38;
	[tilespmem:$0x17F00] =	vst v63  }
0x19: {  	_ =	swait.ge [sflag:s18], $0x2800  }
0x1a: {  	[sflag:s18] =	ssyncset.done $0x0  }
0x1b: {  	[sflag:s18] =	ssyncadd.s32 $0xFFFFD800  }
0x1c: {  	[hbm4b:s11+s16] =	stream.strided.scatter [tilespmem:s25], [sflag:$0x3], $0x2800, s17, s16, $0x38;
	[tilespmem:$0x17F00] =	vst v63  }
0x1d: {  	s29 =	sadd.s32 $0x1, s29;
	_ =	swait.ge [sflag:s18], $0x2800  }
0x1e: {  	p0 =	sne.s32 s29, s13;
	[sflag:s18] =	ssyncset.done $0x0  }
.Ltmp1:
0x1f: {  	[sflag:s18] =	ssyncadd.s32 $0xFFFFD800;
	(pc) =	sbr.rel @!p0 .LBB2_31-.Ltmp1, $4  }
0x20: {  	[hbm4b:s12+s16] =	stream.strided.scatter [tilespmem:s26], [sflag:$0x3], $0x2800, s17, s16, $0x38;
	[tilespmem:$0x17F00] =	vst v63  }
0x21: {  	_ =	swait.ge [sflag:s18], $0x2800  }
0x22: {  	[sflag:s18] =	ssyncset.done $0x0  }
0x23: {  	[sflag:s18] =	ssyncadd.s32 $0xFFFFD800  }
.LBB2_1:
0x24: {  	s0 =	simm.s32 $0x14000  }
0x25: {  	[tilespmem:s0], [sflag:$0x1] =	stream.linear.gather [hbm4b:s3+s2], $0x1F40, $0x38;
	[tilespmem:$0x17F00] =	vst v63  }
0x26: {  	s9 =	rddreg [dreg:$0x2]  }
0x27: {  	[tilespmem:s15], [sflag:$0x2] =	stream.linear.gather [hbm4b:s9+s2], $0x1F40, $0x38;
	[tilespmem:$0x17F00] =	vst v63  }
0x28: {  	s10 =	rddreg [dreg:$0x3]  }
0x29: {  	[tilespmem:s2], [sflag:$0x3] =	stream.strided.gather [hbm4b:s10+s16], $0x2800, s17, s16, $0x38;
	[tilespmem:$0x17F00] =	vst v63  }
0x2a: {  	_ =	swait.ge [sflag:s18], $0x2800  }
0x2b: {  	[sflag:s18] =	ssyncset.done $0x0  }
0x2c: {  	s14 =	rddreg [dreg:$0x4];
	[sflag:s18] =	ssyncadd.s32 $0xFFFFD800  }
0x2d: {  	[tilespmem:s19], [sflag:$0x3] =	stream.strided.gather [hbm4b:s14+s16], $0x2800, s17, s16, $0x38;
	[tilespmem:$0x17F00] =	vst v63  }
0x2e: {  	_ =	swait.ge [sflag:s18], $0x2800  }
0x2f: {  	[sflag:s18] =	ssyncset.done $0x0  }
0x30: {  	s30 =	rddreg [dreg:$0x5];
	[sflag:s18] =	ssyncadd.s32 $0xFFFFD800  }
0x31: {  	[tilespmem:s20], [sflag:$0x3] =	stream.strided.gather [hbm4b:s30+s16], $0x2800, s17, s16, $0x38;
	[tilespmem:$0x17F00] =	vst v63  }
0x32: {  	_ =	swait.ge [sflag:s18], $0x2800  }
0x33: {  	[sflag:s18] =	ssyncset.done $0x0  }
0x34: {  	s31 =	rddreg [dreg:$0x6];
	[sflag:s18] =	ssyncadd.s32 $0xFFFFD800  }
0x35: {  	[tilespmem:s21], [sflag:$0x3] =	stream.strided.gather [hbm4b:s31+s16], $0x2800, s17, s16, $0x38;
	[tilespmem:$0x17F00] =	vst v63  }
0x36: {  	_ =	swait.ge [sflag:s18], $0x2800  }
0x37: {  	[sflag:s18] =	ssyncset.done $0x0  }
0x38: {  	s1 =	simm.s32 $0x40;
	s0 =	simm.s32 $0x0;
	[sflag:s18] =	ssyncadd.s32 $0xFFFFD800  }
.LBB2_2:
0x39: {  	p0 =	sne.s32 s1, $0x9FC0;
	[tilespmem:s0+$0x11800] =	vst v0;
	s4 =	smov.u32 s1;
	s1 =	sadd.s32 $0x40, s1  }
.Ltmp2:
0x3a: {  	[tilespmem:s0+$0xF000] =	vst v0;
	(pc) =	sbr.rel @p0 .LBB2_2-.Ltmp2, $3  }
0x3b: {  	[tilespmem:s0+$0xA000] =	vst v0  }
0x3c: {  	[tilespmem:s0+$0xC800] =	vst v0;
	_ =	sdelay $0x1  }
0x3d: {  	s0 =	sshra.s32 s4, $0x2  }
0x3e: {  	[tilespmem:s0+$0x11800] =	vst v0  }
0x3f: {  	[tilespmem:s0+$0xF000] =	vst v0  }
0x40: {  	[tilespmem:s0+$0xA000] =	vst v0  }
0x41: {  	s30 =	simm.s32 $0x0;
	[tilespmem:s0+$0xC800] =	vst v0  }
.LBB2_4:
0x42: {  	_ =	swait.ge [sflag:s22], $0x1F40  }
0x43: {  	[sflag:s22] =	ssyncset.done $0x0  }
0x44: {  	s0 =	simm.s32 $0x14020;
	[sflag:s22] =	ssyncadd.s32 $0xFFFFE0C0  }
0x45: {  	v1 =	vld [tilespmem:s0+$0xFFFFFFE0];
	_ =	sdelay $0x4  }
0x46: {  	v10 =	vshrl.u32 v1, $0xE  }
0x47: {  	v2 =	vand.u32 $0x3FFF, v1  }
0x48: {  	v4 =	vld [tilespmem:s0+$0x0]  }
0x49: {  	v5 =	vld [tilespmem:s0+$0xFFFFFFF0]  }
0x4a: {  	v13 =	vld [tilespmem:s0+$0x10]  }
0x4b: {  	v16 =	vld.idx.msk [tilespmem:v10+s26+$0x0], $0xffff  }
0x4c: {  	v3 =	vld.idx.msk [tilespmem:v2+s20+$0x0], $0xffff  }
0x4d: {  	v1 =	vld.idx.msk [tilespmem:v2+s21+$0x0], $0xffff  }
0x4e: {  	v11 =	vshrl.u32 v5, $0xE;
	v20 =	vld.idx.msk [tilespmem:v2+s2+$0x0], $0xffff  }
0x4f: {  	v9 =	vand.u32 $0x3FFF, v5;
	v5 =	vld.idx.msk [tilespmem:v2+s19+$0x0], $0xffff  }
0x50: {  	v15 =	vld.idx.msk [tilespmem:v10+s24+$0x0], $0xffff  }
0x51: {  	v18 =	vld.idx.msk [tilespmem:v10+s25+$0x0], $0xffff  }
0x52: {  	v21 =	vld.idx.msk [tilespmem:v10+s23+$0x0], $0xffff  }
0x53: {  	v22 =	vld.idx.msk [tilespmem:v11+s26+$0x0], $0xffff  }
0x54: {  	v8 =	vld.idx.msk [tilespmem:v9+s20+$0x0], $0xffff  }
0x55: {  	v17 =	vshrl.u32 v4, $0xE;
	v23 =	vld.idx.msk [tilespmem:v11+s25+$0x0], $0xffff  }
0x56: {  	v7 =	vld.idx.msk [tilespmem:v9+s21+$0x0], $0xffff  }
0x57: {  	v6 =	vld.idx.msk [tilespmem:v9+s19+$0x0], $0xffff  }
0x58: {  	v14 =	vand.u32 $0x3FFF, v4;
	v24 =	vld.idx.msk [tilespmem:v11+s24+$0x0], $0xffff  }
0x59: {  	v2 =	vld.idx.msk [tilespmem:v9+s2+$0x0], $0xffff  }
0x5a: {  	v25 =	vld.idx.msk [tilespmem:v17+s25+$0x0], $0xffff  }
0x5b: {  	v26 =	vld.idx.msk [tilespmem:v17+s24+$0x0], $0xffff  }
0x5c: {  	v27 =	vld.idx.msk [tilespmem:v17+s26+$0x0], $0xffff  }
0x5d: {  	v9 =	vld.idx.msk [tilespmem:v14+s19+$0x0], $0xffff  }
0x5e: {  	v19 =	vshrl.u32 v13, $0xE;
	v4 =	vld.idx.msk [tilespmem:v14+s21+$0x0], $0xffff  }
0x5f: {  	v12 =	vld.idx.msk [tilespmem:v14+s20+$0x0], $0xffff  }
0x60: {  	v29 =	vand.u32 $0x3FFF, v13;
	v28 =	vld.idx.msk [tilespmem:v17+s23+$0x0], $0xffff  }
0x61: {  	v30 =	vld.idx.msk [tilespmem:v11+s23+$0x0], $0xffff  }
0x62: {  	v14 =	vld.idx.msk [tilespmem:v14+s2+$0x0], $0xffff  }
0x63: {  	v31 =	vld.idx.msk [tilespmem:v19+s25+$0x0], $0xffff  }
0x64: {  	v32 =	vld.idx.msk [tilespmem:v19+s23+$0x0], $0xffff;
	vm0 =	vgt.f32 v20, v21  }
0x65: {  	v13 =	vld.idx.msk [tilespmem:v29+s21+$0x0], $0xffff;
	vm1 =	vgt.f32 v5, v15  }
0x66: {  	v21 =	vld.idx.msk [tilespmem:v19+s24+$0x0], $0xffff;
	vm2 =	vgt.f32 v3, v18  }
0x67: {  	v15 =	vld.idx.msk [tilespmem:v29+s2+$0x0], $0xffff;
	vm3 =	vgt.f32 v1, v16  }
0x68: {  	v16 =	vld.idx.msk [tilespmem:v29+s19+$0x0], $0xffff;
	vm4 =	vgt.f32 v2, v30  }
0x69: {  	v18 =	vld.idx.msk [tilespmem:v29+s20+$0x0], $0xffff;
	vm5 =	vgt.f32 v6, v24  }
0x6a: {  	v24 =	vld.idx.msk [tilespmem:v19+s26+$0x0], $0xffff;
	vm6 =	vgt.f32 v8, v23;
	[tilespmem:v10+s23+$0x0] =	vst.idx.msk vm0, v20  }
0x6b: {  	vm0 =	vgt.f32 v7, v22;
	[tilespmem:v10+s24+$0x0] =	vst.idx.msk vm1, v5  }
0x6c: {  	vm1 =	vgt.f32 v14, v28;
	[tilespmem:v10+s25+$0x0] =	vst.idx.msk vm2, v3  }
0x6d: {  	vm2 =	vgt.f32 v9, v26;
	[tilespmem:v10+s26+$0x0] =	vst.idx.msk vm3, v1  }
0x6e: {  	vm3 =	vgt.f32 v12, v25;
	[tilespmem:v11+s23+$0x0] =	vst.idx.msk vm4, v2  }
0x6f: {  	vm13 =	vgt.f32 v4, v27;
	[tilespmem:v11+s24+$0x0] =	vst.idx.msk vm5, v6  }
0x70: {  	vm14 =	vgt.f32 v15, v32;
	[tilespmem:v11+s25+$0x0] =	vst.idx.msk vm6, v8  }
0x71: {  	vm15 =	vgt.f32 v16, v21;
	[tilespmem:v11+s26+$0x0] =	vst.idx.msk vm0, v7  }
0x72: {  	vm0 =	vgt.f32 v18, v31;
	[tilespmem:v17+s23+$0x0] =	vst.idx.msk vm1, v14  }
0x73: {  	vm1 =	vgt.f32 v13, v24;
	[tilespmem:v17+s24+$0x0] =	vst.idx.msk vm2, v9  }
0x74: {  	[tilespmem:v17+s25+$0x0] =	vst.idx.msk vm3, v12  }
0x75: {  	[tilespmem:v17+s26+$0x0] =	vst.idx.msk vm13, v4  }
0x76: {  	[tilespmem:v19+s23+$0x0] =	vst.idx.msk vm14, v15  }
0x77: {  	[tilespmem:v19+s24+$0x0] =	vst.idx.msk vm15, v16  }
0x78: {  	[tilespmem:v19+s25+$0x0] =	vst.idx.msk vm0, v18  }
0x79: {  	s14 =	simm.s32 $0x14060;
	[tilespmem:v19+s26+$0x0] =	vst.idx.msk vm1, v13  }
0x7a: {  	v24 =	vld [tilespmem:s14+$0x0]  }
0x7b: {  	v28 =	vld [tilespmem:s14+$0xFFFFFFF0]  }
0x7c: {  	v22 =	vld [tilespmem:s14+$0x10]  }
0x7d: {  	v30 =	vld.idx.msk [tilespmem:v10+s23+$0x0], $0xffff  }
0x7e: {  	v27 =	vld.idx.msk [tilespmem:v10+s24+$0x0], $0xffff  }
0x7f: {  	v25 =	vld.idx.msk [tilespmem:v10+s25+$0x0], $0xffff  }
0x80: {  	v23 =	vld.idx.msk [tilespmem:v19+s25+$0x0], $0xffff  }
0x81: {  	v21 =	vld.idx.msk [tilespmem:v17+s26+$0x0], $0xffff  }
0x82: {  	s31 =	simm.s32 $0x3;
	v29 =	vld [tilespmem:s14+$0xFFFFFFE0]  }
0x83: {  	s4 =	simm.s32 $0xB;
	s1 =	simm.s32 $0x0;
	s0 =	simm.s32 $0x7;
	v26 =	vld.idx.msk [tilespmem:v11+s25+$0x0], $0xffff;
	vm0 =	vgt.f32 v20, v30  }
.LBB2_5:
0x84: {  	p0 =	seq.s32 s4, $0x1F3;
	v20 =	vld.idx.msk [tilespmem:v17+s23+$0x0], $0xffff;
	vm1 =	vgt.f32 v5, v27;
	s5 =	smov.u32 s4;
	s4 =	sadd.s32 $0x4, s4  }
0x85: {  	v5 =	vld.idx.msk [tilespmem:v17+s25+$0x0], $0xffff;
	vm0 =	vmor vm0, vm1;
	vm1 =	vgt.f32 v3, v25  }
0x86: {  	v3 =	vld.idx.msk [tilespmem:v11+s26+$0x0], $0xffff;
	vm2 =	vmor vm0, vm1  }
0x87: {  	v25 =	vshrl.u32 v29, $0xE;
	v27 =	vand.u32 $0x3FFF, v29;
	v29 =	vld.idx.msk [tilespmem:v19+s23+$0x0], $0xffff  }
0x88: {  	v30 =	vld.idx.msk [tilespmem:v11+s24+$0x0], $0xffff  }
0x89: {  	vm0 =	vgt.f32 v8, v26;
	v31 =	vld.idx.msk [tilespmem:v19+s24+$0x0], $0xffff  }
0x8a: {  	vm4 =	vgt.f32 v14, v20;
	v8 =	vld.idx.msk [tilespmem:v17+s24+$0x0], $0xffff  }
0x8b: {  	vm5 =	vgt.f32 v12, v5;
	v14 =	vld.idx.msk [tilespmem:v19+s26+$0x0], $0xffff  }
0x8c: {  	vm1 =	vgt.f32 v7, v3;
	v12 =	vld.idx.msk [tilespmem:v10+s26+$0x0], $0xffff;
	v10 =	vmov v25  }
0x8d: {  	vm6 =	vgt.f32 v15, v29;
	v19 =	vld.idx.msk [tilespmem:v25+s26+$0x0], $0xffff  }
0x8e: {  	vm3 =	vgt.f32 v6, v30;
	v3 =	vld.idx.msk [tilespmem:v27+s20+$0x0], $0xffff  }
0x8f: {  	vm8 =	vgt.f32 v18, v23;
	v25 =	vand.u32 $0x3FFF, v22;
	vm7 =	vgt.f32 v16, v31;
	v6 =	vld.idx.msk [tilespmem:v11+s23+$0x0], $0xffff  }
0x90: {  	v15 =	vand.u32 $0x3FFF, v28;
	v11 =	vshrl.u32 v28, $0xE;
	vm9 =	vgt.f32 v9, v8;
	v7 =	vld.idx.msk [tilespmem:v27+s21+$0x0], $0xffff  }
0x91: {  	vm6 =	vmor vm6, vm7;
	vm4 =	vmor vm4, vm9;
	vm7 =	vgt.f32 v13, v14;
	v20 =	vld.idx.msk [tilespmem:v27+s2+$0x0], $0xffff  }
0x92: {  	vm6 =	vmor vm6, vm8;
	vm4 =	vmor vm4, vm5;
	vm5 =	vgt.f32 v4, v21;
	v5 =	vld.idx.msk [tilespmem:v27+s19+$0x0], $0xffff  }
0x93: {  	vm8 =	vgt.f32 v1, v12;
	vm4 =	vmor vm4, vm5;
	vm5 =	vmor vm6, vm7;
	v13 =	vld.idx.msk [tilespmem:v10+s24+$0x0], $0xffff  }
0x94: {  	vm2 =	vmor vm2, vm8;
	v8 =	vmpcnt.ones.xlane vm4;
	v9 =	vmpcnt.ones.xlane vm5;
	v4 =	vld.idx.msk [tilespmem:v10+s25+$0x0], $0xffff  }
0x95: {  	vm4 =	vgt.f32 v2, v6;
	v2 =	vmpcnt.ones.xlane vm2;
	v12 =	vld.idx.msk [tilespmem:v10+s23+$0x0], $0xffff  }
0x96: {  	vm2 =	vmor vm4, vm3;
	v1 =	vmov v7;
	v14 =	vld.idx.msk [tilespmem:v11+s26+$0x0], $0xffff;
	(v2sf) =	vpush v8, $0x0  }
0x97: {  	v17 =	vshrl.u32 v24, $0xE;
	v16 =	vand.u32 $0x3FFF, v24;
	vm0 =	vmor vm2, vm0;
	v8 =	vld.idx.msk [tilespmem:v15+s20+$0x0], $0xffff  }
0x98: {  	vm0 =	vmor vm0, vm1;
	v18 =	vld.idx.msk [tilespmem:v11+s25+$0x0], $0xffff;
	(v2sf) =	vpush v9, $0x0  }
0x99: {  	v9 =	vmpcnt.ones.xlane vm0;
	v7 =	vld.idx.msk [tilespmem:v15+s21+$0x0], $0xffff;
	(v2sf) =	vpush v2, $0x0  }
0x9a: {  	vm0 =	vgt.f32 v1, v19;
	vm1 =	vgt.f32 v3, v4;
	v6 =	vld.idx.msk [tilespmem:v15+s19+$0x0], $0xffff  }
0x9b: {  	vm5 =	vgt.f32 v20, v12;
	v21 =	vld.idx.msk [tilespmem:v11+s24+$0x0], $0xffff;
	(v2sf) =	vpush v9, $0x0  }
0x9c: {  	v2 =	vld.idx.msk [tilespmem:v15+s2+$0x0], $0xffff  }
0x9d: {  	v15 =	vld.idx.msk [tilespmem:v17+s25+$0x0], $0xffff  }
0x9e: {  	v23 =	vld.idx.msk [tilespmem:v17+s24+$0x0], $0xffff  }
0x9f: {  	v19 =	vshrl.u32 v22, $0xE;
	v22 =	vld.idx.msk [tilespmem:v17+s26+$0x0], $0xffff  }
0xa0: {  	vm2 =	vgt.f32 v8, v18;
	v9 =	vld.idx.msk [tilespmem:v16+s19+$0x0], $0xffff  }
0xa1: {  	vm3 =	vgt.f32 v7, v14;
	vm4 =	vgt.f32 v6, v21;
	v4 =	vld.idx.msk [tilespmem:v16+s21+$0x0], $0xffff  }
0xa2: {  	v12 =	vld.idx.msk [tilespmem:v16+s20+$0x0], $0xffff  }
0xa3: {  	v18 =	vld.idx.msk [tilespmem:v17+s23+$0x0], $0xffff  }
0xa4: {  	v21 =	vld.idx.msk [tilespmem:v11+s23+$0x0], $0xffff  }
0xa5: {  	v14 =	vld.idx.msk [tilespmem:v16+s2+$0x0], $0xffff;
	s6 =	spop (v2sf)  }
0xa6: {  	v24 =	vld.idx.msk [tilespmem:v19+s25+$0x0], $0xffff;
	p1 =	sgt.s32 s6, $0x0  }
0xa7: {  	vm6 =	vgt.f32 v4, v22;
	v26 =	vld.idx.msk [tilespmem:v19+s23+$0x0], $0xffff;
	s6 =	spop (v2sf)  }
0xa8: {  	vm7 =	vgt.f32 v9, v23;
	v22 =	vld.idx.msk [tilespmem:v19+s24+$0x0], $0xffff;
	p2 =	sgt.s32 s6, $0x0;
	s6 =	spop (v2sf)  }
0xa9: {  	s7 =	simm.s32 $0x1;
	vm8 =	vgt.f32 v12, v15;
	p3 =	sgt.s32 s6, $0x0  }
0xaa: {  	vm11 =	vgt.f32 v5, v13;
	vm10 =	vgt.f32 v2, v21;
	s6 =	sadd.s32 $0xFFFFFFFF, s31;
	v15 =	vld.idx.msk [tilespmem:v25+s2+$0x0], $0xffff;
	s7 =	simm.s32 @!p3 $0x0;
	s8 =	spop (v2sf)  }
0xab: {  	s9 =	sadd.s32 $0xFFFFFFFD, s31;
	s10 =	sadd.s32 $0xFFFFFFFE, s31;
	vm9 =	vgt.f32 v14, v18;
	v13 =	vld.idx.msk [tilespmem:v25+s21+$0x0], $0xffff;
	p3 =	sgt.s32 s8, $0x0  }
0xac: {  	[smem:s1] =	sst s9;
	s1 =	sadd.s32 s7, s1;
	s7 =	simm.s32 $0x1  }
0xad: {  	v16 =	vld.idx.msk [tilespmem:v25+s19+$0x0], $0xffff;
	s7 =	simm.s32 @!p3 $0x0  }
0xae: {  	[smem:s1] =	sst s10;
	s1 =	sadd.s32 s7, s1;
	s7 =	simm.s32 $0x1  }
0xaf: {  	v18 =	vld.idx.msk [tilespmem:v25+s20+$0x0], $0xffff;
	s7 =	simm.s32 @!p1 $0x0  }
0xb0: {  	[smem:s1] =	sst s6;
	s6 =	simm.s32 $0x1  }
0xb1: {  	v21 =	vld.idx.msk [tilespmem:v19+s26+$0x0], $0xffff;
	s1 =	sadd.s32 s7, s1;
	s6 =	simm.s32 @!p2 $0x0  }
0xb2: {  	[tilespmem:v10+s23+$0x0] =	vst.idx.msk vm5, v20;
	[smem:s1] =	sst s31;
	s1 =	sadd.s32 s6, s1;
	s31 =	smov.u32 s0  }
0xb3: {  	s0 =	smov.u32 s5;
	[tilespmem:v10+s24+$0x0] =	vst.idx.msk vm11, v5  }
0xb4: {  	[tilespmem:v10+s25+$0x0] =	vst.idx.msk vm1, v3;
	vm1 =	vgt.f32 v15, v26  }
0xb5: {  	[tilespmem:v10+s26+$0x0] =	vst.idx.msk vm0, v1;
	vm0 =	vgt.f32 v16, v22  }
0xb6: {  	vm5 =	vgt.f32 v18, v24;
	[tilespmem:v11+s23+$0x0] =	vst.idx.msk vm10, v2  }
0xb7: {  	[tilespmem:v11+s24+$0x0] =	vst.idx.msk vm4, v6;
	vm4 =	vgt.f32 v13, v21  }
0xb8: {  	[tilespmem:v11+s25+$0x0] =	vst.idx.msk vm2, v8  }
0xb9: {  	[tilespmem:v11+s26+$0x0] =	vst.idx.msk vm3, v7  }
0xba: {  	[tilespmem:v17+s23+$0x0] =	vst.idx.msk vm9, v14  }
0xbb: {  	[tilespmem:v17+s24+$0x0] =	vst.idx.msk vm7, v9  }
0xbc: {  	[tilespmem:v17+s25+$0x0] =	vst.idx.msk vm8, v12  }
0xbd: {  	s14 =	sadd.s32 $0x40, s14;
	[tilespmem:v17+s26+$0x0] =	vst.idx.msk vm6, v4  }
0xbe: {  	[tilespmem:v19+s23+$0x0] =	vst.idx.msk vm1, v15  }
0xbf: {  	[tilespmem:v19+s24+$0x0] =	vst.idx.msk vm0, v16  }
0xc0: {  	[tilespmem:v19+s25+$0x0] =	vst.idx.msk vm5, v18  }
0xc1: {  	[tilespmem:v19+s26+$0x0] =	vst.idx.msk vm4, v13  }
0xc2: {  	v24 =	vld [tilespmem:s14+$0x0]  }
0xc3: {  	v28 =	vld [tilespmem:s14+$0xFFFFFFF0]  }
0xc4: {  	v22 =	vld [tilespmem:s14+$0x10]  }
0xc5: {  	v30 =	vld.idx.msk [tilespmem:v10+s23+$0x0], $0xffff  }
0xc6: {  	v27 =	vld.idx.msk [tilespmem:v10+s24+$0x0], $0xffff  }
.Ltmp3:
0xc7: {  	v25 =	vld.idx.msk [tilespmem:v10+s25+$0x0], $0xffff;
	(pc) =	sbr.rel @!p0 .LBB2_5-.Ltmp3, $4  }
0xc8: {  	v23 =	vld.idx.msk [tilespmem:v19+s25+$0x0], $0xffff  }
0xc9: {  	v21 =	vld.idx.msk [tilespmem:v17+s26+$0x0], $0xffff  }
0xca: {  	v29 =	vld [tilespmem:s14+$0xFFFFFFE0]  }
0xcb: {  	vm0 =	vgt.f32 v20, v30;
	v26 =	vld.idx.msk [tilespmem:v11+s25+$0x0], $0xffff  }
0xcc: {  	_ =	sdelay $0x3  }
0xcd: {  	v30 =	vld.idx.msk [tilespmem:v17+s23+$0x0], $0xffff  }
0xce: {  	v31 =	vld.idx.msk [tilespmem:v17+s25+$0x0], $0xffff  }
0xcf: {  	v32 =	vld.idx.msk [tilespmem:v11+s26+$0x0], $0xffff  }
0xd0: {  	v33 =	vld.idx.msk [tilespmem:v19+s23+$0x0], $0xffff  }
0xd1: {  	v34 =	vld.idx.msk [tilespmem:v11+s24+$0x0], $0xffff  }
0xd2: {  	v35 =	vld.idx.msk [tilespmem:v19+s24+$0x0], $0xffff;
	v39 =	vshrl.u32 v28, $0xE  }
0xd3: {  	v17 =	vld.idx.msk [tilespmem:v17+s24+$0x0], $0xffff;
	v60 =	vand.u32 $0x3FFF, v28  }
0xd4: {  	v19 =	vld.idx.msk [tilespmem:v19+s26+$0x0], $0xffff  }
0xd5: {  	v36 =	vld.idx.msk [tilespmem:v10+s26+$0x0], $0xffff  }
0xd6: {  	v11 =	vld.idx.msk [tilespmem:v11+s23+$0x0], $0xffff  }
0xd7: {  	v44 =	vld.idx.msk [tilespmem:v39+s26+$0x0], $0xffff  }
0xd8: {  	v45 =	vld.idx.msk [tilespmem:v60+s20+$0x0], $0xffff  }
0xd9: {  	v46 =	vshrl.u32 v24, $0xE;
	v47 =	vld.idx.msk [tilespmem:v39+s25+$0x0], $0xffff  }
0xda: {  	v48 =	vld.idx.msk [tilespmem:v60+s21+$0x0], $0xffff  }
0xdb: {  	v49 =	vld.idx.msk [tilespmem:v60+s19+$0x0], $0xffff  }
0xdc: {  	v61 =	vand.u32 $0x3FFF, v24;
	v50 =	vld.idx.msk [tilespmem:v39+s24+$0x0], $0xffff  }
0xdd: {  	v28 =	vld.idx.msk [tilespmem:v60+s2+$0x0], $0xffff  }
0xde: {  	v51 =	vld.idx.msk [tilespmem:v46+s25+$0x0], $0xffff  }
0xdf: {  	v52 =	vld.idx.msk [tilespmem:v46+s24+$0x0], $0xffff  }
0xe0: {  	v53 =	vld.idx.msk [tilespmem:v46+s26+$0x0], $0xffff  }
0xe1: {  	v55 =	vshrl.u32 v22, $0xE;
	v54 =	vld.idx.msk [tilespmem:v61+s19+$0x0], $0xffff  }
0xe2: {  	v20 =	vshrl.u32 v29, $0xE;
	v56 =	vld.idx.msk [tilespmem:v61+s21+$0x0], $0xffff  }
0xe3: {  	v59 =	vand.u32 $0x3FFF, v29;
	v57 =	vld.idx.msk [tilespmem:v61+s20+$0x0], $0xffff  }
0xe4: {  	v58 =	vld.idx.msk [tilespmem:v46+s23+$0x0], $0xffff  }
0xe5: {  	v24 =	vld.idx.msk [tilespmem:v61+s2+$0x0], $0xffff  }
0xe6: {  	v60 =	vld.idx.msk [tilespmem:v55+s25+$0x0], $0xffff  }
0xe7: {  	v37 =	vld.idx.msk [tilespmem:v20+s26+$0x0], $0xffff  }
0xe8: {  	v38 =	vld.idx.msk [tilespmem:v59+s20+$0x0], $0xffff  }
0xe9: {  	v40 =	vld.idx.msk [tilespmem:v59+s2+$0x0], $0xffff  }
0xea: {  	v29 =	vld.idx.msk [tilespmem:v59+s19+$0x0], $0xffff  }
0xeb: {  	v43 =	vld.idx.msk [tilespmem:v20+s23+$0x0], $0xffff  }
0xec: {  	v41 =	vld.idx.msk [tilespmem:v20+s24+$0x0], $0xffff  }
0xed: {  	v42 =	vld.idx.msk [tilespmem:v20+s25+$0x0], $0xffff  }
0xee: {  	v22 =	vand.u32 $0x3FFF, v22;
	v10 =	vld.idx.msk [tilespmem:v59+s21+$0x0], $0xffff  }
0xef: {  	v59 =	vld.idx.msk [tilespmem:v39+s23+$0x0], $0xffff  }
0xf0: {  	v61 =	vld.idx.msk [tilespmem:v55+s23+$0x0], $0xffff;
	vm1 =	vgt.f32 v40, v43  }
0xf1: {  	v62 =	vld.idx.msk [tilespmem:v55+s24+$0x0], $0xffff;
	vm2 =	vgt.f32 v29, v41  }
0xf2: {  	v63 =	vld.idx.msk [tilespmem:v55+s26+$0x0], $0xffff;
	vm3 =	vgt.f32 v38, v42  }
0xf3: {  	v41 =	vld.idx.msk [tilespmem:v22+s2+$0x0], $0xffff;
	vm4 =	vgt.f32 v10, v37  }
0xf4: {  	v42 =	vld.idx.msk [tilespmem:v22+s21+$0x0], $0xffff;
	vm5 =	vgt.f32 v28, v59  }
0xf5: {  	vm6 =	vgt.f32 v49, v50;
	v37 =	vld.idx.msk [tilespmem:v22+s19+$0x0], $0xffff  }
0xf6: {  	vm7 =	vgt.f32 v45, v47;
	v22 =	vld.idx.msk [tilespmem:v22+s20+$0x0], $0xffff;
	[tilespmem:v20+s23+$0x0] =	vst.idx.msk vm1, v40  }
0xf7: {  	vm13 =	vgt.f32 v48, v44;
	[tilespmem:v20+s24+$0x0] =	vst.idx.msk vm2, v29  }
0xf8: {  	vm14 =	vgt.f32 v24, v58;
	[tilespmem:v20+s25+$0x0] =	vst.idx.msk vm3, v38  }
0xf9: {  	vm15 =	vgt.f32 v54, v52;
	[tilespmem:v20+s26+$0x0] =	vst.idx.msk vm4, v10  }
0xfa: {  	vm9 =	vgt.f32 v57, v51;
	[tilespmem:v39+s23+$0x0] =	vst.idx.msk vm5, v28  }
0xfb: {  	vm10 =	vgt.f32 v56, v53;
	[tilespmem:v39+s24+$0x0] =	vst.idx.msk vm6, v49  }
0xfc: {  	vm11 =	vgt.f32 v41, v61;
	[tilespmem:v39+s25+$0x0] =	vst.idx.msk vm7, v45  }
0xfd: {  	vm12 =	vgt.f32 v37, v62;
	[tilespmem:v39+s26+$0x0] =	vst.idx.msk vm13, v48  }
0xfe: {  	vm13 =	vgt.f32 v22, v60;
	[tilespmem:v46+s23+$0x0] =	vst.idx.msk vm14, v24  }
0xff: {  	vm14 =	vgt.f32 v42, v63;
	[tilespmem:v46+s24+$0x0] =	vst.idx.msk vm15, v54  }
0x100: {  	[tilespmem:v46+s25+$0x0] =	vst.idx.msk vm9, v57  }
0x101: {  	[tilespmem:v46+s26+$0x0] =	vst.idx.msk vm10, v56  }
0x102: {  	[tilespmem:v55+s23+$0x0] =	vst.idx.msk vm11, v41  }
0x103: {  	[tilespmem:v55+s24+$0x0] =	vst.idx.msk vm12, v37  }
0x104: {  	[tilespmem:v55+s25+$0x0] =	vst.idx.msk vm13, v22  }
0x105: {  	[tilespmem:v55+s26+$0x0] =	vst.idx.msk vm14, v42  }
0x106: {  	vm15 =	vgt.f32 v5, v27;
	v27 =	vld.idx.msk [tilespmem:v20+s23+$0x0], $0xffff  }
0x107: {  	vm8 =	vgt.f32 v6, v34;
	vm4 =	vgt.f32 v3, v25;
	v3 =	vld.idx.msk [tilespmem:v20+s24+$0x0], $0xffff  }
0x108: {  	vm1 =	vgt.f32 v8, v26;
	vm9 =	vgt.f32 v16, v35;
	vm0 =	vmor vm0, vm15;
	v43 =	vld.idx.msk [tilespmem:v20+s25+$0x0], $0xffff  }
0x109: {  	vm15 =	vgt.f32 v18, v23;
	vm10 =	vgt.f32 v9, v17;
	vm12 =	vgt.f32 v14, v30;
	v44 =	vld.idx.msk [tilespmem:v55+s25+$0x0], $0xffff  }
0x10a: {  	vm0 =	vmor vm0, vm4;
	vm13 =	vgt.f32 v12, v31;
	vm4 =	vmor vm12, vm10;
	v47 =	vld.idx.msk [tilespmem:v39+s25+$0x0], $0xffff  }
0x10b: {  	vm12 =	vgt.f32 v13, v19;
	vm14 =	vgt.f32 v15, v33;
	vm4 =	vmor vm4, vm13;
	v50 =	vld.idx.msk [tilespmem:v46+s23+$0x0], $0xffff  }
0x10c: {  	vm13 =	vgt.f32 v4, v21;
	vm11 =	vmor vm14, vm9;
	v51 =	vld.idx.msk [tilespmem:v46+s25+$0x0], $0xffff;
	vm14 =	vgt.f32 v1, v36  }
0x10d: {  	vm4 =	vmor vm4, vm13;
	v1 =	vld.idx.msk [tilespmem:v39+s26+$0x0], $0xffff;
	vm3 =	vmor vm11, vm15;
	vm15 =	vgt.f32 v2, v11  }
0x10e: {  	v52 =	vld.idx.msk [tilespmem:v55+s23+$0x0], $0xffff;
	v2 =	vmpcnt.ones.xlane vm4;
	vm3 =	vmor vm3, vm12;
	vm9 =	vmor vm15, vm8  }
0x10f: {  	vm2 =	vgt.f32 v7, v32;
	v58 =	vld.idx.msk [tilespmem:v39+s24+$0x0], $0xffff;
	v53 =	vmpcnt.ones.xlane vm3;
	vm1 =	vmor vm9, vm1  }
0x110: {  	v61 =	vld.idx.msk [tilespmem:v46+s24+$0x0], $0xffff;
	vm0 =	vmor vm0, vm14;
	(v2sf) =	vpush v2, $0x0;
	vm10 =	vmor vm1, vm2  }
0x111: {  	v63 =	vld.idx.msk [tilespmem:v20+s26+$0x0], $0xffff;
	v59 =	vmpcnt.ones.xlane vm0;
	(v2sf) =	vpush v53, $0x0;
	v60 =	vmpcnt.ones.xlane vm10  }
0x112: {  	v2 =	vld.idx.msk [tilespmem:v55+s24+$0x0], $0xffff;
	vm11 =	vgt.f32 v40, v27;
	vm12 =	vgt.f32 v29, v3;
	vm13 =	vgt.f32 v38, v43  }
0x113: {  	v62 =	vld.idx.msk [tilespmem:v46+s26+$0x0], $0xffff;
	vm1 =	vgt.f32 v45, v47;
	vm2 =	vgt.f32 v24, v50;
	vm3 =	vgt.f32 v57, v51  }
0x114: {  	v3 =	vld.idx.msk [tilespmem:v55+s26+$0x0], $0xffff;
	vm4 =	vgt.f32 v48, v1;
	vm14 =	vgt.f32 v41, v52;
	vm6 =	vgt.f32 v49, v58  }
0x115: {  	v1 =	vld.idx.msk [tilespmem:v39+s23+$0x0], $0xffff;
	(v2sf) =	vpush v59, $0x0;
	vm0 =	vmor vm11, vm12;
	vm12 =	vgt.f32 v54, v61  }
0x116: {  	(v2sf) =	vpush v60, $0x0;
	vm0 =	vmor vm0, vm13;
	vm13 =	vgt.f32 v22, v44  }
0x117: {  	vm2 =	vmor vm2, vm12;
	vm12 =	vgt.f32 v10, v63;
	vm15 =	vgt.f32 v37, v2  }
0x118: {  	vm2 =	vmor vm2, vm3;
	vm5 =	vmor vm14, vm15;
	vm15 =	vgt.f32 v56, v62  }
0x119: {  	vm14 =	vgt.f32 v42, v3;
	vm5 =	vmor vm5, vm13;
	vm2 =	vmor vm2, vm15  }
0x11a: {  	vm13 =	vmor vm5, vm14;
	v2 =	vmpcnt.ones.xlane vm2;
	vm14 =	vgt.f32 v28, v1  }
0x11b: {  	vm0 =	vmor vm0, vm12;
	v1 =	vmpcnt.ones.xlane vm13;
	vm2 =	vmor vm14, vm6  }
0x11c: {  	v3 =	vmpcnt.ones.xlane vm0;
	(v2sf) =	vpush v2, $0x0;
	vm15 =	vmor vm2, vm1  }
0x11d: {  	vm0 =	vmor vm15, vm4;
	(v2sf) =	vpush v1, $0x0  }
0x11e: {  	v1 =	vmpcnt.ones.xlane vm0;
	(v2sf) =	vpush v3, $0x0;
	_ =	sdelay $0x1  }
0x11f: {  	(v2sf) =	vpush v1, $0x0;
	_ =	sdelay $0x1  }
0x120: {  	s10 =	sadd.s32 $0xFFFFFFFF, s31  }
0x121: {  	s14 =	sadd.s32 $0xFFFFFFFD, s31;
	s8 =	sadd.s32 $0xFFFFFFFE, s31;
	s4 =	spop (v2sf)  }
0x122: {  	s9 =	sadd.s32 $0xFFFFFFFF, s0;
	[smem:s1] =	sst s14;
	s5 =	spop (v2sf)  }
0x123: {  	p1 =	sgt.s32 s4, $0x0;
	s4 =	simm.s32 $0x1;
	s6 =	spop (v2sf)  }
0x124: {  	p0 =	sgt.s32 s5, $0x0;
	s7 =	spop (v2sf);
	p2 =	sgt.s32 s6, $0x0  }
0x125: {  	s4 =	simm.s32 @!p2 $0x0;
	p2 =	sgt.s32 s7, $0x0;
	s7 =	simm.s32 $0x1  }
0x126: {  	s5 =	simm.s32 $0x1;
	s4 =	sadd.s32 s4, s1;
	s7 =	simm.s32 @!p2 $0x0  }
0x127: {  	[smem:s4] =	sst s8;
	s1 =	sadd.s32 s7, s4;
	s4 =	simm.s32 $0x1  }
0x128: {  	s14 =	sadd.s32 $0xFFFFFFFD, s0;
	s5 =	simm.s32 @!p0 $0x0;
	s4 =	simm.s32 @!p1 $0x0  }
0x129: {  	[smem:s1] =	sst s10;
	s1 =	sadd.s32 s4, s1;
	s6 =	spop (v2sf)  }
0x12a: {  	s4 =	simm.s32 $0x1;
	[smem:s1] =	sst s31;
	s7 =	spop (v2sf)  }
0x12b: {  	s1 =	sadd.s32 s5, s1;
	s31 =	sadd.s32 $0xFFFFFFFE, s0;
	s8 =	spop (v2sf)  }
0x12c: {  	p1 =	sgt.s32 s6, $0x0;
	[smem:s1] =	sst s14;
	p2 =	sgt.s32 s8, $0x0  }
0x12d: {  	s6 =	simm.s32 $0x1;
	s4 =	simm.s32 @!p2 $0x0;
	s10 =	spop (v2sf)  }
0x12e: {  	p2 =	sgt.s32 s10, $0x0;
	s1 =	sadd.s32 s4, s1;
	s4 =	simm.s32 $0x1  }
0x12f: {  	p0 =	sgt.s32 s7, $0x0;
	s6 =	simm.s32 @!p1 $0x0;
	s4 =	simm.s32 @!p2 $0x0  }
0x130: {  	[smem:s1] =	sst s31;
	s1 =	sadd.s32 s4, s1;
	s4 =	simm.s32 $0x1  }
0x131: {  	[smem:s1] =	sst s9;
	s1 =	sadd.s32 s6, s1;
	s4 =	simm.s32 @!p0 $0x0  }
0x132: {  	[smem:s1] =	sst s0;
	s0 =	sadd.s32 s4, s1  }
0x133: {  	p0 =	sgt.s32 s0, $0x0  }
.Ltmp4:
0x134: {  	_ = 	snop;
	(pc) =	sbr.rel @p0 .LBB2_7-.Ltmp4, $2  }
0x135: {  	_ =	sdelay $0x2  }
0x136: {  	s1 =	simm.s32 $0x0  }
.LBB2_16:
0x137: {  	p0 =	seq.s32 s30, $0x13  }
0x138: {  	s0 =	smul.u32 @!p0 $0x3E80, s30;
	_ =	sdelay $0x1  }
0x139: {  	s0 =	sshrl.u32 @!p0 s0, $0x3  }
0x13a: {  	s0 =	sadd.s32 @!p0 s3, s0  }
0x13b: {  	s1 =	simm.s32 @!p0 $0x0;
	s4 =	simm.s32 @!p0 $0x14000;
	s0 =	sadd.s32 @!p0 $0x7D0, s0  }
0x13c: {  	[tilespmem:s4], [sflag:$0x1] =	stream.linear.gather @!p0 [hbm4b:s0+s1], $0x1F40, $0x38;
	[tilespmem:$0x17F00] =	vst v63  }
0x13d: {  	_ =	swait.ge [sflag:s28], $0x1F40  }
0x13e: {  	[sflag:s28] =	ssyncset.done $0x0  }
0x13f: {  	s14 =	simm.s32 $0x15FA0;
	[sflag:s28] =	ssyncadd.s32 $0xFFFFE0C0  }
0x140: {  	v1 =	vld [tilespmem:s14+$0xFFFFFFE0];
	_ =	sdelay $0x4  }
0x141: {  	v10 =	vshrl.u32 v1, $0xE  }
0x142: {  	v2 =	vand.u32 $0x3FFF, v1  }
0x143: {  	v4 =	vld [tilespmem:s14+$0x0]  }
0x144: {  	v5 =	vld [tilespmem:s14+$0xFFFFFFF0]  }
0x145: {  	v13 =	vld [tilespmem:s14+$0x10]  }
0x146: {  	v16 =	vld.idx.msk [tilespmem:v10+s26+$0x0], $0xffff  }
0x147: {  	v3 =	vld.idx.msk [tilespmem:v2+s20+$0x0], $0xffff  }
0x148: {  	v1 =	vld.idx.msk [tilespmem:v2+s21+$0x0], $0xffff  }
0x149: {  	v11 =	vshrl.u32 v5, $0xE;
	v20 =	vld.idx.msk [tilespmem:v2+s2+$0x0], $0xffff  }
0x14a: {  	v9 =	vand.u32 $0x3FFF, v5;
	v5 =	vld.idx.msk [tilespmem:v2+s19+$0x0], $0xffff  }
0x14b: {  	v15 =	vld.idx.msk [tilespmem:v10+s24+$0x0], $0xffff  }
0x14c: {  	v18 =	vld.idx.msk [tilespmem:v10+s25+$0x0], $0xffff  }
0x14d: {  	v21 =	vld.idx.msk [tilespmem:v10+s23+$0x0], $0xffff  }
0x14e: {  	v22 =	vld.idx.msk [tilespmem:v11+s26+$0x0], $0xffff  }
0x14f: {  	v8 =	vld.idx.msk [tilespmem:v9+s20+$0x0], $0xffff  }
0x150: {  	v17 =	vshrl.u32 v4, $0xE;
	v23 =	vld.idx.msk [tilespmem:v11+s25+$0x0], $0xffff  }
0x151: {  	v7 =	vld.idx.msk [tilespmem:v9+s21+$0x0], $0xffff  }
0x152: {  	v6 =	vld.idx.msk [tilespmem:v9+s19+$0x0], $0xffff  }
0x153: {  	v14 =	vand.u32 $0x3FFF, v4;
	v24 =	vld.idx.msk [tilespmem:v11+s24+$0x0], $0xffff  }
0x154: {  	v2 =	vld.idx.msk [tilespmem:v9+s2+$0x0], $0xffff  }
0x155: {  	v25 =	vld.idx.msk [tilespmem:v17+s25+$0x0], $0xffff  }
0x156: {  	v26 =	vld.idx.msk [tilespmem:v17+s24+$0x0], $0xffff  }
0x157: {  	v27 =	vld.idx.msk [tilespmem:v17+s26+$0x0], $0xffff  }
0x158: {  	v9 =	vld.idx.msk [tilespmem:v14+s19+$0x0], $0xffff  }
0x159: {  	v19 =	vshrl.u32 v13, $0xE;
	v4 =	vld.idx.msk [tilespmem:v14+s21+$0x0], $0xffff  }
0x15a: {  	v12 =	vld.idx.msk [tilespmem:v14+s20+$0x0], $0xffff  }
0x15b: {  	v29 =	vand.u32 $0x3FFF, v13;
	v28 =	vld.idx.msk [tilespmem:v17+s23+$0x0], $0xffff  }
0x15c: {  	v30 =	vld.idx.msk [tilespmem:v11+s23+$0x0], $0xffff  }
0x15d: {  	v14 =	vld.idx.msk [tilespmem:v14+s2+$0x0], $0xffff  }
0x15e: {  	v31 =	vld.idx.msk [tilespmem:v19+s25+$0x0], $0xffff  }
0x15f: {  	v32 =	vld.idx.msk [tilespmem:v19+s23+$0x0], $0xffff;
	vm0 =	vgt.f32 v20, v21  }
0x160: {  	v13 =	vld.idx.msk [tilespmem:v29+s21+$0x0], $0xffff;
	vm1 =	vgt.f32 v5, v15  }
0x161: {  	v21 =	vld.idx.msk [tilespmem:v19+s24+$0x0], $0xffff;
	vm2 =	vgt.f32 v3, v18  }
0x162: {  	v15 =	vld.idx.msk [tilespmem:v29+s2+$0x0], $0xffff;
	vm3 =	vgt.f32 v1, v16  }
0x163: {  	v16 =	vld.idx.msk [tilespmem:v29+s19+$0x0], $0xffff;
	vm4 =	vgt.f32 v2, v30  }
0x164: {  	v18 =	vld.idx.msk [tilespmem:v29+s20+$0x0], $0xffff;
	vm5 =	vgt.f32 v6, v24  }
0x165: {  	v24 =	vld.idx.msk [tilespmem:v19+s26+$0x0], $0xffff;
	vm6 =	vgt.f32 v8, v23;
	[tilespmem:v10+s23+$0x0] =	vst.idx.msk vm0, v20  }
0x166: {  	vm0 =	vgt.f32 v7, v22;
	[tilespmem:v10+s24+$0x0] =	vst.idx.msk vm1, v5  }
0x167: {  	vm1 =	vgt.f32 v14, v28;
	[tilespmem:v10+s25+$0x0] =	vst.idx.msk vm2, v3  }
0x168: {  	vm2 =	vgt.f32 v9, v26;
	[tilespmem:v10+s26+$0x0] =	vst.idx.msk vm3, v1  }
0x169: {  	vm3 =	vgt.f32 v12, v25;
	[tilespmem:v11+s23+$0x0] =	vst.idx.msk vm4, v2  }
0x16a: {  	vm13 =	vgt.f32 v4, v27;
	[tilespmem:v11+s24+$0x0] =	vst.idx.msk vm5, v6  }
0x16b: {  	vm14 =	vgt.f32 v15, v32;
	[tilespmem:v11+s25+$0x0] =	vst.idx.msk vm6, v8  }
0x16c: {  	vm15 =	vgt.f32 v16, v21;
	[tilespmem:v11+s26+$0x0] =	vst.idx.msk vm0, v7  }
0x16d: {  	vm0 =	vgt.f32 v18, v31;
	[tilespmem:v17+s23+$0x0] =	vst.idx.msk vm1, v14  }
0x16e: {  	vm1 =	vgt.f32 v13, v24;
	[tilespmem:v17+s24+$0x0] =	vst.idx.msk vm2, v9  }
0x16f: {  	[tilespmem:v17+s25+$0x0] =	vst.idx.msk vm3, v12  }
0x170: {  	[tilespmem:v17+s26+$0x0] =	vst.idx.msk vm13, v4  }
0x171: {  	[tilespmem:v19+s23+$0x0] =	vst.idx.msk vm14, v15  }
0x172: {  	[tilespmem:v19+s24+$0x0] =	vst.idx.msk vm15, v16  }
0x173: {  	[tilespmem:v19+s25+$0x0] =	vst.idx.msk vm0, v18  }
0x174: {  	s14 =	simm.s32 $0x15FE0;
	[tilespmem:v19+s26+$0x0] =	vst.idx.msk vm1, v13  }
0x175: {  	v24 =	vld [tilespmem:s14+$0x0]  }
0x176: {  	v28 =	vld [tilespmem:s14+$0xFFFFFFF0]  }
0x177: {  	v22 =	vld [tilespmem:s14+$0x10]  }
0x178: {  	v30 =	vld.idx.msk [tilespmem:v10+s23+$0x0], $0xffff  }
0x179: {  	v27 =	vld.idx.msk [tilespmem:v10+s24+$0x0], $0xffff  }
0x17a: {  	v25 =	vld.idx.msk [tilespmem:v10+s25+$0x0], $0xffff  }
0x17b: {  	v23 =	vld.idx.msk [tilespmem:v19+s25+$0x0], $0xffff  }
0x17c: {  	v21 =	vld.idx.msk [tilespmem:v17+s26+$0x0], $0xffff  }
0x17d: {  	s31 =	simm.s32 $0x3;
	v29 =	vld [tilespmem:s14+$0xFFFFFFE0]  }
0x17e: {  	s0 =	simm.s32 $0x0;
	s1 =	simm.s32 $0x7;
	s4 =	simm.s32 $0xB;
	v26 =	vld.idx.msk [tilespmem:v11+s25+$0x0], $0xffff;
	vm0 =	vgt.f32 v20, v30  }
.LBB2_17:
0x17f: {  	p1 =	seq.s32 s4, $0x1F3;
	v20 =	vld.idx.msk [tilespmem:v17+s23+$0x0], $0xffff;
	vm1 =	vgt.f32 v5, v27;
	s5 =	smov.u32 s4;
	s4 =	sadd.s32 $0x4, s4  }
0x180: {  	v5 =	vld.idx.msk [tilespmem:v17+s25+$0x0], $0xffff;
	vm0 =	vmor vm0, vm1;
	vm1 =	vgt.f32 v3, v25  }
0x181: {  	v3 =	vld.idx.msk [tilespmem:v11+s26+$0x0], $0xffff;
	vm2 =	vmor vm0, vm1  }
0x182: {  	v25 =	vshrl.u32 v29, $0xE;
	v27 =	vand.u32 $0x3FFF, v29;
	v29 =	vld.idx.msk [tilespmem:v19+s23+$0x0], $0xffff  }
0x183: {  	v30 =	vld.idx.msk [tilespmem:v11+s24+$0x0], $0xffff  }
0x184: {  	vm0 =	vgt.f32 v8, v26;
	v31 =	vld.idx.msk [tilespmem:v19+s24+$0x0], $0xffff  }
0x185: {  	vm4 =	vgt.f32 v14, v20;
	v8 =	vld.idx.msk [tilespmem:v17+s24+$0x0], $0xffff  }
0x186: {  	vm5 =	vgt.f32 v12, v5;
	v14 =	vld.idx.msk [tilespmem:v19+s26+$0x0], $0xffff  }
0x187: {  	vm1 =	vgt.f32 v7, v3;
	v12 =	vld.idx.msk [tilespmem:v10+s26+$0x0], $0xffff;
	v10 =	vmov v25  }
0x188: {  	vm6 =	vgt.f32 v15, v29;
	v19 =	vld.idx.msk [tilespmem:v25+s26+$0x0], $0xffff  }
0x189: {  	vm3 =	vgt.f32 v6, v30;
	v3 =	vld.idx.msk [tilespmem:v27+s20+$0x0], $0xffff  }
0x18a: {  	vm8 =	vgt.f32 v18, v23;
	v25 =	vand.u32 $0x3FFF, v22;
	vm7 =	vgt.f32 v16, v31;
	v6 =	vld.idx.msk [tilespmem:v11+s23+$0x0], $0xffff  }
0x18b: {  	v15 =	vand.u32 $0x3FFF, v28;
	v11 =	vshrl.u32 v28, $0xE;
	vm9 =	vgt.f32 v9, v8;
	v7 =	vld.idx.msk [tilespmem:v27+s21+$0x0], $0xffff  }
0x18c: {  	vm6 =	vmor vm6, vm7;
	vm4 =	vmor vm4, vm9;
	vm7 =	vgt.f32 v13, v14;
	v20 =	vld.idx.msk [tilespmem:v27+s2+$0x0], $0xffff  }
0x18d: {  	vm6 =	vmor vm6, vm8;
	vm4 =	vmor vm4, vm5;
	vm5 =	vgt.f32 v4, v21;
	v5 =	vld.idx.msk [tilespmem:v27+s19+$0x0], $0xffff  }
0x18e: {  	vm8 =	vgt.f32 v1, v12;
	vm4 =	vmor vm4, vm5;
	vm5 =	vmor vm6, vm7;
	v13 =	vld.idx.msk [tilespmem:v10+s24+$0x0], $0xffff  }
0x18f: {  	vm2 =	vmor vm2, vm8;
	v8 =	vmpcnt.ones.xlane vm4;
	v9 =	vmpcnt.ones.xlane vm5;
	v4 =	vld.idx.msk [tilespmem:v10+s25+$0x0], $0xffff  }
0x190: {  	vm4 =	vgt.f32 v2, v6;
	v2 =	vmpcnt.ones.xlane vm2;
	v12 =	vld.idx.msk [tilespmem:v10+s23+$0x0], $0xffff  }
0x191: {  	vm2 =	vmor vm4, vm3;
	v1 =	vmov v7;
	v14 =	vld.idx.msk [tilespmem:v11+s26+$0x0], $0xffff;
	(v2sf) =	vpush v8, $0x0  }
0x192: {  	v17 =	vshrl.u32 v24, $0xE;
	v16 =	vand.u32 $0x3FFF, v24;
	vm0 =	vmor vm2, vm0;
	v8 =	vld.idx.msk [tilespmem:v15+s20+$0x0], $0xffff  }
0x193: {  	vm0 =	vmor vm0, vm1;
	v18 =	vld.idx.msk [tilespmem:v11+s25+$0x0], $0xffff;
	(v2sf) =	vpush v9, $0x0  }
0x194: {  	v9 =	vmpcnt.ones.xlane vm0;
	v7 =	vld.idx.msk [tilespmem:v15+s21+$0x0], $0xffff;
	(v2sf) =	vpush v2, $0x0  }
0x195: {  	vm0 =	vgt.f32 v1, v19;
	vm1 =	vgt.f32 v3, v4;
	v6 =	vld.idx.msk [tilespmem:v15+s19+$0x0], $0xffff  }
0x196: {  	vm5 =	vgt.f32 v20, v12;
	v21 =	vld.idx.msk [tilespmem:v11+s24+$0x0], $0xffff;
	(v2sf) =	vpush v9, $0x0  }
0x197: {  	v2 =	vld.idx.msk [tilespmem:v15+s2+$0x0], $0xffff  }
0x198: {  	v15 =	vld.idx.msk [tilespmem:v17+s25+$0x0], $0xffff  }
0x199: {  	v23 =	vld.idx.msk [tilespmem:v17+s24+$0x0], $0xffff  }
0x19a: {  	v19 =	vshrl.u32 v22, $0xE;
	v22 =	vld.idx.msk [tilespmem:v17+s26+$0x0], $0xffff  }
0x19b: {  	vm2 =	vgt.f32 v8, v18;
	v9 =	vld.idx.msk [tilespmem:v16+s19+$0x0], $0xffff  }
0x19c: {  	vm3 =	vgt.f32 v7, v14;
	vm4 =	vgt.f32 v6, v21;
	v4 =	vld.idx.msk [tilespmem:v16+s21+$0x0], $0xffff  }
0x19d: {  	v12 =	vld.idx.msk [tilespmem:v16+s20+$0x0], $0xffff  }
0x19e: {  	v18 =	vld.idx.msk [tilespmem:v17+s23+$0x0], $0xffff  }
0x19f: {  	v21 =	vld.idx.msk [tilespmem:v11+s23+$0x0], $0xffff  }
0x1a0: {  	v14 =	vld.idx.msk [tilespmem:v16+s2+$0x0], $0xffff;
	s6 =	spop (v2sf)  }
0x1a1: {  	v24 =	vld.idx.msk [tilespmem:v19+s25+$0x0], $0xffff;
	p2 =	sgt.s32 s6, $0x0  }
0x1a2: {  	vm6 =	vgt.f32 v4, v22;
	v26 =	vld.idx.msk [tilespmem:v19+s23+$0x0], $0xffff;
	s6 =	spop (v2sf)  }
0x1a3: {  	vm7 =	vgt.f32 v9, v23;
	v22 =	vld.idx.msk [tilespmem:v19+s24+$0x0], $0xffff;
	p3 =	sgt.s32 s6, $0x0;
	s6 =	spop (v2sf)  }
0x1a4: {  	s7 =	simm.s32 $0x1;
	vm8 =	vgt.f32 v12, v15;
	p4 =	sgt.s32 s6, $0x0  }
0x1a5: {  	vm11 =	vgt.f32 v5, v13;
	vm10 =	vgt.f32 v2, v21;
	s6 =	sadd.s32 $0xFFFFFFFF, s31;
	v15 =	vld.idx.msk [tilespmem:v25+s2+$0x0], $0xffff;
	s7 =	simm.s32 @!p4 $0x0;
	s8 =	spop (v2sf)  }
0x1a6: {  	s9 =	sadd.s32 $0xFFFFFFFD, s31;
	s10 =	sadd.s32 $0xFFFFFFFE, s31;
	vm9 =	vgt.f32 v14, v18;
	v13 =	vld.idx.msk [tilespmem:v25+s21+$0x0], $0xffff;
	p4 =	sgt.s32 s8, $0x0  }
0x1a7: {  	[smem:s0] =	sst s9;
	s0 =	sadd.s32 s7, s0;
	s7 =	simm.s32 $0x1  }
0x1a8: {  	v16 =	vld.idx.msk [tilespmem:v25+s19+$0x0], $0xffff;
	s7 =	simm.s32 @!p4 $0x0  }
0x1a9: {  	[smem:s0] =	sst s10;
	s0 =	sadd.s32 s7, s0;
	s7 =	simm.s32 $0x1  }
0x1aa: {  	v18 =	vld.idx.msk [tilespmem:v25+s20+$0x0], $0xffff;
	s7 =	simm.s32 @!p2 $0x0  }
0x1ab: {  	[smem:s0] =	sst s6;
	s6 =	simm.s32 $0x1  }
0x1ac: {  	v21 =	vld.idx.msk [tilespmem:v19+s26+$0x0], $0xffff;
	s0 =	sadd.s32 s7, s0;
	s6 =	simm.s32 @!p3 $0x0  }
0x1ad: {  	[tilespmem:v10+s23+$0x0] =	vst.idx.msk vm5, v20;
	[smem:s0] =	sst s31;
	s0 =	sadd.s32 s6, s0;
	s31 =	smov.u32 s1  }
0x1ae: {  	s1 =	smov.u32 s5;
	[tilespmem:v10+s24+$0x0] =	vst.idx.msk vm11, v5  }
0x1af: {  	[tilespmem:v10+s25+$0x0] =	vst.idx.msk vm1, v3;
	vm1 =	vgt.f32 v15, v26  }
0x1b0: {  	[tilespmem:v10+s26+$0x0] =	vst.idx.msk vm0, v1;
	vm0 =	vgt.f32 v16, v22  }
0x1b1: {  	vm5 =	vgt.f32 v18, v24;
	[tilespmem:v11+s23+$0x0] =	vst.idx.msk vm10, v2  }
0x1b2: {  	[tilespmem:v11+s24+$0x0] =	vst.idx.msk vm4, v6;
	vm4 =	vgt.f32 v13, v21  }
0x1b3: {  	[tilespmem:v11+s25+$0x0] =	vst.idx.msk vm2, v8  }
0x1b4: {  	[tilespmem:v11+s26+$0x0] =	vst.idx.msk vm3, v7  }
0x1b5: {  	[tilespmem:v17+s23+$0x0] =	vst.idx.msk vm9, v14  }
0x1b6: {  	[tilespmem:v17+s24+$0x0] =	vst.idx.msk vm7, v9  }
0x1b7: {  	[tilespmem:v17+s25+$0x0] =	vst.idx.msk vm8, v12  }
0x1b8: {  	s14 =	sadd.s32 $0x40, s14;
	[tilespmem:v17+s26+$0x0] =	vst.idx.msk vm6, v4  }
0x1b9: {  	[tilespmem:v19+s23+$0x0] =	vst.idx.msk vm1, v15  }
0x1ba: {  	[tilespmem:v19+s24+$0x0] =	vst.idx.msk vm0, v16  }
0x1bb: {  	[tilespmem:v19+s25+$0x0] =	vst.idx.msk vm5, v18  }
0x1bc: {  	[tilespmem:v19+s26+$0x0] =	vst.idx.msk vm4, v13  }
0x1bd: {  	v24 =	vld [tilespmem:s14+$0x0]  }
0x1be: {  	v28 =	vld [tilespmem:s14+$0xFFFFFFF0]  }
0x1bf: {  	v22 =	vld [tilespmem:s14+$0x10]  }
0x1c0: {  	v30 =	vld.idx.msk [tilespmem:v10+s23+$0x0], $0xffff  }
0x1c1: {  	v27 =	vld.idx.msk [tilespmem:v10+s24+$0x0], $0xffff  }
.Ltmp5:
0x1c2: {  	v25 =	vld.idx.msk [tilespmem:v10+s25+$0x0], $0xffff;
	(pc) =	sbr.rel @!p1 .LBB2_17-.Ltmp5, $4  }
0x1c3: {  	v23 =	vld.idx.msk [tilespmem:v19+s25+$0x0], $0xffff  }
0x1c4: {  	v21 =	vld.idx.msk [tilespmem:v17+s26+$0x0], $0xffff  }
0x1c5: {  	v29 =	vld [tilespmem:s14+$0xFFFFFFE0]  }
0x1c6: {  	vm0 =	vgt.f32 v20, v30;
	v26 =	vld.idx.msk [tilespmem:v11+s25+$0x0], $0xffff  }
0x1c7: {  	_ =	sdelay $0x3  }
0x1c8: {  	v30 =	vld.idx.msk [tilespmem:v17+s23+$0x0], $0xffff  }
0x1c9: {  	v31 =	vld.idx.msk [tilespmem:v17+s25+$0x0], $0xffff  }
0x1ca: {  	v32 =	vld.idx.msk [tilespmem:v11+s26+$0x0], $0xffff  }
0x1cb: {  	v33 =	vld.idx.msk [tilespmem:v19+s23+$0x0], $0xffff  }
0x1cc: {  	v34 =	vld.idx.msk [tilespmem:v11+s24+$0x0], $0xffff  }
0x1cd: {  	v35 =	vld.idx.msk [tilespmem:v19+s24+$0x0], $0xffff;
	v39 =	vshrl.u32 v28, $0xE  }
0x1ce: {  	v17 =	vld.idx.msk [tilespmem:v17+s24+$0x0], $0xffff;
	v60 =	vand.u32 $0x3FFF, v28  }
0x1cf: {  	v19 =	vld.idx.msk [tilespmem:v19+s26+$0x0], $0xffff  }
0x1d0: {  	v36 =	vld.idx.msk [tilespmem:v10+s26+$0x0], $0xffff  }
0x1d1: {  	v11 =	vld.idx.msk [tilespmem:v11+s23+$0x0], $0xffff  }
0x1d2: {  	v44 =	vld.idx.msk [tilespmem:v39+s26+$0x0], $0xffff  }
0x1d3: {  	v45 =	vld.idx.msk [tilespmem:v60+s20+$0x0], $0xffff  }
0x1d4: {  	v46 =	vshrl.u32 v24, $0xE;
	v47 =	vld.idx.msk [tilespmem:v39+s25+$0x0], $0xffff  }
0x1d5: {  	v48 =	vld.idx.msk [tilespmem:v60+s21+$0x0], $0xffff  }
0x1d6: {  	v49 =	vld.idx.msk [tilespmem:v60+s19+$0x0], $0xffff  }
0x1d7: {  	v61 =	vand.u32 $0x3FFF, v24;
	v50 =	vld.idx.msk [tilespmem:v39+s24+$0x0], $0xffff  }
0x1d8: {  	v28 =	vld.idx.msk [tilespmem:v60+s2+$0x0], $0xffff  }
0x1d9: {  	v51 =	vld.idx.msk [tilespmem:v46+s25+$0x0], $0xffff  }
0x1da: {  	v52 =	vld.idx.msk [tilespmem:v46+s24+$0x0], $0xffff  }
0x1db: {  	v53 =	vld.idx.msk [tilespmem:v46+s26+$0x0], $0xffff  }
0x1dc: {  	v55 =	vshrl.u32 v22, $0xE;
	v54 =	vld.idx.msk [tilespmem:v61+s19+$0x0], $0xffff  }
0x1dd: {  	v20 =	vshrl.u32 v29, $0xE;
	v56 =	vld.idx.msk [tilespmem:v61+s21+$0x0], $0xffff  }
0x1de: {  	v59 =	vand.u32 $0x3FFF, v29;
	v57 =	vld.idx.msk [tilespmem:v61+s20+$0x0], $0xffff  }
0x1df: {  	v58 =	vld.idx.msk [tilespmem:v46+s23+$0x0], $0xffff  }
0x1e0: {  	v24 =	vld.idx.msk [tilespmem:v61+s2+$0x0], $0xffff  }
0x1e1: {  	v60 =	vld.idx.msk [tilespmem:v55+s25+$0x0], $0xffff  }
0x1e2: {  	v37 =	vld.idx.msk [tilespmem:v20+s26+$0x0], $0xffff  }
0x1e3: {  	v38 =	vld.idx.msk [tilespmem:v59+s20+$0x0], $0xffff  }
0x1e4: {  	v40 =	vld.idx.msk [tilespmem:v59+s2+$0x0], $0xffff  }
0x1e5: {  	v29 =	vld.idx.msk [tilespmem:v59+s19+$0x0], $0xffff  }
0x1e6: {  	v43 =	vld.idx.msk [tilespmem:v20+s23+$0x0], $0xffff  }
0x1e7: {  	v41 =	vld.idx.msk [tilespmem:v20+s24+$0x0], $0xffff  }
0x1e8: {  	v42 =	vld.idx.msk [tilespmem:v20+s25+$0x0], $0xffff  }
0x1e9: {  	v22 =	vand.u32 $0x3FFF, v22;
	v10 =	vld.idx.msk [tilespmem:v59+s21+$0x0], $0xffff  }
0x1ea: {  	v59 =	vld.idx.msk [tilespmem:v39+s23+$0x0], $0xffff  }
0x1eb: {  	v61 =	vld.idx.msk [tilespmem:v55+s23+$0x0], $0xffff;
	vm1 =	vgt.f32 v40, v43  }
0x1ec: {  	v62 =	vld.idx.msk [tilespmem:v55+s24+$0x0], $0xffff;
	vm2 =	vgt.f32 v29, v41  }
0x1ed: {  	v63 =	vld.idx.msk [tilespmem:v55+s26+$0x0], $0xffff;
	vm3 =	vgt.f32 v38, v42  }
0x1ee: {  	v41 =	vld.idx.msk [tilespmem:v22+s2+$0x0], $0xffff;
	vm4 =	vgt.f32 v10, v37  }
0x1ef: {  	v42 =	vld.idx.msk [tilespmem:v22+s21+$0x0], $0xffff;
	vm5 =	vgt.f32 v28, v59  }
0x1f0: {  	vm6 =	vgt.f32 v49, v50;
	v37 =	vld.idx.msk [tilespmem:v22+s19+$0x0], $0xffff  }
0x1f1: {  	vm7 =	vgt.f32 v45, v47;
	v22 =	vld.idx.msk [tilespmem:v22+s20+$0x0], $0xffff;
	[tilespmem:v20+s23+$0x0] =	vst.idx.msk vm1, v40  }
0x1f2: {  	vm13 =	vgt.f32 v48, v44;
	[tilespmem:v20+s24+$0x0] =	vst.idx.msk vm2, v29  }
0x1f3: {  	vm14 =	vgt.f32 v24, v58;
	[tilespmem:v20+s25+$0x0] =	vst.idx.msk vm3, v38  }
0x1f4: {  	vm15 =	vgt.f32 v54, v52;
	[tilespmem:v20+s26+$0x0] =	vst.idx.msk vm4, v10  }
0x1f5: {  	vm9 =	vgt.f32 v57, v51;
	[tilespmem:v39+s23+$0x0] =	vst.idx.msk vm5, v28  }
0x1f6: {  	vm10 =	vgt.f32 v56, v53;
	[tilespmem:v39+s24+$0x0] =	vst.idx.msk vm6, v49  }
0x1f7: {  	vm11 =	vgt.f32 v41, v61;
	[tilespmem:v39+s25+$0x0] =	vst.idx.msk vm7, v45  }
0x1f8: {  	vm12 =	vgt.f32 v37, v62;
	[tilespmem:v39+s26+$0x0] =	vst.idx.msk vm13, v48  }
0x1f9: {  	vm13 =	vgt.f32 v22, v60;
	[tilespmem:v46+s23+$0x0] =	vst.idx.msk vm14, v24  }
0x1fa: {  	vm14 =	vgt.f32 v42, v63;
	[tilespmem:v46+s24+$0x0] =	vst.idx.msk vm15, v54  }
0x1fb: {  	[tilespmem:v46+s25+$0x0] =	vst.idx.msk vm9, v57  }
0x1fc: {  	[tilespmem:v46+s26+$0x0] =	vst.idx.msk vm10, v56  }
0x1fd: {  	[tilespmem:v55+s23+$0x0] =	vst.idx.msk vm11, v41  }
0x1fe: {  	[tilespmem:v55+s24+$0x0] =	vst.idx.msk vm12, v37  }
0x1ff: {  	[tilespmem:v55+s25+$0x0] =	vst.idx.msk vm13, v22  }
0x200: {  	[tilespmem:v55+s26+$0x0] =	vst.idx.msk vm14, v42  }
0x201: {  	vm15 =	vgt.f32 v5, v27;
	v27 =	vld.idx.msk [tilespmem:v20+s23+$0x0], $0xffff  }
0x202: {  	vm8 =	vgt.f32 v6, v34;
	vm4 =	vgt.f32 v3, v25;
	v3 =	vld.idx.msk [tilespmem:v20+s24+$0x0], $0xffff  }
0x203: {  	vm1 =	vgt.f32 v8, v26;
	vm9 =	vgt.f32 v16, v35;
	vm0 =	vmor vm0, vm15;
	v43 =	vld.idx.msk [tilespmem:v20+s25+$0x0], $0xffff  }
0x204: {  	vm15 =	vgt.f32 v18, v23;
	vm10 =	vgt.f32 v9, v17;
	vm12 =	vgt.f32 v14, v30;
	v44 =	vld.idx.msk [tilespmem:v55+s25+$0x0], $0xffff  }
0x205: {  	vm0 =	vmor vm0, vm4;
	vm13 =	vgt.f32 v12, v31;
	vm4 =	vmor vm12, vm10;
	v47 =	vld.idx.msk [tilespmem:v39+s25+$0x0], $0xffff  }
0x206: {  	vm12 =	vgt.f32 v13, v19;
	vm14 =	vgt.f32 v15, v33;
	vm4 =	vmor vm4, vm13;
	v50 =	vld.idx.msk [tilespmem:v46+s23+$0x0], $0xffff  }
0x207: {  	vm13 =	vgt.f32 v4, v21;
	vm11 =	vmor vm14, vm9;
	v51 =	vld.idx.msk [tilespmem:v46+s25+$0x0], $0xffff;
	vm14 =	vgt.f32 v1, v36  }
0x208: {  	vm4 =	vmor vm4, vm13;
	v1 =	vld.idx.msk [tilespmem:v39+s26+$0x0], $0xffff;
	vm3 =	vmor vm11, vm15;
	vm15 =	vgt.f32 v2, v11  }
0x209: {  	v52 =	vld.idx.msk [tilespmem:v55+s23+$0x0], $0xffff;
	v2 =	vmpcnt.ones.xlane vm4;
	vm3 =	vmor vm3, vm12;
	vm9 =	vmor vm15, vm8  }
0x20a: {  	vm2 =	vgt.f32 v7, v32;
	v58 =	vld.idx.msk [tilespmem:v39+s24+$0x0], $0xffff;
	v53 =	vmpcnt.ones.xlane vm3;
	vm1 =	vmor vm9, vm1  }
0x20b: {  	v61 =	vld.idx.msk [tilespmem:v46+s24+$0x0], $0xffff;
	vm0 =	vmor vm0, vm14;
	(v2sf) =	vpush v2, $0x0;
	vm10 =	vmor vm1, vm2  }
0x20c: {  	v63 =	vld.idx.msk [tilespmem:v20+s26+$0x0], $0xffff;
	v59 =	vmpcnt.ones.xlane vm0;
	(v2sf) =	vpush v53, $0x0;
	v60 =	vmpcnt.ones.xlane vm10  }
0x20d: {  	v2 =	vld.idx.msk [tilespmem:v55+s24+$0x0], $0xffff;
	vm11 =	vgt.f32 v40, v27;
	vm12 =	vgt.f32 v29, v3;
	vm13 =	vgt.f32 v38, v43  }
0x20e: {  	v62 =	vld.idx.msk [tilespmem:v46+s26+$0x0], $0xffff;
	vm1 =	vgt.f32 v45, v47;
	vm2 =	vgt.f32 v24, v50;
	vm3 =	vgt.f32 v57, v51  }
0x20f: {  	v3 =	vld.idx.msk [tilespmem:v55+s26+$0x0], $0xffff;
	vm4 =	vgt.f32 v48, v1;
	vm14 =	vgt.f32 v41, v52;
	vm6 =	vgt.f32 v49, v58  }
0x210: {  	v1 =	vld.idx.msk [tilespmem:v39+s23+$0x0], $0xffff;
	(v2sf) =	vpush v59, $0x0;
	vm0 =	vmor vm11, vm12;
	vm12 =	vgt.f32 v54, v61  }
0x211: {  	(v2sf) =	vpush v60, $0x0;
	vm0 =	vmor vm0, vm13;
	vm13 =	vgt.f32 v22, v44  }
0x212: {  	vm2 =	vmor vm2, vm12;
	vm12 =	vgt.f32 v10, v63;
	vm15 =	vgt.f32 v37, v2  }
0x213: {  	vm2 =	vmor vm2, vm3;
	vm5 =	vmor vm14, vm15;
	vm15 =	vgt.f32 v56, v62  }
0x214: {  	vm14 =	vgt.f32 v42, v3;
	vm5 =	vmor vm5, vm13;
	vm2 =	vmor vm2, vm15  }
0x215: {  	vm13 =	vmor vm5, vm14;
	v2 =	vmpcnt.ones.xlane vm2;
	vm14 =	vgt.f32 v28, v1  }
0x216: {  	vm0 =	vmor vm0, vm12;
	v1 =	vmpcnt.ones.xlane vm13;
	vm2 =	vmor vm14, vm6  }
0x217: {  	v3 =	vmpcnt.ones.xlane vm0;
	(v2sf) =	vpush v2, $0x0;
	vm15 =	vmor vm2, vm1  }
0x218: {  	vm0 =	vmor vm15, vm4;
	(v2sf) =	vpush v1, $0x0  }
0x219: {  	v1 =	vmpcnt.ones.xlane vm0;
	(v2sf) =	vpush v3, $0x0;
	_ =	sdelay $0x1  }
0x21a: {  	(v2sf) =	vpush v1, $0x0;
	_ =	sdelay $0x1  }
0x21b: {  	s10 =	sadd.s32 $0xFFFFFFFF, s31  }
0x21c: {  	s14 =	sadd.s32 $0xFFFFFFFD, s31;
	s8 =	sadd.s32 $0xFFFFFFFE, s31;
	s4 =	spop (v2sf)  }
0x21d: {  	s9 =	sadd.s32 $0xFFFFFFFF, s1;
	[smem:s0] =	sst s14;
	s5 =	spop (v2sf)  }
0x21e: {  	p2 =	sgt.s32 s4, $0x0;
	s4 =	simm.s32 $0x1;
	s6 =	spop (v2sf)  }
0x21f: {  	p1 =	sgt.s32 s5, $0x0;
	s7 =	spop (v2sf);
	p3 =	sgt.s32 s6, $0x0  }
0x220: {  	s4 =	simm.s32 @!p3 $0x0;
	p3 =	sgt.s32 s7, $0x0;
	s7 =	simm.s32 $0x1  }
0x221: {  	s5 =	simm.s32 $0x1;
	s4 =	sadd.s32 s4, s0;
	s7 =	simm.s32 @!p3 $0x0  }
0x222: {  	[smem:s4] =	sst s8;
	s0 =	sadd.s32 s7, s4;
	s4 =	simm.s32 $0x1  }
0x223: {  	s14 =	sadd.s32 $0xFFFFFFFD, s1;
	s5 =	simm.s32 @!p1 $0x0;
	s4 =	simm.s32 @!p2 $0x0  }
0x224: {  	[smem:s0] =	sst s10;
	s0 =	sadd.s32 s4, s0;
	s6 =	spop (v2sf)  }
0x225: {  	s4 =	simm.s32 $0x1;
	[smem:s0] =	sst s31;
	s7 =	spop (v2sf)  }
0x226: {  	s0 =	sadd.s32 s5, s0;
	s31 =	sadd.s32 $0xFFFFFFFE, s1;
	s8 =	spop (v2sf)  }
0x227: {  	p2 =	sgt.s32 s6, $0x0;
	[smem:s0] =	sst s14;
	p3 =	sgt.s32 s8, $0x0  }
0x228: {  	s6 =	simm.s32 $0x1;
	s4 =	simm.s32 @!p3 $0x0;
	s10 =	spop (v2sf)  }
0x229: {  	p3 =	sgt.s32 s10, $0x0;
	s0 =	sadd.s32 s4, s0;
	s4 =	simm.s32 $0x1  }
0x22a: {  	p1 =	sgt.s32 s7, $0x0;
	s6 =	simm.s32 @!p2 $0x0;
	s4 =	simm.s32 @!p3 $0x0  }
0x22b: {  	[smem:s0] =	sst s31;
	s0 =	sadd.s32 s4, s0;
	s4 =	simm.s32 $0x1  }
0x22c: {  	[smem:s0] =	sst s9;
	s0 =	sadd.s32 s6, s0;
	s4 =	simm.s32 @!p1 $0x0  }
0x22d: {  	[smem:s0] =	sst s1;
	s0 =	sadd.s32 s4, s0  }
0x22e: {  	p1 =	sgt.s32 s0, $0x0  }
.Ltmp6:
0x22f: {  	_ = 	snop;
	(pc) =	sbr.rel @p1 .LBB2_19-.Ltmp6, $2  }
0x230: {  	_ =	sdelay $0x2  }
0x231: {  	s1 =	simm.s32 $0x0  }
.LBB2_28:
.Ltmp7:
0x232: {  	(pc) =	sbr.rel @p0 .LBB2_30-.Ltmp7, $1  }
0x233: {  	_ =	sdelay $0x3  }
0x234: {  	s0 =	smul.u32 $0x3E80, s30  }
.Ltmp8:
0x235: {  	_ = 	snop;
	(pc) =	sbr.rel .LBB2_4-.Ltmp8, $4  }
0x236: {  	s0 =	sshrl.u32 s0, $0x3  }
0x237: {  	s0 =	sadd.s32 s3, s0  }
0x238: {  	s30 =	sadd.s32 $0x1, s30;
	s0 =	sadd.s32 $0xBB8, s0  }
0x239: {  	[tilespmem:s15], [sflag:$0x2] =	stream.linear.gather [hbm4b:s0+s2], $0x1F40, $0x38;
	[tilespmem:$0x17F00] =	vst v63  }
.LBB2_15:
0x23a: {  	s1 =	sadd.s32 $0x1, s1  }
0x23b: {  	p0 =	slt.s32 s1, s0  }
.Ltmp9:
0x23c: {  	_ = 	snop;
	(pc) =	sbr.rel @!p0 .LBB2_16-.Ltmp9, $1  }
0x23d: {  	_ =	sdelay $0x3  }
.LBB2_7:
0x23e: {  	s4 =	sld [smem:s1+$0x0];
	_ =	sdelay $0x2  }
0x23f: {  	s4 =	sshll.u32 s4, $0x6  }
0x240: {  	s4 =	sshra.s32 s4, $0x2  }
0x241: {  	v1 =	vld [tilespmem:s4+$0x14000];
	_ =	sdelay $0x4  }
0x242: {  	v2 =	vand.u32 $0x3FFF, v1  }
0x243: {  	v1 =	vshrl.u32 v1, $0xE;
	_ =	sdelay $0x3  }
0x244: {  	v3 =	vld.idx.msk [tilespmem:v2+s2+$0x0], $0xffff  }
0x245: {  	v4 =	vld.idx.msk [tilespmem:v1+s23+$0x0], $0xffff;
	_ =	sdelay $0x4  }
0x246: {  	vm0 =	vgt.f32 v3, v4  }
0x247: {  	v4 =	vsel vm0, $0x3F800000, v0  }
0x248: {  	(xrf0) =	vmax.scan.msk.f32 $0xffff, v4;
	_ =	sdelay $0x5  }
0x249: {  	v4, _, _ =	vpop (xrf0)  }
0x24a: {  	(v2sf) =	vpush v4, $0xF;
	_ =	sdelay $0xe  }
0x24b: {  	s31 =	spop (v2sf)  }
0x24c: {  	p0 =	sgt.f32 s31, $0.0e+00  }
.Ltmp10:
0x24d: {  	_ = 	snop;
	(pc) =	sbr.rel @!p0 .LBB2_9-.Ltmp10, $1  }
0x24e: {  	_ =	sdelay $0x3  }
.LBB2_8:
0x24f: {  	[tilespmem:v1+s23+$0x0] =	vst.idx.msk vm0, v3  }
0x250: {  	v4 =	vld.idx.msk [tilespmem:v1+s23+$0x0], $0xffff;
	_ =	sdelay $0x4  }
0x251: {  	vm0 =	vgt.f32 v3, v4  }
0x252: {  	v4 =	vsel vm0, $0x3F800000, v0  }
0x253: {  	(xrf0) =	vmax.scan.msk.f32 $0xffff, v4;
	_ =	sdelay $0x5  }
0x254: {  	v4, _, _ =	vpop (xrf0)  }
0x255: {  	(v2sf) =	vpush v4, $0xF;
	_ =	sdelay $0xe  }
0x256: {  	s4 =	spop (v2sf)  }
0x257: {  	p0 =	sgt.f32 s4, $0.0e+00  }
.Ltmp11:
0x258: {  	_ = 	snop;
	(pc) =	sbr.rel @p0 .LBB2_8-.Ltmp11, $1  }
0x259: {  	_ =	sdelay $0x3  }
.LBB2_9:
0x25a: {  	_ =	sdelay $0x3  }
0x25b: {  	v3 =	vld.idx.msk [tilespmem:v2+s19+$0x0], $0xffff  }
0x25c: {  	v4 =	vld.idx.msk [tilespmem:v1+s24+$0x0], $0xffff;
	_ =	sdelay $0x4  }
0x25d: {  	vm0 =	vgt.f32 v3, v4  }
0x25e: {  	v4 =	vsel vm0, $0x3F800000, v0  }
0x25f: {  	(xrf0) =	vmax.scan.msk.f32 $0xffff, v4;
	_ =	sdelay $0x5  }
0x260: {  	v4, _, _ =	vpop (xrf0)  }
0x261: {  	(v2sf) =	vpush v4, $0xF;
	_ =	sdelay $0xe  }
0x262: {  	s4 =	spop (v2sf)  }
0x263: {  	p0 =	sgt.f32 s4, $0.0e+00  }
.Ltmp12:
0x264: {  	_ = 	snop;
	(pc) =	sbr.rel @!p0 .LBB2_11-.Ltmp12, $1  }
0x265: {  	_ =	sdelay $0x3  }
.LBB2_10:
0x266: {  	[tilespmem:v1+s24+$0x0] =	vst.idx.msk vm0, v3  }
0x267: {  	v4 =	vld.idx.msk [tilespmem:v1+s24+$0x0], $0xffff;
	_ =	sdelay $0x4  }
0x268: {  	vm0 =	vgt.f32 v3, v4  }
0x269: {  	v4 =	vsel vm0, $0x3F800000, v0  }
0x26a: {  	(xrf0) =	vmax.scan.msk.f32 $0xffff, v4;
	_ =	sdelay $0x5  }
0x26b: {  	v4, _, _ =	vpop (xrf0)  }
0x26c: {  	(v2sf) =	vpush v4, $0xF;
	_ =	sdelay $0xe  }
0x26d: {  	s4 =	spop (v2sf)  }
0x26e: {  	p0 =	sgt.f32 s4, $0.0e+00  }
.Ltmp13:
0x26f: {  	_ = 	snop;
	(pc) =	sbr.rel @p0 .LBB2_10-.Ltmp13, $1  }
0x270: {  	_ =	sdelay $0x3  }
.LBB2_11:
0x271: {  	_ =	sdelay $0x3  }
0x272: {  	v3 =	vld.idx.msk [tilespmem:v2+s20+$0x0], $0xffff  }
0x273: {  	v4 =	vld.idx.msk [tilespmem:v1+s25+$0x0], $0xffff;
	_ =	sdelay $0x4  }
0x274: {  	vm0 =	vgt.f32 v3, v4  }
0x275: {  	v4 =	vsel vm0, $0x3F800000, v0  }
0x276: {  	(xrf0) =	vmax.scan.msk.f32 $0xffff, v4;
	_ =	sdelay $0x5  }
0x277: {  	v4, _, _ =	vpop (xrf0)  }
0x278: {  	(v2sf) =	vpush v4, $0xF;
	_ =	sdelay $0xe  }
0x279: {  	s4 =	spop (v2sf)  }
0x27a: {  	p0 =	sgt.f32 s4, $0.0e+00  }
.Ltmp14:
0x27b: {  	_ = 	snop;
	(pc) =	sbr.rel @!p0 .LBB2_13-.Ltmp14, $1  }
0x27c: {  	_ =	sdelay $0x3  }
.LBB2_12:
0x27d: {  	[tilespmem:v1+s25+$0x0] =	vst.idx.msk vm0, v3  }
0x27e: {  	v4 =	vld.idx.msk [tilespmem:v1+s25+$0x0], $0xffff;
	_ =	sdelay $0x4  }
0x27f: {  	vm0 =	vgt.f32 v3, v4  }
0x280: {  	v4 =	vsel vm0, $0x3F800000, v0  }
0x281: {  	(xrf0) =	vmax.scan.msk.f32 $0xffff, v4;
	_ =	sdelay $0x5  }
0x282: {  	v4, _, _ =	vpop (xrf0)  }
0x283: {  	(v2sf) =	vpush v4, $0xF;
	_ =	sdelay $0xe  }
0x284: {  	s4 =	spop (v2sf)  }
0x285: {  	p0 =	sgt.f32 s4, $0.0e+00  }
.Ltmp15:
0x286: {  	_ = 	snop;
	(pc) =	sbr.rel @p0 .LBB2_12-.Ltmp15, $1  }
0x287: {  	_ =	sdelay $0x3  }
.LBB2_13:
0x288: {  	_ =	sdelay $0x3  }
0x289: {  	v2 =	vld.idx.msk [tilespmem:v2+s21+$0x0], $0xffff  }
0x28a: {  	v3 =	vld.idx.msk [tilespmem:v1+s26+$0x0], $0xffff;
	_ =	sdelay $0x4  }
0x28b: {  	vm0 =	vgt.f32 v2, v3  }
0x28c: {  	v3 =	vsel vm0, $0x3F800000, v0  }
0x28d: {  	(xrf0) =	vmax.scan.msk.f32 $0xffff, v3;
	_ =	sdelay $0x5  }
0x28e: {  	v3, _, _ =	vpop (xrf0)  }
0x28f: {  	(v2sf) =	vpush v3, $0xF;
	_ =	sdelay $0xe  }
0x290: {  	s4 =	spop (v2sf)  }
0x291: {  	p0 =	sgt.f32 s4, $0.0e+00  }
.Ltmp16:
0x292: {  	_ = 	snop;
	(pc) =	sbr.rel @!p0 .LBB2_15-.Ltmp16, $1  }
0x293: {  	_ =	sdelay $0x3  }
.LBB2_14:
0x294: {  	[tilespmem:v1+s26+$0x0] =	vst.idx.msk vm0, v2  }
0x295: {  	v3 =	vld.idx.msk [tilespmem:v1+s26+$0x0], $0xffff;
	_ =	sdelay $0x4  }
0x296: {  	vm0 =	vgt.f32 v2, v3  }
0x297: {  	v3 =	vsel vm0, $0x3F800000, v0  }
0x298: {  	(xrf0) =	vmax.scan.msk.f32 $0xffff, v3;
	_ =	sdelay $0x5  }
0x299: {  	v3, _, _ =	vpop (xrf0)  }
0x29a: {  	(v2sf) =	vpush v3, $0xF;
	_ =	sdelay $0xe  }
0x29b: {  	s4 =	spop (v2sf)  }
0x29c: {  	p0 =	sgt.f32 s4, $0.0e+00  }
.Ltmp17:
0x29d: {  	_ = 	snop;
	(pc) =	sbr.rel @p0 .LBB2_14-.Ltmp17, $1  }
0x29e: {  	_ =	sdelay $0x3  }
.Ltmp18:
0x29f: {  	_ = 	snop;
	(pc) =	sbr.rel .LBB2_15-.Ltmp18, $1  }
0x2a0: {  	_ =	sdelay $0x3  }
.LBB2_27:
0x2a1: {  	s1 =	sadd.s32 $0x1, s1  }
0x2a2: {  	p1 =	slt.s32 s1, s0  }
.Ltmp19:
0x2a3: {  	_ = 	snop;
	(pc) =	sbr.rel @!p1 .LBB2_28-.Ltmp19, $1  }
0x2a4: {  	_ =	sdelay $0x3  }
.LBB2_19:
0x2a5: {  	s4 =	sld [smem:s1+$0x0];
	_ =	sdelay $0x2  }
0x2a6: {  	s4 =	sshll.u32 s4, $0x6  }
0x2a7: {  	s4 =	sshra.s32 s4, $0x2  }
0x2a8: {  	v1 =	vld [tilespmem:s4+$0x15F80];
	_ =	sdelay $0x4  }
0x2a9: {  	v2 =	vand.u32 $0x3FFF, v1  }
0x2aa: {  	v1 =	vshrl.u32 v1, $0xE;
	_ =	sdelay $0x3  }
0x2ab: {  	v3 =	vld.idx.msk [tilespmem:v2+s2+$0x0], $0xffff  }
0x2ac: {  	v4 =	vld.idx.msk [tilespmem:v1+s23+$0x0], $0xffff;
	_ =	sdelay $0x4  }
0x2ad: {  	vm0 =	vgt.f32 v3, v4  }
0x2ae: {  	v4 =	vsel vm0, $0x3F800000, v0  }
0x2af: {  	(xrf0) =	vmax.scan.msk.f32 $0xffff, v4;
	_ =	sdelay $0x5  }
0x2b0: {  	v4, _, _ =	vpop (xrf0)  }
0x2b1: {  	(v2sf) =	vpush v4, $0xF;
	_ =	sdelay $0xe  }
0x2b2: {  	s31 =	spop (v2sf)  }
0x2b3: {  	p1 =	sgt.f32 s31, $0.0e+00  }
.Ltmp20:
0x2b4: {  	_ = 	snop;
	(pc) =	sbr.rel @!p1 .LBB2_21-.Ltmp20, $1  }
0x2b5: {  	_ =	sdelay $0x3  }
.LBB2_20:
0x2b6: {  	[tilespmem:v1+s23+$0x0] =	vst.idx.msk vm0, v3  }
0x2b7: {  	v4 =	vld.idx.msk [tilespmem:v1+s23+$0x0], $0xffff;
	_ =	sdelay $0x4  }
0x2b8: {  	vm0 =	vgt.f32 v3, v4  }
0x2b9: {  	v4 =	vsel vm0, $0x3F800000, v0  }
0x2ba: {  	(xrf0) =	vmax.scan.msk.f32 $0xffff, v4;
	_ =	sdelay $0x5  }
0x2bb: {  	v4, _, _ =	vpop (xrf0)  }
0x2bc: {  	(v2sf) =	vpush v4, $0xF;
	_ =	sdelay $0xe  }
0x2bd: {  	s4 =	spop (v2sf)  }
0x2be: {  	p1 =	sgt.f32 s4, $0.0e+00  }
.Ltmp21:
0x2bf: {  	_ = 	snop;
	(pc) =	sbr.rel @p1 .LBB2_20-.Ltmp21, $1  }
0x2c0: {  	_ =	sdelay $0x3  }
.LBB2_21:
0x2c1: {  	_ =	sdelay $0x3  }
0x2c2: {  	v3 =	vld.idx.msk [tilespmem:v2+s19+$0x0], $0xffff  }
0x2c3: {  	v4 =	vld.idx.msk [tilespmem:v1+s24+$0x0], $0xffff;
	_ =	sdelay $0x4  }
0x2c4: {  	vm0 =	vgt.f32 v3, v4  }
0x2c5: {  	v4 =	vsel vm0, $0x3F800000, v0  }
0x2c6: {  	(xrf0) =	vmax.scan.msk.f32 $0xffff, v4;
	_ =	sdelay $0x5  }
0x2c7: {  	v4, _, _ =	vpop (xrf0)  }
0x2c8: {  	(v2sf) =	vpush v4, $0xF;
	_ =	sdelay $0xe  }
0x2c9: {  	s4 =	spop (v2sf)  }
0x2ca: {  	p1 =	sgt.f32 s4, $0.0e+00  }
.Ltmp22:
0x2cb: {  	_ = 	snop;
	(pc) =	sbr.rel @!p1 .LBB2_23-.Ltmp22, $1  }
0x2cc: {  	_ =	sdelay $0x3  }
.LBB2_22:
0x2cd: {  	[tilespmem:v1+s24+$0x0] =	vst.idx.msk vm0, v3  }
0x2ce: {  	v4 =	vld.idx.msk [tilespmem:v1+s24+$0x0], $0xffff;
	_ =	sdelay $0x4  }
0x2cf: {  	vm0 =	vgt.f32 v3, v4  }
0x2d0: {  	v4 =	vsel vm0, $0x3F800000, v0  }
0x2d1: {  	(xrf0) =	vmax.scan.msk.f32 $0xffff, v4;
	_ =	sdelay $0x5  }
0x2d2: {  	v4, _, _ =	vpop (xrf0)  }
0x2d3: {  	(v2sf) =	vpush v4, $0xF;
	_ =	sdelay $0xe  }
0x2d4: {  	s4 =	spop (v2sf)  }
0x2d5: {  	p1 =	sgt.f32 s4, $0.0e+00  }
.Ltmp23:
0x2d6: {  	_ = 	snop;
	(pc) =	sbr.rel @p1 .LBB2_22-.Ltmp23, $1  }
0x2d7: {  	_ =	sdelay $0x3  }
.LBB2_23:
0x2d8: {  	_ =	sdelay $0x3  }
0x2d9: {  	v3 =	vld.idx.msk [tilespmem:v2+s20+$0x0], $0xffff  }
0x2da: {  	v4 =	vld.idx.msk [tilespmem:v1+s25+$0x0], $0xffff;
	_ =	sdelay $0x4  }
0x2db: {  	vm0 =	vgt.f32 v3, v4  }
0x2dc: {  	v4 =	vsel vm0, $0x3F800000, v0  }
0x2dd: {  	(xrf0) =	vmax.scan.msk.f32 $0xffff, v4;
	_ =	sdelay $0x5  }
0x2de: {  	v4, _, _ =	vpop (xrf0)  }
0x2df: {  	(v2sf) =	vpush v4, $0xF;
	_ =	sdelay $0xe  }
0x2e0: {  	s4 =	spop (v2sf)  }
0x2e1: {  	p1 =	sgt.f32 s4, $0.0e+00  }
.Ltmp24:
0x2e2: {  	_ = 	snop;
	(pc) =	sbr.rel @!p1 .LBB2_25-.Ltmp24, $1  }
0x2e3: {  	_ =	sdelay $0x3  }
.LBB2_24:
0x2e4: {  	[tilespmem:v1+s25+$0x0] =	vst.idx.msk vm0, v3  }
0x2e5: {  	v4 =	vld.idx.msk [tilespmem:v1+s25+$0x0], $0xffff;
	_ =	sdelay $0x4  }
0x2e6: {  	vm0 =	vgt.f32 v3, v4  }
0x2e7: {  	v4 =	vsel vm0, $0x3F800000, v0  }
0x2e8: {  	(xrf0) =	vmax.scan.msk.f32 $0xffff, v4;
	_ =	sdelay $0x5  }
0x2e9: {  	v4, _, _ =	vpop (xrf0)  }
0x2ea: {  	(v2sf) =	vpush v4, $0xF;
	_ =	sdelay $0xe  }
0x2eb: {  	s4 =	spop (v2sf)  }
0x2ec: {  	p1 =	sgt.f32 s4, $0.0e+00  }
.Ltmp25:
0x2ed: {  	_ = 	snop;
	(pc) =	sbr.rel @p1 .LBB2_24-.Ltmp25, $1  }
0x2ee: {  	_ =	sdelay $0x3  }
.LBB2_25:
0x2ef: {  	_ =	sdelay $0x3  }
0x2f0: {  	v2 =	vld.idx.msk [tilespmem:v2+s21+$0x0], $0xffff  }
0x2f1: {  	v3 =	vld.idx.msk [tilespmem:v1+s26+$0x0], $0xffff;
	_ =	sdelay $0x4  }
0x2f2: {  	vm0 =	vgt.f32 v2, v3  }
0x2f3: {  	v3 =	vsel vm0, $0x3F800000, v0  }
0x2f4: {  	(xrf0) =	vmax.scan.msk.f32 $0xffff, v3;
	_ =	sdelay $0x5  }
0x2f5: {  	v3, _, _ =	vpop (xrf0)  }
0x2f6: {  	(v2sf) =	vpush v3, $0xF;
	_ =	sdelay $0xe  }
0x2f7: {  	s4 =	spop (v2sf)  }
0x2f8: {  	p1 =	sgt.f32 s4, $0.0e+00  }
.Ltmp26:
0x2f9: {  	_ = 	snop;
	(pc) =	sbr.rel @!p1 .LBB2_27-.Ltmp26, $1  }
0x2fa: {  	_ =	sdelay $0x3  }
.LBB2_26:
0x2fb: {  	[tilespmem:v1+s26+$0x0] =	vst.idx.msk vm0, v2  }
0x2fc: {  	v3 =	vld.idx.msk [tilespmem:v1+s26+$0x0], $0xffff;
	_ =	sdelay $0x4  }
0x2fd: {  	vm0 =	vgt.f32 v2, v3  }
0x2fe: {  	v3 =	vsel vm0, $0x3F800000, v0  }
0x2ff: {  	(xrf0) =	vmax.scan.msk.f32 $0xffff, v3;
	_ =	sdelay $0x5  }
0x300: {  	v3, _, _ =	vpop (xrf0)  }
0x301: {  	(v2sf) =	vpush v3, $0xF;
	_ =	sdelay $0xe  }
0x302: {  	s4 =	spop (v2sf)  }
0x303: {  	p1 =	sgt.f32 s4, $0.0e+00  }
.Ltmp27:
0x304: {  	_ = 	snop;
	(pc) =	sbr.rel @p1 .LBB2_26-.Ltmp27, $1  }
0x305: {  	_ =	sdelay $0x3  }
.Ltmp28:
0x306: {  	_ = 	snop;
	(pc) =	sbr.rel .LBB2_27-.Ltmp28, $1  }
0x307: {  	_ =	sdelay $0x3  }
.LBB2_31:
0x308: {  	_ =	sfence.sel $0x180000  }
0x309: {  	[bflag:$0x0] =	sbarrier.arrive $0xFFFF  }
0x30a: {  	_ =	strace $0x90000047  }
0x30b: {  	s0 =	stileid.u32;
	[bflag:$0x2] =	sbarrier.arrive $0xFFFF  }
0x30c: {  	p0 =	sne.s32 s0, $0x0;
	s0 =	rddreg [dreg:$0x1]  }
0x30d: {  	s0 =	sadd.s32 @!p0 $0x100000, s0  }
0x30e: {  	[sflag:s0] =	ssyncadd.tile.s32 @!p0 $0x1;
	_ =	shalt  }
.Lfunc_end2:
_tile_overlayer_lowered:
.L_overlay_start_2:
0x30f: {  	(tag) =	ssettag $0x2  }
0x310: {  	s0 =	rddreg [dreg:$0x0];
	s2 =	stileid.u32  }
0x311: {  	s1 =	rddreg [dreg:$0x1];
	p0 =	sne.s32 s2, $0x0  }
0x312: {  	s3 =	rddreg [dreg:$0x2];
	[bflag:$0x3] =	sbarrier.arrive $0xFFFF;
	s2 =	simm.s32 @!p0 $0x1C03  }
0x313: {  	[timem:s3], [sflag:s2] =	dma.local @!p0 [hbm:s0], s1  }
0x314: {  	s0 =	simm.s32 @!p0 $0x3  }
0x315: {  	_ =	swait.ge @!p0 [sflag:s0], s1  }
0x316: {  	s1 =	ssub.s32 @!p0 $0x0, s1;
	[sflag:s0] =	ssyncset.done @!p0 $0x0  }
0x317: {  	[sflag:s0] =	ssyncadd.s32 @!p0 s1  }
0x318: {  	[bflag:$0x3] =	sbarrier.arrive $0xFFFF  }
0x319: {  	_ =	shalt  }

</sc_bundles>
